<compile_context>
chip_gen: v7x
topology: tpu7x:2x2x1
jax: 0.10.2.dev20260603
libtpu: 0.0.44.dev20260713+nightly
codegen_flags: <defaults>
</compile_context>

<pallas_src>
import jax
import jax.numpy as jnp
from jax import lax
from jax.experimental import pallas as pl
from jax.experimental.pallas import tpu as pltpu
from jax.experimental.pallas import tpu_sc as plsc

VOCAB_SIZE = 1000000
EMBED_DIM = 64
BATCH = 16384

NUM_CORES = 2
NUM_SUBCORES = 16
NUM_WORKERS = NUM_CORES * NUM_SUBCORES
TOTAL = 2 * BATCH
B_PER_W = TOTAL // NUM_WORKERS
CHUNKS = B_PER_W // 128
SLAB = 128
WINW = 4 * SLAB
FULL_LANES = (VOCAB_SIZE // SLAB) * SLAB
MAX_WSTART = FULL_LANES - 2 * WINW
LAST_SLAB = FULL_LANES


def _gather_body(sidx_hbm, ord_hbm, tableT_hbm, out_hbm,
                 sv, ov, win, tail, st, sem_g, sem_s):
  wid = lax.axis_index("s") * NUM_CORES + lax.axis_index("c")
  base = wid * B_PER_W
  pltpu.sync_copy(sidx_hbm.at[pl.ds(base, B_PER_W)], sv)
  pltpu.sync_copy(ord_hbm.at[wid], ov)
  pltpu.sync_copy(tableT_hbm.at[:, pl.ds(LAST_SLAB, 64)], tail)
  lanes16 = lax.iota(jnp.int32, 16)

  def extract_from(buf, width, row, colbase):
    cols = jnp.broadcast_to(
        jnp.minimum(colbase, width - 1), (16,)).astype(jnp.int32)
    for q in range(4):
      vals = plsc.load_gather(buf, [lanes16 + (16 * q), cols])
      st[row, pl.ds(16 * q, 16)] = vals

  def extract(row, colbase):
    extract_from(win, 2 * WINW, row, colbase)

  def do_chunk(c, lw_in):
    def do_group(g, lw):
      vec = sv[pl.ds(c * 128 + g * 16, 16)]
      need = jnp.logical_or(vec[0] < lw, vec[15] >= lw + 2 * WINW)
      wstart = pl.multiple_of(
          jnp.where(
              need, jnp.minimum((vec[0] // SLAB) * SLAB, MAX_WSTART), lw),
          SLAB)

      @pl.when(need)
      def _():
        h1 = pltpu.async_copy(
            tableT_hbm.at[:, pl.ds(wstart, WINW)],
            win.at[:, pl.ds(0, WINW)], sem_g)
        h2 = pltpu.async_copy(
            tableT_hbm.at[:, pl.ds(wstart + WINW, WINW)],
            win.at[:, pl.ds(WINW, WINW)], sem_g)
        h1.wait()
        h2.wait()

      far = vec[15] - wstart >= 2 * WINW

      for j in range(16):
        extract(g * 16 + j, vec[j] - wstart)

      @pl.when(far)
      def _():
        for h in range(2):
          for j in range(8):
            vj = vec[8 * h + j]
            sstart = (vj // SLAB) * SLAB

            @pl.when(sstart < LAST_SLAB)
            def _():
              pltpu.async_copy(
                  tableT_hbm.at[:, pl.ds(sstart, SLAB)],
                  win.at[:, pl.ds(j * SLAB, SLAB)], sem_g).wait()

          for j in range(8):
            vj = vec[8 * h + j]
            sstart = (vj // SLAB) * SLAB
            row = g * 16 + 8 * h + j

            @pl.when(vj < LAST_SLAB)
            def _():
              extract(row, j * SLAB + vj - sstart)

            @pl.when(vj >= LAST_SLAB)
            def _():
              extract_from(tail, 64, row, vj - LAST_SLAB)

      return jnp.where(far, jnp.int32(-16 * SLAB), wstart)

    lw_out = lax.fori_loop(0, 8, do_group, lw_in)
    pltpu.async_copy(st, out_hbm.at[ov.at[c]], sem_s).wait()
    return lw_out

  lax.fori_loop(0, CHUNKS, do_chunk, jnp.int32(-16 * SLAB))


@jax.jit
def kernel(target, other, embed_table):
  mesh = plsc.VectorSubcoreMesh(
      core_axis_name="c", subcore_axis_name="s",
      num_cores=NUM_CORES, num_subcores=NUM_SUBCORES)
  run = pl.kernel(
      _gather_body,
      out_type=jax.ShapeDtypeStruct((TOTAL, 128), jnp.float32),
      mesh=mesh,
      scratch_types=[
          pltpu.VMEM((B_PER_W,), jnp.int32),
          pltpu.VMEM((CHUNKS, 128), jnp.int32),
          pltpu.VMEM((EMBED_DIM, 2 * WINW), jnp.float32),
          pltpu.VMEM((EMBED_DIM, 64), jnp.float32),
          pltpu.VMEM((128, 128), jnp.float32),
          pltpu.SemaphoreType.DMA,
          pltpu.SemaphoreType.DMA,
      ],
      compiler_params=pltpu.CompilerParams(needs_layout_passes=False),
  )
  idx_all = jnp.concatenate(
      [target.astype(jnp.int32), other.astype(jnp.int32)])
  order = jnp.argsort(idx_all).astype(jnp.int32)
  sorted_idx = jnp.take(idx_all, order)
  order3 = order.reshape(NUM_WORKERS, CHUNKS, 128)
  out = run(sorted_idx, order3, embed_table.T)
  return (out[:BATCH, :EMBED_DIM], out[BATCH:, :EMBED_DIM])

# --- scband reference (transcript-rebuilt; emitter-appended) ---
"""Pipeline reference for scband-skip-gram-model-79826262164161 (READ-ONLY COPY).

The authoritative reference and input builder live on the scoring server;
editing this copy changes nothing except your own understanding.
"""

import jax, jax.numpy as jnp
import numpy as np

VOCAB_SIZE = 1000000
EMBED_DIM = 64
BATCH = 16384

def setup_inputs(seed: int = 0) -> dict:
    key = jax.random.key(seed)
    k1, k2, k3 = jax.random.split(key, 3)
    target = jax.random.randint(k1, (BATCH,), 0, VOCAB_SIZE, dtype=jnp.int64 if jax.config.jax_enable_x64 else jnp.int32)
    other = jax.random.randint(k2, (BATCH,), 0, VOCAB_SIZE, dtype=jnp.int64 if jax.config.jax_enable_x64 else jnp.int32)
    # nn.Embedding default init: N(0, 1)
    embed_table = jax.random.normal(k3, (VOCAB_SIZE, EMBED_DIM), dtype=jnp.float32)
    return {"target": target, "other": other, "embed_table": embed_table}

def reference(target, other, embed_table):
    target_embeds = jnp.take(embed_table, target, axis=0)
    other_embeds = jnp.take(embed_table, other, axis=0)
    return (target_embeds, other_embeds)

if __name__ == "__main__":
    import jax
    _d = setup_inputs()
    print(jax.jit(kernel)(*tuple(_d.values())))

</pallas_src>

<mosaic_0001>
#map = affine_map<(d0, d1) -> (0)>
#map1 = affine_map<(d0, d1) -> (0, 0, 0)>
#map2 = affine_map<(d0, d1) -> (0, 0)>
module attributes {stable_mosaic.version = 14 : i64} {
  func.func @_gather_body(%arg0: i32, %arg1: i32, %arg2: memref<32768xi32, #tpu.memory_space<hbm>>, %arg3: memref<32x8x128xi32, #tpu.memory_space<hbm>>, %arg4: memref<64x1000000xf32, #tpu.memory_space<hbm>>, %arg5: memref<32768x128xf32, #tpu.memory_space<hbm>>, %arg6: memref<1024xi32, #tpu.memory_space<vmem>>, %arg7: memref<8x128xi32, #tpu.memory_space<vmem>>, %arg8: memref<64x1024xf32, #tpu.memory_space<vmem>>, %arg9: memref<64x64xf32, #tpu.memory_space<vmem>>, %arg10: memref<128x128xf32, #tpu.memory_space<vmem>>, %arg11: memref<!tpu.dma_semaphore, #tpu.memory_space<semaphore_mem>>, %arg12: memref<!tpu.dma_semaphore, #tpu.memory_space<semaphore_mem>>) attributes {dimension_semantics = [#tpu.dimension_semantics<core_parallel>, #tpu.dimension_semantics<subcore_parallel>], iteration_bounds = array<i64: 2, 16>, scalar_prefetch = 0 : i64, scratch_operands = 7 : i64, tpu.core_type = #tpu.core_type<sc_vector_subcore>, window_params = [{transform_indices = #map}, {transform_indices = #map1}, {transform_indices = #map2}, {transform_indices = #map2}]} {
    %mul3A = arith.constant 2 : i32
    %mul3A_0 = arith.muli %arg1, %mul3A : i32
    %add3A = arith.addi %mul3A_0, %arg0 : i32
    %mul3A_1 = arith.constant 1024 : i32
    %mul3A_2 = arith.muli %add3A, %mul3A_1 : i32
    "tpu.region"() ({
      %run_scoped3A = tpu.sem_alloc : memref<!tpu.dma_semaphore, #tpu.memory_space<semaphore_mem>>
      %dma_start3A = tpu.memref_slice %arg2[%mul3A_2] : memref<32768xi32, #tpu.memory_space<hbm>> -> memref<1024xi32, #tpu.memory_space<hbm>>
      %dma_start3A_9 = tpu.memref_slice %arg2[%mul3A_2] : memref<32768xi32, #tpu.memory_space<hbm>> -> memref<1024xi32, #tpu.memory_space<hbm>>
      tpu.enqueue_dma source(%dma_start3A_9 : memref<1024xi32, #tpu.memory_space<hbm>>) target(%arg6 : memref<1024xi32, #tpu.memory_space<vmem>>) target_semaphore(%run_scoped3A : memref<!tpu.dma_semaphore, #tpu.memory_space<semaphore_mem>>)
      %dma_wait3A = tpu.memref_slice %arg2[%mul3A_2] : memref<32768xi32, #tpu.memory_space<hbm>> -> memref<1024xi32, #tpu.memory_space<hbm>>
      %dma_wait3A_10 = tpu.memref_slice %arg2[%mul3A_2] : memref<32768xi32, #tpu.memory_space<hbm>> -> memref<1024xi32, #tpu.memory_space<hbm>>
      tpu.wait_dma2 semaphore(%run_scoped3A : memref<!tpu.dma_semaphore, #tpu.memory_space<semaphore_mem>>) src(%dma_wait3A_10 : memref<1024xi32, #tpu.memory_space<hbm>>) dst(%arg6 : memref<1024xi32, #tpu.memory_space<vmem>>)
      tpu.yield
    }) : () -> ()
    "tpu.region"() ({
      %run_scoped3A = tpu.sem_alloc : memref<!tpu.dma_semaphore, #tpu.memory_space<semaphore_mem>>
      %dma_start3A = arith.constant 0 : i32
      %dma_start3A_9 = arith.constant 0 : i32
      %dma_start3A_10 = tpu.memref_slice %arg3[%add3A, %dma_start3A, %dma_start3A_9] : memref<32x8x128xi32, #tpu.memory_space<hbm>> -> memref<1x8x128xi32, #tpu.memory_space<hbm>>
      %dma_start3A_11 = tpu.memref_squeeze %dma_start3A_10 : memref<1x8x128xi32, #tpu.memory_space<hbm>> -> memref<8x128xi32, #tpu.memory_space<hbm>>
      %dma_start3A_12 = arith.constant 0 : i32
      %dma_start3A_13 = arith.constant 0 : i32
      %dma_start3A_14 = tpu.memref_slice %arg3[%add3A, %dma_start3A_12, %dma_start3A_13] : memref<32x8x128xi32, #tpu.memory_space<hbm>> -> memref<1x8x128xi32, #tpu.memory_space<hbm>>
      %dma_start3A_15 = tpu.memref_squeeze %dma_start3A_14 : memref<1x8x128xi32, #tpu.memory_space<hbm>> -> memref<8x128xi32, #tpu.memory_space<hbm>>
      tpu.enqueue_dma source(%dma_start3A_15 : memref<8x128xi32, #tpu.memory_space<hbm>>) target(%arg7 : memref<8x128xi32, #tpu.memory_space<vmem>>) target_semaphore(%run_scoped3A : memref<!tpu.dma_semaphore, #tpu.memory_space<semaphore_mem>>)
      %dma_wait3A = arith.constant 0 : i32
      %dma_wait3A_16 = arith.constant 0 : i32
      %dma_wait3A_17 = tpu.memref_slice %arg3[%add3A, %dma_wait3A, %dma_wait3A_16] : memref<32x8x128xi32, #tpu.memory_space<hbm>> -> memref<1x8x128xi32, #tpu.memory_space<hbm>>
      %dma_wait3A_18 = tpu.memref_squeeze %dma_wait3A_17 : memref<1x8x128xi32, #tpu.memory_space<hbm>> -> memref<8x128xi32, #tpu.memory_space<hbm>>
      %dma_wait3A_19 = arith.constant 0 : i32
      %dma_wait3A_20 = arith.constant 0 : i32
      %dma_wait3A_21 = tpu.memref_slice %arg3[%add3A, %dma_wait3A_19, %dma_wait3A_20] : memref<32x8x128xi32, #tpu.memory_space<hbm>> -> memref<1x8x128xi32, #tpu.memory_space<hbm>>
      %dma_wait3A_22 = tpu.memref_squeeze %dma_wait3A_21 : memref<1x8x128xi32, #tpu.memory_space<hbm>> -> memref<8x128xi32, #tpu.memory_space<hbm>>
      tpu.wait_dma2 semaphore(%run_scoped3A : memref<!tpu.dma_semaphore, #tpu.memory_space<semaphore_mem>>) src(%dma_wait3A_22 : memref<8x128xi32, #tpu.memory_space<hbm>>) dst(%arg7 : memref<8x128xi32, #tpu.memory_space<vmem>>)
      tpu.yield
    }) : () -> ()
    "tpu.region"() ({
      %run_scoped3A = tpu.sem_alloc : memref<!tpu.dma_semaphore, #tpu.memory_space<semaphore_mem>>
      %dma_start3A = arith.constant 0 : i32
      %dma_start3A_9 = arith.constant 999936 : i32
      %dma_start3A_10 = tpu.memref_slice %arg4[%dma_start3A, %dma_start3A_9] : memref<64x1000000xf32, #tpu.memory_space<hbm>> -> memref<64x64xf32, #tpu.memory_space<hbm>>
      %dma_start3A_11 = arith.constant 0 : i32
      %dma_start3A_12 = arith.constant 999936 : i32
      %dma_start3A_13 = tpu.memref_slice %arg4[%dma_start3A_11, %dma_start3A_12] : memref<64x1000000xf32, #tpu.memory_space<hbm>> -> memref<64x64xf32, #tpu.memory_space<hbm>>
      tpu.enqueue_dma source(%dma_start3A_13 : memref<64x64xf32, #tpu.memory_space<hbm>>) target(%arg9 : memref<64x64xf32, #tpu.memory_space<vmem>>) target_semaphore(%run_scoped3A : memref<!tpu.dma_semaphore, #tpu.memory_space<semaphore_mem>>)
      %dma_wait3A = arith.constant 0 : i32
      %dma_wait3A_14 = arith.constant 999936 : i32
      %dma_wait3A_15 = tpu.memref_slice %arg4[%dma_wait3A, %dma_wait3A_14] : memref<64x1000000xf32, #tpu.memory_space<hbm>> -> memref<64x64xf32, #tpu.memory_space<hbm>>
      %dma_wait3A_16 = arith.constant 0 : i32
      %dma_wait3A_17 = arith.constant 999936 : i32
      %dma_wait3A_18 = tpu.memref_slice %arg4[%dma_wait3A_16, %dma_wait3A_17] : memref<64x1000000xf32, #tpu.memory_space<hbm>> -> memref<64x64xf32, #tpu.memory_space<hbm>>
      tpu.wait_dma2 semaphore(%run_scoped3A : memref<!tpu.dma_semaphore, #tpu.memory_space<semaphore_mem>>) src(%dma_wait3A_18 : memref<64x64xf32, #tpu.memory_space<hbm>>) dst(%arg9 : memref<64x64xf32, #tpu.memory_space<vmem>>)
      tpu.yield
    }) : () -> ()
    %iota3A = tpu.iota {dimensions = array<i32: 0>} : vector<16xi32>
    %scan3A = arith.constant -2048 : i32
    %scan3A_3 = arith.constant 0 : i32
    %scan3A_4 = arith.constant 8 : i32
    %scan3A_5 = arith.addi %scan3A_3, %scan3A_4 : i32
    %scan3A_6 = arith.constant 1 : i32
    %scan3A_7 = scf.for %scan3A_9 = %scan3A_3 to %scan3A_5 step %scan3A_6 iter_args(%scan3A_10 = %scan3A) -> (i32)  : i32 {
      %scan3A_11 = arith.constant 0 : i32
      %scan3A_12 = arith.constant 8 : i32
      %scan3A_13 = arith.addi %scan3A_11, %scan3A_12 : i32
      %scan3A_14 = arith.constant 1 : i32
      %scan3A_15 = scf.for %scan3A_27 = %scan3A_11 to %scan3A_13 step %scan3A_14 iter_args(%scan3A_28 = %scan3A_10) -> (i32)  : i32 {
        %mul3A_29 = arith.constant 128 : i32
        %mul3A_30 = arith.muli %scan3A_9, %mul3A_29 : i32
        %mul3A_31 = arith.constant 16 : i32
        %mul3A_32 = arith.muli %scan3A_27, %mul3A_31 : i32
        %add3A_33 = arith.addi %mul3A_30, %mul3A_32 : i32
        %get3A = arith.index_cast %add3A_33 : i32 to index
        %get3A_34 = tpu.vector_load %arg6[%get3A] {strides = array<i32>} : memref<1024xi32, #tpu.memory_space<vmem>>, vector<16xi32>,
        %slice3A = vector.extract_strided_slice %get3A_34 {offsets = [0], sizes = [1], strides = [1]} : vector<16xi32> to vector<1xi32>
        %squeeze3A = vector.extract %slice3A[0] : i32 from vector<1xi32>
        %lt3A = arith.cmpi slt, %squeeze3A, %scan3A_28 : i32
        %slice3A_35 = vector.extract_strided_slice %get3A_34 {offsets = [15], sizes = [1], strides = [1]} : vector<16xi32> to vector<1xi32>
        %squeeze3A_36 = vector.extract %slice3A_35[0] : i32 from vector<1xi32>
        %add3A_37 = arith.constant 1024 : i32
        %add3A_38 = arith.addi %scan3A_28, %add3A_37 : i32
        %ge3A = arith.cmpi sge, %squeeze3A_36, %add3A_38 : i32
        %or3A = arith.ori %lt3A, %ge3A : i1
        %slice3A_39 = vector.extract_strided_slice %get3A_34 {offsets = [0], sizes = [1], strides = [1]} : vector<16xi32> to vector<1xi32>
        %squeeze3A_40 = vector.extract %slice3A_39[0] : i32 from vector<1xi32>
        %jit3A = arith.constant 128 : i32
        %div3A = arith.divsi %squeeze3A_40, %jit3A : i32
        %sign3A = arith.constant 0 : i32
        %sign3A_41 = arith.cmpi sgt, %squeeze3A_40, %sign3A : i32
        %sign3A_42 = arith.extui %sign3A_41 : i1 to i32
        %sign3A_43 = arith.constant 0 : i32
        %sign3A_44 = arith.cmpi slt, %squeeze3A_40, %sign3A_43 : i32
        %sign3A_45 = arith.extui %sign3A_44 : i1 to i32
        %sign3A_46 = arith.subi %sign3A_42, %sign3A_45 : i32
        %sign3A_47 = arith.constant 0 : i32
        %sign3A_48 = arith.cmpi sgt, %jit3A, %sign3A_47 : i32
        %sign3A_49 = arith.extui %sign3A_48 : i1 to i32
        %sign3A_50 = arith.constant 0 : i32
        %sign3A_51 = arith.cmpi slt, %jit3A, %sign3A_50 : i32
        %sign3A_52 = arith.extui %sign3A_51 : i1 to i32
        %sign3A_53 = arith.subi %sign3A_49, %sign3A_52 : i32
        %ne3A = arith.cmpi ne, %sign3A_46, %sign3A_53 : i32
        %rem3A = arith.remsi %squeeze3A_40, %jit3A : i32
        %ne3A_54 = arith.constant 0 : i32
        %ne3A_55 = arith.cmpi ne, %rem3A, %ne3A_54 : i32
        %and3A = arith.andi %ne3A, %ne3A_55 : i1
        %sub3A = arith.constant 1 : i32
        %sub3A_56 = arith.subi %div3A, %sub3A : i32
        %select_n3A = arith.select %and3A, %sub3A_56, %div3A : i32
        %mul3A_57 = arith.constant 128 : i32
        %mul3A_58 = arith.muli %select_n3A, %mul3A_57 : i32
        %min3A = arith.constant 998912 : i32
        %min3A_59 = arith.minsi %mul3A_58, %min3A : i32
        %select_n3A_60 = arith.select %or3A, %min3A_59, %scan3A_28 : i32
        %multiple_of3A = tpu.assume_multiple %select_n3A_60, 128 : i32
        %convert_element_type3A = arith.extui %or3A : i1 to i32
        %cond3A = arith.constant 0 : i32
        %cond3A_61 = arith.cmpi ne, %convert_element_type3A, %cond3A : i32
        scf.if %cond3A_61 {
          %dma_start3A_677 = arith.constant 0 : i32
          %dma_start3A_678 = arith.constant 0 : i32
          %dma_start3A_679 = tpu.memref_slice %arg8[%dma_start3A_677, %dma_start3A_678] : memref<64x1024xf32, #tpu.memory_space<vmem>> -> memref<64x512xf32, #tpu.memory_space<vmem>>
          %dma_start3A_680 = arith.constant 0 : i32
          %dma_start3A_681 = tpu.memref_slice %arg4[%dma_start3A_680, %multiple_of3A] : memref<64x1000000xf32, #tpu.memory_space<hbm>> -> memref<64x512xf32, #tpu.memory_space<hbm>>
          %dma_start3A_682 = arith.constant 0 : i32
          %dma_start3A_683 = arith.constant 0 : i32
          %dma_start3A_684 = tpu.memref_slice %arg8[%dma_start3A_682, %dma_start3A_683] : memref<64x1024xf32, #tpu.memory_space<vmem>> -> memref<64x512xf32, #tpu.memory_space<vmem>>
          %dma_start3A_685 = arith.constant 0 : i32
          %dma_start3A_686 = tpu.memref_slice %arg4[%dma_start3A_685, %multiple_of3A] : memref<64x1000000xf32, #tpu.memory_space<hbm>> -> memref<64x512xf32, #tpu.memory_space<hbm>>
          tpu.enqueue_dma source(%dma_start3A_686 : memref<64x512xf32, #tpu.memory_space<hbm>>) target(%dma_start3A_684 : memref<64x512xf32, #tpu.memory_space<vmem>>) target_semaphore(%arg11 : memref<!tpu.dma_semaphore, #tpu.memory_space<semaphore_mem>>)
          %add3A_687 = arith.constant 512 : i32
          %add3A_688 = arith.addi %multiple_of3A, %add3A_687 : i32
          %dma_start3A_689 = arith.constant 0 : i32
          %dma_start3A_690 = arith.constant 512 : i32
          %dma_start3A_691 = tpu.memref_slice %arg8[%dma_start3A_689, %dma_start3A_690] : memref<64x1024xf32, #tpu.memory_space<vmem>> -> memref<64x512xf32, #tpu.memory_space<vmem>>
          %dma_start3A_692 = arith.constant 0 : i32
          %dma_start3A_693 = tpu.memref_slice %arg4[%dma_start3A_692, %add3A_688] : memref<64x1000000xf32, #tpu.memory_space<hbm>> -> memref<64x512xf32, #tpu.memory_space<hbm>>
          %dma_start3A_694 = arith.constant 0 : i32
          %dma_start3A_695 = arith.constant 512 : i32
          %dma_start3A_696 = tpu.memref_slice %arg8[%dma_start3A_694, %dma_start3A_695] : memref<64x1024xf32, #tpu.memory_space<vmem>> -> memref<64x512xf32, #tpu.memory_space<vmem>>
          %dma_start3A_697 = arith.constant 0 : i32
          %dma_start3A_698 = tpu.memref_slice %arg4[%dma_start3A_697, %add3A_688] : memref<64x1000000xf32, #tpu.memory_space<hbm>> -> memref<64x512xf32, #tpu.memory_space<hbm>>
          tpu.enqueue_dma source(%dma_start3A_698 : memref<64x512xf32, #tpu.memory_space<hbm>>) target(%dma_start3A_696 : memref<64x512xf32, #tpu.memory_space<vmem>>) target_semaphore(%arg11 : memref<!tpu.dma_semaphore, #tpu.memory_space<semaphore_mem>>)
          %dma_wait3A_699 = arith.constant 0 : i32
          %dma_wait3A_700 = arith.constant 0 : i32
          %dma_wait3A_701 = tpu.memref_slice %arg8[%dma_wait3A_699, %dma_wait3A_700] : memref<64x1024xf32, #tpu.memory_space<vmem>> -> memref<64x512xf32, #tpu.memory_space<vmem>>
          %dma_wait3A_702 = arith.constant 0 : i32
          %dma_wait3A_703 = tpu.memref_slice %arg4[%dma_wait3A_702, %multiple_of3A] : memref<64x1000000xf32, #tpu.memory_space<hbm>> -> memref<64x512xf32, #tpu.memory_space<hbm>>
          %dma_wait3A_704 = arith.constant 0 : i32
          %dma_wait3A_705 = arith.constant 0 : i32
          %dma_wait3A_706 = tpu.memref_slice %arg8[%dma_wait3A_704, %dma_wait3A_705] : memref<64x1024xf32, #tpu.memory_space<vmem>> -> memref<64x512xf32, #tpu.memory_space<vmem>>
          %dma_wait3A_707 = arith.constant 0 : i32
          %dma_wait3A_708 = tpu.memref_slice %arg4[%dma_wait3A_707, %multiple_of3A] : memref<64x1000000xf32, #tpu.memory_space<hbm>> -> memref<64x512xf32, #tpu.memory_space<hbm>>
          tpu.wait_dma2 semaphore(%arg11 : memref<!tpu.dma_semaphore, #tpu.memory_space<semaphore_mem>>) src(%dma_wait3A_708 : memref<64x512xf32, #tpu.memory_space<hbm>>) dst(%dma_wait3A_706 : memref<64x512xf32, #tpu.memory_space<vmem>>)
          %dma_wait3A_709 = arith.constant 0 : i32
          %dma_wait3A_710 = arith.constant 512 : i32
          %dma_wait3A_711 = tpu.memref_slice %arg8[%dma_wait3A_709, %dma_wait3A_710] : memref<64x1024xf32, #tpu.memory_space<vmem>> -> memref<64x512xf32, #tpu.memory_space<vmem>>
          %dma_wait3A_712 = arith.constant 0 : i32
          %dma_wait3A_713 = tpu.memref_slice %arg4[%dma_wait3A_712, %add3A_688] : memref<64x1000000xf32, #tpu.memory_space<hbm>> -> memref<64x512xf32, #tpu.memory_space<hbm>>
          %dma_wait3A_714 = arith.constant 0 : i32
          %dma_wait3A_715 = arith.constant 512 : i32
          %dma_wait3A_716 = tpu.memref_slice %arg8[%dma_wait3A_714, %dma_wait3A_715] : memref<64x1024xf32, #tpu.memory_space<vmem>> -> memref<64x512xf32, #tpu.memory_space<vmem>>
          %dma_wait3A_717 = arith.constant 0 : i32
          %dma_wait3A_718 = tpu.memref_slice %arg4[%dma_wait3A_717, %add3A_688] : memref<64x1000000xf32, #tpu.memory_space<hbm>> -> memref<64x512xf32, #tpu.memory_space<hbm>>
          tpu.wait_dma2 semaphore(%arg11 : memref<!tpu.dma_semaphore, #tpu.memory_space<semaphore_mem>>) src(%dma_wait3A_718 : memref<64x512xf32, #tpu.memory_space<hbm>>) dst(%dma_wait3A_716 : memref<64x512xf32, #tpu.memory_space<vmem>>)
        } else {
        }
        %slice3A_62 = vector.extract_strided_slice %get3A_34 {offsets = [15], sizes = [1], strides = [1]} : vector<16xi32> to vector<1xi32>
        %squeeze3A_63 = vector.extract %slice3A_62[0] : i32 from vector<1xi32>
        %sub3A_64 = arith.subi %squeeze3A_63, %multiple_of3A : i32
        %ge3A_65 = arith.constant 1024 : i32
        %ge3A_66 = arith.cmpi sge, %sub3A_64, %ge3A_65 : i32
        %mul3A_67 = arith.constant 16 : i32
        %mul3A_68 = arith.muli %scan3A_27, %mul3A_67 : i32
        %add3A_69 = arith.constant 0 : i32
        %add3A_70 = arith.addi %mul3A_68, %add3A_69 : i32
        %slice3A_71 = vector.extract_strided_slice %get3A_34 {offsets = [0], sizes = [1], strides = [1]} : vector<16xi32> to vector<1xi32>
        %squeeze3A_72 = vector.extract %slice3A_71[0] : i32 from vector<1xi32>
        %sub3A_73 = arith.subi %squeeze3A_72, %multiple_of3A : i32
        %min3A_74 = arith.constant 1023 : i32
        %min3A_75 = arith.minsi %sub3A_73, %min3A_74 : i32
        %broadcast_in_dim3A = vector.broadcast %min3A_75 : i32 to vector<16xi32>
        %add3A_76 = arith.constant 0 : i32
        %add3A_77 = vector.broadcast %add3A_76 : i32 to vector<16xi32>
        %add3A_78 = arith.addi %iota3A, %add3A_77 : vector<16xi32>
        %gather3A = tpu.vector_load_idx %arg8[%add3A_78, %broadcast_in_dim3A] : memref<64x1024xf32, #tpu.memory_space<vmem>>[vector<16xi32>, vector<16xi32>], vector<16xf32>,
        %swap3A = arith.index_cast %add3A_70 : i32 to index
        %swap3A_79 = arith.constant 0 : index
        %swap3A_80 = tpu.vector_load %arg10[%swap3A, %swap3A_79] {strides = array<i32>} : memref<128x128xf32, #tpu.memory_space<vmem>>, vector<16xf32>,
        tpu.vector_store %arg10[%swap3A, %swap3A_79], %gather3A {strides = array<i32>} : memref<128x128xf32, #tpu.memory_space<vmem>>, vector<16xf32>,
        %add3A_81 = arith.constant 16 : i32
        %add3A_82 = vector.broadcast %add3A_81 : i32 to vector<16xi32>
        %add3A_83 = arith.addi %iota3A, %add3A_82 : vector<16xi32>
        %gather3A_84 = tpu.vector_load_idx %arg8[%add3A_83, %broadcast_in_dim3A] : memref<64x1024xf32, #tpu.memory_space<vmem>>[vector<16xi32>, vector<16xi32>], vector<16xf32>,
        %swap3A_85 = arith.index_cast %add3A_70 : i32 to index
        %swap3A_86 = arith.constant 16 : index
        %swap3A_87 = tpu.vector_load %arg10[%swap3A_85, %swap3A_86] {strides = array<i32>} : memref<128x128xf32, #tpu.memory_space<vmem>>, vector<16xf32>,
        tpu.vector_store %arg10[%swap3A_85, %swap3A_86], %gather3A_84 {strides = array<i32>} : memref<128x128xf32, #tpu.memory_space<vmem>>, vector<16xf32>,
        %add3A_88 = arith.constant 32 : i32
        %add3A_89 = vector.broadcast %add3A_88 : i32 to vector<16xi32>
        %add3A_90 = arith.addi %iota3A, %add3A_89 : vector<16xi32>
        %gather3A_91 = tpu.vector_load_idx %arg8[%add3A_90, %broadcast_in_dim3A] : memref<64x1024xf32, #tpu.memory_space<vmem>>[vector<16xi32>, vector<16xi32>], vector<16xf32>,
        %swap3A_92 = arith.index_cast %add3A_70 : i32 to index
        %swap3A_93 = arith.constant 32 : index
        %swap3A_94 = tpu.vector_load %arg10[%swap3A_92, %swap3A_93] {strides = array<i32>} : memref<128x128xf32, #tpu.memory_space<vmem>>, vector<16xf32>,
        tpu.vector_store %arg10[%swap3A_92, %swap3A_93], %gather3A_91 {strides = array<i32>} : memref<128x128xf32, #tpu.memory_space<vmem>>, vector<16xf32>,
        %add3A_95 = arith.constant 48 : i32
        %add3A_96 = vector.broadcast %add3A_95 : i32 to vector<16xi32>
        %add3A_97 = arith.addi %iota3A, %add3A_96 : vector<16xi32>
        %gather3A_98 = tpu.vector_load_idx %arg8[%add3A_97, %broadcast_in_dim3A] : memref<64x1024xf32, #tpu.memory_space<vmem>>[vector<16xi32>, vector<16xi32>], vector<16xf32>,
        %swap3A_99 = arith.index_cast %add3A_70 : i32 to index
        %swap3A_100 = arith.constant 48 : index
        %swap3A_101 = tpu.vector_load %arg10[%swap3A_99, %swap3A_100] {strides = array<i32>} : memref<128x128xf32, #tpu.memory_space<vmem>>, vector<16xf32>,
        tpu.vector_store %arg10[%swap3A_99, %swap3A_100], %gather3A_98 {strides = array<i32>} : memref<128x128xf32, #tpu.memory_space<vmem>>, vector<16xf32>,
        %mul3A_102 = arith.constant 16 : i32
        %mul3A_103 = arith.muli %scan3A_27, %mul3A_102 : i32
        %add3A_104 = arith.constant 1 : i32
        %add3A_105 = arith.addi %mul3A_103, %add3A_104 : i32
        %slice3A_106 = vector.extract_strided_slice %get3A_34 {offsets = [1], sizes = [1], strides = [1]} : vector<16xi32> to vector<1xi32>
        %squeeze3A_107 = vector.extract %slice3A_106[0] : i32 from vector<1xi32>
        %sub3A_108 = arith.subi %squeeze3A_107, %multiple_of3A : i32
        %min3A_109 = arith.constant 1023 : i32
        %min3A_110 = arith.minsi %sub3A_108, %min3A_109 : i32
        %broadcast_in_dim3A_111 = vector.broadcast %min3A_110 : i32 to vector<16xi32>
        %add3A_112 = arith.constant 0 : i32
        %add3A_113 = vector.broadcast %add3A_112 : i32 to vector<16xi32>
        %add3A_114 = arith.addi %iota3A, %add3A_113 : vector<16xi32>
        %gather3A_115 = tpu.vector_load_idx %arg8[%add3A_114, %broadcast_in_dim3A_111] : memref<64x1024xf32, #tpu.memory_space<vmem>>[vector<16xi32>, vector<16xi32>], vector<16xf32>,
        %swap3A_116 = arith.index_cast %add3A_105 : i32 to index
        %swap3A_117 = arith.constant 0 : index
        %swap3A_118 = tpu.vector_load %arg10[%swap3A_116, %swap3A_117] {strides = array<i32>} : memref<128x128xf32, #tpu.memory_space<vmem>>, vector<16xf32>,
        tpu.vector_store %arg10[%swap3A_116, %swap3A_117], %gather3A_115 {strides = array<i32>} : memref<128x128xf32, #tpu.memory_space<vmem>>, vector<16xf32>,
        %add3A_119 = arith.constant 16 : i32
        %add3A_120 = vector.broadcast %add3A_119 : i32 to vector<16xi32>
        %add3A_121 = arith.addi %iota3A, %add3A_120 : vector<16xi32>
        %gather3A_122 = tpu.vector_load_idx %arg8[%add3A_121, %broadcast_in_dim3A_111] : memref<64x1024xf32, #tpu.memory_space<vmem>>[vector<16xi32>, vector<16xi32>], vector<16xf32>,
        %swap3A_123 = arith.index_cast %add3A_105 : i32 to index
        %swap3A_124 = arith.constant 16 : index
        %swap3A_125 = tpu.vector_load %arg10[%swap3A_123, %swap3A_124] {strides = array<i32>} : memref<128x128xf32, #tpu.memory_space<vmem>>, vector<16xf32>,
        tpu.vector_store %arg10[%swap3A_123, %swap3A_124], %gather3A_122 {strides = array<i32>} : memref<128x128xf32, #tpu.memory_space<vmem>>, vector<16xf32>,
        %add3A_126 = arith.constant 32 : i32
        %add3A_127 = vector.broadcast %add3A_126 : i32 to vector<16xi32>
        %add3A_128 = arith.addi %iota3A, %add3A_127 : vector<16xi32>
        %gather3A_129 = tpu.vector_load_idx %arg8[%add3A_128, %broadcast_in_dim3A_111] : memref<64x1024xf32, #tpu.memory_space<vmem>>[vector<16xi32>, vector<16xi32>], vector<16xf32>,
        %swap3A_130 = arith.index_cast %add3A_105 : i32 to index
        %swap3A_131 = arith.constant 32 : index
        %swap3A_132 = tpu.vector_load %arg10[%swap3A_130, %swap3A_131] {strides = array<i32>} : memref<128x128xf32, #tpu.memory_space<vmem>>, vector<16xf32>,
        tpu.vector_store %arg10[%swap3A_130, %swap3A_131], %gather3A_129 {strides = array<i32>} : memref<128x128xf32, #tpu.memory_space<vmem>>, vector<16xf32>,
        %add3A_133 = arith.constant 48 : i32
        %add3A_134 = vector.broadcast %add3A_133 : i32 to vector<16xi32>
        %add3A_135 = arith.addi %iota3A, %add3A_134 : vector<16xi32>
        %gather3A_136 = tpu.vector_load_idx %arg8[%add3A_135, %broadcast_in_dim3A_111] : memref<64x1024xf32, #tpu.memory_space<vmem>>[vector<16xi32>, vector<16xi32>], vector<16xf32>,
        %swap3A_137 = arith.index_cast %add3A_105 : i32 to index
        %swap3A_138 = arith.constant 48 : index
        %swap3A_139 = tpu.vector_load %arg10[%swap3A_137, %swap3A_138] {strides = array<i32>} : memref<128x128xf32, #tpu.memory_space<vmem>>, vector<16xf32>,
        tpu.vector_store %arg10[%swap3A_137, %swap3A_138], %gather3A_136 {strides = array<i32>} : memref<128x128xf32, #tpu.memory_space<vmem>>, vector<16xf32>,
        %mul3A_140 = arith.constant 16 : i32
        %mul3A_141 = arith.muli %scan3A_27, %mul3A_140 : i32
        %add3A_142 = arith.constant 2 : i32
        %add3A_143 = arith.addi %mul3A_141, %add3A_142 : i32
        %slice3A_144 = vector.extract_strided_slice %get3A_34 {offsets = [2], sizes = [1], strides = [1]} : vector<16xi32> to vector<1xi32>
        %squeeze3A_145 = vector.extract %slice3A_144[0] : i32 from vector<1xi32>
        %sub3A_146 = arith.subi %squeeze3A_145, %multiple_of3A : i32
        %min3A_147 = arith.constant 1023 : i32
        %min3A_148 = arith.minsi %sub3A_146, %min3A_147 : i32
        %broadcast_in_dim3A_149 = vector.broadcast %min3A_148 : i32 to vector<16xi32>
        %add3A_150 = arith.constant 0 : i32
        %add3A_151 = vector.broadcast %add3A_150 : i32 to vector<16xi32>
        %add3A_152 = arith.addi %iota3A, %add3A_151 : vector<16xi32>
        %gather3A_153 = tpu.vector_load_idx %arg8[%add3A_152, %broadcast_in_dim3A_149] : memref<64x1024xf32, #tpu.memory_space<vmem>>[vector<16xi32>, vector<16xi32>], vector<16xf32>,
        %swap3A_154 = arith.index_cast %add3A_143 : i32 to index
        %swap3A_155 = arith.constant 0 : index
        %swap3A_156 = tpu.vector_load %arg10[%swap3A_154, %swap3A_155] {strides = array<i32>} : memref<128x128xf32, #tpu.memory_space<vmem>>, vector<16xf32>,
        tpu.vector_store %arg10[%swap3A_154, %swap3A_155], %gather3A_153 {strides = array<i32>} : memref<128x128xf32, #tpu.memory_space<vmem>>, vector<16xf32>,
        %add3A_157 = arith.constant 16 : i32
        %add3A_158 = vector.broadcast %add3A_157 : i32 to vector<16xi32>
        %add3A_159 = arith.addi %iota3A, %add3A_158 : vector<16xi32>
        %gather3A_160 = tpu.vector_load_idx %arg8[%add3A_159, %broadcast_in_dim3A_149] : memref<64x1024xf32, #tpu.memory_space<vmem>>[vector<16xi32>, vector<16xi32>], vector<16xf32>,
        %swap3A_161 = arith.index_cast %add3A_143 : i32 to index
        %swap3A_162 = arith.constant 16 : index
        %swap3A_163 = tpu.vector_load %arg10[%swap3A_161, %swap3A_162] {strides = array<i32>} : memref<128x128xf32, #tpu.memory_space<vmem>>, vector<16xf32>,
        tpu.vector_store %arg10[%swap3A_161, %swap3A_162], %gather3A_160 {strides = array<i32>} : memref<128x128xf32, #tpu.memory_space<vmem>>, vector<16xf32>,
        %add3A_164 = arith.constant 32 : i32
        %add3A_165 = vector.broadcast %add3A_164 : i32 to vector<16xi32>
        %add3A_166 = arith.addi %iota3A, %add3A_165 : vector<16xi32>
        %gather3A_167 = tpu.vector_load_idx %arg8[%add3A_166, %broadcast_in_dim3A_149] : memref<64x1024xf32, #tpu.memory_space<vmem>>[vector<16xi32>, vector<16xi32>], vector<16xf32>,
        %swap3A_168 = arith.index_cast %add3A_143 : i32 to index
        %swap3A_169 = arith.constant 32 : index
        %swap3A_170 = tpu.vector_load %arg10[%swap3A_168, %swap3A_169] {strides = array<i32>} : memref<128x128xf32, #tpu.memory_space<vmem>>, vector<16xf32>,
        tpu.vector_store %arg10[%swap3A_168, %swap3A_169], %gather3A_167 {strides = array<i32>} : memref<128x128xf32, #tpu.memory_space<vmem>>, vector<16xf32>,
        %add3A_171 = arith.constant 48 : i32
        %add3A_172 = vector.broadcast %add3A_171 : i32 to vector<16xi32>
        %add3A_173 = arith.addi %iota3A, %add3A_172 : vector<16xi32>
        %gather3A_174 = tpu.vector_load_idx %arg8[%add3A_173, %broadcast_in_dim3A_149] : memref<64x1024xf32, #tpu.memory_space<vmem>>[vector<16xi32>, vector<16xi32>], vector<16xf32>,
        %swap3A_175 = arith.index_cast %add3A_143 : i32 to index
        %swap3A_176 = arith.constant 48 : index
        %swap3A_177 = tpu.vector_load %arg10[%swap3A_175, %swap3A_176] {strides = array<i32>} : memref<128x128xf32, #tpu.memory_space<vmem>>, vector<16xf32>,
        tpu.vector_store %arg10[%swap3A_175, %swap3A_176], %gather3A_174 {strides = array<i32>} : memref<128x128xf32, #tpu.memory_space<vmem>>, vector<16xf32>,
        %mul3A_178 = arith.constant 16 : i32
        %mul3A_179 = arith.muli %scan3A_27, %mul3A_178 : i32
        %add3A_180 = arith.constant 3 : i32
        %add3A_181 = arith.addi %mul3A_179, %add3A_180 : i32
        %slice3A_182 = vector.extract_strided_slice %get3A_34 {offsets = [3], sizes = [1], strides = [1]} : vector<16xi32> to vector<1xi32>
        %squeeze3A_183 = vector.extract %slice3A_182[0] : i32 from vector<1xi32>
        %sub3A_184 = arith.subi %squeeze3A_183, %multiple_of3A : i32
        %min3A_185 = arith.constant 1023 : i32
        %min3A_186 = arith.minsi %sub3A_184, %min3A_185 : i32
        %broadcast_in_dim3A_187 = vector.broadcast %min3A_186 : i32 to vector<16xi32>
        %add3A_188 = arith.constant 0 : i32
        %add3A_189 = vector.broadcast %add3A_188 : i32 to vector<16xi32>
        %add3A_190 = arith.addi %iota3A, %add3A_189 : vector<16xi32>
        %gather3A_191 = tpu.vector_load_idx %arg8[%add3A_190, %broadcast_in_dim3A_187] : memref<64x1024xf32, #tpu.memory_space<vmem>>[vector<16xi32>, vector<16xi32>], vector<16xf32>,
        %swap3A_192 = arith.index_cast %add3A_181 : i32 to index
        %swap3A_193 = arith.constant 0 : index
        %swap3A_194 = tpu.vector_load %arg10[%swap3A_192, %swap3A_193] {strides = array<i32>} : memref<128x128xf32, #tpu.memory_space<vmem>>, vector<16xf32>,
        tpu.vector_store %arg10[%swap3A_192, %swap3A_193], %gather3A_191 {strides = array<i32>} : memref<128x128xf32, #tpu.memory_space<vmem>>, vector<16xf32>,
        %add3A_195 = arith.constant 16 : i32
        %add3A_196 = vector.broadcast %add3A_195 : i32 to vector<16xi32>
        %add3A_197 = arith.addi %iota3A, %add3A_196 : vector<16xi32>
        %gather3A_198 = tpu.vector_load_idx %arg8[%add3A_197, %broadcast_in_dim3A_187] : memref<64x1024xf32, #tpu.memory_space<vmem>>[vector<16xi32>, vector<16xi32>], vector<16xf32>,
        %swap3A_199 = arith.index_cast %add3A_181 : i32 to index
        %swap3A_200 = arith.constant 16 : index
        %swap3A_201 = tpu.vector_load %arg10[%swap3A_199, %swap3A_200] {strides = array<i32>} : memref<128x128xf32, #tpu.memory_space<vmem>>, vector<16xf32>,
        tpu.vector_store %arg10[%swap3A_199, %swap3A_200], %gather3A_198 {strides = array<i32>} : memref<128x128xf32, #tpu.memory_space<vmem>>, vector<16xf32>,
        %add3A_202 = arith.constant 32 : i32
        %add3A_203 = vector.broadcast %add3A_202 : i32 to vector<16xi32>
        %add3A_204 = arith.addi %iota3A, %add3A_203 : vector<16xi32>
        %gather3A_205 = tpu.vector_load_idx %arg8[%add3A_204, %broadcast_in_dim3A_187] : memref<64x1024xf32, #tpu.memory_space<vmem>>[vector<16xi32>, vector<16xi32>], vector<16xf32>,
        %swap3A_206 = arith.index_cast %add3A_181 : i32 to index
        %swap3A_207 = arith.constant 32 : index
        %swap3A_208 = tpu.vector_load %arg10[%swap3A_206, %swap3A_207] {strides = array<i32>} : memref<128x128xf32, #tpu.memory_space<vmem>>, vector<16xf32>,
        tpu.vector_store %arg10[%swap3A_206, %swap3A_207], %gather3A_205 {strides = array<i32>} : memref<128x128xf32, #tpu.memory_space<vmem>>, vector<16xf32>,
        %add3A_209 = arith.constant 48 : i32
        %add3A_210 = vector.broadcast %add3A_209 : i32 to vector<16xi32>
        %add3A_211 = arith.addi %iota3A, %add3A_210 : vector<16xi32>
        %gather3A_212 = tpu.vector_load_idx %arg8[%add3A_211, %broadcast_in_dim3A_187] : memref<64x1024xf32, #tpu.memory_space<vmem>>[vector<16xi32>, vector<16xi32>], vector<16xf32>,
        %swap3A_213 = arith.index_cast %add3A_181 : i32 to index
        %swap3A_214 = arith.constant 48 : index
        %swap3A_215 = tpu.vector_load %arg10[%swap3A_213, %swap3A_214] {strides = array<i32>} : memref<128x128xf32, #tpu.memory_space<vmem>>, vector<16xf32>,
        tpu.vector_store %arg10[%swap3A_213, %swap3A_214], %gather3A_212 {strides = array<i32>} : memref<128x128xf32, #tpu.memory_space<vmem>>, vector<16xf32>,
        %mul3A_216 = arith.constant 16 : i32
        %mul3A_217 = arith.muli %scan3A_27, %mul3A_216 : i32
        %add3A_218 = arith.constant 4 : i32
        %add3A_219 = arith.addi %mul3A_217, %add3A_218 : i32
        %slice3A_220 = vector.extract_strided_slice %get3A_34 {offsets = [4], sizes = [1], strides = [1]} : vector<16xi32> to vector<1xi32>
        %squeeze3A_221 = vector.extract %slice3A_220[0] : i32 from vector<1xi32>
        %sub3A_222 = arith.subi %squeeze3A_221, %multiple_of3A : i32
        %min3A_223 = arith.constant 1023 : i32
        %min3A_224 = arith.minsi %sub3A_222, %min3A_223 : i32
        %broadcast_in_dim3A_225 = vector.broadcast %min3A_224 : i32 to vector<16xi32>
        %add3A_226 = arith.constant 0 : i32
        %add3A_227 = vector.broadcast %add3A_226 : i32 to vector<16xi32>
        %add3A_228 = arith.addi %iota3A, %add3A_227 : vector<16xi32>
        %gather3A_229 = tpu.vector_load_idx %arg8[%add3A_228, %broadcast_in_dim3A_225] : memref<64x1024xf32, #tpu.memory_space<vmem>>[vector<16xi32>, vector<16xi32>], vector<16xf32>,
        %swap3A_230 = arith.index_cast %add3A_219 : i32 to index
        %swap3A_231 = arith.constant 0 : index
        %swap3A_232 = tpu.vector_load %arg10[%swap3A_230, %swap3A_231] {strides = array<i32>} : memref<128x128xf32, #tpu.memory_space<vmem>>, vector<16xf32>,
        tpu.vector_store %arg10[%swap3A_230, %swap3A_231], %gather3A_229 {strides = array<i32>} : memref<128x128xf32, #tpu.memory_space<vmem>>, vector<16xf32>,
        %add3A_233 = arith.constant 16 : i32
        %add3A_234 = vector.broadcast %add3A_233 : i32 to vector<16xi32>
        %add3A_235 = arith.addi %iota3A, %add3A_234 : vector<16xi32>
        %gather3A_236 = tpu.vector_load_idx %arg8[%add3A_235, %broadcast_in_dim3A_225] : memref<64x1024xf32, #tpu.memory_space<vmem>>[vector<16xi32>, vector<16xi32>], vector<16xf32>,
        %swap3A_237 = arith.index_cast %add3A_219 : i32 to index
        %swap3A_238 = arith.constant 16 : index
        %swap3A_239 = tpu.vector_load %arg10[%swap3A_237, %swap3A_238] {strides = array<i32>} : memref<128x128xf32, #tpu.memory_space<vmem>>, vector<16xf32>,
        tpu.vector_store %arg10[%swap3A_237, %swap3A_238], %gather3A_236 {strides = array<i32>} : memref<128x128xf32, #tpu.memory_space<vmem>>, vector<16xf32>,
        %add3A_240 = arith.constant 32 : i32
        %add3A_241 = vector.broadcast %add3A_240 : i32 to vector<16xi32>
        %add3A_242 = arith.addi %iota3A, %add3A_241 : vector<16xi32>
        %gather3A_243 = tpu.vector_load_idx %arg8[%add3A_242, %broadcast_in_dim3A_225] : memref<64x1024xf32, #tpu.memory_space<vmem>>[vector<16xi32>, vector<16xi32>], vector<16xf32>,
        %swap3A_244 = arith.index_cast %add3A_219 : i32 to index
        %swap3A_245 = arith.constant 32 : index
        %swap3A_246 = tpu.vector_load %arg10[%swap3A_244, %swap3A_245] {strides = array<i32>} : memref<128x128xf32, #tpu.memory_space<vmem>>, vector<16xf32>,
        tpu.vector_store %arg10[%swap3A_244, %swap3A_245], %gather3A_243 {strides = array<i32>} : memref<128x128xf32, #tpu.memory_space<vmem>>, vector<16xf32>,
        %add3A_247 = arith.constant 48 : i32
        %add3A_248 = vector.broadcast %add3A_247 : i32 to vector<16xi32>
        %add3A_249 = arith.addi %iota3A, %add3A_248 : vector<16xi32>
        %gather3A_250 = tpu.vector_load_idx %arg8[%add3A_249, %broadcast_in_dim3A_225] : memref<64x1024xf32, #tpu.memory_space<vmem>>[vector<16xi32>, vector<16xi32>], vector<16xf32>,
        %swap3A_251 = arith.index_cast %add3A_219 : i32 to index
        %swap3A_252 = arith.constant 48 : index
        %swap3A_253 = tpu.vector_load %arg10[%swap3A_251, %swap3A_252] {strides = array<i32>} : memref<128x128xf32, #tpu.memory_space<vmem>>, vector<16xf32>,
        tpu.vector_store %arg10[%swap3A_251, %swap3A_252], %gather3A_250 {strides = array<i32>} : memref<128x128xf32, #tpu.memory_space<vmem>>, vector<16xf32>,
        %mul3A_254 = arith.constant 16 : i32
        %mul3A_255 = arith.muli %scan3A_27, %mul3A_254 : i32
        %add3A_256 = arith.constant 5 : i32
        %add3A_257 = arith.addi %mul3A_255, %add3A_256 : i32
        %slice3A_258 = vector.extract_strided_slice %get3A_34 {offsets = [5], sizes = [1], strides = [1]} : vector<16xi32> to vector<1xi32>
        %squeeze3A_259 = vector.extract %slice3A_258[0] : i32 from vector<1xi32>
        %sub3A_260 = arith.subi %squeeze3A_259, %multiple_of3A : i32
        %min3A_261 = arith.constant 1023 : i32
        %min3A_262 = arith.minsi %sub3A_260, %min3A_261 : i32
        %broadcast_in_dim3A_263 = vector.broadcast %min3A_262 : i32 to vector<16xi32>
        %add3A_264 = arith.constant 0 : i32
        %add3A_265 = vector.broadcast %add3A_264 : i32 to vector<16xi32>
        %add3A_266 = arith.addi %iota3A, %add3A_265 : vector<16xi32>
        %gather3A_267 = tpu.vector_load_idx %arg8[%add3A_266, %broadcast_in_dim3A_263] : memref<64x1024xf32, #tpu.memory_space<vmem>>[vector<16xi32>, vector<16xi32>], vector<16xf32>,
        %swap3A_268 = arith.index_cast %add3A_257 : i32 to index
        %swap3A_269 = arith.constant 0 : index
        %swap3A_270 = tpu.vector_load %arg10[%swap3A_268, %swap3A_269] {strides = array<i32>} : memref<128x128xf32, #tpu.memory_space<vmem>>, vector<16xf32>,
        tpu.vector_store %arg10[%swap3A_268, %swap3A_269], %gather3A_267 {strides = array<i32>} : memref<128x128xf32, #tpu.memory_space<vmem>>, vector<16xf32>,
        %add3A_271 = arith.constant 16 : i32
        %add3A_272 = vector.broadcast %add3A_271 : i32 to vector<16xi32>
        %add3A_273 = arith.addi %iota3A, %add3A_272 : vector<16xi32>
        %gather3A_274 = tpu.vector_load_idx %arg8[%add3A_273, %broadcast_in_dim3A_263] : memref<64x1024xf32, #tpu.memory_space<vmem>>[vector<16xi32>, vector<16xi32>], vector<16xf32>,
        %swap3A_275 = arith.index_cast %add3A_257 : i32 to index
        %swap3A_276 = arith.constant 16 : index
        %swap3A_277 = tpu.vector_load %arg10[%swap3A_275, %swap3A_276] {strides = array<i32>} : memref<128x128xf32, #tpu.memory_space<vmem>>, vector<16xf32>,
        tpu.vector_store %arg10[%swap3A_275, %swap3A_276], %gather3A_274 {strides = array<i32>} : memref<128x128xf32, #tpu.memory_space<vmem>>, vector<16xf32>,
        %add3A_278 = arith.constant 32 : i32
        %add3A_279 = vector.broadcast %add3A_278 : i32 to vector<16xi32>
        %add3A_280 = arith.addi %iota3A, %add3A_279 : vector<16xi32>
        %gather3A_281 = tpu.vector_load_idx %arg8[%add3A_280, %broadcast_in_dim3A_263] : memref<64x1024xf32, #tpu.memory_space<vmem>>[vector<16xi32>, vector<16xi32>], vector<16xf32>,
        %swap3A_282 = arith.index_cast %add3A_257 : i32 to index
        %swap3A_283 = arith.constant 32 : index
        %swap3A_284 = tpu.vector_load %arg10[%swap3A_282, %swap3A_283] {strides = array<i32>} : memref<128x128xf32, #tpu.memory_space<vmem>>, vector<16xf32>,
        tpu.vector_store %arg10[%swap3A_282, %swap3A_283], %gather3A_281 {strides = array<i32>} : memref<128x128xf32, #tpu.memory_space<vmem>>, vector<16xf32>,
        %add3A_285 = arith.constant 48 : i32
        %add3A_286 = vector.broadcast %add3A_285 : i32 to vector<16xi32>
        %add3A_287 = arith.addi %iota3A, %add3A_286 : vector<16xi32>
        %gather3A_288 = tpu.vector_load_idx %arg8[%add3A_287, %broadcast_in_dim3A_263] : memref<64x1024xf32, #tpu.memory_space<vmem>>[vector<16xi32>, vector<16xi32>], vector<16xf32>,
        %swap3A_289 = arith.index_cast %add3A_257 : i32 to index
        %swap3A_290 = arith.constant 48 : index
        %swap3A_291 = tpu.vector_load %arg10[%swap3A_289, %swap3A_290] {strides = array<i32>} : memref<128x128xf32, #tpu.memory_space<vmem>>, vector<16xf32>,
        tpu.vector_store %arg10[%swap3A_289, %swap3A_290], %gather3A_288 {strides = array<i32>} : memref<128x128xf32, #tpu.memory_space<vmem>>, vector<16xf32>,
        %mul3A_292 = arith.constant 16 : i32
        %mul3A_293 = arith.muli %scan3A_27, %mul3A_292 : i32
        %add3A_294 = arith.constant 6 : i32
        %add3A_295 = arith.addi %mul3A_293, %add3A_294 : i32
        %slice3A_296 = vector.extract_strided_slice %get3A_34 {offsets = [6], sizes = [1], strides = [1]} : vector<16xi32> to vector<1xi32>
        %squeeze3A_297 = vector.extract %slice3A_296[0] : i32 from vector<1xi32>
        %sub3A_298 = arith.subi %squeeze3A_297, %multiple_of3A : i32
        %min3A_299 = arith.constant 1023 : i32
        %min3A_300 = arith.minsi %sub3A_298, %min3A_299 : i32
        %broadcast_in_dim3A_301 = vector.broadcast %min3A_300 : i32 to vector<16xi32>
        %add3A_302 = arith.constant 0 : i32
        %add3A_303 = vector.broadcast %add3A_302 : i32 to vector<16xi32>
        %add3A_304 = arith.addi %iota3A, %add3A_303 : vector<16xi32>
        %gather3A_305 = tpu.vector_load_idx %arg8[%add3A_304, %broadcast_in_dim3A_301] : memref<64x1024xf32, #tpu.memory_space<vmem>>[vector<16xi32>, vector<16xi32>], vector<16xf32>,
        %swap3A_306 = arith.index_cast %add3A_295 : i32 to index
        %swap3A_307 = arith.constant 0 : index
        %swap3A_308 = tpu.vector_load %arg10[%swap3A_306, %swap3A_307] {strides = array<i32>} : memref<128x128xf32, #tpu.memory_space<vmem>>, vector<16xf32>,
        tpu.vector_store %arg10[%swap3A_306, %swap3A_307], %gather3A_305 {strides = array<i32>} : memref<128x128xf32, #tpu.memory_space<vmem>>, vector<16xf32>,
        %add3A_309 = arith.constant 16 : i32
        %add3A_310 = vector.broadcast %add3A_309 : i32 to vector<16xi32>
        %add3A_311 = arith.addi %iota3A, %add3A_310 : vector<16xi32>
        %gather3A_312 = tpu.vector_load_idx %arg8[%add3A_311, %broadcast_in_dim3A_301] : memref<64x1024xf32, #tpu.memory_space<vmem>>[vector<16xi32>, vector<16xi32>], vector<16xf32>,
        %swap3A_313 = arith.index_cast %add3A_295 : i32 to index
        %swap3A_314 = arith.constant 16 : index
        %swap3A_315 = tpu.vector_load %arg10[%swap3A_313, %swap3A_314] {strides = array<i32>} : memref<128x128xf32, #tpu.memory_space<vmem>>, vector<16xf32>,
        tpu.vector_store %arg10[%swap3A_313, %swap3A_314], %gather3A_312 {strides = array<i32>} : memref<128x128xf32, #tpu.memory_space<vmem>>, vector<16xf32>,
        %add3A_316 = arith.constant 32 : i32
        %add3A_317 = vector.broadcast %add3A_316 : i32 to vector<16xi32>
        %add3A_318 = arith.addi %iota3A, %add3A_317 : vector<16xi32>
        %gather3A_319 = tpu.vector_load_idx %arg8[%add3A_318, %broadcast_in_dim3A_301] : memref<64x1024xf32, #tpu.memory_space<vmem>>[vector<16xi32>, vector<16xi32>], vector<16xf32>,
        %swap3A_320 = arith.index_cast %add3A_295 : i32 to index
        %swap3A_321 = arith.constant 32 : index
        %swap3A_322 = tpu.vector_load %arg10[%swap3A_320, %swap3A_321] {strides = array<i32>} : memref<128x128xf32, #tpu.memory_space<vmem>>, vector<16xf32>,
        tpu.vector_store %arg10[%swap3A_320, %swap3A_321], %gather3A_319 {strides = array<i32>} : memref<128x128xf32, #tpu.memory_space<vmem>>, vector<16xf32>,
        %add3A_323 = arith.constant 48 : i32
        %add3A_324 = vector.broadcast %add3A_323 : i32 to vector<16xi32>
        %add3A_325 = arith.addi %iota3A, %add3A_324 : vector<16xi32>
        %gather3A_326 = tpu.vector_load_idx %arg8[%add3A_325, %broadcast_in_dim3A_301] : memref<64x1024xf32, #tpu.memory_space<vmem>>[vector<16xi32>, vector<16xi32>], vector<16xf32>,
        %swap3A_327 = arith.index_cast %add3A_295 : i32 to index
        %swap3A_328 = arith.constant 48 : index
        %swap3A_329 = tpu.vector_load %arg10[%swap3A_327, %swap3A_328] {strides = array<i32>} : memref<128x128xf32, #tpu.memory_space<vmem>>, vector<16xf32>,
        tpu.vector_store %arg10[%swap3A_327, %swap3A_328], %gather3A_326 {strides = array<i32>} : memref<128x128xf32, #tpu.memory_space<vmem>>, vector<16xf32>,
        %mul3A_330 = arith.constant 16 : i32
        %mul3A_331 = arith.muli %scan3A_27, %mul3A_330 : i32
        %add3A_332 = arith.constant 7 : i32
        %add3A_333 = arith.addi %mul3A_331, %add3A_332 : i32
        %slice3A_334 = vector.extract_strided_slice %get3A_34 {offsets = [7], sizes = [1], strides = [1]} : vector<16xi32> to vector<1xi32>
        %squeeze3A_335 = vector.extract %slice3A_334[0] : i32 from vector<1xi32>
        %sub3A_336 = arith.subi %squeeze3A_335, %multiple_of3A : i32
        %min3A_337 = arith.constant 1023 : i32
        %min3A_338 = arith.minsi %sub3A_336, %min3A_337 : i32
        %broadcast_in_dim3A_339 = vector.broadcast %min3A_338 : i32 to vector<16xi32>
        %add3A_340 = arith.constant 0 : i32
        %add3A_341 = vector.broadcast %add3A_340 : i32 to vector<16xi32>
        %add3A_342 = arith.addi %iota3A, %add3A_341 : vector<16xi32>
        %gather3A_343 = tpu.vector_load_idx %arg8[%add3A_342, %broadcast_in_dim3A_339] : memref<64x1024xf32, #tpu.memory_space<vmem>>[vector<16xi32>, vector<16xi32>], vector<16xf32>,
        %swap3A_344 = arith.index_cast %add3A_333 : i32 to index
        %swap3A_345 = arith.constant 0 : index
        %swap3A_346 = tpu.vector_load %arg10[%swap3A_344, %swap3A_345] {strides = array<i32>} : memref<128x128xf32, #tpu.memory_space<vmem>>, vector<16xf32>,
        tpu.vector_store %arg10[%swap3A_344, %swap3A_345], %gather3A_343 {strides = array<i32>} : memref<128x128xf32, #tpu.memory_space<vmem>>, vector<16xf32>,
        %add3A_347 = arith.constant 16 : i32
        %add3A_348 = vector.broadcast %add3A_347 : i32 to vector<16xi32>
        %add3A_349 = arith.addi %iota3A, %add3A_348 : vector<16xi32>
        %gather3A_350 = tpu.vector_load_idx %arg8[%add3A_349, %broadcast_in_dim3A_339] : memref<64x1024xf32, #tpu.memory_space<vmem>>[vector<16xi32>, vector<16xi32>], vector<16xf32>,
        %swap3A_351 = arith.index_cast %add3A_333 : i32 to index
        %swap3A_352 = arith.constant 16 : index
        %swap3A_353 = tpu.vector_load %arg10[%swap3A_351, %swap3A_352] {strides = array<i32>} : memref<128x128xf32, #tpu.memory_space<vmem>>, vector<16xf32>,
        tpu.vector_store %arg10[%swap3A_351, %swap3A_352], %gather3A_350 {strides = array<i32>} : memref<128x128xf32, #tpu.memory_space<vmem>>, vector<16xf32>,
        %add3A_354 = arith.constant 32 : i32
        %add3A_355 = vector.broadcast %add3A_354 : i32 to vector<16xi32>
        %add3A_356 = arith.addi %iota3A, %add3A_355 : vector<16xi32>
        %gather3A_357 = tpu.vector_load_idx %arg8[%add3A_356, %broadcast_in_dim3A_339] : memref<64x1024xf32, #tpu.memory_space<vmem>>[vector<16xi32>, vector<16xi32>], vector<16xf32>,
        %swap3A_358 = arith.index_cast %add3A_333 : i32 to index
        %swap3A_359 = arith.constant 32 : index
        %swap3A_360 = tpu.vector_load %arg10[%swap3A_358, %swap3A_359] {strides = array<i32>} : memref<128x128xf32, #tpu.memory_space<vmem>>, vector<16xf32>,
        tpu.vector_store %arg10[%swap3A_358, %swap3A_359], %gather3A_357 {strides = array<i32>} : memref<128x128xf32, #tpu.memory_space<vmem>>, vector<16xf32>,
        %add3A_361 = arith.constant 48 : i32
        %add3A_362 = vector.broadcast %add3A_361 : i32 to vector<16xi32>
        %add3A_363 = arith.addi %iota3A, %add3A_362 : vector<16xi32>
        %gather3A_364 = tpu.vector_load_idx %arg8[%add3A_363, %broadcast_in_dim3A_339] : memref<64x1024xf32, #tpu.memory_space<vmem>>[vector<16xi32>, vector<16xi32>], vector<16xf32>,
        %swap3A_365 = arith.index_cast %add3A_333 : i32 to index
        %swap3A_366 = arith.constant 48 : index
        %swap3A_367 = tpu.vector_load %arg10[%swap3A_365, %swap3A_366] {strides = array<i32>} : memref<128x128xf32, #tpu.memory_space<vmem>>, vector<16xf32>,
        tpu.vector_store %arg10[%swap3A_365, %swap3A_366], %gather3A_364 {strides = array<i32>} : memref<128x128xf32, #tpu.memory_space<vmem>>, vector<16xf32>,
        %mul3A_368 = arith.constant 16 : i32
        %mul3A_369 = arith.muli %scan3A_27, %mul3A_368 : i32
        %add3A_370 = arith.constant 8 : i32
        %add3A_371 = arith.addi %mul3A_369, %add3A_370 : i32
        %slice3A_372 = vector.extract_strided_slice %get3A_34 {offsets = [8], sizes = [1], strides = [1]} : vector<16xi32> to vector<1xi32>
        %squeeze3A_373 = vector.extract %slice3A_372[0] : i32 from vector<1xi32>
        %sub3A_374 = arith.subi %squeeze3A_373, %multiple_of3A : i32
        %min3A_375 = arith.constant 1023 : i32
        %min3A_376 = arith.minsi %sub3A_374, %min3A_375 : i32
        %broadcast_in_dim3A_377 = vector.broadcast %min3A_376 : i32 to vector<16xi32>
        %add3A_378 = arith.constant 0 : i32
        %add3A_379 = vector.broadcast %add3A_378 : i32 to vector<16xi32>
        %add3A_380 = arith.addi %iota3A, %add3A_379 : vector<16xi32>
        %gather3A_381 = tpu.vector_load_idx %arg8[%add3A_380, %broadcast_in_dim3A_377] : memref<64x1024xf32, #tpu.memory_space<vmem>>[vector<16xi32>, vector<16xi32>], vector<16xf32>,
        %swap3A_382 = arith.index_cast %add3A_371 : i32 to index
        %swap3A_383 = arith.constant 0 : index
        %swap3A_384 = tpu.vector_load %arg10[%swap3A_382, %swap3A_383] {strides = array<i32>} : memref<128x128xf32, #tpu.memory_space<vmem>>, vector<16xf32>,
        tpu.vector_store %arg10[%swap3A_382, %swap3A_383], %gather3A_381 {strides = array<i32>} : memref<128x128xf32, #tpu.memory_space<vmem>>, vector<16xf32>,
        %add3A_385 = arith.constant 16 : i32
        %add3A_386 = vector.broadcast %add3A_385 : i32 to vector<16xi32>
        %add3A_387 = arith.addi %iota3A, %add3A_386 : vector<16xi32>
        %gather3A_388 = tpu.vector_load_idx %arg8[%add3A_387, %broadcast_in_dim3A_377] : memref<64x1024xf32, #tpu.memory_space<vmem>>[vector<16xi32>, vector<16xi32>], vector<16xf32>,
        %swap3A_389 = arith.index_cast %add3A_371 : i32 to index
        %swap3A_390 = arith.constant 16 : index
        %swap3A_391 = tpu.vector_load %arg10[%swap3A_389, %swap3A_390] {strides = array<i32>} : memref<128x128xf32, #tpu.memory_space<vmem>>, vector<16xf32>,
        tpu.vector_store %arg10[%swap3A_389, %swap3A_390], %gather3A_388 {strides = array<i32>} : memref<128x128xf32, #tpu.memory_space<vmem>>, vector<16xf32>,
        %add3A_392 = arith.constant 32 : i32
        %add3A_393 = vector.broadcast %add3A_392 : i32 to vector<16xi32>
        %add3A_394 = arith.addi %iota3A, %add3A_393 : vector<16xi32>
        %gather3A_395 = tpu.vector_load_idx %arg8[%add3A_394, %broadcast_in_dim3A_377] : memref<64x1024xf32, #tpu.memory_space<vmem>>[vector<16xi32>, vector<16xi32>], vector<16xf32>,
        %swap3A_396 = arith.index_cast %add3A_371 : i32 to index
        %swap3A_397 = arith.constant 32 : index
        %swap3A_398 = tpu.vector_load %arg10[%swap3A_396, %swap3A_397] {strides = array<i32>} : memref<128x128xf32, #tpu.memory_space<vmem>>, vector<16xf32>,
        tpu.vector_store %arg10[%swap3A_396, %swap3A_397], %gather3A_395 {strides = array<i32>} : memref<128x128xf32, #tpu.memory_space<vmem>>, vector<16xf32>,
        %add3A_399 = arith.constant 48 : i32
        %add3A_400 = vector.broadcast %add3A_399 : i32 to vector<16xi32>
        %add3A_401 = arith.addi %iota3A, %add3A_400 : vector<16xi32>
        %gather3A_402 = tpu.vector_load_idx %arg8[%add3A_401, %broadcast_in_dim3A_377] : memref<64x1024xf32, #tpu.memory_space<vmem>>[vector<16xi32>, vector<16xi32>], vector<16xf32>,
        %swap3A_403 = arith.index_cast %add3A_371 : i32 to index
        %swap3A_404 = arith.constant 48 : index
        %swap3A_405 = tpu.vector_load %arg10[%swap3A_403, %swap3A_404] {strides = array<i32>} : memref<128x128xf32, #tpu.memory_space<vmem>>, vector<16xf32>,
        tpu.vector_store %arg10[%swap3A_403, %swap3A_404], %gather3A_402 {strides = array<i32>} : memref<128x128xf32, #tpu.memory_space<vmem>>, vector<16xf32>,
        %mul3A_406 = arith.constant 16 : i32
        %mul3A_407 = arith.muli %scan3A_27, %mul3A_406 : i32
        %add3A_408 = arith.constant 9 : i32
        %add3A_409 = arith.addi %mul3A_407, %add3A_408 : i32
        %slice3A_410 = vector.extract_strided_slice %get3A_34 {offsets = [9], sizes = [1], strides = [1]} : vector<16xi32> to vector<1xi32>
        %squeeze3A_411 = vector.extract %slice3A_410[0] : i32 from vector<1xi32>
        %sub3A_412 = arith.subi %squeeze3A_411, %multiple_of3A : i32
        %min3A_413 = arith.constant 1023 : i32
        %min3A_414 = arith.minsi %sub3A_412, %min3A_413 : i32
        %broadcast_in_dim3A_415 = vector.broadcast %min3A_414 : i32 to vector<16xi32>
        %add3A_416 = arith.constant 0 : i32
        %add3A_417 = vector.broadcast %add3A_416 : i32 to vector<16xi32>
        %add3A_418 = arith.addi %iota3A, %add3A_417 : vector<16xi32>
        %gather3A_419 = tpu.vector_load_idx %arg8[%add3A_418, %broadcast_in_dim3A_415] : memref<64x1024xf32, #tpu.memory_space<vmem>>[vector<16xi32>, vector<16xi32>], vector<16xf32>,
        %swap3A_420 = arith.index_cast %add3A_409 : i32 to index
        %swap3A_421 = arith.constant 0 : index
        %swap3A_422 = tpu.vector_load %arg10[%swap3A_420, %swap3A_421] {strides = array<i32>} : memref<128x128xf32, #tpu.memory_space<vmem>>, vector<16xf32>,
        tpu.vector_store %arg10[%swap3A_420, %swap3A_421], %gather3A_419 {strides = array<i32>} : memref<128x128xf32, #tpu.memory_space<vmem>>, vector<16xf32>,
        %add3A_423 = arith.constant 16 : i32
        %add3A_424 = vector.broadcast %add3A_423 : i32 to vector<16xi32>
        %add3A_425 = arith.addi %iota3A, %add3A_424 : vector<16xi32>
        %gather3A_426 = tpu.vector_load_idx %arg8[%add3A_425, %broadcast_in_dim3A_415] : memref<64x1024xf32, #tpu.memory_space<vmem>>[vector<16xi32>, vector<16xi32>], vector<16xf32>,
        %swap3A_427 = arith.index_cast %add3A_409 : i32 to index
        %swap3A_428 = arith.constant 16 : index
        %swap3A_429 = tpu.vector_load %arg10[%swap3A_427, %swap3A_428] {strides = array<i32>} : memref<128x128xf32, #tpu.memory_space<vmem>>, vector<16xf32>,
        tpu.vector_store %arg10[%swap3A_427, %swap3A_428], %gather3A_426 {strides = array<i32>} : memref<128x128xf32, #tpu.memory_space<vmem>>, vector<16xf32>,
        %add3A_430 = arith.constant 32 : i32
        %add3A_431 = vector.broadcast %add3A_430 : i32 to vector<16xi32>
        %add3A_432 = arith.addi %iota3A, %add3A_431 : vector<16xi32>
        %gather3A_433 = tpu.vector_load_idx %arg8[%add3A_432, %broadcast_in_dim3A_415] : memref<64x1024xf32, #tpu.memory_space<vmem>>[vector<16xi32>, vector<16xi32>], vector<16xf32>,
        %swap3A_434 = arith.index_cast %add3A_409 : i32 to index
        %swap3A_435 = arith.constant 32 : index
        %swap3A_436 = tpu.vector_load %arg10[%swap3A_434, %swap3A_435] {strides = array<i32>} : memref<128x128xf32, #tpu.memory_space<vmem>>, vector<16xf32>,
        tpu.vector_store %arg10[%swap3A_434, %swap3A_435], %gather3A_433 {strides = array<i32>} : memref<128x128xf32, #tpu.memory_space<vmem>>, vector<16xf32>,
        %add3A_437 = arith.constant 48 : i32
        %add3A_438 = vector.broadcast %add3A_437 : i32 to vector<16xi32>
        %add3A_439 = arith.addi %iota3A, %add3A_438 : vector<16xi32>
        %gather3A_440 = tpu.vector_load_idx %arg8[%add3A_439, %broadcast_in_dim3A_415] : memref<64x1024xf32, #tpu.memory_space<vmem>>[vector<16xi32>, vector<16xi32>], vector<16xf32>,
        %swap3A_441 = arith.index_cast %add3A_409 : i32 to index
        %swap3A_442 = arith.constant 48 : index
        %swap3A_443 = tpu.vector_load %arg10[%swap3A_441, %swap3A_442] {strides = array<i32>} : memref<128x128xf32, #tpu.memory_space<vmem>>, vector<16xf32>,
        tpu.vector_store %arg10[%swap3A_441, %swap3A_442], %gather3A_440 {strides = array<i32>} : memref<128x128xf32, #tpu.memory_space<vmem>>, vector<16xf32>,
        %mul3A_444 = arith.constant 16 : i32
        %mul3A_445 = arith.muli %scan3A_27, %mul3A_444 : i32
        %add3A_446 = arith.constant 10 : i32
        %add3A_447 = arith.addi %mul3A_445, %add3A_446 : i32
        %slice3A_448 = vector.extract_strided_slice %get3A_34 {offsets = [10], sizes = [1], strides = [1]} : vector<16xi32> to vector<1xi32>
        %squeeze3A_449 = vector.extract %slice3A_448[0] : i32 from vector<1xi32>
        %sub3A_450 = arith.subi %squeeze3A_449, %multiple_of3A : i32
        %min3A_451 = arith.constant 1023 : i32
        %min3A_452 = arith.minsi %sub3A_450, %min3A_451 : i32
        %broadcast_in_dim3A_453 = vector.broadcast %min3A_452 : i32 to vector<16xi32>
        %add3A_454 = arith.constant 0 : i32
        %add3A_455 = vector.broadcast %add3A_454 : i32 to vector<16xi32>
        %add3A_456 = arith.addi %iota3A, %add3A_455 : vector<16xi32>
        %gather3A_457 = tpu.vector_load_idx %arg8[%add3A_456, %broadcast_in_dim3A_453] : memref<64x1024xf32, #tpu.memory_space<vmem>>[vector<16xi32>, vector<16xi32>], vector<16xf32>,
        %swap3A_458 = arith.index_cast %add3A_447 : i32 to index
        %swap3A_459 = arith.constant 0 : index
        %swap3A_460 = tpu.vector_load %arg10[%swap3A_458, %swap3A_459] {strides = array<i32>} : memref<128x128xf32, #tpu.memory_space<vmem>>, vector<16xf32>,
        tpu.vector_store %arg10[%swap3A_458, %swap3A_459], %gather3A_457 {strides = array<i32>} : memref<128x128xf32, #tpu.memory_space<vmem>>, vector<16xf32>,
        %add3A_461 = arith.constant 16 : i32
        %add3A_462 = vector.broadcast %add3A_461 : i32 to vector<16xi32>
        %add3A_463 = arith.addi %iota3A, %add3A_462 : vector<16xi32>
        %gather3A_464 = tpu.vector_load_idx %arg8[%add3A_463, %broadcast_in_dim3A_453] : memref<64x1024xf32, #tpu.memory_space<vmem>>[vector<16xi32>, vector<16xi32>], vector<16xf32>,
        %swap3A_465 = arith.index_cast %add3A_447 : i32 to index
        %swap3A_466 = arith.constant 16 : index
        %swap3A_467 = tpu.vector_load %arg10[%swap3A_465, %swap3A_466] {strides = array<i32>} : memref<128x128xf32, #tpu.memory_space<vmem>>, vector<16xf32>,
        tpu.vector_store %arg10[%swap3A_465, %swap3A_466], %gather3A_464 {strides = array<i32>} : memref<128x128xf32, #tpu.memory_space<vmem>>, vector<16xf32>,
        %add3A_468 = arith.constant 32 : i32
        %add3A_469 = vector.broadcast %add3A_468 : i32 to vector<16xi32>
        %add3A_470 = arith.addi %iota3A, %add3A_469 : vector<16xi32>
        %gather3A_471 = tpu.vector_load_idx %arg8[%add3A_470, %broadcast_in_dim3A_453] : memref<64x1024xf32, #tpu.memory_space<vmem>>[vector<16xi32>, vector<16xi32>], vector<16xf32>,
        %swap3A_472 = arith.index_cast %add3A_447 : i32 to index
        %swap3A_473 = arith.constant 32 : index
        %swap3A_474 = tpu.vector_load %arg10[%swap3A_472, %swap3A_473] {strides = array<i32>} : memref<128x128xf32, #tpu.memory_space<vmem>>, vector<16xf32>,
        tpu.vector_store %arg10[%swap3A_472, %swap3A_473], %gather3A_471 {strides = array<i32>} : memref<128x128xf32, #tpu.memory_space<vmem>>, vector<16xf32>,
        %add3A_475 = arith.constant 48 : i32
        %add3A_476 = vector.broadcast %add3A_475 : i32 to vector<16xi32>
        %add3A_477 = arith.addi %iota3A, %add3A_476 : vector<16xi32>
        %gather3A_478 = tpu.vector_load_idx %arg8[%add3A_477, %broadcast_in_dim3A_453] : memref<64x1024xf32, #tpu.memory_space<vmem>>[vector<16xi32>, vector<16xi32>], vector<16xf32>,
        %swap3A_479 = arith.index_cast %add3A_447 : i32 to index
        %swap3A_480 = arith.constant 48 : index
        %swap3A_481 = tpu.vector_load %arg10[%swap3A_479, %swap3A_480] {strides = array<i32>} : memref<128x128xf32, #tpu.memory_space<vmem>>, vector<16xf32>,
        tpu.vector_store %arg10[%swap3A_479, %swap3A_480], %gather3A_478 {strides = array<i32>} : memref<128x128xf32, #tpu.memory_space<vmem>>, vector<16xf32>,
        %mul3A_482 = arith.constant 16 : i32
        %mul3A_483 = arith.muli %scan3A_27, %mul3A_482 : i32
        %add3A_484 = arith.constant 11 : i32
        %add3A_485 = arith.addi %mul3A_483, %add3A_484 : i32
        %slice3A_486 = vector.extract_strided_slice %get3A_34 {offsets = [11], sizes = [1], strides = [1]} : vector<16xi32> to vector<1xi32>
        %squeeze3A_487 = vector.extract %slice3A_486[0] : i32 from vector<1xi32>
        %sub3A_488 = arith.subi %squeeze3A_487, %multiple_of3A : i32
        %min3A_489 = arith.constant 1023 : i32
        %min3A_490 = arith.minsi %sub3A_488, %min3A_489 : i32
        %broadcast_in_dim3A_491 = vector.broadcast %min3A_490 : i32 to vector<16xi32>
        %add3A_492 = arith.constant 0 : i32
        %add3A_493 = vector.broadcast %add3A_492 : i32 to vector<16xi32>
        %add3A_494 = arith.addi %iota3A, %add3A_493 : vector<16xi32>
        %gather3A_495 = tpu.vector_load_idx %arg8[%add3A_494, %broadcast_in_dim3A_491] : memref<64x1024xf32, #tpu.memory_space<vmem>>[vector<16xi32>, vector<16xi32>], vector<16xf32>,
        %swap3A_496 = arith.index_cast %add3A_485 : i32 to index
        %swap3A_497 = arith.constant 0 : index
        %swap3A_498 = tpu.vector_load %arg10[%swap3A_496, %swap3A_497] {strides = array<i32>} : memref<128x128xf32, #tpu.memory_space<vmem>>, vector<16xf32>,
        tpu.vector_store %arg10[%swap3A_496, %swap3A_497], %gather3A_495 {strides = array<i32>} : memref<128x128xf32, #tpu.memory_space<vmem>>, vector<16xf32>,
        %add3A_499 = arith.constant 16 : i32
        %add3A_500 = vector.broadcast %add3A_499 : i32 to vector<16xi32>
        %add3A_501 = arith.addi %iota3A, %add3A_500 : vector<16xi32>
        %gather3A_502 = tpu.vector_load_idx %arg8[%add3A_501, %broadcast_in_dim3A_491] : memref<64x1024xf32, #tpu.memory_space<vmem>>[vector<16xi32>, vector<16xi32>], vector<16xf32>,
        %swap3A_503 = arith.index_cast %add3A_485 : i32 to index
        %swap3A_504 = arith.constant 16 : index
        %swap3A_505 = tpu.vector_load %arg10[%swap3A_503, %swap3A_504] {strides = array<i32>} : memref<128x128xf32, #tpu.memory_space<vmem>>, vector<16xf32>,
        tpu.vector_store %arg10[%swap3A_503, %swap3A_504], %gather3A_502 {strides = array<i32>} : memref<128x128xf32, #tpu.memory_space<vmem>>, vector<16xf32>,
        %add3A_506 = arith.constant 32 : i32
        %add3A_507 = vector.broadcast %add3A_506 : i32 to vector<16xi32>
        %add3A_508 = arith.addi %iota3A, %add3A_507 : vector<16xi32>
        %gather3A_509 = tpu.vector_load_idx %arg8[%add3A_508, %broadcast_in_dim3A_491] : memref<64x1024xf32, #tpu.memory_space<vmem>>[vector<16xi32>, vector<16xi32>], vector<16xf32>,
        %swap3A_510 = arith.index_cast %add3A_485 : i32 to index
        %swap3A_511 = arith.constant 32 : index
        %swap3A_512 = tpu.vector_load %arg10[%swap3A_510, %swap3A_511] {strides = array<i32>} : memref<128x128xf32, #tpu.memory_space<vmem>>, vector<16xf32>,
        tpu.vector_store %arg10[%swap3A_510, %swap3A_511], %gather3A_509 {strides = array<i32>} : memref<128x128xf32, #tpu.memory_space<vmem>>, vector<16xf32>,
        %add3A_513 = arith.constant 48 : i32
        %add3A_514 = vector.broadcast %add3A_513 : i32 to vector<16xi32>
        %add3A_515 = arith.addi %iota3A, %add3A_514 : vector<16xi32>
        %gather3A_516 = tpu.vector_load_idx %arg8[%add3A_515, %broadcast_in_dim3A_491] : memref<64x1024xf32, #tpu.memory_space<vmem>>[vector<16xi32>, vector<16xi32>], vector<16xf32>,
        %swap3A_517 = arith.index_cast %add3A_485 : i32 to index
        %swap3A_518 = arith.constant 48 : index
        %swap3A_519 = tpu.vector_load %arg10[%swap3A_517, %swap3A_518] {strides = array<i32>} : memref<128x128xf32, #tpu.memory_space<vmem>>, vector<16xf32>,
        tpu.vector_store %arg10[%swap3A_517, %swap3A_518], %gather3A_516 {strides = array<i32>} : memref<128x128xf32, #tpu.memory_space<vmem>>, vector<16xf32>,
        %mul3A_520 = arith.constant 16 : i32
        %mul3A_521 = arith.muli %scan3A_27, %mul3A_520 : i32
        %add3A_522 = arith.constant 12 : i32
        %add3A_523 = arith.addi %mul3A_521, %add3A_522 : i32
        %slice3A_524 = vector.extract_strided_slice %get3A_34 {offsets = [12], sizes = [1], strides = [1]} : vector<16xi32> to vector<1xi32>
        %squeeze3A_525 = vector.extract %slice3A_524[0] : i32 from vector<1xi32>
        %sub3A_526 = arith.subi %squeeze3A_525, %multiple_of3A : i32
        %min3A_527 = arith.constant 1023 : i32
        %min3A_528 = arith.minsi %sub3A_526, %min3A_527 : i32
        %broadcast_in_dim3A_529 = vector.broadcast %min3A_528 : i32 to vector<16xi32>
        %add3A_530 = arith.constant 0 : i32
        %add3A_531 = vector.broadcast %add3A_530 : i32 to vector<16xi32>
        %add3A_532 = arith.addi %iota3A, %add3A_531 : vector<16xi32>
        %gather3A_533 = tpu.vector_load_idx %arg8[%add3A_532, %broadcast_in_dim3A_529] : memref<64x1024xf32, #tpu.memory_space<vmem>>[vector<16xi32>, vector<16xi32>], vector<16xf32>,
        %swap3A_534 = arith.index_cast %add3A_523 : i32 to index
        %swap3A_535 = arith.constant 0 : index
        %swap3A_536 = tpu.vector_load %arg10[%swap3A_534, %swap3A_535] {strides = array<i32>} : memref<128x128xf32, #tpu.memory_space<vmem>>, vector<16xf32>,
        tpu.vector_store %arg10[%swap3A_534, %swap3A_535], %gather3A_533 {strides = array<i32>} : memref<128x128xf32, #tpu.memory_space<vmem>>, vector<16xf32>,
        %add3A_537 = arith.constant 16 : i32
        %add3A_538 = vector.broadcast %add3A_537 : i32 to vector<16xi32>
        %add3A_539 = arith.addi %iota3A, %add3A_538 : vector<16xi32>
        %gather3A_540 = tpu.vector_load_idx %arg8[%add3A_539, %broadcast_in_dim3A_529] : memref<64x1024xf32, #tpu.memory_space<vmem>>[vector<16xi32>, vector<16xi32>], vector<16xf32>,
        %swap3A_541 = arith.index_cast %add3A_523 : i32 to index
        %swap3A_542 = arith.constant 16 : index
        %swap3A_543 = tpu.vector_load %arg10[%swap3A_541, %swap3A_542] {strides = array<i32>} : memref<128x128xf32, #tpu.memory_space<vmem>>, vector<16xf32>,
        tpu.vector_store %arg10[%swap3A_541, %swap3A_542], %gather3A_540 {strides = array<i32>} : memref<128x128xf32, #tpu.memory_space<vmem>>, vector<16xf32>,
        %add3A_544 = arith.constant 32 : i32
        %add3A_545 = vector.broadcast %add3A_544 : i32 to vector<16xi32>
        %add3A_546 = arith.addi %iota3A, %add3A_545 : vector<16xi32>
        %gather3A_547 = tpu.vector_load_idx %arg8[%add3A_546, %broadcast_in_dim3A_529] : memref<64x1024xf32, #tpu.memory_space<vmem>>[vector<16xi32>, vector<16xi32>], vector<16xf32>,
        %swap3A_548 = arith.index_cast %add3A_523 : i32 to index
        %swap3A_549 = arith.constant 32 : index
        %swap3A_550 = tpu.vector_load %arg10[%swap3A_548, %swap3A_549] {strides = array<i32>} : memref<128x128xf32, #tpu.memory_space<vmem>>, vector<16xf32>,
        tpu.vector_store %arg10[%swap3A_548, %swap3A_549], %gather3A_547 {strides = array<i32>} : memref<128x128xf32, #tpu.memory_space<vmem>>, vector<16xf32>,
        %add3A_551 = arith.constant 48 : i32
        %add3A_552 = vector.broadcast %add3A_551 : i32 to vector<16xi32>
        %add3A_553 = arith.addi %iota3A, %add3A_552 : vector<16xi32>
        %gather3A_554 = tpu.vector_load_idx %arg8[%add3A_553, %broadcast_in_dim3A_529] : memref<64x1024xf32, #tpu.memory_space<vmem>>[vector<16xi32>, vector<16xi32>], vector<16xf32>,
        %swap3A_555 = arith.index_cast %add3A_523 : i32 to index
        %swap3A_556 = arith.constant 48 : index
        %swap3A_557 = tpu.vector_load %arg10[%swap3A_555, %swap3A_556] {strides = array<i32>} : memref<128x128xf32, #tpu.memory_space<vmem>>, vector<16xf32>,
        tpu.vector_store %arg10[%swap3A_555, %swap3A_556], %gather3A_554 {strides = array<i32>} : memref<128x128xf32, #tpu.memory_space<vmem>>, vector<16xf32>,
        %mul3A_558 = arith.constant 16 : i32
        %mul3A_559 = arith.muli %scan3A_27, %mul3A_558 : i32
        %add3A_560 = arith.constant 13 : i32
        %add3A_561 = arith.addi %mul3A_559, %add3A_560 : i32
        %slice3A_562 = vector.extract_strided_slice %get3A_34 {offsets = [13], sizes = [1], strides = [1]} : vector<16xi32> to vector<1xi32>
        %squeeze3A_563 = vector.extract %slice3A_562[0] : i32 from vector<1xi32>
        %sub3A_564 = arith.subi %squeeze3A_563, %multiple_of3A : i32
        %min3A_565 = arith.constant 1023 : i32
        %min3A_566 = arith.minsi %sub3A_564, %min3A_565 : i32
        %broadcast_in_dim3A_567 = vector.broadcast %min3A_566 : i32 to vector<16xi32>
        %add3A_568 = arith.constant 0 : i32
        %add3A_569 = vector.broadcast %add3A_568 : i32 to vector<16xi32>
        %add3A_570 = arith.addi %iota3A, %add3A_569 : vector<16xi32>
        %gather3A_571 = tpu.vector_load_idx %arg8[%add3A_570, %broadcast_in_dim3A_567] : memref<64x1024xf32, #tpu.memory_space<vmem>>[vector<16xi32>, vector<16xi32>], vector<16xf32>,
        %swap3A_572 = arith.index_cast %add3A_561 : i32 to index
        %swap3A_573 = arith.constant 0 : index
        %swap3A_574 = tpu.vector_load %arg10[%swap3A_572, %swap3A_573] {strides = array<i32>} : memref<128x128xf32, #tpu.memory_space<vmem>>, vector<16xf32>,
        tpu.vector_store %arg10[%swap3A_572, %swap3A_573], %gather3A_571 {strides = array<i32>} : memref<128x128xf32, #tpu.memory_space<vmem>>, vector<16xf32>,
        %add3A_575 = arith.constant 16 : i32
        %add3A_576 = vector.broadcast %add3A_575 : i32 to vector<16xi32>
        %add3A_577 = arith.addi %iota3A, %add3A_576 : vector<16xi32>
        %gather3A_578 = tpu.vector_load_idx %arg8[%add3A_577, %broadcast_in_dim3A_567] : memref<64x1024xf32, #tpu.memory_space<vmem>>[vector<16xi32>, vector<16xi32>], vector<16xf32>,
        %swap3A_579 = arith.index_cast %add3A_561 : i32 to index
        %swap3A_580 = arith.constant 16 : index
        %swap3A_581 = tpu.vector_load %arg10[%swap3A_579, %swap3A_580] {strides = array<i32>} : memref<128x128xf32, #tpu.memory_space<vmem>>, vector<16xf32>,
        tpu.vector_store %arg10[%swap3A_579, %swap3A_580], %gather3A_578 {strides = array<i32>} : memref<128x128xf32, #tpu.memory_space<vmem>>, vector<16xf32>,
        %add3A_582 = arith.constant 32 : i32
        %add3A_583 = vector.broadcast %add3A_582 : i32 to vector<16xi32>
        %add3A_584 = arith.addi %iota3A, %add3A_583 : vector<16xi32>
        %gather3A_585 = tpu.vector_load_idx %arg8[%add3A_584, %broadcast_in_dim3A_567] : memref<64x1024xf32, #tpu.memory_space<vmem>>[vector<16xi32>, vector<16xi32>], vector<16xf32>,
        %swap3A_586 = arith.index_cast %add3A_561 : i32 to index
        %swap3A_587 = arith.constant 32 : index
        %swap3A_588 = tpu.vector_load %arg10[%swap3A_586, %swap3A_587] {strides = array<i32>} : memref<128x128xf32, #tpu.memory_space<vmem>>, vector<16xf32>,
        tpu.vector_store %arg10[%swap3A_586, %swap3A_587], %gather3A_585 {strides = array<i32>} : memref<128x128xf32, #tpu.memory_space<vmem>>, vector<16xf32>,
        %add3A_589 = arith.constant 48 : i32
        %add3A_590 = vector.broadcast %add3A_589 : i32 to vector<16xi32>
        %add3A_591 = arith.addi %iota3A, %add3A_590 : vector<16xi32>
        %gather3A_592 = tpu.vector_load_idx %arg8[%add3A_591, %broadcast_in_dim3A_567] : memref<64x1024xf32, #tpu.memory_space<vmem>>[vector<16xi32>, vector<16xi32>], vector<16xf32>,
        %swap3A_593 = arith.index_cast %add3A_561 : i32 to index
        %swap3A_594 = arith.constant 48 : index
        %swap3A_595 = tpu.vector_load %arg10[%swap3A_593, %swap3A_594] {strides = array<i32>} : memref<128x128xf32, #tpu.memory_space<vmem>>, vector<16xf32>,
        tpu.vector_store %arg10[%swap3A_593, %swap3A_594], %gather3A_592 {strides = array<i32>} : memref<128x128xf32, #tpu.memory_space<vmem>>, vector<16xf32>,
        %mul3A_596 = arith.constant 16 : i32
        %mul3A_597 = arith.muli %scan3A_27, %mul3A_596 : i32
        %add3A_598 = arith.constant 14 : i32
        %add3A_599 = arith.addi %mul3A_597, %add3A_598 : i32
        %slice3A_600 = vector.extract_strided_slice %get3A_34 {offsets = [14], sizes = [1], strides = [1]} : vector<16xi32> to vector<1xi32>
        %squeeze3A_601 = vector.extract %slice3A_600[0] : i32 from vector<1xi32>
        %sub3A_602 = arith.subi %squeeze3A_601, %multiple_of3A : i32
        %min3A_603 = arith.constant 1023 : i32
        %min3A_604 = arith.minsi %sub3A_602, %min3A_603 : i32
        %broadcast_in_dim3A_605 = vector.broadcast %min3A_604 : i32 to vector<16xi32>
        %add3A_606 = arith.constant 0 : i32
        %add3A_607 = vector.broadcast %add3A_606 : i32 to vector<16xi32>
        %add3A_608 = arith.addi %iota3A, %add3A_607 : vector<16xi32>
        %gather3A_609 = tpu.vector_load_idx %arg8[%add3A_608, %broadcast_in_dim3A_605] : memref<64x1024xf32, #tpu.memory_space<vmem>>[vector<16xi32>, vector<16xi32>], vector<16xf32>,
        %swap3A_610 = arith.index_cast %add3A_599 : i32 to index
        %swap3A_611 = arith.constant 0 : index
        %swap3A_612 = tpu.vector_load %arg10[%swap3A_610, %swap3A_611] {strides = array<i32>} : memref<128x128xf32, #tpu.memory_space<vmem>>, vector<16xf32>,
        tpu.vector_store %arg10[%swap3A_610, %swap3A_611], %gather3A_609 {strides = array<i32>} : memref<128x128xf32, #tpu.memory_space<vmem>>, vector<16xf32>,
        %add3A_613 = arith.constant 16 : i32
        %add3A_614 = vector.broadcast %add3A_613 : i32 to vector<16xi32>
        %add3A_615 = arith.addi %iota3A, %add3A_614 : vector<16xi32>
        %gather3A_616 = tpu.vector_load_idx %arg8[%add3A_615, %broadcast_in_dim3A_605] : memref<64x1024xf32, #tpu.memory_space<vmem>>[vector<16xi32>, vector<16xi32>], vector<16xf32>,
        %swap3A_617 = arith.index_cast %add3A_599 : i32 to index
        %swap3A_618 = arith.constant 16 : index
        %swap3A_619 = tpu.vector_load %arg10[%swap3A_617, %swap3A_618] {strides = array<i32>} : memref<128x128xf32, #tpu.memory_space<vmem>>, vector<16xf32>,
        tpu.vector_store %arg10[%swap3A_617, %swap3A_618], %gather3A_616 {strides = array<i32>} : memref<128x128xf32, #tpu.memory_space<vmem>>, vector<16xf32>,
        %add3A_620 = arith.constant 32 : i32
        %add3A_621 = vector.broadcast %add3A_620 : i32 to vector<16xi32>
        %add3A_622 = arith.addi %iota3A, %add3A_621 : vector<16xi32>
        %gather3A_623 = tpu.vector_load_idx %arg8[%add3A_622, %broadcast_in_dim3A_605] : memref<64x1024xf32, #tpu.memory_space<vmem>>[vector<16xi32>, vector<16xi32>], vector<16xf32>,
        %swap3A_624 = arith.index_cast %add3A_599 : i32 to index
        %swap3A_625 = arith.constant 32 : index
        %swap3A_626 = tpu.vector_load %arg10[%swap3A_624, %swap3A_625] {strides = array<i32>} : memref<128x128xf32, #tpu.memory_space<vmem>>, vector<16xf32>,
        tpu.vector_store %arg10[%swap3A_624, %swap3A_625], %gather3A_623 {strides = array<i32>} : memref<128x128xf32, #tpu.memory_space<vmem>>, vector<16xf32>,
        %add3A_627 = arith.constant 48 : i32
        %add3A_628 = vector.broadcast %add3A_627 : i32 to vector<16xi32>
        %add3A_629 = arith.addi %iota3A, %add3A_628 : vector<16xi32>
        %gather3A_630 = tpu.vector_load_idx %arg8[%add3A_629, %broadcast_in_dim3A_605] : memref<64x1024xf32, #tpu.memory_space<vmem>>[vector<16xi32>, vector<16xi32>], vector<16xf32>,
        %swap3A_631 = arith.index_cast %add3A_599 : i32 to index
        %swap3A_632 = arith.constant 48 : index
        %swap3A_633 = tpu.vector_load %arg10[%swap3A_631, %swap3A_632] {strides = array<i32>} : memref<128x128xf32, #tpu.memory_space<vmem>>, vector<16xf32>,
        tpu.vector_store %arg10[%swap3A_631, %swap3A_632], %gather3A_630 {strides = array<i32>} : memref<128x128xf32, #tpu.memory_space<vmem>>, vector<16xf32>,
        %mul3A_634 = arith.constant 16 : i32
        %mul3A_635 = arith.muli %scan3A_27, %mul3A_634 : i32
        %add3A_636 = arith.constant 15 : i32
        %add3A_637 = arith.addi %mul3A_635, %add3A_636 : i32
        %slice3A_638 = vector.extract_strided_slice %get3A_34 {offsets = [15], sizes = [1], strides = [1]} : vector<16xi32> to vector<1xi32>
        %squeeze3A_639 = vector.extract %slice3A_638[0] : i32 from vector<1xi32>
        %sub3A_640 = arith.subi %squeeze3A_639, %multiple_of3A : i32
        %min3A_641 = arith.constant 1023 : i32
        %min3A_642 = arith.minsi %sub3A_640, %min3A_641 : i32
        %broadcast_in_dim3A_643 = vector.broadcast %min3A_642 : i32 to vector<16xi32>
        %add3A_644 = arith.constant 0 : i32
        %add3A_645 = vector.broadcast %add3A_644 : i32 to vector<16xi32>
        %add3A_646 = arith.addi %iota3A, %add3A_645 : vector<16xi32>
        %gather3A_647 = tpu.vector_load_idx %arg8[%add3A_646, %broadcast_in_dim3A_643] : memref<64x1024xf32, #tpu.memory_space<vmem>>[vector<16xi32>, vector<16xi32>], vector<16xf32>,
        %swap3A_648 = arith.index_cast %add3A_637 : i32 to index
        %swap3A_649 = arith.constant 0 : index
        %swap3A_650 = tpu.vector_load %arg10[%swap3A_648, %swap3A_649] {strides = array<i32>} : memref<128x128xf32, #tpu.memory_space<vmem>>, vector<16xf32>,
        tpu.vector_store %arg10[%swap3A_648, %swap3A_649], %gather3A_647 {strides = array<i32>} : memref<128x128xf32, #tpu.memory_space<vmem>>, vector<16xf32>,
        %add3A_651 = arith.constant 16 : i32
        %add3A_652 = vector.broadcast %add3A_651 : i32 to vector<16xi32>
        %add3A_653 = arith.addi %iota3A, %add3A_652 : vector<16xi32>
        %gather3A_654 = tpu.vector_load_idx %arg8[%add3A_653, %broadcast_in_dim3A_643] : memref<64x1024xf32, #tpu.memory_space<vmem>>[vector<16xi32>, vector<16xi32>], vector<16xf32>,
        %swap3A_655 = arith.index_cast %add3A_637 : i32 to index
        %swap3A_656 = arith.constant 16 : index
        %swap3A_657 = tpu.vector_load %arg10[%swap3A_655, %swap3A_656] {strides = array<i32>} : memref<128x128xf32, #tpu.memory_space<vmem>>, vector<16xf32>,
        tpu.vector_store %arg10[%swap3A_655, %swap3A_656], %gather3A_654 {strides = array<i32>} : memref<128x128xf32, #tpu.memory_space<vmem>>, vector<16xf32>,
        %add3A_658 = arith.constant 32 : i32
        %add3A_659 = vector.broadcast %add3A_658 : i32 to vector<16xi32>
        %add3A_660 = arith.addi %iota3A, %add3A_659 : vector<16xi32>
        %gather3A_661 = tpu.vector_load_idx %arg8[%add3A_660, %broadcast_in_dim3A_643] : memref<64x1024xf32, #tpu.memory_space<vmem>>[vector<16xi32>, vector<16xi32>], vector<16xf32>,
        %swap3A_662 = arith.index_cast %add3A_637 : i32 to index
        %swap3A_663 = arith.constant 32 : index
        %swap3A_664 = tpu.vector_load %arg10[%swap3A_662, %swap3A_663] {strides = array<i32>} : memref<128x128xf32, #tpu.memory_space<vmem>>, vector<16xf32>,
        tpu.vector_store %arg10[%swap3A_662, %swap3A_663], %gather3A_661 {strides = array<i32>} : memref<128x128xf32, #tpu.memory_space<vmem>>, vector<16xf32>,
        %add3A_665 = arith.constant 48 : i32
        %add3A_666 = vector.broadcast %add3A_665 : i32 to vector<16xi32>
        %add3A_667 = arith.addi %iota3A, %add3A_666 : vector<16xi32>
        %gather3A_668 = tpu.vector_load_idx %arg8[%add3A_667, %broadcast_in_dim3A_643] : memref<64x1024xf32, #tpu.memory_space<vmem>>[vector<16xi32>, vector<16xi32>], vector<16xf32>,
        %swap3A_669 = arith.index_cast %add3A_637 : i32 to index
        %swap3A_670 = arith.constant 48 : index
        %swap3A_671 = tpu.vector_load %arg10[%swap3A_669, %swap3A_670] {strides = array<i32>} : memref<128x128xf32, #tpu.memory_space<vmem>>, vector<16xf32>,
        tpu.vector_store %arg10[%swap3A_669, %swap3A_670], %gather3A_668 {strides = array<i32>} : memref<128x128xf32, #tpu.memory_space<vmem>>, vector<16xf32>,
        %convert_element_type3A_672 = arith.extui %ge3A_66 : i1 to i32
        %cond3A_673 = arith.constant 0 : i32
        %cond3A_674 = arith.cmpi ne, %convert_element_type3A_672, %cond3A_673 : i32
        scf.if %cond3A_674 {
          %slice3A_677 = vector.extract_strided_slice %get3A_34 {offsets = [0], sizes = [1], strides = [1]} : vector<16xi32> to vector<1xi32>
          %squeeze3A_678 = vector.extract %slice3A_677[0] : i32 from vector<1xi32>
          %jit3A_679 = arith.constant 128 : i32
          %div3A_680 = arith.divsi %squeeze3A_678, %jit3A_679 : i32
          %sign3A_681 = arith.constant 0 : i32
          %sign3A_682 = arith.cmpi sgt, %squeeze3A_678, %sign3A_681 : i32
          %sign3A_683 = arith.extui %sign3A_682 : i1 to i32
          %sign3A_684 = arith.constant 0 : i32
          %sign3A_685 = arith.cmpi slt, %squeeze3A_678, %sign3A_684 : i32
          %sign3A_686 = arith.extui %sign3A_685 : i1 to i32
          %sign3A_687 = arith.subi %sign3A_683, %sign3A_686 : i32
          %sign3A_688 = arith.constant 0 : i32
          %sign3A_689 = arith.cmpi sgt, %jit3A_679, %sign3A_688 : i32
          %sign3A_690 = arith.extui %sign3A_689 : i1 to i32
          %sign3A_691 = arith.constant 0 : i32
          %sign3A_692 = arith.cmpi slt, %jit3A_679, %sign3A_691 : i32
          %sign3A_693 = arith.extui %sign3A_692 : i1 to i32
          %sign3A_694 = arith.subi %sign3A_690, %sign3A_693 : i32
          %ne3A_695 = arith.cmpi ne, %sign3A_687, %sign3A_694 : i32
          %rem3A_696 = arith.remsi %squeeze3A_678, %jit3A_679 : i32
          %ne3A_697 = arith.constant 0 : i32
          %ne3A_698 = arith.cmpi ne, %rem3A_696, %ne3A_697 : i32
          %and3A_699 = arith.andi %ne3A_695, %ne3A_698 : i1
          %sub3A_700 = arith.constant 1 : i32
          %sub3A_701 = arith.subi %div3A_680, %sub3A_700 : i32
          %select_n3A_702 = arith.select %and3A_699, %sub3A_701, %div3A_680 : i32
          %mul3A_703 = arith.constant 128 : i32
          %mul3A_704 = arith.muli %select_n3A_702, %mul3A_703 : i32
          %lt3A_705 = arith.constant 999936 : i32
          %lt3A_706 = arith.cmpi slt, %mul3A_704, %lt3A_705 : i32
          %convert_element_type3A_707 = arith.extui %lt3A_706 : i1 to i32
          %cond3A_708 = arith.constant 0 : i32
          %cond3A_709 = arith.cmpi ne, %convert_element_type3A_707, %cond3A_708 : i32
          scf.if %cond3A_709 {
            %dma_start3A_1909 = arith.constant 0 : i32
            %dma_start3A_1910 = arith.constant 0 : i32
            %dma_start3A_1911 = tpu.memref_slice %arg8[%dma_start3A_1909, %dma_start3A_1910] : memref<64x1024xf32, #tpu.memory_space<vmem>> -> memref<64x128xf32, #tpu.memory_space<vmem>>
            %dma_start3A_1912 = arith.constant 0 : i32
            %dma_start3A_1913 = tpu.memref_slice %arg4[%dma_start3A_1912, %mul3A_704] : memref<64x1000000xf32, #tpu.memory_space<hbm>> -> memref<64x128xf32, #tpu.memory_space<hbm>>
            %dma_start3A_1914 = arith.constant 0 : i32
            %dma_start3A_1915 = arith.constant 0 : i32
            %dma_start3A_1916 = tpu.memref_slice %arg8[%dma_start3A_1914, %dma_start3A_1915] : memref<64x1024xf32, #tpu.memory_space<vmem>> -> memref<64x128xf32, #tpu.memory_space<vmem>>
            %dma_start3A_1917 = arith.constant 0 : i32
            %dma_start3A_1918 = tpu.memref_slice %arg4[%dma_start3A_1917, %mul3A_704] : memref<64x1000000xf32, #tpu.memory_space<hbm>> -> memref<64x128xf32, #tpu.memory_space<hbm>>
            tpu.enqueue_dma source(%dma_start3A_1918 : memref<64x128xf32, #tpu.memory_space<hbm>>) target(%dma_start3A_1916 : memref<64x128xf32, #tpu.memory_space<vmem>>) target_semaphore(%arg11 : memref<!tpu.dma_semaphore, #tpu.memory_space<semaphore_mem>>)
            %dma_wait3A_1919 = arith.constant 0 : i32
            %dma_wait3A_1920 = arith.constant 0 : i32
            %dma_wait3A_1921 = tpu.memref_slice %arg8[%dma_wait3A_1919, %dma_wait3A_1920] : memref<64x1024xf32, #tpu.memory_space<vmem>> -> memref<64x128xf32, #tpu.memory_space<vmem>>
            %dma_wait3A_1922 = arith.constant 0 : i32
            %dma_wait3A_1923 = tpu.memref_slice %arg4[%dma_wait3A_1922, %mul3A_704] : memref<64x1000000xf32, #tpu.memory_space<hbm>> -> memref<64x128xf32, #tpu.memory_space<hbm>>
            %dma_wait3A_1924 = arith.constant 0 : i32
            %dma_wait3A_1925 = arith.constant 0 : i32
            %dma_wait3A_1926 = tpu.memref_slice %arg8[%dma_wait3A_1924, %dma_wait3A_1925] : memref<64x1024xf32, #tpu.memory_space<vmem>> -> memref<64x128xf32, #tpu.memory_space<vmem>>
            %dma_wait3A_1927 = arith.constant 0 : i32
            %dma_wait3A_1928 = tpu.memref_slice %arg4[%dma_wait3A_1927, %mul3A_704] : memref<64x1000000xf32, #tpu.memory_space<hbm>> -> memref<64x128xf32, #tpu.memory_space<hbm>>
            tpu.wait_dma2 semaphore(%arg11 : memref<!tpu.dma_semaphore, #tpu.memory_space<semaphore_mem>>) src(%dma_wait3A_1928 : memref<64x128xf32, #tpu.memory_space<hbm>>) dst(%dma_wait3A_1926 : memref<64x128xf32, #tpu.memory_space<vmem>>)
          } else {
          }
          %slice3A_710 = vector.extract_strided_slice %get3A_34 {offsets = [1], sizes = [1], strides = [1]} : vector<16xi32> to vector<1xi32>
          %squeeze3A_711 = vector.extract %slice3A_710[0] : i32 from vector<1xi32>
          %jit3A_712 = arith.constant 128 : i32
          %div3A_713 = arith.divsi %squeeze3A_711, %jit3A_712 : i32
          %sign3A_714 = arith.constant 0 : i32
          %sign3A_715 = arith.cmpi sgt, %squeeze3A_711, %sign3A_714 : i32
          %sign3A_716 = arith.extui %sign3A_715 : i1 to i32
          %sign3A_717 = arith.constant 0 : i32
          %sign3A_718 = arith.cmpi slt, %squeeze3A_711, %sign3A_717 : i32
          %sign3A_719 = arith.extui %sign3A_718 : i1 to i32
          %sign3A_720 = arith.subi %sign3A_716, %sign3A_719 : i32
          %sign3A_721 = arith.constant 0 : i32
          %sign3A_722 = arith.cmpi sgt, %jit3A_712, %sign3A_721 : i32
          %sign3A_723 = arith.extui %sign3A_722 : i1 to i32
          %sign3A_724 = arith.constant 0 : i32
          %sign3A_725 = arith.cmpi slt, %jit3A_712, %sign3A_724 : i32
          %sign3A_726 = arith.extui %sign3A_725 : i1 to i32
          %sign3A_727 = arith.subi %sign3A_723, %sign3A_726 : i32
          %ne3A_728 = arith.cmpi ne, %sign3A_720, %sign3A_727 : i32
          %rem3A_729 = arith.remsi %squeeze3A_711, %jit3A_712 : i32
          %ne3A_730 = arith.constant 0 : i32
          %ne3A_731 = arith.cmpi ne, %rem3A_729, %ne3A_730 : i32
          %and3A_732 = arith.andi %ne3A_728, %ne3A_731 : i1
          %sub3A_733 = arith.constant 1 : i32
          %sub3A_734 = arith.subi %div3A_713, %sub3A_733 : i32
          %select_n3A_735 = arith.select %and3A_732, %sub3A_734, %div3A_713 : i32
          %mul3A_736 = arith.constant 128 : i32
          %mul3A_737 = arith.muli %select_n3A_735, %mul3A_736 : i32
          %lt3A_738 = arith.constant 999936 : i32
          %lt3A_739 = arith.cmpi slt, %mul3A_737, %lt3A_738 : i32
          %convert_element_type3A_740 = arith.extui %lt3A_739 : i1 to i32
          %cond3A_741 = arith.constant 0 : i32
          %cond3A_742 = arith.cmpi ne, %convert_element_type3A_740, %cond3A_741 : i32
          scf.if %cond3A_742 {
            %dma_start3A_1909 = arith.constant 0 : i32
            %dma_start3A_1910 = arith.constant 128 : i32
            %dma_start3A_1911 = tpu.memref_slice %arg8[%dma_start3A_1909, %dma_start3A_1910] : memref<64x1024xf32, #tpu.memory_space<vmem>> -> memref<64x128xf32, #tpu.memory_space<vmem>>
            %dma_start3A_1912 = arith.constant 0 : i32
            %dma_start3A_1913 = tpu.memref_slice %arg4[%dma_start3A_1912, %mul3A_737] : memref<64x1000000xf32, #tpu.memory_space<hbm>> -> memref<64x128xf32, #tpu.memory_space<hbm>>
            %dma_start3A_1914 = arith.constant 0 : i32
            %dma_start3A_1915 = arith.constant 128 : i32
            %dma_start3A_1916 = tpu.memref_slice %arg8[%dma_start3A_1914, %dma_start3A_1915] : memref<64x1024xf32, #tpu.memory_space<vmem>> -> memref<64x128xf32, #tpu.memory_space<vmem>>
            %dma_start3A_1917 = arith.constant 0 : i32
            %dma_start3A_1918 = tpu.memref_slice %arg4[%dma_start3A_1917, %mul3A_737] : memref<64x1000000xf32, #tpu.memory_space<hbm>> -> memref<64x128xf32, #tpu.memory_space<hbm>>
            tpu.enqueue_dma source(%dma_start3A_1918 : memref<64x128xf32, #tpu.memory_space<hbm>>) target(%dma_start3A_1916 : memref<64x128xf32, #tpu.memory_space<vmem>>) target_semaphore(%arg11 : memref<!tpu.dma_semaphore, #tpu.memory_space<semaphore_mem>>)
            %dma_wait3A_1919 = arith.constant 0 : i32
            %dma_wait3A_1920 = arith.constant 128 : i32
            %dma_wait3A_1921 = tpu.memref_slice %arg8[%dma_wait3A_1919, %dma_wait3A_1920] : memref<64x1024xf32, #tpu.memory_space<vmem>> -> memref<64x128xf32, #tpu.memory_space<vmem>>
            %dma_wait3A_1922 = arith.constant 0 : i32
            %dma_wait3A_1923 = tpu.memref_slice %arg4[%dma_wait3A_1922, %mul3A_737] : memref<64x1000000xf32, #tpu.memory_space<hbm>> -> memref<64x128xf32, #tpu.memory_space<hbm>>
            %dma_wait3A_1924 = arith.constant 0 : i32
            %dma_wait3A_1925 = arith.constant 128 : i32
            %dma_wait3A_1926 = tpu.memref_slice %arg8[%dma_wait3A_1924, %dma_wait3A_1925] : memref<64x1024xf32, #tpu.memory_space<vmem>> -> memref<64x128xf32, #tpu.memory_space<vmem>>
            %dma_wait3A_1927 = arith.constant 0 : i32
            %dma_wait3A_1928 = tpu.memref_slice %arg4[%dma_wait3A_1927, %mul3A_737] : memref<64x1000000xf32, #tpu.memory_space<hbm>> -> memref<64x128xf32, #tpu.memory_space<hbm>>
            tpu.wait_dma2 semaphore(%arg11 : memref<!tpu.dma_semaphore, #tpu.memory_space<semaphore_mem>>) src(%dma_wait3A_1928 : memref<64x128xf32, #tpu.memory_space<hbm>>) dst(%dma_wait3A_1926 : memref<64x128xf32, #tpu.memory_space<vmem>>)
          } else {
          }
          %slice3A_743 = vector.extract_strided_slice %get3A_34 {offsets = [2], sizes = [1], strides = [1]} : vector<16xi32> to vector<1xi32>
          %squeeze3A_744 = vector.extract %slice3A_743[0] : i32 from vector<1xi32>
          %jit3A_745 = arith.constant 128 : i32
          %div3A_746 = arith.divsi %squeeze3A_744, %jit3A_745 : i32
          %sign3A_747 = arith.constant 0 : i32
          %sign3A_748 = arith.cmpi sgt, %squeeze3A_744, %sign3A_747 : i32
          %sign3A_749 = arith.extui %sign3A_748 : i1 to i32
          %sign3A_750 = arith.constant 0 : i32
          %sign3A_751 = arith.cmpi slt, %squeeze3A_744, %sign3A_750 : i32
          %sign3A_752 = arith.extui %sign3A_751 : i1 to i32
          %sign3A_753 = arith.subi %sign3A_749, %sign3A_752 : i32
          %sign3A_754 = arith.constant 0 : i32
          %sign3A_755 = arith.cmpi sgt, %jit3A_745, %sign3A_754 : i32
          %sign3A_756 = arith.extui %sign3A_755 : i1 to i32
          %sign3A_757 = arith.constant 0 : i32
          %sign3A_758 = arith.cmpi slt, %jit3A_745, %sign3A_757 : i32
          %sign3A_759 = arith.extui %sign3A_758 : i1 to i32
          %sign3A_760 = arith.subi %sign3A_756, %sign3A_759 : i32
          %ne3A_761 = arith.cmpi ne, %sign3A_753, %sign3A_760 : i32
          %rem3A_762 = arith.remsi %squeeze3A_744, %jit3A_745 : i32
          %ne3A_763 = arith.constant 0 : i32
          %ne3A_764 = arith.cmpi ne, %rem3A_762, %ne3A_763 : i32
          %and3A_765 = arith.andi %ne3A_761, %ne3A_764 : i1
          %sub3A_766 = arith.constant 1 : i32
          %sub3A_767 = arith.subi %div3A_746, %sub3A_766 : i32
          %select_n3A_768 = arith.select %and3A_765, %sub3A_767, %div3A_746 : i32
          %mul3A_769 = arith.constant 128 : i32
          %mul3A_770 = arith.muli %select_n3A_768, %mul3A_769 : i32
          %lt3A_771 = arith.constant 999936 : i32
          %lt3A_772 = arith.cmpi slt, %mul3A_770, %lt3A_771 : i32
          %convert_element_type3A_773 = arith.extui %lt3A_772 : i1 to i32
          %cond3A_774 = arith.constant 0 : i32
          %cond3A_775 = arith.cmpi ne, %convert_element_type3A_773, %cond3A_774 : i32
          scf.if %cond3A_775 {
            %dma_start3A_1909 = arith.constant 0 : i32
            %dma_start3A_1910 = arith.constant 256 : i32
            %dma_start3A_1911 = tpu.memref_slice %arg8[%dma_start3A_1909, %dma_start3A_1910] : memref<64x1024xf32, #tpu.memory_space<vmem>> -> memref<64x128xf32, #tpu.memory_space<vmem>>
            %dma_start3A_1912 = arith.constant 0 : i32
            %dma_start3A_1913 = tpu.memref_slice %arg4[%dma_start3A_1912, %mul3A_770] : memref<64x1000000xf32, #tpu.memory_space<hbm>> -> memref<64x128xf32, #tpu.memory_space<hbm>>
            %dma_start3A_1914 = arith.constant 0 : i32
            %dma_start3A_1915 = arith.constant 256 : i32
            %dma_start3A_1916 = tpu.memref_slice %arg8[%dma_start3A_1914, %dma_start3A_1915] : memref<64x1024xf32, #tpu.memory_space<vmem>> -> memref<64x128xf32, #tpu.memory_space<vmem>>
            %dma_start3A_1917 = arith.constant 0 : i32
            %dma_start3A_1918 = tpu.memref_slice %arg4[%dma_start3A_1917, %mul3A_770] : memref<64x1000000xf32, #tpu.memory_space<hbm>> -> memref<64x128xf32, #tpu.memory_space<hbm>>
            tpu.enqueue_dma source(%dma_start3A_1918 : memref<64x128xf32, #tpu.memory_space<hbm>>) target(%dma_start3A_1916 : memref<64x128xf32, #tpu.memory_space<vmem>>) target_semaphore(%arg11 : memref<!tpu.dma_semaphore, #tpu.memory_space<semaphore_mem>>)
            %dma_wait3A_1919 = arith.constant 0 : i32
            %dma_wait3A_1920 = arith.constant 256 : i32
            %dma_wait3A_1921 = tpu.memref_slice %arg8[%dma_wait3A_1919, %dma_wait3A_1920] : memref<64x1024xf32, #tpu.memory_space<vmem>> -> memref<64x128xf32, #tpu.memory_space<vmem>>
            %dma_wait3A_1922 = arith.constant 0 : i32
            %dma_wait3A_1923 = tpu.memref_slice %arg4[%dma_wait3A_1922, %mul3A_770] : memref<64x1000000xf32, #tpu.memory_space<hbm>> -> memref<64x128xf32, #tpu.memory_space<hbm>>
            %dma_wait3A_1924 = arith.constant 0 : i32
            %dma_wait3A_1925 = arith.constant 256 : i32
            %dma_wait3A_1926 = tpu.memref_slice %arg8[%dma_wait3A_1924, %dma_wait3A_1925] : memref<64x1024xf32, #tpu.memory_space<vmem>> -> memref<64x128xf32, #tpu.memory_space<vmem>>
            %dma_wait3A_1927 = arith.constant 0 : i32
            %dma_wait3A_1928 = tpu.memref_slice %arg4[%dma_wait3A_1927, %mul3A_770] : memref<64x1000000xf32, #tpu.memory_space<hbm>> -> memref<64x128xf32, #tpu.memory_space<hbm>>
            tpu.wait_dma2 semaphore(%arg11 : memref<!tpu.dma_semaphore, #tpu.memory_space<semaphore_mem>>) src(%dma_wait3A_1928 : memref<64x128xf32, #tpu.memory_space<hbm>>) dst(%dma_wait3A_1926 : memref<64x128xf32, #tpu.memory_space<vmem>>)
          } else {
          }
          %slice3A_776 = vector.extract_strided_slice %get3A_34 {offsets = [3], sizes = [1], strides = [1]} : vector<16xi32> to vector<1xi32>
          %squeeze3A_777 = vector.extract %slice3A_776[0] : i32 from vector<1xi32>
          %jit3A_778 = arith.constant 128 : i32
          %div3A_779 = arith.divsi %squeeze3A_777, %jit3A_778 : i32
          %sign3A_780 = arith.constant 0 : i32
          %sign3A_781 = arith.cmpi sgt, %squeeze3A_777, %sign3A_780 : i32
          %sign3A_782 = arith.extui %sign3A_781 : i1 to i32
          %sign3A_783 = arith.constant 0 : i32
          %sign3A_784 = arith.cmpi slt, %squeeze3A_777, %sign3A_783 : i32
          %sign3A_785 = arith.extui %sign3A_784 : i1 to i32
          %sign3A_786 = arith.subi %sign3A_782, %sign3A_785 : i32
          %sign3A_787 = arith.constant 0 : i32
          %sign3A_788 = arith.cmpi sgt, %jit3A_778, %sign3A_787 : i32
          %sign3A_789 = arith.extui %sign3A_788 : i1 to i32
          %sign3A_790 = arith.constant 0 : i32
          %sign3A_791 = arith.cmpi slt, %jit3A_778, %sign3A_790 : i32
          %sign3A_792 = arith.extui %sign3A_791 : i1 to i32
          %sign3A_793 = arith.subi %sign3A_789, %sign3A_792 : i32
          %ne3A_794 = arith.cmpi ne, %sign3A_786, %sign3A_793 : i32
          %rem3A_795 = arith.remsi %squeeze3A_777, %jit3A_778 : i32
          %ne3A_796 = arith.constant 0 : i32
          %ne3A_797 = arith.cmpi ne, %rem3A_795, %ne3A_796 : i32
          %and3A_798 = arith.andi %ne3A_794, %ne3A_797 : i1
          %sub3A_799 = arith.constant 1 : i32
          %sub3A_800 = arith.subi %div3A_779, %sub3A_799 : i32
          %select_n3A_801 = arith.select %and3A_798, %sub3A_800, %div3A_779 : i32
          %mul3A_802 = arith.constant 128 : i32
          %mul3A_803 = arith.muli %select_n3A_801, %mul3A_802 : i32
          %lt3A_804 = arith.constant 999936 : i32
          %lt3A_805 = arith.cmpi slt, %mul3A_803, %lt3A_804 : i32
          %convert_element_type3A_806 = arith.extui %lt3A_805 : i1 to i32
          %cond3A_807 = arith.constant 0 : i32
          %cond3A_808 = arith.cmpi ne, %convert_element_type3A_806, %cond3A_807 : i32
          scf.if %cond3A_808 {
            %dma_start3A_1909 = arith.constant 0 : i32
            %dma_start3A_1910 = arith.constant 384 : i32
            %dma_start3A_1911 = tpu.memref_slice %arg8[%dma_start3A_1909, %dma_start3A_1910] : memref<64x1024xf32, #tpu.memory_space<vmem>> -> memref<64x128xf32, #tpu.memory_space<vmem>>
            %dma_start3A_1912 = arith.constant 0 : i32
            %dma_start3A_1913 = tpu.memref_slice %arg4[%dma_start3A_1912, %mul3A_803] : memref<64x1000000xf32, #tpu.memory_space<hbm>> -> memref<64x128xf32, #tpu.memory_space<hbm>>
            %dma_start3A_1914 = arith.constant 0 : i32
            %dma_start3A_1915 = arith.constant 384 : i32
            %dma_start3A_1916 = tpu.memref_slice %arg8[%dma_start3A_1914, %dma_start3A_1915] : memref<64x1024xf32, #tpu.memory_space<vmem>> -> memref<64x128xf32, #tpu.memory_space<vmem>>
            %dma_start3A_1917 = arith.constant 0 : i32
            %dma_start3A_1918 = tpu.memref_slice %arg4[%dma_start3A_1917, %mul3A_803] : memref<64x1000000xf32, #tpu.memory_space<hbm>> -> memref<64x128xf32, #tpu.memory_space<hbm>>
            tpu.enqueue_dma source(%dma_start3A_1918 : memref<64x128xf32, #tpu.memory_space<hbm>>) target(%dma_start3A_1916 : memref<64x128xf32, #tpu.memory_space<vmem>>) target_semaphore(%arg11 : memref<!tpu.dma_semaphore, #tpu.memory_space<semaphore_mem>>)
            %dma_wait3A_1919 = arith.constant 0 : i32
            %dma_wait3A_1920 = arith.constant 384 : i32
            %dma_wait3A_1921 = tpu.memref_slice %arg8[%dma_wait3A_1919, %dma_wait3A_1920] : memref<64x1024xf32, #tpu.memory_space<vmem>> -> memref<64x128xf32, #tpu.memory_space<vmem>>
            %dma_wait3A_1922 = arith.constant 0 : i32
            %dma_wait3A_1923 = tpu.memref_slice %arg4[%dma_wait3A_1922, %mul3A_803] : memref<64x1000000xf32, #tpu.memory_space<hbm>> -> memref<64x128xf32, #tpu.memory_space<hbm>>
            %dma_wait3A_1924 = arith.constant 0 : i32
            %dma_wait3A_1925 = arith.constant 384 : i32
            %dma_wait3A_1926 = tpu.memref_slice %arg8[%dma_wait3A_1924, %dma_wait3A_1925] : memref<64x1024xf32, #tpu.memory_space<vmem>> -> memref<64x128xf32, #tpu.memory_space<vmem>>
            %dma_wait3A_1927 = arith.constant 0 : i32
            %dma_wait3A_1928 = tpu.memref_slice %arg4[%dma_wait3A_1927, %mul3A_803] : memref<64x1000000xf32, #tpu.memory_space<hbm>> -> memref<64x128xf32, #tpu.memory_space<hbm>>
            tpu.wait_dma2 semaphore(%arg11 : memref<!tpu.dma_semaphore, #tpu.memory_space<semaphore_mem>>) src(%dma_wait3A_1928 : memref<64x128xf32, #tpu.memory_space<hbm>>) dst(%dma_wait3A_1926 : memref<64x128xf32, #tpu.memory_space<vmem>>)
          } else {
          }
          %slice3A_809 = vector.extract_strided_slice %get3A_34 {offsets = [4], sizes = [1], strides = [1]} : vector<16xi32> to vector<1xi32>
          %squeeze3A_810 = vector.extract %slice3A_809[0] : i32 from vector<1xi32>
          %jit3A_811 = arith.constant 128 : i32
          %div3A_812 = arith.divsi %squeeze3A_810, %jit3A_811 : i32
          %sign3A_813 = arith.constant 0 : i32
          %sign3A_814 = arith.cmpi sgt, %squeeze3A_810, %sign3A_813 : i32
          %sign3A_815 = arith.extui %sign3A_814 : i1 to i32
          %sign3A_816 = arith.constant 0 : i32
          %sign3A_817 = arith.cmpi slt, %squeeze3A_810, %sign3A_816 : i32
          %sign3A_818 = arith.extui %sign3A_817 : i1 to i32
          %sign3A_819 = arith.subi %sign3A_815, %sign3A_818 : i32
          %sign3A_820 = arith.constant 0 : i32
          %sign3A_821 = arith.cmpi sgt, %jit3A_811, %sign3A_820 : i32
          %sign3A_822 = arith.extui %sign3A_821 : i1 to i32
          %sign3A_823 = arith.constant 0 : i32
          %sign3A_824 = arith.cmpi slt, %jit3A_811, %sign3A_823 : i32
          %sign3A_825 = arith.extui %sign3A_824 : i1 to i32
          %sign3A_826 = arith.subi %sign3A_822, %sign3A_825 : i32
          %ne3A_827 = arith.cmpi ne, %sign3A_819, %sign3A_826 : i32
          %rem3A_828 = arith.remsi %squeeze3A_810, %jit3A_811 : i32
          %ne3A_829 = arith.constant 0 : i32
          %ne3A_830 = arith.cmpi ne, %rem3A_828, %ne3A_829 : i32
          %and3A_831 = arith.andi %ne3A_827, %ne3A_830 : i1
          %sub3A_832 = arith.constant 1 : i32
          %sub3A_833 = arith.subi %div3A_812, %sub3A_832 : i32
          %select_n3A_834 = arith.select %and3A_831, %sub3A_833, %div3A_812 : i32
          %mul3A_835 = arith.constant 128 : i32
          %mul3A_836 = arith.muli %select_n3A_834, %mul3A_835 : i32
          %lt3A_837 = arith.constant 999936 : i32
          %lt3A_838 = arith.cmpi slt, %mul3A_836, %lt3A_837 : i32
          %convert_element_type3A_839 = arith.extui %lt3A_838 : i1 to i32
          %cond3A_840 = arith.constant 0 : i32
          %cond3A_841 = arith.cmpi ne, %convert_element_type3A_839, %cond3A_840 : i32
          scf.if %cond3A_841 {
            %dma_start3A_1909 = arith.constant 0 : i32
            %dma_start3A_1910 = arith.constant 512 : i32
            %dma_start3A_1911 = tpu.memref_slice %arg8[%dma_start3A_1909, %dma_start3A_1910] : memref<64x1024xf32, #tpu.memory_space<vmem>> -> memref<64x128xf32, #tpu.memory_space<vmem>>
            %dma_start3A_1912 = arith.constant 0 : i32
            %dma_start3A_1913 = tpu.memref_slice %arg4[%dma_start3A_1912, %mul3A_836] : memref<64x1000000xf32, #tpu.memory_space<hbm>> -> memref<64x128xf32, #tpu.memory_space<hbm>>
            %dma_start3A_1914 = arith.constant 0 : i32
            %dma_start3A_1915 = arith.constant 512 : i32
            %dma_start3A_1916 = tpu.memref_slice %arg8[%dma_start3A_1914, %dma_start3A_1915] : memref<64x1024xf32, #tpu.memory_space<vmem>> -> memref<64x128xf32, #tpu.memory_space<vmem>>
            %dma_start3A_1917 = arith.constant 0 : i32
            %dma_start3A_1918 = tpu.memref_slice %arg4[%dma_start3A_1917, %mul3A_836] : memref<64x1000000xf32, #tpu.memory_space<hbm>> -> memref<64x128xf32, #tpu.memory_space<hbm>>
            tpu.enqueue_dma source(%dma_start3A_1918 : memref<64x128xf32, #tpu.memory_space<hbm>>) target(%dma_start3A_1916 : memref<64x128xf32, #tpu.memory_space<vmem>>) target_semaphore(%arg11 : memref<!tpu.dma_semaphore, #tpu.memory_space<semaphore_mem>>)
            %dma_wait3A_1919 = arith.constant 0 : i32
            %dma_wait3A_1920 = arith.constant 512 : i32
            %dma_wait3A_1921 = tpu.memref_slice %arg8[%dma_wait3A_1919, %dma_wait3A_1920] : memref<64x1024xf32, #tpu.memory_space<vmem>> -> memref<64x128xf32, #tpu.memory_space<vmem>>
            %dma_wait3A_1922 = arith.constant 0 : i32
            %dma_wait3A_1923 = tpu.memref_slice %arg4[%dma_wait3A_1922, %mul3A_836] : memref<64x1000000xf32, #tpu.memory_space<hbm>> -> memref<64x128xf32, #tpu.memory_space<hbm>>
            %dma_wait3A_1924 = arith.constant 0 : i32
            %dma_wait3A_1925 = arith.constant 512 : i32
            %dma_wait3A_1926 = tpu.memref_slice %arg8[%dma_wait3A_1924, %dma_wait3A_1925] : memref<64x1024xf32, #tpu.memory_space<vmem>> -> memref<64x128xf32, #tpu.memory_space<vmem>>
            %dma_wait3A_1927 = arith.constant 0 : i32
            %dma_wait3A_1928 = tpu.memref_slice %arg4[%dma_wait3A_1927, %mul3A_836] : memref<64x1000000xf32, #tpu.memory_space<hbm>> -> memref<64x128xf32, #tpu.memory_space<hbm>>
            tpu.wait_dma2 semaphore(%arg11 : memref<!tpu.dma_semaphore, #tpu.memory_space<semaphore_mem>>) src(%dma_wait3A_1928 : memref<64x128xf32, #tpu.memory_space<hbm>>) dst(%dma_wait3A_1926 : memref<64x128xf32, #tpu.memory_space<vmem>>)
          } else {
          }
          %slice3A_842 = vector.extract_strided_slice %get3A_34 {offsets = [5], sizes = [1], strides = [1]} : vector<16xi32> to vector<1xi32>
          %squeeze3A_843 = vector.extract %slice3A_842[0] : i32 from vector<1xi32>
          %jit3A_844 = arith.constant 128 : i32
          %div3A_845 = arith.divsi %squeeze3A_843, %jit3A_844 : i32
          %sign3A_846 = arith.constant 0 : i32
          %sign3A_847 = arith.cmpi sgt, %squeeze3A_843, %sign3A_846 : i32
          %sign3A_848 = arith.extui %sign3A_847 : i1 to i32
          %sign3A_849 = arith.constant 0 : i32
          %sign3A_850 = arith.cmpi slt, %squeeze3A_843, %sign3A_849 : i32
          %sign3A_851 = arith.extui %sign3A_850 : i1 to i32
          %sign3A_852 = arith.subi %sign3A_848, %sign3A_851 : i32
          %sign3A_853 = arith.constant 0 : i32
          %sign3A_854 = arith.cmpi sgt, %jit3A_844, %sign3A_853 : i32
          %sign3A_855 = arith.extui %sign3A_854 : i1 to i32
          %sign3A_856 = arith.constant 0 : i32
          %sign3A_857 = arith.cmpi slt, %jit3A_844, %sign3A_856 : i32
          %sign3A_858 = arith.extui %sign3A_857 : i1 to i32
          %sign3A_859 = arith.subi %sign3A_855, %sign3A_858 : i32
          %ne3A_860 = arith.cmpi ne, %sign3A_852, %sign3A_859 : i32
          %rem3A_861 = arith.remsi %squeeze3A_843, %jit3A_844 : i32
          %ne3A_862 = arith.constant 0 : i32
          %ne3A_863 = arith.cmpi ne, %rem3A_861, %ne3A_862 : i32
          %and3A_864 = arith.andi %ne3A_860, %ne3A_863 : i1
          %sub3A_865 = arith.constant 1 : i32
          %sub3A_866 = arith.subi %div3A_845, %sub3A_865 : i32
          %select_n3A_867 = arith.select %and3A_864, %sub3A_866, %div3A_845 : i32
          %mul3A_868 = arith.constant 128 : i32
          %mul3A_869 = arith.muli %select_n3A_867, %mul3A_868 : i32
          %lt3A_870 = arith.constant 999936 : i32
          %lt3A_871 = arith.cmpi slt, %mul3A_869, %lt3A_870 : i32
          %convert_element_type3A_872 = arith.extui %lt3A_871 : i1 to i32
          %cond3A_873 = arith.constant 0 : i32
          %cond3A_874 = arith.cmpi ne, %convert_element_type3A_872, %cond3A_873 : i32
          scf.if %cond3A_874 {
            %dma_start3A_1909 = arith.constant 0 : i32
            %dma_start3A_1910 = arith.constant 640 : i32
            %dma_start3A_1911 = tpu.memref_slice %arg8[%dma_start3A_1909, %dma_start3A_1910] : memref<64x1024xf32, #tpu.memory_space<vmem>> -> memref<64x128xf32, #tpu.memory_space<vmem>>
            %dma_start3A_1912 = arith.constant 0 : i32
            %dma_start3A_1913 = tpu.memref_slice %arg4[%dma_start3A_1912, %mul3A_869] : memref<64x1000000xf32, #tpu.memory_space<hbm>> -> memref<64x128xf32, #tpu.memory_space<hbm>>
            %dma_start3A_1914 = arith.constant 0 : i32
            %dma_start3A_1915 = arith.constant 640 : i32
            %dma_start3A_1916 = tpu.memref_slice %arg8[%dma_start3A_1914, %dma_start3A_1915] : memref<64x1024xf32, #tpu.memory_space<vmem>> -> memref<64x128xf32, #tpu.memory_space<vmem>>
            %dma_start3A_1917 = arith.constant 0 : i32
            %dma_start3A_1918 = tpu.memref_slice %arg4[%dma_start3A_1917, %mul3A_869] : memref<64x1000000xf32, #tpu.memory_space<hbm>> -> memref<64x128xf32, #tpu.memory_space<hbm>>
            tpu.enqueue_dma source(%dma_start3A_1918 : memref<64x128xf32, #tpu.memory_space<hbm>>) target(%dma_start3A_1916 : memref<64x128xf32, #tpu.memory_space<vmem>>) target_semaphore(%arg11 : memref<!tpu.dma_semaphore, #tpu.memory_space<semaphore_mem>>)
            %dma_wait3A_1919 = arith.constant 0 : i32
            %dma_wait3A_1920 = arith.constant 640 : i32
            %dma_wait3A_1921 = tpu.memref_slice %arg8[%dma_wait3A_1919, %dma_wait3A_1920] : memref<64x1024xf32, #tpu.memory_space<vmem>> -> memref<64x128xf32, #tpu.memory_space<vmem>>
            %dma_wait3A_1922 = arith.constant 0 : i32
            %dma_wait3A_1923 = tpu.memref_slice %arg4[%dma_wait3A_1922, %mul3A_869] : memref<64x1000000xf32, #tpu.memory_space<hbm>> -> memref<64x128xf32, #tpu.memory_space<hbm>>
            %dma_wait3A_1924 = arith.constant 0 : i32
            %dma_wait3A_1925 = arith.constant 640 : i32
            %dma_wait3A_1926 = tpu.memref_slice %arg8[%dma_wait3A_1924, %dma_wait3A_1925] : memref<64x1024xf32, #tpu.memory_space<vmem>> -> memref<64x128xf32, #tpu.memory_space<vmem>>
            %dma_wait3A_1927 = arith.constant 0 : i32
            %dma_wait3A_1928 = tpu.memref_slice %arg4[%dma_wait3A_1927, %mul3A_869] : memref<64x1000000xf32, #tpu.memory_space<hbm>> -> memref<64x128xf32, #tpu.memory_space<hbm>>
            tpu.wait_dma2 semaphore(%arg11 : memref<!tpu.dma_semaphore, #tpu.memory_space<semaphore_mem>>) src(%dma_wait3A_1928 : memref<64x128xf32, #tpu.memory_space<hbm>>) dst(%dma_wait3A_1926 : memref<64x128xf32, #tpu.memory_space<vmem>>)
          } else {
          }
          %slice3A_875 = vector.extract_strided_slice %get3A_34 {offsets = [6], sizes = [1], strides = [1]} : vector<16xi32> to vector<1xi32>
          %squeeze3A_876 = vector.extract %slice3A_875[0] : i32 from vector<1xi32>
          %jit3A_877 = arith.constant 128 : i32
          %div3A_878 = arith.divsi %squeeze3A_876, %jit3A_877 : i32
          %sign3A_879 = arith.constant 0 : i32
          %sign3A_880 = arith.cmpi sgt, %squeeze3A_876, %sign3A_879 : i32
          %sign3A_881 = arith.extui %sign3A_880 : i1 to i32
          %sign3A_882 = arith.constant 0 : i32
          %sign3A_883 = arith.cmpi slt, %squeeze3A_876, %sign3A_882 : i32
          %sign3A_884 = arith.extui %sign3A_883 : i1 to i32
          %sign3A_885 = arith.subi %sign3A_881, %sign3A_884 : i32
          %sign3A_886 = arith.constant 0 : i32
          %sign3A_887 = arith.cmpi sgt, %jit3A_877, %sign3A_886 : i32
          %sign3A_888 = arith.extui %sign3A_887 : i1 to i32
          %sign3A_889 = arith.constant 0 : i32
          %sign3A_890 = arith.cmpi slt, %jit3A_877, %sign3A_889 : i32
          %sign3A_891 = arith.extui %sign3A_890 : i1 to i32
          %sign3A_892 = arith.subi %sign3A_888, %sign3A_891 : i32
          %ne3A_893 = arith.cmpi ne, %sign3A_885, %sign3A_892 : i32
          %rem3A_894 = arith.remsi %squeeze3A_876, %jit3A_877 : i32
          %ne3A_895 = arith.constant 0 : i32
          %ne3A_896 = arith.cmpi ne, %rem3A_894, %ne3A_895 : i32
          %and3A_897 = arith.andi %ne3A_893, %ne3A_896 : i1
          %sub3A_898 = arith.constant 1 : i32
          %sub3A_899 = arith.subi %div3A_878, %sub3A_898 : i32
          %select_n3A_900 = arith.select %and3A_897, %sub3A_899, %div3A_878 : i32
          %mul3A_901 = arith.constant 128 : i32
          %mul3A_902 = arith.muli %select_n3A_900, %mul3A_901 : i32
          %lt3A_903 = arith.constant 999936 : i32
          %lt3A_904 = arith.cmpi slt, %mul3A_902, %lt3A_903 : i32
          %convert_element_type3A_905 = arith.extui %lt3A_904 : i1 to i32
          %cond3A_906 = arith.constant 0 : i32
          %cond3A_907 = arith.cmpi ne, %convert_element_type3A_905, %cond3A_906 : i32
          scf.if %cond3A_907 {
            %dma_start3A_1909 = arith.constant 0 : i32
            %dma_start3A_1910 = arith.constant 768 : i32
            %dma_start3A_1911 = tpu.memref_slice %arg8[%dma_start3A_1909, %dma_start3A_1910] : memref<64x1024xf32, #tpu.memory_space<vmem>> -> memref<64x128xf32, #tpu.memory_space<vmem>>
            %dma_start3A_1912 = arith.constant 0 : i32
            %dma_start3A_1913 = tpu.memref_slice %arg4[%dma_start3A_1912, %mul3A_902] : memref<64x1000000xf32, #tpu.memory_space<hbm>> -> memref<64x128xf32, #tpu.memory_space<hbm>>
            %dma_start3A_1914 = arith.constant 0 : i32
            %dma_start3A_1915 = arith.constant 768 : i32
            %dma_start3A_1916 = tpu.memref_slice %arg8[%dma_start3A_1914, %dma_start3A_1915] : memref<64x1024xf32, #tpu.memory_space<vmem>> -> memref<64x128xf32, #tpu.memory_space<vmem>>
            %dma_start3A_1917 = arith.constant 0 : i32
            %dma_start3A_1918 = tpu.memref_slice %arg4[%dma_start3A_1917, %mul3A_902] : memref<64x1000000xf32, #tpu.memory_space<hbm>> -> memref<64x128xf32, #tpu.memory_space<hbm>>
            tpu.enqueue_dma source(%dma_start3A_1918 : memref<64x128xf32, #tpu.memory_space<hbm>>) target(%dma_start3A_1916 : memref<64x128xf32, #tpu.memory_space<vmem>>) target_semaphore(%arg11 : memref<!tpu.dma_semaphore, #tpu.memory_space<semaphore_mem>>)
            %dma_wait3A_1919 = arith.constant 0 : i32
            %dma_wait3A_1920 = arith.constant 768 : i32
            %dma_wait3A_1921 = tpu.memref_slice %arg8[%dma_wait3A_1919, %dma_wait3A_1920] : memref<64x1024xf32, #tpu.memory_space<vmem>> -> memref<64x128xf32, #tpu.memory_space<vmem>>
            %dma_wait3A_1922 = arith.constant 0 : i32
            %dma_wait3A_1923 = tpu.memref_slice %arg4[%dma_wait3A_1922, %mul3A_902] : memref<64x1000000xf32, #tpu.memory_space<hbm>> -> memref<64x128xf32, #tpu.memory_space<hbm>>
            %dma_wait3A_1924 = arith.constant 0 : i32
            %dma_wait3A_1925 = arith.constant 768 : i32
            %dma_wait3A_1926 = tpu.memref_slice %arg8[%dma_wait3A_1924, %dma_wait3A_1925] : memref<64x1024xf32, #tpu.memory_space<vmem>> -> memref<64x128xf32, #tpu.memory_space<vmem>>
            %dma_wait3A_1927 = arith.constant 0 : i32
            %dma_wait3A_1928 = tpu.memref_slice %arg4[%dma_wait3A_1927, %mul3A_902] : memref<64x1000000xf32, #tpu.memory_space<hbm>> -> memref<64x128xf32, #tpu.memory_space<hbm>>
            tpu.wait_dma2 semaphore(%arg11 : memref<!tpu.dma_semaphore, #tpu.memory_space<semaphore_mem>>) src(%dma_wait3A_1928 : memref<64x128xf32, #tpu.memory_space<hbm>>) dst(%dma_wait3A_1926 : memref<64x128xf32, #tpu.memory_space<vmem>>)
          } else {
          }
          %slice3A_908 = vector.extract_strided_slice %get3A_34 {offsets = [7], sizes = [1], strides = [1]} : vector<16xi32> to vector<1xi32>
          %squeeze3A_909 = vector.extract %slice3A_908[0] : i32 from vector<1xi32>
          %jit3A_910 = arith.constant 128 : i32
          %div3A_911 = arith.divsi %squeeze3A_909, %jit3A_910 : i32
          %sign3A_912 = arith.constant 0 : i32
          %sign3A_913 = arith.cmpi sgt, %squeeze3A_909, %sign3A_912 : i32
          %sign3A_914 = arith.extui %sign3A_913 : i1 to i32
          %sign3A_915 = arith.constant 0 : i32
          %sign3A_916 = arith.cmpi slt, %squeeze3A_909, %sign3A_915 : i32
          %sign3A_917 = arith.extui %sign3A_916 : i1 to i32
          %sign3A_918 = arith.subi %sign3A_914, %sign3A_917 : i32
          %sign3A_919 = arith.constant 0 : i32
          %sign3A_920 = arith.cmpi sgt, %jit3A_910, %sign3A_919 : i32
          %sign3A_921 = arith.extui %sign3A_920 : i1 to i32
          %sign3A_922 = arith.constant 0 : i32
          %sign3A_923 = arith.cmpi slt, %jit3A_910, %sign3A_922 : i32
          %sign3A_924 = arith.extui %sign3A_923 : i1 to i32
          %sign3A_925 = arith.subi %sign3A_921, %sign3A_924 : i32
          %ne3A_926 = arith.cmpi ne, %sign3A_918, %sign3A_925 : i32
          %rem3A_927 = arith.remsi %squeeze3A_909, %jit3A_910 : i32
          %ne3A_928 = arith.constant 0 : i32
          %ne3A_929 = arith.cmpi ne, %rem3A_927, %ne3A_928 : i32
          %and3A_930 = arith.andi %ne3A_926, %ne3A_929 : i1
          %sub3A_931 = arith.constant 1 : i32
          %sub3A_932 = arith.subi %div3A_911, %sub3A_931 : i32
          %select_n3A_933 = arith.select %and3A_930, %sub3A_932, %div3A_911 : i32
          %mul3A_934 = arith.constant 128 : i32
          %mul3A_935 = arith.muli %select_n3A_933, %mul3A_934 : i32
          %lt3A_936 = arith.constant 999936 : i32
          %lt3A_937 = arith.cmpi slt, %mul3A_935, %lt3A_936 : i32
          %convert_element_type3A_938 = arith.extui %lt3A_937 : i1 to i32
          %cond3A_939 = arith.constant 0 : i32
          %cond3A_940 = arith.cmpi ne, %convert_element_type3A_938, %cond3A_939 : i32
          scf.if %cond3A_940 {
            %dma_start3A_1909 = arith.constant 0 : i32
            %dma_start3A_1910 = arith.constant 896 : i32
            %dma_start3A_1911 = tpu.memref_slice %arg8[%dma_start3A_1909, %dma_start3A_1910] : memref<64x1024xf32, #tpu.memory_space<vmem>> -> memref<64x128xf32, #tpu.memory_space<vmem>>
            %dma_start3A_1912 = arith.constant 0 : i32
            %dma_start3A_1913 = tpu.memref_slice %arg4[%dma_start3A_1912, %mul3A_935] : memref<64x1000000xf32, #tpu.memory_space<hbm>> -> memref<64x128xf32, #tpu.memory_space<hbm>>
            %dma_start3A_1914 = arith.constant 0 : i32
            %dma_start3A_1915 = arith.constant 896 : i32
            %dma_start3A_1916 = tpu.memref_slice %arg8[%dma_start3A_1914, %dma_start3A_1915] : memref<64x1024xf32, #tpu.memory_space<vmem>> -> memref<64x128xf32, #tpu.memory_space<vmem>>
            %dma_start3A_1917 = arith.constant 0 : i32
            %dma_start3A_1918 = tpu.memref_slice %arg4[%dma_start3A_1917, %mul3A_935] : memref<64x1000000xf32, #tpu.memory_space<hbm>> -> memref<64x128xf32, #tpu.memory_space<hbm>>
            tpu.enqueue_dma source(%dma_start3A_1918 : memref<64x128xf32, #tpu.memory_space<hbm>>) target(%dma_start3A_1916 : memref<64x128xf32, #tpu.memory_space<vmem>>) target_semaphore(%arg11 : memref<!tpu.dma_semaphore, #tpu.memory_space<semaphore_mem>>)
            %dma_wait3A_1919 = arith.constant 0 : i32
            %dma_wait3A_1920 = arith.constant 896 : i32
            %dma_wait3A_1921 = tpu.memref_slice %arg8[%dma_wait3A_1919, %dma_wait3A_1920] : memref<64x1024xf32, #tpu.memory_space<vmem>> -> memref<64x128xf32, #tpu.memory_space<vmem>>
            %dma_wait3A_1922 = arith.constant 0 : i32
            %dma_wait3A_1923 = tpu.memref_slice %arg4[%dma_wait3A_1922, %mul3A_935] : memref<64x1000000xf32, #tpu.memory_space<hbm>> -> memref<64x128xf32, #tpu.memory_space<hbm>>
            %dma_wait3A_1924 = arith.constant 0 : i32
            %dma_wait3A_1925 = arith.constant 896 : i32
            %dma_wait3A_1926 = tpu.memref_slice %arg8[%dma_wait3A_1924, %dma_wait3A_1925] : memref<64x1024xf32, #tpu.memory_space<vmem>> -> memref<64x128xf32, #tpu.memory_space<vmem>>
            %dma_wait3A_1927 = arith.constant 0 : i32
            %dma_wait3A_1928 = tpu.memref_slice %arg4[%dma_wait3A_1927, %mul3A_935] : memref<64x1000000xf32, #tpu.memory_space<hbm>> -> memref<64x128xf32, #tpu.memory_space<hbm>>
            tpu.wait_dma2 semaphore(%arg11 : memref<!tpu.dma_semaphore, #tpu.memory_space<semaphore_mem>>) src(%dma_wait3A_1928 : memref<64x128xf32, #tpu.memory_space<hbm>>) dst(%dma_wait3A_1926 : memref<64x128xf32, #tpu.memory_space<vmem>>)
          } else {
          }
          %slice3A_941 = vector.extract_strided_slice %get3A_34 {offsets = [0], sizes = [1], strides = [1]} : vector<16xi32> to vector<1xi32>
          %squeeze3A_942 = vector.extract %slice3A_941[0] : i32 from vector<1xi32>
          %jit3A_943 = arith.constant 128 : i32
          %div3A_944 = arith.divsi %squeeze3A_942, %jit3A_943 : i32
          %sign3A_945 = arith.constant 0 : i32
          %sign3A_946 = arith.cmpi sgt, %squeeze3A_942, %sign3A_945 : i32
          %sign3A_947 = arith.extui %sign3A_946 : i1 to i32
          %sign3A_948 = arith.constant 0 : i32
          %sign3A_949 = arith.cmpi slt, %squeeze3A_942, %sign3A_948 : i32
          %sign3A_950 = arith.extui %sign3A_949 : i1 to i32
          %sign3A_951 = arith.subi %sign3A_947, %sign3A_950 : i32
          %sign3A_952 = arith.constant 0 : i32
          %sign3A_953 = arith.cmpi sgt, %jit3A_943, %sign3A_952 : i32
          %sign3A_954 = arith.extui %sign3A_953 : i1 to i32
          %sign3A_955 = arith.constant 0 : i32
          %sign3A_956 = arith.cmpi slt, %jit3A_943, %sign3A_955 : i32
          %sign3A_957 = arith.extui %sign3A_956 : i1 to i32
          %sign3A_958 = arith.subi %sign3A_954, %sign3A_957 : i32
          %ne3A_959 = arith.cmpi ne, %sign3A_951, %sign3A_958 : i32
          %rem3A_960 = arith.remsi %squeeze3A_942, %jit3A_943 : i32
          %ne3A_961 = arith.constant 0 : i32
          %ne3A_962 = arith.cmpi ne, %rem3A_960, %ne3A_961 : i32
          %and3A_963 = arith.andi %ne3A_959, %ne3A_962 : i1
          %sub3A_964 = arith.constant 1 : i32
          %sub3A_965 = arith.subi %div3A_944, %sub3A_964 : i32
          %select_n3A_966 = arith.select %and3A_963, %sub3A_965, %div3A_944 : i32
          %mul3A_967 = arith.constant 128 : i32
          %mul3A_968 = arith.muli %select_n3A_966, %mul3A_967 : i32
          %mul3A_969 = arith.constant 16 : i32
          %mul3A_970 = arith.muli %scan3A_27, %mul3A_969 : i32
          %add3A_971 = arith.constant 0 : i32
          %add3A_972 = arith.addi %mul3A_970, %add3A_971 : i32
          %add3A_973 = arith.constant 0 : i32
          %add3A_974 = arith.addi %add3A_972, %add3A_973 : i32
          %lt3A_975 = arith.constant 999936 : i32
          %lt3A_976 = arith.cmpi slt, %squeeze3A_942, %lt3A_975 : i32
          %convert_element_type3A_977 = arith.extui %lt3A_976 : i1 to i32
          %cond3A_978 = arith.constant 0 : i32
          %cond3A_979 = arith.cmpi ne, %convert_element_type3A_977, %cond3A_978 : i32
          scf.if %cond3A_979 {
            %add3A_1909 = arith.constant 0 : i32
            %add3A_1910 = arith.addi %add3A_1909, %squeeze3A_942 : i32
            %sub3A_1911 = arith.subi %add3A_1910, %mul3A_968 : i32
            %min3A_1912 = arith.constant 1023 : i32
            %min3A_1913 = arith.minsi %sub3A_1911, %min3A_1912 : i32
            %broadcast_in_dim3A_1914 = vector.broadcast %min3A_1913 : i32 to vector<16xi32>
            %add3A_1915 = arith.constant 0 : i32
            %add3A_1916 = vector.broadcast %add3A_1915 : i32 to vector<16xi32>
            %add3A_1917 = arith.addi %iota3A, %add3A_1916 : vector<16xi32>
            %gather3A_1918 = tpu.vector_load_idx %arg8[%add3A_1917, %broadcast_in_dim3A_1914] : memref<64x1024xf32, #tpu.memory_space<vmem>>[vector<16xi32>, vector<16xi32>], vector<16xf32>,
            %swap3A_1919 = arith.index_cast %add3A_974 : i32 to index
            %swap3A_1920 = arith.constant 0 : index
            %swap3A_1921 = tpu.vector_load %arg10[%swap3A_1919, %swap3A_1920] {strides = array<i32>} : memref<128x128xf32, #tpu.memory_space<vmem>>, vector<16xf32>,
            tpu.vector_store %arg10[%swap3A_1919, %swap3A_1920], %gather3A_1918 {strides = array<i32>} : memref<128x128xf32, #tpu.memory_space<vmem>>, vector<16xf32>,
            %add3A_1922 = arith.constant 16 : i32
            %add3A_1923 = vector.broadcast %add3A_1922 : i32 to vector<16xi32>
            %add3A_1924 = arith.addi %iota3A, %add3A_1923 : vector<16xi32>
            %gather3A_1925 = tpu.vector_load_idx %arg8[%add3A_1924, %broadcast_in_dim3A_1914] : memref<64x1024xf32, #tpu.memory_space<vmem>>[vector<16xi32>, vector<16xi32>], vector<16xf32>,
            %swap3A_1926 = arith.index_cast %add3A_974 : i32 to index
            %swap3A_1927 = arith.constant 16 : index
            %swap3A_1928 = tpu.vector_load %arg10[%swap3A_1926, %swap3A_1927] {strides = array<i32>} : memref<128x128xf32, #tpu.memory_space<vmem>>, vector<16xf32>,
            tpu.vector_store %arg10[%swap3A_1926, %swap3A_1927], %gather3A_1925 {strides = array<i32>} : memref<128x128xf32, #tpu.memory_space<vmem>>, vector<16xf32>,
            %add3A_1929 = arith.constant 32 : i32
            %add3A_1930 = vector.broadcast %add3A_1929 : i32 to vector<16xi32>
            %add3A_1931 = arith.addi %iota3A, %add3A_1930 : vector<16xi32>
            %gather3A_1932 = tpu.vector_load_idx %arg8[%add3A_1931, %broadcast_in_dim3A_1914] : memref<64x1024xf32, #tpu.memory_space<vmem>>[vector<16xi32>, vector<16xi32>], vector<16xf32>,
            %swap3A_1933 = arith.index_cast %add3A_974 : i32 to index
            %swap3A_1934 = arith.constant 32 : index
            %swap3A_1935 = tpu.vector_load %arg10[%swap3A_1933, %swap3A_1934] {strides = array<i32>} : memref<128x128xf32, #tpu.memory_space<vmem>>, vector<16xf32>,
            tpu.vector_store %arg10[%swap3A_1933, %swap3A_1934], %gather3A_1932 {strides = array<i32>} : memref<128x128xf32, #tpu.memory_space<vmem>>, vector<16xf32>,
            %add3A_1936 = arith.constant 48 : i32
            %add3A_1937 = vector.broadcast %add3A_1936 : i32 to vector<16xi32>
            %add3A_1938 = arith.addi %iota3A, %add3A_1937 : vector<16xi32>
            %gather3A_1939 = tpu.vector_load_idx %arg8[%add3A_1938, %broadcast_in_dim3A_1914] : memref<64x1024xf32, #tpu.memory_space<vmem>>[vector<16xi32>, vector<16xi32>], vector<16xf32>,
            %swap3A_1940 = arith.index_cast %add3A_974 : i32 to index
            %swap3A_1941 = arith.constant 48 : index
            %swap3A_1942 = tpu.vector_load %arg10[%swap3A_1940, %swap3A_1941] {strides = array<i32>} : memref<128x128xf32, #tpu.memory_space<vmem>>, vector<16xf32>,
            tpu.vector_store %arg10[%swap3A_1940, %swap3A_1941], %gather3A_1939 {strides = array<i32>} : memref<128x128xf32, #tpu.memory_space<vmem>>, vector<16xf32>,
          } else {
          }
          %ge3A_980 = arith.constant 999936 : i32
          %ge3A_981 = arith.cmpi sge, %squeeze3A_942, %ge3A_980 : i32
          %convert_element_type3A_982 = arith.extui %ge3A_981 : i1 to i32
          %cond3A_983 = arith.constant 0 : i32
          %cond3A_984 = arith.cmpi ne, %convert_element_type3A_982, %cond3A_983 : i32
          scf.if %cond3A_984 {
            %sub3A_1909 = arith.constant 999936 : i32
            %sub3A_1910 = arith.subi %squeeze3A_942, %sub3A_1909 : i32
            %min3A_1911 = arith.constant 63 : i32
            %min3A_1912 = arith.minsi %sub3A_1910, %min3A_1911 : i32
            %broadcast_in_dim3A_1913 = vector.broadcast %min3A_1912 : i32 to vector<16xi32>
            %add3A_1914 = arith.constant 0 : i32
            %add3A_1915 = vector.broadcast %add3A_1914 : i32 to vector<16xi32>
            %add3A_1916 = arith.addi %iota3A, %add3A_1915 : vector<16xi32>
            %gather3A_1917 = tpu.vector_load_idx %arg9[%add3A_1916, %broadcast_in_dim3A_1913] : memref<64x64xf32, #tpu.memory_space<vmem>>[vector<16xi32>, vector<16xi32>], vector<16xf32>,
            %swap3A_1918 = arith.index_cast %add3A_974 : i32 to index
            %swap3A_1919 = arith.constant 0 : index
            %swap3A_1920 = tpu.vector_load %arg10[%swap3A_1918, %swap3A_1919] {strides = array<i32>} : memref<128x128xf32, #tpu.memory_space<vmem>>, vector<16xf32>,
            tpu.vector_store %arg10[%swap3A_1918, %swap3A_1919], %gather3A_1917 {strides = array<i32>} : memref<128x128xf32, #tpu.memory_space<vmem>>, vector<16xf32>,
            %add3A_1921 = arith.constant 16 : i32
            %add3A_1922 = vector.broadcast %add3A_1921 : i32 to vector<16xi32>
            %add3A_1923 = arith.addi %iota3A, %add3A_1922 : vector<16xi32>
            %gather3A_1924 = tpu.vector_load_idx %arg9[%add3A_1923, %broadcast_in_dim3A_1913] : memref<64x64xf32, #tpu.memory_space<vmem>>[vector<16xi32>, vector<16xi32>], vector<16xf32>,
            %swap3A_1925 = arith.index_cast %add3A_974 : i32 to index
            %swap3A_1926 = arith.constant 16 : index
            %swap3A_1927 = tpu.vector_load %arg10[%swap3A_1925, %swap3A_1926] {strides = array<i32>} : memref<128x128xf32, #tpu.memory_space<vmem>>, vector<16xf32>,
            tpu.vector_store %arg10[%swap3A_1925, %swap3A_1926], %gather3A_1924 {strides = array<i32>} : memref<128x128xf32, #tpu.memory_space<vmem>>, vector<16xf32>,
            %add3A_1928 = arith.constant 32 : i32
            %add3A_1929 = vector.broadcast %add3A_1928 : i32 to vector<16xi32>
            %add3A_1930 = arith.addi %iota3A, %add3A_1929 : vector<16xi32>
            %gather3A_1931 = tpu.vector_load_idx %arg9[%add3A_1930, %broadcast_in_dim3A_1913] : memref<64x64xf32, #tpu.memory_space<vmem>>[vector<16xi32>, vector<16xi32>], vector<16xf32>,
            %swap3A_1932 = arith.index_cast %add3A_974 : i32 to index
            %swap3A_1933 = arith.constant 32 : index
            %swap3A_1934 = tpu.vector_load %arg10[%swap3A_1932, %swap3A_1933] {strides = array<i32>} : memref<128x128xf32, #tpu.memory_space<vmem>>, vector<16xf32>,
            tpu.vector_store %arg10[%swap3A_1932, %swap3A_1933], %gather3A_1931 {strides = array<i32>} : memref<128x128xf32, #tpu.memory_space<vmem>>, vector<16xf32>,
            %add3A_1935 = arith.constant 48 : i32
            %add3A_1936 = vector.broadcast %add3A_1935 : i32 to vector<16xi32>
            %add3A_1937 = arith.addi %iota3A, %add3A_1936 : vector<16xi32>
            %gather3A_1938 = tpu.vector_load_idx %arg9[%add3A_1937, %broadcast_in_dim3A_1913] : memref<64x64xf32, #tpu.memory_space<vmem>>[vector<16xi32>, vector<16xi32>], vector<16xf32>,
            %swap3A_1939 = arith.index_cast %add3A_974 : i32 to index
            %swap3A_1940 = arith.constant 48 : index
            %swap3A_1941 = tpu.vector_load %arg10[%swap3A_1939, %swap3A_1940] {strides = array<i32>} : memref<128x128xf32, #tpu.memory_space<vmem>>, vector<16xf32>,
            tpu.vector_store %arg10[%swap3A_1939, %swap3A_1940], %gather3A_1938 {strides = array<i32>} : memref<128x128xf32, #tpu.memory_space<vmem>>, vector<16xf32>,
          } else {
          }
          %slice3A_985 = vector.extract_strided_slice %get3A_34 {offsets = [1], sizes = [1], strides = [1]} : vector<16xi32> to vector<1xi32>
          %squeeze3A_986 = vector.extract %slice3A_985[0] : i32 from vector<1xi32>
          %jit3A_987 = arith.constant 128 : i32
          %div3A_988 = arith.divsi %squeeze3A_986, %jit3A_987 : i32
          %sign3A_989 = arith.constant 0 : i32
          %sign3A_990 = arith.cmpi sgt, %squeeze3A_986, %sign3A_989 : i32
          %sign3A_991 = arith.extui %sign3A_990 : i1 to i32
          %sign3A_992 = arith.constant 0 : i32
          %sign3A_993 = arith.cmpi slt, %squeeze3A_986, %sign3A_992 : i32
          %sign3A_994 = arith.extui %sign3A_993 : i1 to i32
          %sign3A_995 = arith.subi %sign3A_991, %sign3A_994 : i32
          %sign3A_996 = arith.constant 0 : i32
          %sign3A_997 = arith.cmpi sgt, %jit3A_987, %sign3A_996 : i32
          %sign3A_998 = arith.extui %sign3A_997 : i1 to i32
          %sign3A_999 = arith.constant 0 : i32
          %sign3A_1000 = arith.cmpi slt, %jit3A_987, %sign3A_999 : i32
          %sign3A_1001 = arith.extui %sign3A_1000 : i1 to i32
          %sign3A_1002 = arith.subi %sign3A_998, %sign3A_1001 : i32
          %ne3A_1003 = arith.cmpi ne, %sign3A_995, %sign3A_1002 : i32
          %rem3A_1004 = arith.remsi %squeeze3A_986, %jit3A_987 : i32
          %ne3A_1005 = arith.constant 0 : i32
          %ne3A_1006 = arith.cmpi ne, %rem3A_1004, %ne3A_1005 : i32
          %and3A_1007 = arith.andi %ne3A_1003, %ne3A_1006 : i1
          %sub3A_1008 = arith.constant 1 : i32
          %sub3A_1009 = arith.subi %div3A_988, %sub3A_1008 : i32
          %select_n3A_1010 = arith.select %and3A_1007, %sub3A_1009, %div3A_988 : i32
          %mul3A_1011 = arith.constant 128 : i32
          %mul3A_1012 = arith.muli %select_n3A_1010, %mul3A_1011 : i32
          %mul3A_1013 = arith.constant 16 : i32
          %mul3A_1014 = arith.muli %scan3A_27, %mul3A_1013 : i32
          %add3A_1015 = arith.constant 0 : i32
          %add3A_1016 = arith.addi %mul3A_1014, %add3A_1015 : i32
          %add3A_1017 = arith.constant 1 : i32
          %add3A_1018 = arith.addi %add3A_1016, %add3A_1017 : i32
          %lt3A_1019 = arith.constant 999936 : i32
          %lt3A_1020 = arith.cmpi slt, %squeeze3A_986, %lt3A_1019 : i32
          %convert_element_type3A_1021 = arith.extui %lt3A_1020 : i1 to i32
          %cond3A_1022 = arith.constant 0 : i32
          %cond3A_1023 = arith.cmpi ne, %convert_element_type3A_1021, %cond3A_1022 : i32
          scf.if %cond3A_1023 {
            %add3A_1909 = arith.constant 128 : i32
            %add3A_1910 = arith.addi %add3A_1909, %squeeze3A_986 : i32
            %sub3A_1911 = arith.subi %add3A_1910, %mul3A_1012 : i32
            %min3A_1912 = arith.constant 1023 : i32
            %min3A_1913 = arith.minsi %sub3A_1911, %min3A_1912 : i32
            %broadcast_in_dim3A_1914 = vector.broadcast %min3A_1913 : i32 to vector<16xi32>
            %add3A_1915 = arith.constant 0 : i32
            %add3A_1916 = vector.broadcast %add3A_1915 : i32 to vector<16xi32>
            %add3A_1917 = arith.addi %iota3A, %add3A_1916 : vector<16xi32>
            %gather3A_1918 = tpu.vector_load_idx %arg8[%add3A_1917, %broadcast_in_dim3A_1914] : memref<64x1024xf32, #tpu.memory_space<vmem>>[vector<16xi32>, vector<16xi32>], vector<16xf32>,
            %swap3A_1919 = arith.index_cast %add3A_1018 : i32 to index
            %swap3A_1920 = arith.constant 0 : index
            %swap3A_1921 = tpu.vector_load %arg10[%swap3A_1919, %swap3A_1920] {strides = array<i32>} : memref<128x128xf32, #tpu.memory_space<vmem>>, vector<16xf32>,
            tpu.vector_store %arg10[%swap3A_1919, %swap3A_1920], %gather3A_1918 {strides = array<i32>} : memref<128x128xf32, #tpu.memory_space<vmem>>, vector<16xf32>,
            %add3A_1922 = arith.constant 16 : i32
            %add3A_1923 = vector.broadcast %add3A_1922 : i32 to vector<16xi32>
            %add3A_1924 = arith.addi %iota3A, %add3A_1923 : vector<16xi32>
            %gather3A_1925 = tpu.vector_load_idx %arg8[%add3A_1924, %broadcast_in_dim3A_1914] : memref<64x1024xf32, #tpu.memory_space<vmem>>[vector<16xi32>, vector<16xi32>], vector<16xf32>,
            %swap3A_1926 = arith.index_cast %add3A_1018 : i32 to index
            %swap3A_1927 = arith.constant 16 : index
            %swap3A_1928 = tpu.vector_load %arg10[%swap3A_1926, %swap3A_1927] {strides = array<i32>} : memref<128x128xf32, #tpu.memory_space<vmem>>, vector<16xf32>,
            tpu.vector_store %arg10[%swap3A_1926, %swap3A_1927], %gather3A_1925 {strides = array<i32>} : memref<128x128xf32, #tpu.memory_space<vmem>>, vector<16xf32>,
            %add3A_1929 = arith.constant 32 : i32
            %add3A_1930 = vector.broadcast %add3A_1929 : i32 to vector<16xi32>
            %add3A_1931 = arith.addi %iota3A, %add3A_1930 : vector<16xi32>
            %gather3A_1932 = tpu.vector_load_idx %arg8[%add3A_1931, %broadcast_in_dim3A_1914] : memref<64x1024xf32, #tpu.memory_space<vmem>>[vector<16xi32>, vector<16xi32>], vector<16xf32>,
            %swap3A_1933 = arith.index_cast %add3A_1018 : i32 to index
            %swap3A_1934 = arith.constant 32 : index
            %swap3A_1935 = tpu.vector_load %arg10[%swap3A_1933, %swap3A_1934] {strides = array<i32>} : memref<128x128xf32, #tpu.memory_space<vmem>>, vector<16xf32>,
            tpu.vector_store %arg10[%swap3A_1933, %swap3A_1934], %gather3A_1932 {strides = array<i32>} : memref<128x128xf32, #tpu.memory_space<vmem>>, vector<16xf32>,
            %add3A_1936 = arith.constant 48 : i32
            %add3A_1937 = vector.broadcast %add3A_1936 : i32 to vector<16xi32>
            %add3A_1938 = arith.addi %iota3A, %add3A_1937 : vector<16xi32>
            %gather3A_1939 = tpu.vector_load_idx %arg8[%add3A_1938, %broadcast_in_dim3A_1914] : memref<64x1024xf32, #tpu.memory_space<vmem>>[vector<16xi32>, vector<16xi32>], vector<16xf32>,
            %swap3A_1940 = arith.index_cast %add3A_1018 : i32 to index
            %swap3A_1941 = arith.constant 48 : index
            %swap3A_1942 = tpu.vector_load %arg10[%swap3A_1940, %swap3A_1941] {strides = array<i32>} : memref<128x128xf32, #tpu.memory_space<vmem>>, vector<16xf32>,
            tpu.vector_store %arg10[%swap3A_1940, %swap3A_1941], %gather3A_1939 {strides = array<i32>} : memref<128x128xf32, #tpu.memory_space<vmem>>, vector<16xf32>,
          } else {
          }
          %ge3A_1024 = arith.constant 999936 : i32
          %ge3A_1025 = arith.cmpi sge, %squeeze3A_986, %ge3A_1024 : i32
          %convert_element_type3A_1026 = arith.extui %ge3A_1025 : i1 to i32
          %cond3A_1027 = arith.constant 0 : i32
          %cond3A_1028 = arith.cmpi ne, %convert_element_type3A_1026, %cond3A_1027 : i32
          scf.if %cond3A_1028 {
            %sub3A_1909 = arith.constant 999936 : i32
            %sub3A_1910 = arith.subi %squeeze3A_986, %sub3A_1909 : i32
            %min3A_1911 = arith.constant 63 : i32
            %min3A_1912 = arith.minsi %sub3A_1910, %min3A_1911 : i32
            %broadcast_in_dim3A_1913 = vector.broadcast %min3A_1912 : i32 to vector<16xi32>
            %add3A_1914 = arith.constant 0 : i32
            %add3A_1915 = vector.broadcast %add3A_1914 : i32 to vector<16xi32>
            %add3A_1916 = arith.addi %iota3A, %add3A_1915 : vector<16xi32>
            %gather3A_1917 = tpu.vector_load_idx %arg9[%add3A_1916, %broadcast_in_dim3A_1913] : memref<64x64xf32, #tpu.memory_space<vmem>>[vector<16xi32>, vector<16xi32>], vector<16xf32>,
            %swap3A_1918 = arith.index_cast %add3A_1018 : i32 to index
            %swap3A_1919 = arith.constant 0 : index
            %swap3A_1920 = tpu.vector_load %arg10[%swap3A_1918, %swap3A_1919] {strides = array<i32>} : memref<128x128xf32, #tpu.memory_space<vmem>>, vector<16xf32>,
            tpu.vector_store %arg10[%swap3A_1918, %swap3A_1919], %gather3A_1917 {strides = array<i32>} : memref<128x128xf32, #tpu.memory_space<vmem>>, vector<16xf32>,
            %add3A_1921 = arith.constant 16 : i32
            %add3A_1922 = vector.broadcast %add3A_1921 : i32 to vector<16xi32>
            %add3A_1923 = arith.addi %iota3A, %add3A_1922 : vector<16xi32>
            %gather3A_1924 = tpu.vector_load_idx %arg9[%add3A_1923, %broadcast_in_dim3A_1913] : memref<64x64xf32, #tpu.memory_space<vmem>>[vector<16xi32>, vector<16xi32>], vector<16xf32>,
            %swap3A_1925 = arith.index_cast %add3A_1018 : i32 to index
            %swap3A_1926 = arith.constant 16 : index
            %swap3A_1927 = tpu.vector_load %arg10[%swap3A_1925, %swap3A_1926] {strides = array<i32>} : memref<128x128xf32, #tpu.memory_space<vmem>>, vector<16xf32>,
            tpu.vector_store %arg10[%swap3A_1925, %swap3A_1926], %gather3A_1924 {strides = array<i32>} : memref<128x128xf32, #tpu.memory_space<vmem>>, vector<16xf32>,
            %add3A_1928 = arith.constant 32 : i32
            %add3A_1929 = vector.broadcast %add3A_1928 : i32 to vector<16xi32>
            %add3A_1930 = arith.addi %iota3A, %add3A_1929 : vector<16xi32>
            %gather3A_1931 = tpu.vector_load_idx %arg9[%add3A_1930, %broadcast_in_dim3A_1913] : memref<64x64xf32, #tpu.memory_space<vmem>>[vector<16xi32>, vector<16xi32>], vector<16xf32>,
            %swap3A_1932 = arith.index_cast %add3A_1018 : i32 to index
            %swap3A_1933 = arith.constant 32 : index
            %swap3A_1934 = tpu.vector_load %arg10[%swap3A_1932, %swap3A_1933] {strides = array<i32>} : memref<128x128xf32, #tpu.memory_space<vmem>>, vector<16xf32>,
            tpu.vector_store %arg10[%swap3A_1932, %swap3A_1933], %gather3A_1931 {strides = array<i32>} : memref<128x128xf32, #tpu.memory_space<vmem>>, vector<16xf32>,
            %add3A_1935 = arith.constant 48 : i32
            %add3A_1936 = vector.broadcast %add3A_1935 : i32 to vector<16xi32>
            %add3A_1937 = arith.addi %iota3A, %add3A_1936 : vector<16xi32>
            %gather3A_1938 = tpu.vector_load_idx %arg9[%add3A_1937, %broadcast_in_dim3A_1913] : memref<64x64xf32, #tpu.memory_space<vmem>>[vector<16xi32>, vector<16xi32>], vector<16xf32>,
            %swap3A_1939 = arith.index_cast %add3A_1018 : i32 to index
            %swap3A_1940 = arith.constant 48 : index
            %swap3A_1941 = tpu.vector_load %arg10[%swap3A_1939, %swap3A_1940] {strides = array<i32>} : memref<128x128xf32, #tpu.memory_space<vmem>>, vector<16xf32>,
            tpu.vector_store %arg10[%swap3A_1939, %swap3A_1940], %gather3A_1938 {strides = array<i32>} : memref<128x128xf32, #tpu.memory_space<vmem>>, vector<16xf32>,
          } else {
          }
          %slice3A_1029 = vector.extract_strided_slice %get3A_34 {offsets = [2], sizes = [1], strides = [1]} : vector<16xi32> to vector<1xi32>
          %squeeze3A_1030 = vector.extract %slice3A_1029[0] : i32 from vector<1xi32>
          %jit3A_1031 = arith.constant 128 : i32
          %div3A_1032 = arith.divsi %squeeze3A_1030, %jit3A_1031 : i32
          %sign3A_1033 = arith.constant 0 : i32
          %sign3A_1034 = arith.cmpi sgt, %squeeze3A_1030, %sign3A_1033 : i32
          %sign3A_1035 = arith.extui %sign3A_1034 : i1 to i32
          %sign3A_1036 = arith.constant 0 : i32
          %sign3A_1037 = arith.cmpi slt, %squeeze3A_1030, %sign3A_1036 : i32
          %sign3A_1038 = arith.extui %sign3A_1037 : i1 to i32
          %sign3A_1039 = arith.subi %sign3A_1035, %sign3A_1038 : i32
          %sign3A_1040 = arith.constant 0 : i32
          %sign3A_1041 = arith.cmpi sgt, %jit3A_1031, %sign3A_1040 : i32
          %sign3A_1042 = arith.extui %sign3A_1041 : i1 to i32
          %sign3A_1043 = arith.constant 0 : i32
          %sign3A_1044 = arith.cmpi slt, %jit3A_1031, %sign3A_1043 : i32
          %sign3A_1045 = arith.extui %sign3A_1044 : i1 to i32
          %sign3A_1046 = arith.subi %sign3A_1042, %sign3A_1045 : i32
          %ne3A_1047 = arith.cmpi ne, %sign3A_1039, %sign3A_1046 : i32
          %rem3A_1048 = arith.remsi %squeeze3A_1030, %jit3A_1031 : i32
          %ne3A_1049 = arith.constant 0 : i32
          %ne3A_1050 = arith.cmpi ne, %rem3A_1048, %ne3A_1049 : i32
          %and3A_1051 = arith.andi %ne3A_1047, %ne3A_1050 : i1
          %sub3A_1052 = arith.constant 1 : i32
          %sub3A_1053 = arith.subi %div3A_1032, %sub3A_1052 : i32
          %select_n3A_1054 = arith.select %and3A_1051, %sub3A_1053, %div3A_1032 : i32
          %mul3A_1055 = arith.constant 128 : i32
          %mul3A_1056 = arith.muli %select_n3A_1054, %mul3A_1055 : i32
          %mul3A_1057 = arith.constant 16 : i32
          %mul3A_1058 = arith.muli %scan3A_27, %mul3A_1057 : i32
          %add3A_1059 = arith.constant 0 : i32
          %add3A_1060 = arith.addi %mul3A_1058, %add3A_1059 : i32
          %add3A_1061 = arith.constant 2 : i32
          %add3A_1062 = arith.addi %add3A_1060, %add3A_1061 : i32
          %lt3A_1063 = arith.constant 999936 : i32
          %lt3A_1064 = arith.cmpi slt, %squeeze3A_1030, %lt3A_1063 : i32
          %convert_element_type3A_1065 = arith.extui %lt3A_1064 : i1 to i32
          %cond3A_1066 = arith.constant 0 : i32
          %cond3A_1067 = arith.cmpi ne, %convert_element_type3A_1065, %cond3A_1066 : i32
          scf.if %cond3A_1067 {
            %add3A_1909 = arith.constant 256 : i32
            %add3A_1910 = arith.addi %add3A_1909, %squeeze3A_1030 : i32
            %sub3A_1911 = arith.subi %add3A_1910, %mul3A_1056 : i32
            %min3A_1912 = arith.constant 1023 : i32
            %min3A_1913 = arith.minsi %sub3A_1911, %min3A_1912 : i32
            %broadcast_in_dim3A_1914 = vector.broadcast %min3A_1913 : i32 to vector<16xi32>
            %add3A_1915 = arith.constant 0 : i32
            %add3A_1916 = vector.broadcast %add3A_1915 : i32 to vector<16xi32>
            %add3A_1917 = arith.addi %iota3A, %add3A_1916 : vector<16xi32>
            %gather3A_1918 = tpu.vector_load_idx %arg8[%add3A_1917, %broadcast_in_dim3A_1914] : memref<64x1024xf32, #tpu.memory_space<vmem>>[vector<16xi32>, vector<16xi32>], vector<16xf32>,
            %swap3A_1919 = arith.index_cast %add3A_1062 : i32 to index
            %swap3A_1920 = arith.constant 0 : index
            %swap3A_1921 = tpu.vector_load %arg10[%swap3A_1919, %swap3A_1920] {strides = array<i32>} : memref<128x128xf32, #tpu.memory_space<vmem>>, vector<16xf32>,
            tpu.vector_store %arg10[%swap3A_1919, %swap3A_1920], %gather3A_1918 {strides = array<i32>} : memref<128x128xf32, #tpu.memory_space<vmem>>, vector<16xf32>,
            %add3A_1922 = arith.constant 16 : i32
            %add3A_1923 = vector.broadcast %add3A_1922 : i32 to vector<16xi32>
            %add3A_1924 = arith.addi %iota3A, %add3A_1923 : vector<16xi32>
            %gather3A_1925 = tpu.vector_load_idx %arg8[%add3A_1924, %broadcast_in_dim3A_1914] : memref<64x1024xf32, #tpu.memory_space<vmem>>[vector<16xi32>, vector<16xi32>], vector<16xf32>,
            %swap3A_1926 = arith.index_cast %add3A_1062 : i32 to index
            %swap3A_1927 = arith.constant 16 : index
            %swap3A_1928 = tpu.vector_load %arg10[%swap3A_1926, %swap3A_1927] {strides = array<i32>} : memref<128x128xf32, #tpu.memory_space<vmem>>, vector<16xf32>,
            tpu.vector_store %arg10[%swap3A_1926, %swap3A_1927], %gather3A_1925 {strides = array<i32>} : memref<128x128xf32, #tpu.memory_space<vmem>>, vector<16xf32>,
            %add3A_1929 = arith.constant 32 : i32
            %add3A_1930 = vector.broadcast %add3A_1929 : i32 to vector<16xi32>
            %add3A_1931 = arith.addi %iota3A, %add3A_1930 : vector<16xi32>
            %gather3A_1932 = tpu.vector_load_idx %arg8[%add3A_1931, %broadcast_in_dim3A_1914] : memref<64x1024xf32, #tpu.memory_space<vmem>>[vector<16xi32>, vector<16xi32>], vector<16xf32>,
            %swap3A_1933 = arith.index_cast %add3A_1062 : i32 to index
            %swap3A_1934 = arith.constant 32 : index
            %swap3A_1935 = tpu.vector_load %arg10[%swap3A_1933, %swap3A_1934] {strides = array<i32>} : memref<128x128xf32, #tpu.memory_space<vmem>>, vector<16xf32>,
            tpu.vector_store %arg10[%swap3A_1933, %swap3A_1934], %gather3A_1932 {strides = array<i32>} : memref<128x128xf32, #tpu.memory_space<vmem>>, vector<16xf32>,
            %add3A_1936 = arith.constant 48 : i32
            %add3A_1937 = vector.broadcast %add3A_1936 : i32 to vector<16xi32>
            %add3A_1938 = arith.addi %iota3A, %add3A_1937 : vector<16xi32>
            %gather3A_1939 = tpu.vector_load_idx %arg8[%add3A_1938, %broadcast_in_dim3A_1914] : memref<64x1024xf32, #tpu.memory_space<vmem>>[vector<16xi32>, vector<16xi32>], vector<16xf32>,
            %swap3A_1940 = arith.index_cast %add3A_1062 : i32 to index
            %swap3A_1941 = arith.constant 48 : index
            %swap3A_1942 = tpu.vector_load %arg10[%swap3A_1940, %swap3A_1941] {strides = array<i32>} : memref<128x128xf32, #tpu.memory_space<vmem>>, vector<16xf32>,
            tpu.vector_store %arg10[%swap3A_1940, %swap3A_1941], %gather3A_1939 {strides = array<i32>} : memref<128x128xf32, #tpu.memory_space<vmem>>, vector<16xf32>,
          } else {
          }
          %ge3A_1068 = arith.constant 999936 : i32
          %ge3A_1069 = arith.cmpi sge, %squeeze3A_1030, %ge3A_1068 : i32
          %convert_element_type3A_1070 = arith.extui %ge3A_1069 : i1 to i32
          %cond3A_1071 = arith.constant 0 : i32
          %cond3A_1072 = arith.cmpi ne, %convert_element_type3A_1070, %cond3A_1071 : i32
          scf.if %cond3A_1072 {
            %sub3A_1909 = arith.constant 999936 : i32
            %sub3A_1910 = arith.subi %squeeze3A_1030, %sub3A_1909 : i32
            %min3A_1911 = arith.constant 63 : i32
            %min3A_1912 = arith.minsi %sub3A_1910, %min3A_1911 : i32
            %broadcast_in_dim3A_1913 = vector.broadcast %min3A_1912 : i32 to vector<16xi32>
            %add3A_1914 = arith.constant 0 : i32
            %add3A_1915 = vector.broadcast %add3A_1914 : i32 to vector<16xi32>
            %add3A_1916 = arith.addi %iota3A, %add3A_1915 : vector<16xi32>
            %gather3A_1917 = tpu.vector_load_idx %arg9[%add3A_1916, %broadcast_in_dim3A_1913] : memref<64x64xf32, #tpu.memory_space<vmem>>[vector<16xi32>, vector<16xi32>], vector<16xf32>,
            %swap3A_1918 = arith.index_cast %add3A_1062 : i32 to index
            %swap3A_1919 = arith.constant 0 : index
            %swap3A_1920 = tpu.vector_load %arg10[%swap3A_1918, %swap3A_1919] {strides = array<i32>} : memref<128x128xf32, #tpu.memory_space<vmem>>, vector<16xf32>,
            tpu.vector_store %arg10[%swap3A_1918, %swap3A_1919], %gather3A_1917 {strides = array<i32>} : memref<128x128xf32, #tpu.memory_space<vmem>>, vector<16xf32>,
            %add3A_1921 = arith.constant 16 : i32
            %add3A_1922 = vector.broadcast %add3A_1921 : i32 to vector<16xi32>
            %add3A_1923 = arith.addi %iota3A, %add3A_1922 : vector<16xi32>
            %gather3A_1924 = tpu.vector_load_idx %arg9[%add3A_1923, %broadcast_in_dim3A_1913] : memref<64x64xf32, #tpu.memory_space<vmem>>[vector<16xi32>, vector<16xi32>], vector<16xf32>,
            %swap3A_1925 = arith.index_cast %add3A_1062 : i32 to index
            %swap3A_1926 = arith.constant 16 : index
            %swap3A_1927 = tpu.vector_load %arg10[%swap3A_1925, %swap3A_1926] {strides = array<i32>} : memref<128x128xf32, #tpu.memory_space<vmem>>, vector<16xf32>,
            tpu.vector_store %arg10[%swap3A_1925, %swap3A_1926], %gather3A_1924 {strides = array<i32>} : memref<128x128xf32, #tpu.memory_space<vmem>>, vector<16xf32>,
            %add3A_1928 = arith.constant 32 : i32
            %add3A_1929 = vector.broadcast %add3A_1928 : i32 to vector<16xi32>
            %add3A_1930 = arith.addi %iota3A, %add3A_1929 : vector<16xi32>
            %gather3A_1931 = tpu.vector_load_idx %arg9[%add3A_1930, %broadcast_in_dim3A_1913] : memref<64x64xf32, #tpu.memory_space<vmem>>[vector<16xi32>, vector<16xi32>], vector<16xf32>,
            %swap3A_1932 = arith.index_cast %add3A_1062 : i32 to index
            %swap3A_1933 = arith.constant 32 : index
            %swap3A_1934 = tpu.vector_load %arg10[%swap3A_1932, %swap3A_1933] {strides = array<i32>} : memref<128x128xf32, #tpu.memory_space<vmem>>, vector<16xf32>,
            tpu.vector_store %arg10[%swap3A_1932, %swap3A_1933], %gather3A_1931 {strides = array<i32>} : memref<128x128xf32, #tpu.memory_space<vmem>>, vector<16xf32>,
            %add3A_1935 = arith.constant 48 : i32
            %add3A_1936 = vector.broadcast %add3A_1935 : i32 to vector<16xi32>
            %add3A_1937 = arith.addi %iota3A, %add3A_1936 : vector<16xi32>
            %gather3A_1938 = tpu.vector_load_idx %arg9[%add3A_1937, %broadcast_in_dim3A_1913] : memref<64x64xf32, #tpu.memory_space<vmem>>[vector<16xi32>, vector<16xi32>], vector<16xf32>,
            %swap3A_1939 = arith.index_cast %add3A_1062 : i32 to index
            %swap3A_1940 = arith.constant 48 : index
            %swap3A_1941 = tpu.vector_load %arg10[%swap3A_1939, %swap3A_1940] {strides = array<i32>} : memref<128x128xf32, #tpu.memory_space<vmem>>, vector<16xf32>,
            tpu.vector_store %arg10[%swap3A_1939, %swap3A_1940], %gather3A_1938 {strides = array<i32>} : memref<128x128xf32, #tpu.memory_space<vmem>>, vector<16xf32>,
          } else {
          }
          %slice3A_1073 = vector.extract_strided_slice %get3A_34 {offsets = [3], sizes = [1], strides = [1]} : vector<16xi32> to vector<1xi32>
          %squeeze3A_1074 = vector.extract %slice3A_1073[0] : i32 from vector<1xi32>
          %jit3A_1075 = arith.constant 128 : i32
          %div3A_1076 = arith.divsi %squeeze3A_1074, %jit3A_1075 : i32
          %sign3A_1077 = arith.constant 0 : i32
          %sign3A_1078 = arith.cmpi sgt, %squeeze3A_1074, %sign3A_1077 : i32
          %sign3A_1079 = arith.extui %sign3A_1078 : i1 to i32
          %sign3A_1080 = arith.constant 0 : i32
          %sign3A_1081 = arith.cmpi slt, %squeeze3A_1074, %sign3A_1080 : i32
          %sign3A_1082 = arith.extui %sign3A_1081 : i1 to i32
          %sign3A_1083 = arith.subi %sign3A_1079, %sign3A_1082 : i32
          %sign3A_1084 = arith.constant 0 : i32
          %sign3A_1085 = arith.cmpi sgt, %jit3A_1075, %sign3A_1084 : i32
          %sign3A_1086 = arith.extui %sign3A_1085 : i1 to i32
          %sign3A_1087 = arith.constant 0 : i32
          %sign3A_1088 = arith.cmpi slt, %jit3A_1075, %sign3A_1087 : i32
          %sign3A_1089 = arith.extui %sign3A_1088 : i1 to i32
          %sign3A_1090 = arith.subi %sign3A_1086, %sign3A_1089 : i32
          %ne3A_1091 = arith.cmpi ne, %sign3A_1083, %sign3A_1090 : i32
          %rem3A_1092 = arith.remsi %squeeze3A_1074, %jit3A_1075 : i32
          %ne3A_1093 = arith.constant 0 : i32
          %ne3A_1094 = arith.cmpi ne, %rem3A_1092, %ne3A_1093 : i32
          %and3A_1095 = arith.andi %ne3A_1091, %ne3A_1094 : i1
          %sub3A_1096 = arith.constant 1 : i32
          %sub3A_1097 = arith.subi %div3A_1076, %sub3A_1096 : i32
          %select_n3A_1098 = arith.select %and3A_1095, %sub3A_1097, %div3A_1076 : i32
          %mul3A_1099 = arith.constant 128 : i32
          %mul3A_1100 = arith.muli %select_n3A_1098, %mul3A_1099 : i32
          %mul3A_1101 = arith.constant 16 : i32
          %mul3A_1102 = arith.muli %scan3A_27, %mul3A_1101 : i32
          %add3A_1103 = arith.constant 0 : i32
          %add3A_1104 = arith.addi %mul3A_1102, %add3A_1103 : i32
          %add3A_1105 = arith.constant 3 : i32
          %add3A_1106 = arith.addi %add3A_1104, %add3A_1105 : i32
          %lt3A_1107 = arith.constant 999936 : i32
          %lt3A_1108 = arith.cmpi slt, %squeeze3A_1074, %lt3A_1107 : i32
          %convert_element_type3A_1109 = arith.extui %lt3A_1108 : i1 to i32
          %cond3A_1110 = arith.constant 0 : i32
          %cond3A_1111 = arith.cmpi ne, %convert_element_type3A_1109, %cond3A_1110 : i32
          scf.if %cond3A_1111 {
            %add3A_1909 = arith.constant 384 : i32
            %add3A_1910 = arith.addi %add3A_1909, %squeeze3A_1074 : i32
            %sub3A_1911 = arith.subi %add3A_1910, %mul3A_1100 : i32
            %min3A_1912 = arith.constant 1023 : i32
            %min3A_1913 = arith.minsi %sub3A_1911, %min3A_1912 : i32
            %broadcast_in_dim3A_1914 = vector.broadcast %min3A_1913 : i32 to vector<16xi32>
            %add3A_1915 = arith.constant 0 : i32
            %add3A_1916 = vector.broadcast %add3A_1915 : i32 to vector<16xi32>
            %add3A_1917 = arith.addi %iota3A, %add3A_1916 : vector<16xi32>
            %gather3A_1918 = tpu.vector_load_idx %arg8[%add3A_1917, %broadcast_in_dim3A_1914] : memref<64x1024xf32, #tpu.memory_space<vmem>>[vector<16xi32>, vector<16xi32>], vector<16xf32>,
            %swap3A_1919 = arith.index_cast %add3A_1106 : i32 to index
            %swap3A_1920 = arith.constant 0 : index
            %swap3A_1921 = tpu.vector_load %arg10[%swap3A_1919, %swap3A_1920] {strides = array<i32>} : memref<128x128xf32, #tpu.memory_space<vmem>>, vector<16xf32>,
            tpu.vector_store %arg10[%swap3A_1919, %swap3A_1920], %gather3A_1918 {strides = array<i32>} : memref<128x128xf32, #tpu.memory_space<vmem>>, vector<16xf32>,
            %add3A_1922 = arith.constant 16 : i32
            %add3A_1923 = vector.broadcast %add3A_1922 : i32 to vector<16xi32>
            %add3A_1924 = arith.addi %iota3A, %add3A_1923 : vector<16xi32>
            %gather3A_1925 = tpu.vector_load_idx %arg8[%add3A_1924, %broadcast_in_dim3A_1914] : memref<64x1024xf32, #tpu.memory_space<vmem>>[vector<16xi32>, vector<16xi32>], vector<16xf32>,
            %swap3A_1926 = arith.index_cast %add3A_1106 : i32 to index
            %swap3A_1927 = arith.constant 16 : index
            %swap3A_1928 = tpu.vector_load %arg10[%swap3A_1926, %swap3A_1927] {strides = array<i32>} : memref<128x128xf32, #tpu.memory_space<vmem>>, vector<16xf32>,
            tpu.vector_store %arg10[%swap3A_1926, %swap3A_1927], %gather3A_1925 {strides = array<i32>} : memref<128x128xf32, #tpu.memory_space<vmem>>, vector<16xf32>,
            %add3A_1929 = arith.constant 32 : i32
            %add3A_1930 = vector.broadcast %add3A_1929 : i32 to vector<16xi32>
            %add3A_1931 = arith.addi %iota3A, %add3A_1930 : vector<16xi32>
            %gather3A_1932 = tpu.vector_load_idx %arg8[%add3A_1931, %broadcast_in_dim3A_1914] : memref<64x1024xf32, #tpu.memory_space<vmem>>[vector<16xi32>, vector<16xi32>], vector<16xf32>,
            %swap3A_1933 = arith.index_cast %add3A_1106 : i32 to index
            %swap3A_1934 = arith.constant 32 : index
            %swap3A_1935 = tpu.vector_load %arg10[%swap3A_1933, %swap3A_1934] {strides = array<i32>} : memref<128x128xf32, #tpu.memory_space<vmem>>, vector<16xf32>,
            tpu.vector_store %arg10[%swap3A_1933, %swap3A_1934], %gather3A_1932 {strides = array<i32>} : memref<128x128xf32, #tpu.memory_space<vmem>>, vector<16xf32>,
            %add3A_1936 = arith.constant 48 : i32
            %add3A_1937 = vector.broadcast %add3A_1936 : i32 to vector<16xi32>
            %add3A_1938 = arith.addi %iota3A, %add3A_1937 : vector<16xi32>
            %gather3A_1939 = tpu.vector_load_idx %arg8[%add3A_1938, %broadcast_in_dim3A_1914] : memref<64x1024xf32, #tpu.memory_space<vmem>>[vector<16xi32>, vector<16xi32>], vector<16xf32>,
            %swap3A_1940 = arith.index_cast %add3A_1106 : i32 to index
            %swap3A_1941 = arith.constant 48 : index
            %swap3A_1942 = tpu.vector_load %arg10[%swap3A_1940, %swap3A_1941] {strides = array<i32>} : memref<128x128xf32, #tpu.memory_space<vmem>>, vector<16xf32>,
            tpu.vector_store %arg10[%swap3A_1940, %swap3A_1941], %gather3A_1939 {strides = array<i32>} : memref<128x128xf32, #tpu.memory_space<vmem>>, vector<16xf32>,
          } else {
          }
          %ge3A_1112 = arith.constant 999936 : i32
          %ge3A_1113 = arith.cmpi sge, %squeeze3A_1074, %ge3A_1112 : i32
          %convert_element_type3A_1114 = arith.extui %ge3A_1113 : i1 to i32
          %cond3A_1115 = arith.constant 0 : i32
          %cond3A_1116 = arith.cmpi ne, %convert_element_type3A_1114, %cond3A_1115 : i32
          scf.if %cond3A_1116 {
            %sub3A_1909 = arith.constant 999936 : i32
            %sub3A_1910 = arith.subi %squeeze3A_1074, %sub3A_1909 : i32
            %min3A_1911 = arith.constant 63 : i32
            %min3A_1912 = arith.minsi %sub3A_1910, %min3A_1911 : i32
            %broadcast_in_dim3A_1913 = vector.broadcast %min3A_1912 : i32 to vector<16xi32>
            %add3A_1914 = arith.constant 0 : i32
            %add3A_1915 = vector.broadcast %add3A_1914 : i32 to vector<16xi32>
            %add3A_1916 = arith.addi %iota3A, %add3A_1915 : vector<16xi32>
            %gather3A_1917 = tpu.vector_load_idx %arg9[%add3A_1916, %broadcast_in_dim3A_1913] : memref<64x64xf32, #tpu.memory_space<vmem>>[vector<16xi32>, vector<16xi32>], vector<16xf32>,
            %swap3A_1918 = arith.index_cast %add3A_1106 : i32 to index
            %swap3A_1919 = arith.constant 0 : index
            %swap3A_1920 = tpu.vector_load %arg10[%swap3A_1918, %swap3A_1919] {strides = array<i32>} : memref<128x128xf32, #tpu.memory_space<vmem>>, vector<16xf32>,
            tpu.vector_store %arg10[%swap3A_1918, %swap3A_1919], %gather3A_1917 {strides = array<i32>} : memref<128x128xf32, #tpu.memory_space<vmem>>, vector<16xf32>,
            %add3A_1921 = arith.constant 16 : i32
            %add3A_1922 = vector.broadcast %add3A_1921 : i32 to vector<16xi32>
            %add3A_1923 = arith.addi %iota3A, %add3A_1922 : vector<16xi32>
            %gather3A_1924 = tpu.vector_load_idx %arg9[%add3A_1923, %broadcast_in_dim3A_1913] : memref<64x64xf32, #tpu.memory_space<vmem>>[vector<16xi32>, vector<16xi32>], vector<16xf32>,
            %swap3A_1925 = arith.index_cast %add3A_1106 : i32 to index
            %swap3A_1926 = arith.constant 16 : index
            %swap3A_1927 = tpu.vector_load %arg10[%swap3A_1925, %swap3A_1926] {strides = array<i32>} : memref<128x128xf32, #tpu.memory_space<vmem>>, vector<16xf32>,
            tpu.vector_store %arg10[%swap3A_1925, %swap3A_1926], %gather3A_1924 {strides = array<i32>} : memref<128x128xf32, #tpu.memory_space<vmem>>, vector<16xf32>,
            %add3A_1928 = arith.constant 32 : i32
            %add3A_1929 = vector.broadcast %add3A_1928 : i32 to vector<16xi32>
            %add3A_1930 = arith.addi %iota3A, %add3A_1929 : vector<16xi32>
            %gather3A_1931 = tpu.vector_load_idx %arg9[%add3A_1930, %broadcast_in_dim3A_1913] : memref<64x64xf32, #tpu.memory_space<vmem>>[vector<16xi32>, vector<16xi32>], vector<16xf32>,
            %swap3A_1932 = arith.index_cast %add3A_1106 : i32 to index
            %swap3A_1933 = arith.constant 32 : index
            %swap3A_1934 = tpu.vector_load %arg10[%swap3A_1932, %swap3A_1933] {strides = array<i32>} : memref<128x128xf32, #tpu.memory_space<vmem>>, vector<16xf32>,
            tpu.vector_store %arg10[%swap3A_1932, %swap3A_1933], %gather3A_1931 {strides = array<i32>} : memref<128x128xf32, #tpu.memory_space<vmem>>, vector<16xf32>,
            %add3A_1935 = arith.constant 48 : i32
            %add3A_1936 = vector.broadcast %add3A_1935 : i32 to vector<16xi32>
            %add3A_1937 = arith.addi %iota3A, %add3A_1936 : vector<16xi32>
            %gather3A_1938 = tpu.vector_load_idx %arg9[%add3A_1937, %broadcast_in_dim3A_1913] : memref<64x64xf32, #tpu.memory_space<vmem>>[vector<16xi32>, vector<16xi32>], vector<16xf32>,
            %swap3A_1939 = arith.index_cast %add3A_1106 : i32 to index
            %swap3A_1940 = arith.constant 48 : index
            %swap3A_1941 = tpu.vector_load %arg10[%swap3A_1939, %swap3A_1940] {strides = array<i32>} : memref<128x128xf32, #tpu.memory_space<vmem>>, vector<16xf32>,
            tpu.vector_store %arg10[%swap3A_1939, %swap3A_1940], %gather3A_1938 {strides = array<i32>} : memref<128x128xf32, #tpu.memory_space<vmem>>, vector<16xf32>,
          } else {
          }
          %slice3A_1117 = vector.extract_strided_slice %get3A_34 {offsets = [4], sizes = [1], strides = [1]} : vector<16xi32> to vector<1xi32>
          %squeeze3A_1118 = vector.extract %slice3A_1117[0] : i32 from vector<1xi32>
          %jit3A_1119 = arith.constant 128 : i32
          %div3A_1120 = arith.divsi %squeeze3A_1118, %jit3A_1119 : i32
          %sign3A_1121 = arith.constant 0 : i32
          %sign3A_1122 = arith.cmpi sgt, %squeeze3A_1118, %sign3A_1121 : i32
          %sign3A_1123 = arith.extui %sign3A_1122 : i1 to i32
          %sign3A_1124 = arith.constant 0 : i32
          %sign3A_1125 = arith.cmpi slt, %squeeze3A_1118, %sign3A_1124 : i32
          %sign3A_1126 = arith.extui %sign3A_1125 : i1 to i32
          %sign3A_1127 = arith.subi %sign3A_1123, %sign3A_1126 : i32
          %sign3A_1128 = arith.constant 0 : i32
          %sign3A_1129 = arith.cmpi sgt, %jit3A_1119, %sign3A_1128 : i32
          %sign3A_1130 = arith.extui %sign3A_1129 : i1 to i32
          %sign3A_1131 = arith.constant 0 : i32
          %sign3A_1132 = arith.cmpi slt, %jit3A_1119, %sign3A_1131 : i32
          %sign3A_1133 = arith.extui %sign3A_1132 : i1 to i32
          %sign3A_1134 = arith.subi %sign3A_1130, %sign3A_1133 : i32
          %ne3A_1135 = arith.cmpi ne, %sign3A_1127, %sign3A_1134 : i32
          %rem3A_1136 = arith.remsi %squeeze3A_1118, %jit3A_1119 : i32
          %ne3A_1137 = arith.constant 0 : i32
          %ne3A_1138 = arith.cmpi ne, %rem3A_1136, %ne3A_1137 : i32
          %and3A_1139 = arith.andi %ne3A_1135, %ne3A_1138 : i1
          %sub3A_1140 = arith.constant 1 : i32
          %sub3A_1141 = arith.subi %div3A_1120, %sub3A_1140 : i32
          %select_n3A_1142 = arith.select %and3A_1139, %sub3A_1141, %div3A_1120 : i32
          %mul3A_1143 = arith.constant 128 : i32
          %mul3A_1144 = arith.muli %select_n3A_1142, %mul3A_1143 : i32
          %mul3A_1145 = arith.constant 16 : i32
          %mul3A_1146 = arith.muli %scan3A_27, %mul3A_1145 : i32
          %add3A_1147 = arith.constant 0 : i32
          %add3A_1148 = arith.addi %mul3A_1146, %add3A_1147 : i32
          %add3A_1149 = arith.constant 4 : i32
          %add3A_1150 = arith.addi %add3A_1148, %add3A_1149 : i32
          %lt3A_1151 = arith.constant 999936 : i32
          %lt3A_1152 = arith.cmpi slt, %squeeze3A_1118, %lt3A_1151 : i32
          %convert_element_type3A_1153 = arith.extui %lt3A_1152 : i1 to i32
          %cond3A_1154 = arith.constant 0 : i32
          %cond3A_1155 = arith.cmpi ne, %convert_element_type3A_1153, %cond3A_1154 : i32
          scf.if %cond3A_1155 {
            %add3A_1909 = arith.constant 512 : i32
            %add3A_1910 = arith.addi %add3A_1909, %squeeze3A_1118 : i32
            %sub3A_1911 = arith.subi %add3A_1910, %mul3A_1144 : i32
            %min3A_1912 = arith.constant 1023 : i32
            %min3A_1913 = arith.minsi %sub3A_1911, %min3A_1912 : i32
            %broadcast_in_dim3A_1914 = vector.broadcast %min3A_1913 : i32 to vector<16xi32>
            %add3A_1915 = arith.constant 0 : i32
            %add3A_1916 = vector.broadcast %add3A_1915 : i32 to vector<16xi32>
            %add3A_1917 = arith.addi %iota3A, %add3A_1916 : vector<16xi32>
            %gather3A_1918 = tpu.vector_load_idx %arg8[%add3A_1917, %broadcast_in_dim3A_1914] : memref<64x1024xf32, #tpu.memory_space<vmem>>[vector<16xi32>, vector<16xi32>], vector<16xf32>,
            %swap3A_1919 = arith.index_cast %add3A_1150 : i32 to index
            %swap3A_1920 = arith.constant 0 : index
            %swap3A_1921 = tpu.vector_load %arg10[%swap3A_1919, %swap3A_1920] {strides = array<i32>} : memref<128x128xf32, #tpu.memory_space<vmem>>, vector<16xf32>,
            tpu.vector_store %arg10[%swap3A_1919, %swap3A_1920], %gather3A_1918 {strides = array<i32>} : memref<128x128xf32, #tpu.memory_space<vmem>>, vector<16xf32>,
            %add3A_1922 = arith.constant 16 : i32
            %add3A_1923 = vector.broadcast %add3A_1922 : i32 to vector<16xi32>
            %add3A_1924 = arith.addi %iota3A, %add3A_1923 : vector<16xi32>
            %gather3A_1925 = tpu.vector_load_idx %arg8[%add3A_1924, %broadcast_in_dim3A_1914] : memref<64x1024xf32, #tpu.memory_space<vmem>>[vector<16xi32>, vector<16xi32>], vector<16xf32>,
            %swap3A_1926 = arith.index_cast %add3A_1150 : i32 to index
            %swap3A_1927 = arith.constant 16 : index
            %swap3A_1928 = tpu.vector_load %arg10[%swap3A_1926, %swap3A_1927] {strides = array<i32>} : memref<128x128xf32, #tpu.memory_space<vmem>>, vector<16xf32>,
            tpu.vector_store %arg10[%swap3A_1926, %swap3A_1927], %gather3A_1925 {strides = array<i32>} : memref<128x128xf32, #tpu.memory_space<vmem>>, vector<16xf32>,
            %add3A_1929 = arith.constant 32 : i32
            %add3A_1930 = vector.broadcast %add3A_1929 : i32 to vector<16xi32>
            %add3A_1931 = arith.addi %iota3A, %add3A_1930 : vector<16xi32>
            %gather3A_1932 = tpu.vector_load_idx %arg8[%add3A_1931, %broadcast_in_dim3A_1914] : memref<64x1024xf32, #tpu.memory_space<vmem>>[vector<16xi32>, vector<16xi32>], vector<16xf32>,
            %swap3A_1933 = arith.index_cast %add3A_1150 : i32 to index
            %swap3A_1934 = arith.constant 32 : index
            %swap3A_1935 = tpu.vector_load %arg10[%swap3A_1933, %swap3A_1934] {strides = array<i32>} : memref<128x128xf32, #tpu.memory_space<vmem>>, vector<16xf32>,
            tpu.vector_store %arg10[%swap3A_1933, %swap3A_1934], %gather3A_1932 {strides = array<i32>} : memref<128x128xf32, #tpu.memory_space<vmem>>, vector<16xf32>,
            %add3A_1936 = arith.constant 48 : i32
            %add3A_1937 = vector.broadcast %add3A_1936 : i32 to vector<16xi32>
            %add3A_1938 = arith.addi %iota3A, %add3A_1937 : vector<16xi32>
            %gather3A_1939 = tpu.vector_load_idx %arg8[%add3A_1938, %broadcast_in_dim3A_1914] : memref<64x1024xf32, #tpu.memory_space<vmem>>[vector<16xi32>, vector<16xi32>], vector<16xf32>,
            %swap3A_1940 = arith.index_cast %add3A_1150 : i32 to index
            %swap3A_1941 = arith.constant 48 : index
            %swap3A_1942 = tpu.vector_load %arg10[%swap3A_1940, %swap3A_1941] {strides = array<i32>} : memref<128x128xf32, #tpu.memory_space<vmem>>, vector<16xf32>,
            tpu.vector_store %arg10[%swap3A_1940, %swap3A_1941], %gather3A_1939 {strides = array<i32>} : memref<128x128xf32, #tpu.memory_space<vmem>>, vector<16xf32>,
          } else {
          }
          %ge3A_1156 = arith.constant 999936 : i32
          %ge3A_1157 = arith.cmpi sge, %squeeze3A_1118, %ge3A_1156 : i32
          %convert_element_type3A_1158 = arith.extui %ge3A_1157 : i1 to i32
          %cond3A_1159 = arith.constant 0 : i32
          %cond3A_1160 = arith.cmpi ne, %convert_element_type3A_1158, %cond3A_1159 : i32
          scf.if %cond3A_1160 {
            %sub3A_1909 = arith.constant 999936 : i32
            %sub3A_1910 = arith.subi %squeeze3A_1118, %sub3A_1909 : i32
            %min3A_1911 = arith.constant 63 : i32
            %min3A_1912 = arith.minsi %sub3A_1910, %min3A_1911 : i32
            %broadcast_in_dim3A_1913 = vector.broadcast %min3A_1912 : i32 to vector<16xi32>
            %add3A_1914 = arith.constant 0 : i32
            %add3A_1915 = vector.broadcast %add3A_1914 : i32 to vector<16xi32>
            %add3A_1916 = arith.addi %iota3A, %add3A_1915 : vector<16xi32>
            %gather3A_1917 = tpu.vector_load_idx %arg9[%add3A_1916, %broadcast_in_dim3A_1913] : memref<64x64xf32, #tpu.memory_space<vmem>>[vector<16xi32>, vector<16xi32>], vector<16xf32>,
            %swap3A_1918 = arith.index_cast %add3A_1150 : i32 to index
            %swap3A_1919 = arith.constant 0 : index
            %swap3A_1920 = tpu.vector_load %arg10[%swap3A_1918, %swap3A_1919] {strides = array<i32>} : memref<128x128xf32, #tpu.memory_space<vmem>>, vector<16xf32>,
            tpu.vector_store %arg10[%swap3A_1918, %swap3A_1919], %gather3A_1917 {strides = array<i32>} : memref<128x128xf32, #tpu.memory_space<vmem>>, vector<16xf32>,
            %add3A_1921 = arith.constant 16 : i32
            %add3A_1922 = vector.broadcast %add3A_1921 : i32 to vector<16xi32>
            %add3A_1923 = arith.addi %iota3A, %add3A_1922 : vector<16xi32>
            %gather3A_1924 = tpu.vector_load_idx %arg9[%add3A_1923, %broadcast_in_dim3A_1913] : memref<64x64xf32, #tpu.memory_space<vmem>>[vector<16xi32>, vector<16xi32>], vector<16xf32>,
            %swap3A_1925 = arith.index_cast %add3A_1150 : i32 to index
            %swap3A_1926 = arith.constant 16 : index
            %swap3A_1927 = tpu.vector_load %arg10[%swap3A_1925, %swap3A_1926] {strides = array<i32>} : memref<128x128xf32, #tpu.memory_space<vmem>>, vector<16xf32>,
            tpu.vector_store %arg10[%swap3A_1925, %swap3A_1926], %gather3A_1924 {strides = array<i32>} : memref<128x128xf32, #tpu.memory_space<vmem>>, vector<16xf32>,
            %add3A_1928 = arith.constant 32 : i32
            %add3A_1929 = vector.broadcast %add3A_1928 : i32 to vector<16xi32>
            %add3A_1930 = arith.addi %iota3A, %add3A_1929 : vector<16xi32>
            %gather3A_1931 = tpu.vector_load_idx %arg9[%add3A_1930, %broadcast_in_dim3A_1913] : memref<64x64xf32, #tpu.memory_space<vmem>>[vector<16xi32>, vector<16xi32>], vector<16xf32>,
            %swap3A_1932 = arith.index_cast %add3A_1150 : i32 to index
            %swap3A_1933 = arith.constant 32 : index
            %swap3A_1934 = tpu.vector_load %arg10[%swap3A_1932, %swap3A_1933] {strides = array<i32>} : memref<128x128xf32, #tpu.memory_space<vmem>>, vector<16xf32>,
            tpu.vector_store %arg10[%swap3A_1932, %swap3A_1933], %gather3A_1931 {strides = array<i32>} : memref<128x128xf32, #tpu.memory_space<vmem>>, vector<16xf32>,
            %add3A_1935 = arith.constant 48 : i32
            %add3A_1936 = vector.broadcast %add3A_1935 : i32 to vector<16xi32>
            %add3A_1937 = arith.addi %iota3A, %add3A_1936 : vector<16xi32>
            %gather3A_1938 = tpu.vector_load_idx %arg9[%add3A_1937, %broadcast_in_dim3A_1913] : memref<64x64xf32, #tpu.memory_space<vmem>>[vector<16xi32>, vector<16xi32>], vector<16xf32>,
            %swap3A_1939 = arith.index_cast %add3A_1150 : i32 to index
            %swap3A_1940 = arith.constant 48 : index
            %swap3A_1941 = tpu.vector_load %arg10[%swap3A_1939, %swap3A_1940] {strides = array<i32>} : memref<128x128xf32, #tpu.memory_space<vmem>>, vector<16xf32>,
            tpu.vector_store %arg10[%swap3A_1939, %swap3A_1940], %gather3A_1938 {strides = array<i32>} : memref<128x128xf32, #tpu.memory_space<vmem>>, vector<16xf32>,
          } else {
          }
          %slice3A_1161 = vector.extract_strided_slice %get3A_34 {offsets = [5], sizes = [1], strides = [1]} : vector<16xi32> to vector<1xi32>
          %squeeze3A_1162 = vector.extract %slice3A_1161[0] : i32 from vector<1xi32>
          %jit3A_1163 = arith.constant 128 : i32
          %div3A_1164 = arith.divsi %squeeze3A_1162, %jit3A_1163 : i32
          %sign3A_1165 = arith.constant 0 : i32
          %sign3A_1166 = arith.cmpi sgt, %squeeze3A_1162, %sign3A_1165 : i32
          %sign3A_1167 = arith.extui %sign3A_1166 : i1 to i32
          %sign3A_1168 = arith.constant 0 : i32
          %sign3A_1169 = arith.cmpi slt, %squeeze3A_1162, %sign3A_1168 : i32
          %sign3A_1170 = arith.extui %sign3A_1169 : i1 to i32
          %sign3A_1171 = arith.subi %sign3A_1167, %sign3A_1170 : i32
          %sign3A_1172 = arith.constant 0 : i32
          %sign3A_1173 = arith.cmpi sgt, %jit3A_1163, %sign3A_1172 : i32
          %sign3A_1174 = arith.extui %sign3A_1173 : i1 to i32
          %sign3A_1175 = arith.constant 0 : i32
          %sign3A_1176 = arith.cmpi slt, %jit3A_1163, %sign3A_1175 : i32
          %sign3A_1177 = arith.extui %sign3A_1176 : i1 to i32
          %sign3A_1178 = arith.subi %sign3A_1174, %sign3A_1177 : i32
          %ne3A_1179 = arith.cmpi ne, %sign3A_1171, %sign3A_1178 : i32
          %rem3A_1180 = arith.remsi %squeeze3A_1162, %jit3A_1163 : i32
          %ne3A_1181 = arith.constant 0 : i32
          %ne3A_1182 = arith.cmpi ne, %rem3A_1180, %ne3A_1181 : i32
          %and3A_1183 = arith.andi %ne3A_1179, %ne3A_1182 : i1
          %sub3A_1184 = arith.constant 1 : i32
          %sub3A_1185 = arith.subi %div3A_1164, %sub3A_1184 : i32
          %select_n3A_1186 = arith.select %and3A_1183, %sub3A_1185, %div3A_1164 : i32
          %mul3A_1187 = arith.constant 128 : i32
          %mul3A_1188 = arith.muli %select_n3A_1186, %mul3A_1187 : i32
          %mul3A_1189 = arith.constant 16 : i32
          %mul3A_1190 = arith.muli %scan3A_27, %mul3A_1189 : i32
          %add3A_1191 = arith.constant 0 : i32
          %add3A_1192 = arith.addi %mul3A_1190, %add3A_1191 : i32
          %add3A_1193 = arith.constant 5 : i32
          %add3A_1194 = arith.addi %add3A_1192, %add3A_1193 : i32
          %lt3A_1195 = arith.constant 999936 : i32
          %lt3A_1196 = arith.cmpi slt, %squeeze3A_1162, %lt3A_1195 : i32
          %convert_element_type3A_1197 = arith.extui %lt3A_1196 : i1 to i32
          %cond3A_1198 = arith.constant 0 : i32
          %cond3A_1199 = arith.cmpi ne, %convert_element_type3A_1197, %cond3A_1198 : i32
          scf.if %cond3A_1199 {
            %add3A_1909 = arith.constant 640 : i32
            %add3A_1910 = arith.addi %add3A_1909, %squeeze3A_1162 : i32
            %sub3A_1911 = arith.subi %add3A_1910, %mul3A_1188 : i32
            %min3A_1912 = arith.constant 1023 : i32
            %min3A_1913 = arith.minsi %sub3A_1911, %min3A_1912 : i32
            %broadcast_in_dim3A_1914 = vector.broadcast %min3A_1913 : i32 to vector<16xi32>
            %add3A_1915 = arith.constant 0 : i32
            %add3A_1916 = vector.broadcast %add3A_1915 : i32 to vector<16xi32>
            %add3A_1917 = arith.addi %iota3A, %add3A_1916 : vector<16xi32>
            %gather3A_1918 = tpu.vector_load_idx %arg8[%add3A_1917, %broadcast_in_dim3A_1914] : memref<64x1024xf32, #tpu.memory_space<vmem>>[vector<16xi32>, vector<16xi32>], vector<16xf32>,
            %swap3A_1919 = arith.index_cast %add3A_1194 : i32 to index
            %swap3A_1920 = arith.constant 0 : index
            %swap3A_1921 = tpu.vector_load %arg10[%swap3A_1919, %swap3A_1920] {strides = array<i32>} : memref<128x128xf32, #tpu.memory_space<vmem>>, vector<16xf32>,
            tpu.vector_store %arg10[%swap3A_1919, %swap3A_1920], %gather3A_1918 {strides = array<i32>} : memref<128x128xf32, #tpu.memory_space<vmem>>, vector<16xf32>,
            %add3A_1922 = arith.constant 16 : i32
            %add3A_1923 = vector.broadcast %add3A_1922 : i32 to vector<16xi32>
            %add3A_1924 = arith.addi %iota3A, %add3A_1923 : vector<16xi32>
            %gather3A_1925 = tpu.vector_load_idx %arg8[%add3A_1924, %broadcast_in_dim3A_1914] : memref<64x1024xf32, #tpu.memory_space<vmem>>[vector<16xi32>, vector<16xi32>], vector<16xf32>,
            %swap3A_1926 = arith.index_cast %add3A_1194 : i32 to index
            %swap3A_1927 = arith.constant 16 : index
            %swap3A_1928 = tpu.vector_load %arg10[%swap3A_1926, %swap3A_1927] {strides = array<i32>} : memref<128x128xf32, #tpu.memory_space<vmem>>, vector<16xf32>,
            tpu.vector_store %arg10[%swap3A_1926, %swap3A_1927], %gather3A_1925 {strides = array<i32>} : memref<128x128xf32, #tpu.memory_space<vmem>>, vector<16xf32>,
            %add3A_1929 = arith.constant 32 : i32
            %add3A_1930 = vector.broadcast %add3A_1929 : i32 to vector<16xi32>
            %add3A_1931 = arith.addi %iota3A, %add3A_1930 : vector<16xi32>
            %gather3A_1932 = tpu.vector_load_idx %arg8[%add3A_1931, %broadcast_in_dim3A_1914] : memref<64x1024xf32, #tpu.memory_space<vmem>>[vector<16xi32>, vector<16xi32>], vector<16xf32>,
            %swap3A_1933 = arith.index_cast %add3A_1194 : i32 to index
            %swap3A_1934 = arith.constant 32 : index
            %swap3A_1935 = tpu.vector_load %arg10[%swap3A_1933, %swap3A_1934] {strides = array<i32>} : memref<128x128xf32, #tpu.memory_space<vmem>>, vector<16xf32>,
            tpu.vector_store %arg10[%swap3A_1933, %swap3A_1934], %gather3A_1932 {strides = array<i32>} : memref<128x128xf32, #tpu.memory_space<vmem>>, vector<16xf32>,
            %add3A_1936 = arith.constant 48 : i32
            %add3A_1937 = vector.broadcast %add3A_1936 : i32 to vector<16xi32>
            %add3A_1938 = arith.addi %iota3A, %add3A_1937 : vector<16xi32>
            %gather3A_1939 = tpu.vector_load_idx %arg8[%add3A_1938, %broadcast_in_dim3A_1914] : memref<64x1024xf32, #tpu.memory_space<vmem>>[vector<16xi32>, vector<16xi32>], vector<16xf32>,
            %swap3A_1940 = arith.index_cast %add3A_1194 : i32 to index
            %swap3A_1941 = arith.constant 48 : index
            %swap3A_1942 = tpu.vector_load %arg10[%swap3A_1940, %swap3A_1941] {strides = array<i32>} : memref<128x128xf32, #tpu.memory_space<vmem>>, vector<16xf32>,
            tpu.vector_store %arg10[%swap3A_1940, %swap3A_1941], %gather3A_1939 {strides = array<i32>} : memref<128x128xf32, #tpu.memory_space<vmem>>, vector<16xf32>,
          } else {
          }
          %ge3A_1200 = arith.constant 999936 : i32
          %ge3A_1201 = arith.cmpi sge, %squeeze3A_1162, %ge3A_1200 : i32
          %convert_element_type3A_1202 = arith.extui %ge3A_1201 : i1 to i32
          %cond3A_1203 = arith.constant 0 : i32
          %cond3A_1204 = arith.cmpi ne, %convert_element_type3A_1202, %cond3A_1203 : i32
          scf.if %cond3A_1204 {
            %sub3A_1909 = arith.constant 999936 : i32
            %sub3A_1910 = arith.subi %squeeze3A_1162, %sub3A_1909 : i32
            %min3A_1911 = arith.constant 63 : i32
            %min3A_1912 = arith.minsi %sub3A_1910, %min3A_1911 : i32
            %broadcast_in_dim3A_1913 = vector.broadcast %min3A_1912 : i32 to vector<16xi32>
            %add3A_1914 = arith.constant 0 : i32
            %add3A_1915 = vector.broadcast %add3A_1914 : i32 to vector<16xi32>
            %add3A_1916 = arith.addi %iota3A, %add3A_1915 : vector<16xi32>
            %gather3A_1917 = tpu.vector_load_idx %arg9[%add3A_1916, %broadcast_in_dim3A_1913] : memref<64x64xf32, #tpu.memory_space<vmem>>[vector<16xi32>, vector<16xi32>], vector<16xf32>,
            %swap3A_1918 = arith.index_cast %add3A_1194 : i32 to index
            %swap3A_1919 = arith.constant 0 : index
            %swap3A_1920 = tpu.vector_load %arg10[%swap3A_1918, %swap3A_1919] {strides = array<i32>} : memref<128x128xf32, #tpu.memory_space<vmem>>, vector<16xf32>,
            tpu.vector_store %arg10[%swap3A_1918, %swap3A_1919], %gather3A_1917 {strides = array<i32>} : memref<128x128xf32, #tpu.memory_space<vmem>>, vector<16xf32>,
            %add3A_1921 = arith.constant 16 : i32
            %add3A_1922 = vector.broadcast %add3A_1921 : i32 to vector<16xi32>
            %add3A_1923 = arith.addi %iota3A, %add3A_1922 : vector<16xi32>
            %gather3A_1924 = tpu.vector_load_idx %arg9[%add3A_1923, %broadcast_in_dim3A_1913] : memref<64x64xf32, #tpu.memory_space<vmem>>[vector<16xi32>, vector<16xi32>], vector<16xf32>,
            %swap3A_1925 = arith.index_cast %add3A_1194 : i32 to index
            %swap3A_1926 = arith.constant 16 : index
            %swap3A_1927 = tpu.vector_load %arg10[%swap3A_1925, %swap3A_1926] {strides = array<i32>} : memref<128x128xf32, #tpu.memory_space<vmem>>, vector<16xf32>,
            tpu.vector_store %arg10[%swap3A_1925, %swap3A_1926], %gather3A_1924 {strides = array<i32>} : memref<128x128xf32, #tpu.memory_space<vmem>>, vector<16xf32>,
            %add3A_1928 = arith.constant 32 : i32
            %add3A_1929 = vector.broadcast %add3A_1928 : i32 to vector<16xi32>
            %add3A_1930 = arith.addi %iota3A, %add3A_1929 : vector<16xi32>
            %gather3A_1931 = tpu.vector_load_idx %arg9[%add3A_1930, %broadcast_in_dim3A_1913] : memref<64x64xf32, #tpu.memory_space<vmem>>[vector<16xi32>, vector<16xi32>], vector<16xf32>,
            %swap3A_1932 = arith.index_cast %add3A_1194 : i32 to index
            %swap3A_1933 = arith.constant 32 : index
            %swap3A_1934 = tpu.vector_load %arg10[%swap3A_1932, %swap3A_1933] {strides = array<i32>} : memref<128x128xf32, #tpu.memory_space<vmem>>, vector<16xf32>,
            tpu.vector_store %arg10[%swap3A_1932, %swap3A_1933], %gather3A_1931 {strides = array<i32>} : memref<128x128xf32, #tpu.memory_space<vmem>>, vector<16xf32>,
            %add3A_1935 = arith.constant 48 : i32
            %add3A_1936 = vector.broadcast %add3A_1935 : i32 to vector<16xi32>
            %add3A_1937 = arith.addi %iota3A, %add3A_1936 : vector<16xi32>
            %gather3A_1938 = tpu.vector_load_idx %arg9[%add3A_1937, %broadcast_in_dim3A_1913] : memref<64x64xf32, #tpu.memory_space<vmem>>[vector<16xi32>, vector<16xi32>], vector<16xf32>,
            %swap3A_1939 = arith.index_cast %add3A_1194 : i32 to index
            %swap3A_1940 = arith.constant 48 : index
            %swap3A_1941 = tpu.vector_load %arg10[%swap3A_1939, %swap3A_1940] {strides = array<i32>} : memref<128x128xf32, #tpu.memory_space<vmem>>, vector<16xf32>,
            tpu.vector_store %arg10[%swap3A_1939, %swap3A_1940], %gather3A_1938 {strides = array<i32>} : memref<128x128xf32, #tpu.memory_space<vmem>>, vector<16xf32>,
          } else {
          }
          %slice3A_1205 = vector.extract_strided_slice %get3A_34 {offsets = [6], sizes = [1], strides = [1]} : vector<16xi32> to vector<1xi32>
          %squeeze3A_1206 = vector.extract %slice3A_1205[0] : i32 from vector<1xi32>
          %jit3A_1207 = arith.constant 128 : i32
          %div3A_1208 = arith.divsi %squeeze3A_1206, %jit3A_1207 : i32
          %sign3A_1209 = arith.constant 0 : i32
          %sign3A_1210 = arith.cmpi sgt, %squeeze3A_1206, %sign3A_1209 : i32
          %sign3A_1211 = arith.extui %sign3A_1210 : i1 to i32
          %sign3A_1212 = arith.constant 0 : i32
          %sign3A_1213 = arith.cmpi slt, %squeeze3A_1206, %sign3A_1212 : i32
          %sign3A_1214 = arith.extui %sign3A_1213 : i1 to i32
          %sign3A_1215 = arith.subi %sign3A_1211, %sign3A_1214 : i32
          %sign3A_1216 = arith.constant 0 : i32
          %sign3A_1217 = arith.cmpi sgt, %jit3A_1207, %sign3A_1216 : i32
          %sign3A_1218 = arith.extui %sign3A_1217 : i1 to i32
          %sign3A_1219 = arith.constant 0 : i32
          %sign3A_1220 = arith.cmpi slt, %jit3A_1207, %sign3A_1219 : i32
          %sign3A_1221 = arith.extui %sign3A_1220 : i1 to i32
          %sign3A_1222 = arith.subi %sign3A_1218, %sign3A_1221 : i32
          %ne3A_1223 = arith.cmpi ne, %sign3A_1215, %sign3A_1222 : i32
          %rem3A_1224 = arith.remsi %squeeze3A_1206, %jit3A_1207 : i32
          %ne3A_1225 = arith.constant 0 : i32
          %ne3A_1226 = arith.cmpi ne, %rem3A_1224, %ne3A_1225 : i32
          %and3A_1227 = arith.andi %ne3A_1223, %ne3A_1226 : i1
          %sub3A_1228 = arith.constant 1 : i32
          %sub3A_1229 = arith.subi %div3A_1208, %sub3A_1228 : i32
          %select_n3A_1230 = arith.select %and3A_1227, %sub3A_1229, %div3A_1208 : i32
          %mul3A_1231 = arith.constant 128 : i32
          %mul3A_1232 = arith.muli %select_n3A_1230, %mul3A_1231 : i32
          %mul3A_1233 = arith.constant 16 : i32
          %mul3A_1234 = arith.muli %scan3A_27, %mul3A_1233 : i32
          %add3A_1235 = arith.constant 0 : i32
          %add3A_1236 = arith.addi %mul3A_1234, %add3A_1235 : i32
          %add3A_1237 = arith.constant 6 : i32
          %add3A_1238 = arith.addi %add3A_1236, %add3A_1237 : i32
          %lt3A_1239 = arith.constant 999936 : i32
          %lt3A_1240 = arith.cmpi slt, %squeeze3A_1206, %lt3A_1239 : i32
          %convert_element_type3A_1241 = arith.extui %lt3A_1240 : i1 to i32
          %cond3A_1242 = arith.constant 0 : i32
          %cond3A_1243 = arith.cmpi ne, %convert_element_type3A_1241, %cond3A_1242 : i32
          scf.if %cond3A_1243 {
            %add3A_1909 = arith.constant 768 : i32
            %add3A_1910 = arith.addi %add3A_1909, %squeeze3A_1206 : i32
            %sub3A_1911 = arith.subi %add3A_1910, %mul3A_1232 : i32
            %min3A_1912 = arith.constant 1023 : i32
            %min3A_1913 = arith.minsi %sub3A_1911, %min3A_1912 : i32
            %broadcast_in_dim3A_1914 = vector.broadcast %min3A_1913 : i32 to vector<16xi32>
            %add3A_1915 = arith.constant 0 : i32
            %add3A_1916 = vector.broadcast %add3A_1915 : i32 to vector<16xi32>
            %add3A_1917 = arith.addi %iota3A, %add3A_1916 : vector<16xi32>
            %gather3A_1918 = tpu.vector_load_idx %arg8[%add3A_1917, %broadcast_in_dim3A_1914] : memref<64x1024xf32, #tpu.memory_space<vmem>>[vector<16xi32>, vector<16xi32>], vector<16xf32>,
            %swap3A_1919 = arith.index_cast %add3A_1238 : i32 to index
            %swap3A_1920 = arith.constant 0 : index
            %swap3A_1921 = tpu.vector_load %arg10[%swap3A_1919, %swap3A_1920] {strides = array<i32>} : memref<128x128xf32, #tpu.memory_space<vmem>>, vector<16xf32>,
            tpu.vector_store %arg10[%swap3A_1919, %swap3A_1920], %gather3A_1918 {strides = array<i32>} : memref<128x128xf32, #tpu.memory_space<vmem>>, vector<16xf32>,
            %add3A_1922 = arith.constant 16 : i32
            %add3A_1923 = vector.broadcast %add3A_1922 : i32 to vector<16xi32>
            %add3A_1924 = arith.addi %iota3A, %add3A_1923 : vector<16xi32>
            %gather3A_1925 = tpu.vector_load_idx %arg8[%add3A_1924, %broadcast_in_dim3A_1914] : memref<64x1024xf32, #tpu.memory_space<vmem>>[vector<16xi32>, vector<16xi32>], vector<16xf32>,
            %swap3A_1926 = arith.index_cast %add3A_1238 : i32 to index
            %swap3A_1927 = arith.constant 16 : index
            %swap3A_1928 = tpu.vector_load %arg10[%swap3A_1926, %swap3A_1927] {strides = array<i32>} : memref<128x128xf32, #tpu.memory_space<vmem>>, vector<16xf32>,
            tpu.vector_store %arg10[%swap3A_1926, %swap3A_1927], %gather3A_1925 {strides = array<i32>} : memref<128x128xf32, #tpu.memory_space<vmem>>, vector<16xf32>,
            %add3A_1929 = arith.constant 32 : i32
            %add3A_1930 = vector.broadcast %add3A_1929 : i32 to vector<16xi32>
            %add3A_1931 = arith.addi %iota3A, %add3A_1930 : vector<16xi32>
            %gather3A_1932 = tpu.vector_load_idx %arg8[%add3A_1931, %broadcast_in_dim3A_1914] : memref<64x1024xf32, #tpu.memory_space<vmem>>[vector<16xi32>, vector<16xi32>], vector<16xf32>,
            %swap3A_1933 = arith.index_cast %add3A_1238 : i32 to index
            %swap3A_1934 = arith.constant 32 : index
            %swap3A_1935 = tpu.vector_load %arg10[%swap3A_1933, %swap3A_1934] {strides = array<i32>} : memref<128x128xf32, #tpu.memory_space<vmem>>, vector<16xf32>,
            tpu.vector_store %arg10[%swap3A_1933, %swap3A_1934], %gather3A_1932 {strides = array<i32>} : memref<128x128xf32, #tpu.memory_space<vmem>>, vector<16xf32>,
            %add3A_1936 = arith.constant 48 : i32
            %add3A_1937 = vector.broadcast %add3A_1936 : i32 to vector<16xi32>
            %add3A_1938 = arith.addi %iota3A, %add3A_1937 : vector<16xi32>
            %gather3A_1939 = tpu.vector_load_idx %arg8[%add3A_1938, %broadcast_in_dim3A_1914] : memref<64x1024xf32, #tpu.memory_space<vmem>>[vector<16xi32>, vector<16xi32>], vector<16xf32>,
            %swap3A_1940 = arith.index_cast %add3A_1238 : i32 to index
            %swap3A_1941 = arith.constant 48 : index
            %swap3A_1942 = tpu.vector_load %arg10[%swap3A_1940, %swap3A_1941] {strides = array<i32>} : memref<128x128xf32, #tpu.memory_space<vmem>>, vector<16xf32>,
            tpu.vector_store %arg10[%swap3A_1940, %swap3A_1941], %gather3A_1939 {strides = array<i32>} : memref<128x128xf32, #tpu.memory_space<vmem>>, vector<16xf32>,
          } else {
          }
          %ge3A_1244 = arith.constant 999936 : i32
          %ge3A_1245 = arith.cmpi sge, %squeeze3A_1206, %ge3A_1244 : i32
          %convert_element_type3A_1246 = arith.extui %ge3A_1245 : i1 to i32
          %cond3A_1247 = arith.constant 0 : i32
          %cond3A_1248 = arith.cmpi ne, %convert_element_type3A_1246, %cond3A_1247 : i32
          scf.if %cond3A_1248 {
            %sub3A_1909 = arith.constant 999936 : i32
            %sub3A_1910 = arith.subi %squeeze3A_1206, %sub3A_1909 : i32
            %min3A_1911 = arith.constant 63 : i32
            %min3A_1912 = arith.minsi %sub3A_1910, %min3A_1911 : i32
            %broadcast_in_dim3A_1913 = vector.broadcast %min3A_1912 : i32 to vector<16xi32>
            %add3A_1914 = arith.constant 0 : i32
            %add3A_1915 = vector.broadcast %add3A_1914 : i32 to vector<16xi32>
            %add3A_1916 = arith.addi %iota3A, %add3A_1915 : vector<16xi32>
            %gather3A_1917 = tpu.vector_load_idx %arg9[%add3A_1916, %broadcast_in_dim3A_1913] : memref<64x64xf32, #tpu.memory_space<vmem>>[vector<16xi32>, vector<16xi32>], vector<16xf32>,
            %swap3A_1918 = arith.index_cast %add3A_1238 : i32 to index
            %swap3A_1919 = arith.constant 0 : index
            %swap3A_1920 = tpu.vector_load %arg10[%swap3A_1918, %swap3A_1919] {strides = array<i32>} : memref<128x128xf32, #tpu.memory_space<vmem>>, vector<16xf32>,
            tpu.vector_store %arg10[%swap3A_1918, %swap3A_1919], %gather3A_1917 {strides = array<i32>} : memref<128x128xf32, #tpu.memory_space<vmem>>, vector<16xf32>,
            %add3A_1921 = arith.constant 16 : i32
            %add3A_1922 = vector.broadcast %add3A_1921 : i32 to vector<16xi32>
            %add3A_1923 = arith.addi %iota3A, %add3A_1922 : vector<16xi32>
            %gather3A_1924 = tpu.vector_load_idx %arg9[%add3A_1923, %broadcast_in_dim3A_1913] : memref<64x64xf32, #tpu.memory_space<vmem>>[vector<16xi32>, vector<16xi32>], vector<16xf32>,
            %swap3A_1925 = arith.index_cast %add3A_1238 : i32 to index
            %swap3A_1926 = arith.constant 16 : index
            %swap3A_1927 = tpu.vector_load %arg10[%swap3A_1925, %swap3A_1926] {strides = array<i32>} : memref<128x128xf32, #tpu.memory_space<vmem>>, vector<16xf32>,
            tpu.vector_store %arg10[%swap3A_1925, %swap3A_1926], %gather3A_1924 {strides = array<i32>} : memref<128x128xf32, #tpu.memory_space<vmem>>, vector<16xf32>,
            %add3A_1928 = arith.constant 32 : i32
            %add3A_1929 = vector.broadcast %add3A_1928 : i32 to vector<16xi32>
            %add3A_1930 = arith.addi %iota3A, %add3A_1929 : vector<16xi32>
            %gather3A_1931 = tpu.vector_load_idx %arg9[%add3A_1930, %broadcast_in_dim3A_1913] : memref<64x64xf32, #tpu.memory_space<vmem>>[vector<16xi32>, vector<16xi32>], vector<16xf32>,
            %swap3A_1932 = arith.index_cast %add3A_1238 : i32 to index
            %swap3A_1933 = arith.constant 32 : index
            %swap3A_1934 = tpu.vector_load %arg10[%swap3A_1932, %swap3A_1933] {strides = array<i32>} : memref<128x128xf32, #tpu.memory_space<vmem>>, vector<16xf32>,
            tpu.vector_store %arg10[%swap3A_1932, %swap3A_1933], %gather3A_1931 {strides = array<i32>} : memref<128x128xf32, #tpu.memory_space<vmem>>, vector<16xf32>,
            %add3A_1935 = arith.constant 48 : i32
            %add3A_1936 = vector.broadcast %add3A_1935 : i32 to vector<16xi32>
            %add3A_1937 = arith.addi %iota3A, %add3A_1936 : vector<16xi32>
            %gather3A_1938 = tpu.vector_load_idx %arg9[%add3A_1937, %broadcast_in_dim3A_1913] : memref<64x64xf32, #tpu.memory_space<vmem>>[vector<16xi32>, vector<16xi32>], vector<16xf32>,
            %swap3A_1939 = arith.index_cast %add3A_1238 : i32 to index
            %swap3A_1940 = arith.constant 48 : index
            %swap3A_1941 = tpu.vector_load %arg10[%swap3A_1939, %swap3A_1940] {strides = array<i32>} : memref<128x128xf32, #tpu.memory_space<vmem>>, vector<16xf32>,
            tpu.vector_store %arg10[%swap3A_1939, %swap3A_1940], %gather3A_1938 {strides = array<i32>} : memref<128x128xf32, #tpu.memory_space<vmem>>, vector<16xf32>,
          } else {
          }
          %slice3A_1249 = vector.extract_strided_slice %get3A_34 {offsets = [7], sizes = [1], strides = [1]} : vector<16xi32> to vector<1xi32>
          %squeeze3A_1250 = vector.extract %slice3A_1249[0] : i32 from vector<1xi32>
          %jit3A_1251 = arith.constant 128 : i32
          %div3A_1252 = arith.divsi %squeeze3A_1250, %jit3A_1251 : i32
          %sign3A_1253 = arith.constant 0 : i32
          %sign3A_1254 = arith.cmpi sgt, %squeeze3A_1250, %sign3A_1253 : i32
          %sign3A_1255 = arith.extui %sign3A_1254 : i1 to i32
          %sign3A_1256 = arith.constant 0 : i32
          %sign3A_1257 = arith.cmpi slt, %squeeze3A_1250, %sign3A_1256 : i32
          %sign3A_1258 = arith.extui %sign3A_1257 : i1 to i32
          %sign3A_1259 = arith.subi %sign3A_1255, %sign3A_1258 : i32
          %sign3A_1260 = arith.constant 0 : i32
          %sign3A_1261 = arith.cmpi sgt, %jit3A_1251, %sign3A_1260 : i32
          %sign3A_1262 = arith.extui %sign3A_1261 : i1 to i32
          %sign3A_1263 = arith.constant 0 : i32
          %sign3A_1264 = arith.cmpi slt, %jit3A_1251, %sign3A_1263 : i32
          %sign3A_1265 = arith.extui %sign3A_1264 : i1 to i32
          %sign3A_1266 = arith.subi %sign3A_1262, %sign3A_1265 : i32
          %ne3A_1267 = arith.cmpi ne, %sign3A_1259, %sign3A_1266 : i32
          %rem3A_1268 = arith.remsi %squeeze3A_1250, %jit3A_1251 : i32
          %ne3A_1269 = arith.constant 0 : i32
          %ne3A_1270 = arith.cmpi ne, %rem3A_1268, %ne3A_1269 : i32
          %and3A_1271 = arith.andi %ne3A_1267, %ne3A_1270 : i1
          %sub3A_1272 = arith.constant 1 : i32
          %sub3A_1273 = arith.subi %div3A_1252, %sub3A_1272 : i32
          %select_n3A_1274 = arith.select %and3A_1271, %sub3A_1273, %div3A_1252 : i32
          %mul3A_1275 = arith.constant 128 : i32
          %mul3A_1276 = arith.muli %select_n3A_1274, %mul3A_1275 : i32
          %mul3A_1277 = arith.constant 16 : i32
          %mul3A_1278 = arith.muli %scan3A_27, %mul3A_1277 : i32
          %add3A_1279 = arith.constant 0 : i32
          %add3A_1280 = arith.addi %mul3A_1278, %add3A_1279 : i32
          %add3A_1281 = arith.constant 7 : i32
          %add3A_1282 = arith.addi %add3A_1280, %add3A_1281 : i32
          %lt3A_1283 = arith.constant 999936 : i32
          %lt3A_1284 = arith.cmpi slt, %squeeze3A_1250, %lt3A_1283 : i32
          %convert_element_type3A_1285 = arith.extui %lt3A_1284 : i1 to i32
          %cond3A_1286 = arith.constant 0 : i32
          %cond3A_1287 = arith.cmpi ne, %convert_element_type3A_1285, %cond3A_1286 : i32
          scf.if %cond3A_1287 {
            %add3A_1909 = arith.constant 896 : i32
            %add3A_1910 = arith.addi %add3A_1909, %squeeze3A_1250 : i32
            %sub3A_1911 = arith.subi %add3A_1910, %mul3A_1276 : i32
            %min3A_1912 = arith.constant 1023 : i32
            %min3A_1913 = arith.minsi %sub3A_1911, %min3A_1912 : i32
            %broadcast_in_dim3A_1914 = vector.broadcast %min3A_1913 : i32 to vector<16xi32>
            %add3A_1915 = arith.constant 0 : i32
            %add3A_1916 = vector.broadcast %add3A_1915 : i32 to vector<16xi32>
            %add3A_1917 = arith.addi %iota3A, %add3A_1916 : vector<16xi32>
            %gather3A_1918 = tpu.vector_load_idx %arg8[%add3A_1917, %broadcast_in_dim3A_1914] : memref<64x1024xf32, #tpu.memory_space<vmem>>[vector<16xi32>, vector<16xi32>], vector<16xf32>,
            %swap3A_1919 = arith.index_cast %add3A_1282 : i32 to index
            %swap3A_1920 = arith.constant 0 : index
            %swap3A_1921 = tpu.vector_load %arg10[%swap3A_1919, %swap3A_1920] {strides = array<i32>} : memref<128x128xf32, #tpu.memory_space<vmem>>, vector<16xf32>,
            tpu.vector_store %arg10[%swap3A_1919, %swap3A_1920], %gather3A_1918 {strides = array<i32>} : memref<128x128xf32, #tpu.memory_space<vmem>>, vector<16xf32>,
            %add3A_1922 = arith.constant 16 : i32
            %add3A_1923 = vector.broadcast %add3A_1922 : i32 to vector<16xi32>
            %add3A_1924 = arith.addi %iota3A, %add3A_1923 : vector<16xi32>
            %gather3A_1925 = tpu.vector_load_idx %arg8[%add3A_1924, %broadcast_in_dim3A_1914] : memref<64x1024xf32, #tpu.memory_space<vmem>>[vector<16xi32>, vector<16xi32>], vector<16xf32>,
            %swap3A_1926 = arith.index_cast %add3A_1282 : i32 to index
            %swap3A_1927 = arith.constant 16 : index
            %swap3A_1928 = tpu.vector_load %arg10[%swap3A_1926, %swap3A_1927] {strides = array<i32>} : memref<128x128xf32, #tpu.memory_space<vmem>>, vector<16xf32>,
            tpu.vector_store %arg10[%swap3A_1926, %swap3A_1927], %gather3A_1925 {strides = array<i32>} : memref<128x128xf32, #tpu.memory_space<vmem>>, vector<16xf32>,
            %add3A_1929 = arith.constant 32 : i32
            %add3A_1930 = vector.broadcast %add3A_1929 : i32 to vector<16xi32>
            %add3A_1931 = arith.addi %iota3A, %add3A_1930 : vector<16xi32>
            %gather3A_1932 = tpu.vector_load_idx %arg8[%add3A_1931, %broadcast_in_dim3A_1914] : memref<64x1024xf32, #tpu.memory_space<vmem>>[vector<16xi32>, vector<16xi32>], vector<16xf32>,
            %swap3A_1933 = arith.index_cast %add3A_1282 : i32 to index
            %swap3A_1934 = arith.constant 32 : index
            %swap3A_1935 = tpu.vector_load %arg10[%swap3A_1933, %swap3A_1934] {strides = array<i32>} : memref<128x128xf32, #tpu.memory_space<vmem>>, vector<16xf32>,
            tpu.vector_store %arg10[%swap3A_1933, %swap3A_1934], %gather3A_1932 {strides = array<i32>} : memref<128x128xf32, #tpu.memory_space<vmem>>, vector<16xf32>,
            %add3A_1936 = arith.constant 48 : i32
            %add3A_1937 = vector.broadcast %add3A_1936 : i32 to vector<16xi32>
            %add3A_1938 = arith.addi %iota3A, %add3A_1937 : vector<16xi32>
            %gather3A_1939 = tpu.vector_load_idx %arg8[%add3A_1938, %broadcast_in_dim3A_1914] : memref<64x1024xf32, #tpu.memory_space<vmem>>[vector<16xi32>, vector<16xi32>], vector<16xf32>,
            %swap3A_1940 = arith.index_cast %add3A_1282 : i32 to index
            %swap3A_1941 = arith.constant 48 : index
            %swap3A_1942 = tpu.vector_load %arg10[%swap3A_1940, %swap3A_1941] {strides = array<i32>} : memref<128x128xf32, #tpu.memory_space<vmem>>, vector<16xf32>,
            tpu.vector_store %arg10[%swap3A_1940, %swap3A_1941], %gather3A_1939 {strides = array<i32>} : memref<128x128xf32, #tpu.memory_space<vmem>>, vector<16xf32>,
          } else {
          }
          %ge3A_1288 = arith.constant 999936 : i32
          %ge3A_1289 = arith.cmpi sge, %squeeze3A_1250, %ge3A_1288 : i32
          %convert_element_type3A_1290 = arith.extui %ge3A_1289 : i1 to i32
          %cond3A_1291 = arith.constant 0 : i32
          %cond3A_1292 = arith.cmpi ne, %convert_element_type3A_1290, %cond3A_1291 : i32
          scf.if %cond3A_1292 {
            %sub3A_1909 = arith.constant 999936 : i32
            %sub3A_1910 = arith.subi %squeeze3A_1250, %sub3A_1909 : i32
            %min3A_1911 = arith.constant 63 : i32
            %min3A_1912 = arith.minsi %sub3A_1910, %min3A_1911 : i32
            %broadcast_in_dim3A_1913 = vector.broadcast %min3A_1912 : i32 to vector<16xi32>
            %add3A_1914 = arith.constant 0 : i32
            %add3A_1915 = vector.broadcast %add3A_1914 : i32 to vector<16xi32>
            %add3A_1916 = arith.addi %iota3A, %add3A_1915 : vector<16xi32>
            %gather3A_1917 = tpu.vector_load_idx %arg9[%add3A_1916, %broadcast_in_dim3A_1913] : memref<64x64xf32, #tpu.memory_space<vmem>>[vector<16xi32>, vector<16xi32>], vector<16xf32>,
            %swap3A_1918 = arith.index_cast %add3A_1282 : i32 to index
            %swap3A_1919 = arith.constant 0 : index
            %swap3A_1920 = tpu.vector_load %arg10[%swap3A_1918, %swap3A_1919] {strides = array<i32>} : memref<128x128xf32, #tpu.memory_space<vmem>>, vector<16xf32>,
            tpu.vector_store %arg10[%swap3A_1918, %swap3A_1919], %gather3A_1917 {strides = array<i32>} : memref<128x128xf32, #tpu.memory_space<vmem>>, vector<16xf32>,
            %add3A_1921 = arith.constant 16 : i32
            %add3A_1922 = vector.broadcast %add3A_1921 : i32 to vector<16xi32>
            %add3A_1923 = arith.addi %iota3A, %add3A_1922 : vector<16xi32>
            %gather3A_1924 = tpu.vector_load_idx %arg9[%add3A_1923, %broadcast_in_dim3A_1913] : memref<64x64xf32, #tpu.memory_space<vmem>>[vector<16xi32>, vector<16xi32>], vector<16xf32>,
            %swap3A_1925 = arith.index_cast %add3A_1282 : i32 to index
            %swap3A_1926 = arith.constant 16 : index
            %swap3A_1927 = tpu.vector_load %arg10[%swap3A_1925, %swap3A_1926] {strides = array<i32>} : memref<128x128xf32, #tpu.memory_space<vmem>>, vector<16xf32>,
            tpu.vector_store %arg10[%swap3A_1925, %swap3A_1926], %gather3A_1924 {strides = array<i32>} : memref<128x128xf32, #tpu.memory_space<vmem>>, vector<16xf32>,
            %add3A_1928 = arith.constant 32 : i32
            %add3A_1929 = vector.broadcast %add3A_1928 : i32 to vector<16xi32>
            %add3A_1930 = arith.addi %iota3A, %add3A_1929 : vector<16xi32>
            %gather3A_1931 = tpu.vector_load_idx %arg9[%add3A_1930, %broadcast_in_dim3A_1913] : memref<64x64xf32, #tpu.memory_space<vmem>>[vector<16xi32>, vector<16xi32>], vector<16xf32>,
            %swap3A_1932 = arith.index_cast %add3A_1282 : i32 to index
            %swap3A_1933 = arith.constant 32 : index
            %swap3A_1934 = tpu.vector_load %arg10[%swap3A_1932, %swap3A_1933] {strides = array<i32>} : memref<128x128xf32, #tpu.memory_space<vmem>>, vector<16xf32>,
            tpu.vector_store %arg10[%swap3A_1932, %swap3A_1933], %gather3A_1931 {strides = array<i32>} : memref<128x128xf32, #tpu.memory_space<vmem>>, vector<16xf32>,
            %add3A_1935 = arith.constant 48 : i32
            %add3A_1936 = vector.broadcast %add3A_1935 : i32 to vector<16xi32>
            %add3A_1937 = arith.addi %iota3A, %add3A_1936 : vector<16xi32>
            %gather3A_1938 = tpu.vector_load_idx %arg9[%add3A_1937, %broadcast_in_dim3A_1913] : memref<64x64xf32, #tpu.memory_space<vmem>>[vector<16xi32>, vector<16xi32>], vector<16xf32>,
            %swap3A_1939 = arith.index_cast %add3A_1282 : i32 to index
            %swap3A_1940 = arith.constant 48 : index
            %swap3A_1941 = tpu.vector_load %arg10[%swap3A_1939, %swap3A_1940] {strides = array<i32>} : memref<128x128xf32, #tpu.memory_space<vmem>>, vector<16xf32>,
            tpu.vector_store %arg10[%swap3A_1939, %swap3A_1940], %gather3A_1938 {strides = array<i32>} : memref<128x128xf32, #tpu.memory_space<vmem>>, vector<16xf32>,
          } else {
          }
          %slice3A_1293 = vector.extract_strided_slice %get3A_34 {offsets = [8], sizes = [1], strides = [1]} : vector<16xi32> to vector<1xi32>
          %squeeze3A_1294 = vector.extract %slice3A_1293[0] : i32 from vector<1xi32>
          %jit3A_1295 = arith.constant 128 : i32
          %div3A_1296 = arith.divsi %squeeze3A_1294, %jit3A_1295 : i32
          %sign3A_1297 = arith.constant 0 : i32
          %sign3A_1298 = arith.cmpi sgt, %squeeze3A_1294, %sign3A_1297 : i32
          %sign3A_1299 = arith.extui %sign3A_1298 : i1 to i32
          %sign3A_1300 = arith.constant 0 : i32
          %sign3A_1301 = arith.cmpi slt, %squeeze3A_1294, %sign3A_1300 : i32
          %sign3A_1302 = arith.extui %sign3A_1301 : i1 to i32
          %sign3A_1303 = arith.subi %sign3A_1299, %sign3A_1302 : i32
          %sign3A_1304 = arith.constant 0 : i32
          %sign3A_1305 = arith.cmpi sgt, %jit3A_1295, %sign3A_1304 : i32
          %sign3A_1306 = arith.extui %sign3A_1305 : i1 to i32
          %sign3A_1307 = arith.constant 0 : i32
          %sign3A_1308 = arith.cmpi slt, %jit3A_1295, %sign3A_1307 : i32
          %sign3A_1309 = arith.extui %sign3A_1308 : i1 to i32
          %sign3A_1310 = arith.subi %sign3A_1306, %sign3A_1309 : i32
          %ne3A_1311 = arith.cmpi ne, %sign3A_1303, %sign3A_1310 : i32
          %rem3A_1312 = arith.remsi %squeeze3A_1294, %jit3A_1295 : i32
          %ne3A_1313 = arith.constant 0 : i32
          %ne3A_1314 = arith.cmpi ne, %rem3A_1312, %ne3A_1313 : i32
          %and3A_1315 = arith.andi %ne3A_1311, %ne3A_1314 : i1
          %sub3A_1316 = arith.constant 1 : i32
          %sub3A_1317 = arith.subi %div3A_1296, %sub3A_1316 : i32
          %select_n3A_1318 = arith.select %and3A_1315, %sub3A_1317, %div3A_1296 : i32
          %mul3A_1319 = arith.constant 128 : i32
          %mul3A_1320 = arith.muli %select_n3A_1318, %mul3A_1319 : i32
          %lt3A_1321 = arith.constant 999936 : i32
          %lt3A_1322 = arith.cmpi slt, %mul3A_1320, %lt3A_1321 : i32
          %convert_element_type3A_1323 = arith.extui %lt3A_1322 : i1 to i32
          %cond3A_1324 = arith.constant 0 : i32
          %cond3A_1325 = arith.cmpi ne, %convert_element_type3A_1323, %cond3A_1324 : i32
          scf.if %cond3A_1325 {
            %dma_start3A_1909 = arith.constant 0 : i32
            %dma_start3A_1910 = arith.constant 0 : i32
            %dma_start3A_1911 = tpu.memref_slice %arg8[%dma_start3A_1909, %dma_start3A_1910] : memref<64x1024xf32, #tpu.memory_space<vmem>> -> memref<64x128xf32, #tpu.memory_space<vmem>>
            %dma_start3A_1912 = arith.constant 0 : i32
            %dma_start3A_1913 = tpu.memref_slice %arg4[%dma_start3A_1912, %mul3A_1320] : memref<64x1000000xf32, #tpu.memory_space<hbm>> -> memref<64x128xf32, #tpu.memory_space<hbm>>
            %dma_start3A_1914 = arith.constant 0 : i32
            %dma_start3A_1915 = arith.constant 0 : i32
            %dma_start3A_1916 = tpu.memref_slice %arg8[%dma_start3A_1914, %dma_start3A_1915] : memref<64x1024xf32, #tpu.memory_space<vmem>> -> memref<64x128xf32, #tpu.memory_space<vmem>>
            %dma_start3A_1917 = arith.constant 0 : i32
            %dma_start3A_1918 = tpu.memref_slice %arg4[%dma_start3A_1917, %mul3A_1320] : memref<64x1000000xf32, #tpu.memory_space<hbm>> -> memref<64x128xf32, #tpu.memory_space<hbm>>
            tpu.enqueue_dma source(%dma_start3A_1918 : memref<64x128xf32, #tpu.memory_space<hbm>>) target(%dma_start3A_1916 : memref<64x128xf32, #tpu.memory_space<vmem>>) target_semaphore(%arg11 : memref<!tpu.dma_semaphore, #tpu.memory_space<semaphore_mem>>)
            %dma_wait3A_1919 = arith.constant 0 : i32
            %dma_wait3A_1920 = arith.constant 0 : i32
            %dma_wait3A_1921 = tpu.memref_slice %arg8[%dma_wait3A_1919, %dma_wait3A_1920] : memref<64x1024xf32, #tpu.memory_space<vmem>> -> memref<64x128xf32, #tpu.memory_space<vmem>>
            %dma_wait3A_1922 = arith.constant 0 : i32
            %dma_wait3A_1923 = tpu.memref_slice %arg4[%dma_wait3A_1922, %mul3A_1320] : memref<64x1000000xf32, #tpu.memory_space<hbm>> -> memref<64x128xf32, #tpu.memory_space<hbm>>
            %dma_wait3A_1924 = arith.constant 0 : i32
            %dma_wait3A_1925 = arith.constant 0 : i32
            %dma_wait3A_1926 = tpu.memref_slice %arg8[%dma_wait3A_1924, %dma_wait3A_1925] : memref<64x1024xf32, #tpu.memory_space<vmem>> -> memref<64x128xf32, #tpu.memory_space<vmem>>
            %dma_wait3A_1927 = arith.constant 0 : i32
            %dma_wait3A_1928 = tpu.memref_slice %arg4[%dma_wait3A_1927, %mul3A_1320] : memref<64x1000000xf32, #tpu.memory_space<hbm>> -> memref<64x128xf32, #tpu.memory_space<hbm>>
            tpu.wait_dma2 semaphore(%arg11 : memref<!tpu.dma_semaphore, #tpu.memory_space<semaphore_mem>>) src(%dma_wait3A_1928 : memref<64x128xf32, #tpu.memory_space<hbm>>) dst(%dma_wait3A_1926 : memref<64x128xf32, #tpu.memory_space<vmem>>)
          } else {
          }
          %slice3A_1326 = vector.extract_strided_slice %get3A_34 {offsets = [9], sizes = [1], strides = [1]} : vector<16xi32> to vector<1xi32>
          %squeeze3A_1327 = vector.extract %slice3A_1326[0] : i32 from vector<1xi32>
          %jit3A_1328 = arith.constant 128 : i32
          %div3A_1329 = arith.divsi %squeeze3A_1327, %jit3A_1328 : i32
          %sign3A_1330 = arith.constant 0 : i32
          %sign3A_1331 = arith.cmpi sgt, %squeeze3A_1327, %sign3A_1330 : i32
          %sign3A_1332 = arith.extui %sign3A_1331 : i1 to i32
          %sign3A_1333 = arith.constant 0 : i32
          %sign3A_1334 = arith.cmpi slt, %squeeze3A_1327, %sign3A_1333 : i32
          %sign3A_1335 = arith.extui %sign3A_1334 : i1 to i32
          %sign3A_1336 = arith.subi %sign3A_1332, %sign3A_1335 : i32
          %sign3A_1337 = arith.constant 0 : i32
          %sign3A_1338 = arith.cmpi sgt, %jit3A_1328, %sign3A_1337 : i32
          %sign3A_1339 = arith.extui %sign3A_1338 : i1 to i32
          %sign3A_1340 = arith.constant 0 : i32
          %sign3A_1341 = arith.cmpi slt, %jit3A_1328, %sign3A_1340 : i32
          %sign3A_1342 = arith.extui %sign3A_1341 : i1 to i32
          %sign3A_1343 = arith.subi %sign3A_1339, %sign3A_1342 : i32
          %ne3A_1344 = arith.cmpi ne, %sign3A_1336, %sign3A_1343 : i32
          %rem3A_1345 = arith.remsi %squeeze3A_1327, %jit3A_1328 : i32
          %ne3A_1346 = arith.constant 0 : i32
          %ne3A_1347 = arith.cmpi ne, %rem3A_1345, %ne3A_1346 : i32
          %and3A_1348 = arith.andi %ne3A_1344, %ne3A_1347 : i1
          %sub3A_1349 = arith.constant 1 : i32
          %sub3A_1350 = arith.subi %div3A_1329, %sub3A_1349 : i32
          %select_n3A_1351 = arith.select %and3A_1348, %sub3A_1350, %div3A_1329 : i32
          %mul3A_1352 = arith.constant 128 : i32
          %mul3A_1353 = arith.muli %select_n3A_1351, %mul3A_1352 : i32
          %lt3A_1354 = arith.constant 999936 : i32
          %lt3A_1355 = arith.cmpi slt, %mul3A_1353, %lt3A_1354 : i32
          %convert_element_type3A_1356 = arith.extui %lt3A_1355 : i1 to i32
          %cond3A_1357 = arith.constant 0 : i32
          %cond3A_1358 = arith.cmpi ne, %convert_element_type3A_1356, %cond3A_1357 : i32
          scf.if %cond3A_1358 {
            %dma_start3A_1909 = arith.constant 0 : i32
            %dma_start3A_1910 = arith.constant 128 : i32
            %dma_start3A_1911 = tpu.memref_slice %arg8[%dma_start3A_1909, %dma_start3A_1910] : memref<64x1024xf32, #tpu.memory_space<vmem>> -> memref<64x128xf32, #tpu.memory_space<vmem>>
            %dma_start3A_1912 = arith.constant 0 : i32
            %dma_start3A_1913 = tpu.memref_slice %arg4[%dma_start3A_1912, %mul3A_1353] : memref<64x1000000xf32, #tpu.memory_space<hbm>> -> memref<64x128xf32, #tpu.memory_space<hbm>>
            %dma_start3A_1914 = arith.constant 0 : i32
            %dma_start3A_1915 = arith.constant 128 : i32
            %dma_start3A_1916 = tpu.memref_slice %arg8[%dma_start3A_1914, %dma_start3A_1915] : memref<64x1024xf32, #tpu.memory_space<vmem>> -> memref<64x128xf32, #tpu.memory_space<vmem>>
            %dma_start3A_1917 = arith.constant 0 : i32
            %dma_start3A_1918 = tpu.memref_slice %arg4[%dma_start3A_1917, %mul3A_1353] : memref<64x1000000xf32, #tpu.memory_space<hbm>> -> memref<64x128xf32, #tpu.memory_space<hbm>>
            tpu.enqueue_dma source(%dma_start3A_1918 : memref<64x128xf32, #tpu.memory_space<hbm>>) target(%dma_start3A_1916 : memref<64x128xf32, #tpu.memory_space<vmem>>) target_semaphore(%arg11 : memref<!tpu.dma_semaphore, #tpu.memory_space<semaphore_mem>>)
            %dma_wait3A_1919 = arith.constant 0 : i32
            %dma_wait3A_1920 = arith.constant 128 : i32
            %dma_wait3A_1921 = tpu.memref_slice %arg8[%dma_wait3A_1919, %dma_wait3A_1920] : memref<64x1024xf32, #tpu.memory_space<vmem>> -> memref<64x128xf32, #tpu.memory_space<vmem>>
            %dma_wait3A_1922 = arith.constant 0 : i32
            %dma_wait3A_1923 = tpu.memref_slice %arg4[%dma_wait3A_1922, %mul3A_1353] : memref<64x1000000xf32, #tpu.memory_space<hbm>> -> memref<64x128xf32, #tpu.memory_space<hbm>>
            %dma_wait3A_1924 = arith.constant 0 : i32
            %dma_wait3A_1925 = arith.constant 128 : i32
            %dma_wait3A_1926 = tpu.memref_slice %arg8[%dma_wait3A_1924, %dma_wait3A_1925] : memref<64x1024xf32, #tpu.memory_space<vmem>> -> memref<64x128xf32, #tpu.memory_space<vmem>>
            %dma_wait3A_1927 = arith.constant 0 : i32
            %dma_wait3A_1928 = tpu.memref_slice %arg4[%dma_wait3A_1927, %mul3A_1353] : memref<64x1000000xf32, #tpu.memory_space<hbm>> -> memref<64x128xf32, #tpu.memory_space<hbm>>
            tpu.wait_dma2 semaphore(%arg11 : memref<!tpu.dma_semaphore, #tpu.memory_space<semaphore_mem>>) src(%dma_wait3A_1928 : memref<64x128xf32, #tpu.memory_space<hbm>>) dst(%dma_wait3A_1926 : memref<64x128xf32, #tpu.memory_space<vmem>>)
          } else {
          }
          %slice3A_1359 = vector.extract_strided_slice %get3A_34 {offsets = [10], sizes = [1], strides = [1]} : vector<16xi32> to vector<1xi32>
          %squeeze3A_1360 = vector.extract %slice3A_1359[0] : i32 from vector<1xi32>
          %jit3A_1361 = arith.constant 128 : i32
          %div3A_1362 = arith.divsi %squeeze3A_1360, %jit3A_1361 : i32
          %sign3A_1363 = arith.constant 0 : i32
          %sign3A_1364 = arith.cmpi sgt, %squeeze3A_1360, %sign3A_1363 : i32
          %sign3A_1365 = arith.extui %sign3A_1364 : i1 to i32
          %sign3A_1366 = arith.constant 0 : i32
          %sign3A_1367 = arith.cmpi slt, %squeeze3A_1360, %sign3A_1366 : i32
          %sign3A_1368 = arith.extui %sign3A_1367 : i1 to i32
          %sign3A_1369 = arith.subi %sign3A_1365, %sign3A_1368 : i32
          %sign3A_1370 = arith.constant 0 : i32
          %sign3A_1371 = arith.cmpi sgt, %jit3A_1361, %sign3A_1370 : i32
          %sign3A_1372 = arith.extui %sign3A_1371 : i1 to i32
          %sign3A_1373 = arith.constant 0 : i32
          %sign3A_1374 = arith.cmpi slt, %jit3A_1361, %sign3A_1373 : i32
          %sign3A_1375 = arith.extui %sign3A_1374 : i1 to i32
          %sign3A_1376 = arith.subi %sign3A_1372, %sign3A_1375 : i32
          %ne3A_1377 = arith.cmpi ne, %sign3A_1369, %sign3A_1376 : i32
          %rem3A_1378 = arith.remsi %squeeze3A_1360, %jit3A_1361 : i32
          %ne3A_1379 = arith.constant 0 : i32
          %ne3A_1380 = arith.cmpi ne, %rem3A_1378, %ne3A_1379 : i32
          %and3A_1381 = arith.andi %ne3A_1377, %ne3A_1380 : i1
          %sub3A_1382 = arith.constant 1 : i32
          %sub3A_1383 = arith.subi %div3A_1362, %sub3A_1382 : i32
          %select_n3A_1384 = arith.select %and3A_1381, %sub3A_1383, %div3A_1362 : i32
          %mul3A_1385 = arith.constant 128 : i32
          %mul3A_1386 = arith.muli %select_n3A_1384, %mul3A_1385 : i32
          %lt3A_1387 = arith.constant 999936 : i32
          %lt3A_1388 = arith.cmpi slt, %mul3A_1386, %lt3A_1387 : i32
          %convert_element_type3A_1389 = arith.extui %lt3A_1388 : i1 to i32
          %cond3A_1390 = arith.constant 0 : i32
          %cond3A_1391 = arith.cmpi ne, %convert_element_type3A_1389, %cond3A_1390 : i32
          scf.if %cond3A_1391 {
            %dma_start3A_1909 = arith.constant 0 : i32
            %dma_start3A_1910 = arith.constant 256 : i32
            %dma_start3A_1911 = tpu.memref_slice %arg8[%dma_start3A_1909, %dma_start3A_1910] : memref<64x1024xf32, #tpu.memory_space<vmem>> -> memref<64x128xf32, #tpu.memory_space<vmem>>
            %dma_start3A_1912 = arith.constant 0 : i32
            %dma_start3A_1913 = tpu.memref_slice %arg4[%dma_start3A_1912, %mul3A_1386] : memref<64x1000000xf32, #tpu.memory_space<hbm>> -> memref<64x128xf32, #tpu.memory_space<hbm>>
            %dma_start3A_1914 = arith.constant 0 : i32
            %dma_start3A_1915 = arith.constant 256 : i32
            %dma_start3A_1916 = tpu.memref_slice %arg8[%dma_start3A_1914, %dma_start3A_1915] : memref<64x1024xf32, #tpu.memory_space<vmem>> -> memref<64x128xf32, #tpu.memory_space<vmem>>
            %dma_start3A_1917 = arith.constant 0 : i32
            %dma_start3A_1918 = tpu.memref_slice %arg4[%dma_start3A_1917, %mul3A_1386] : memref<64x1000000xf32, #tpu.memory_space<hbm>> -> memref<64x128xf32, #tpu.memory_space<hbm>>
            tpu.enqueue_dma source(%dma_start3A_1918 : memref<64x128xf32, #tpu.memory_space<hbm>>) target(%dma_start3A_1916 : memref<64x128xf32, #tpu.memory_space<vmem>>) target_semaphore(%arg11 : memref<!tpu.dma_semaphore, #tpu.memory_space<semaphore_mem>>)
            %dma_wait3A_1919 = arith.constant 0 : i32
            %dma_wait3A_1920 = arith.constant 256 : i32
            %dma_wait3A_1921 = tpu.memref_slice %arg8[%dma_wait3A_1919, %dma_wait3A_1920] : memref<64x1024xf32, #tpu.memory_space<vmem>> -> memref<64x128xf32, #tpu.memory_space<vmem>>
            %dma_wait3A_1922 = arith.constant 0 : i32
            %dma_wait3A_1923 = tpu.memref_slice %arg4[%dma_wait3A_1922, %mul3A_1386] : memref<64x1000000xf32, #tpu.memory_space<hbm>> -> memref<64x128xf32, #tpu.memory_space<hbm>>
            %dma_wait3A_1924 = arith.constant 0 : i32
            %dma_wait3A_1925 = arith.constant 256 : i32
            %dma_wait3A_1926 = tpu.memref_slice %arg8[%dma_wait3A_1924, %dma_wait3A_1925] : memref<64x1024xf32, #tpu.memory_space<vmem>> -> memref<64x128xf32, #tpu.memory_space<vmem>>
            %dma_wait3A_1927 = arith.constant 0 : i32
            %dma_wait3A_1928 = tpu.memref_slice %arg4[%dma_wait3A_1927, %mul3A_1386] : memref<64x1000000xf32, #tpu.memory_space<hbm>> -> memref<64x128xf32, #tpu.memory_space<hbm>>
            tpu.wait_dma2 semaphore(%arg11 : memref<!tpu.dma_semaphore, #tpu.memory_space<semaphore_mem>>) src(%dma_wait3A_1928 : memref<64x128xf32, #tpu.memory_space<hbm>>) dst(%dma_wait3A_1926 : memref<64x128xf32, #tpu.memory_space<vmem>>)
          } else {
          }
          %slice3A_1392 = vector.extract_strided_slice %get3A_34 {offsets = [11], sizes = [1], strides = [1]} : vector<16xi32> to vector<1xi32>
          %squeeze3A_1393 = vector.extract %slice3A_1392[0] : i32 from vector<1xi32>
          %jit3A_1394 = arith.constant 128 : i32
          %div3A_1395 = arith.divsi %squeeze3A_1393, %jit3A_1394 : i32
          %sign3A_1396 = arith.constant 0 : i32
          %sign3A_1397 = arith.cmpi sgt, %squeeze3A_1393, %sign3A_1396 : i32
          %sign3A_1398 = arith.extui %sign3A_1397 : i1 to i32
          %sign3A_1399 = arith.constant 0 : i32
          %sign3A_1400 = arith.cmpi slt, %squeeze3A_1393, %sign3A_1399 : i32
          %sign3A_1401 = arith.extui %sign3A_1400 : i1 to i32
          %sign3A_1402 = arith.subi %sign3A_1398, %sign3A_1401 : i32
          %sign3A_1403 = arith.constant 0 : i32
          %sign3A_1404 = arith.cmpi sgt, %jit3A_1394, %sign3A_1403 : i32
          %sign3A_1405 = arith.extui %sign3A_1404 : i1 to i32
          %sign3A_1406 = arith.constant 0 : i32
          %sign3A_1407 = arith.cmpi slt, %jit3A_1394, %sign3A_1406 : i32
          %sign3A_1408 = arith.extui %sign3A_1407 : i1 to i32
          %sign3A_1409 = arith.subi %sign3A_1405, %sign3A_1408 : i32
          %ne3A_1410 = arith.cmpi ne, %sign3A_1402, %sign3A_1409 : i32
          %rem3A_1411 = arith.remsi %squeeze3A_1393, %jit3A_1394 : i32
          %ne3A_1412 = arith.constant 0 : i32
          %ne3A_1413 = arith.cmpi ne, %rem3A_1411, %ne3A_1412 : i32
          %and3A_1414 = arith.andi %ne3A_1410, %ne3A_1413 : i1
          %sub3A_1415 = arith.constant 1 : i32
          %sub3A_1416 = arith.subi %div3A_1395, %sub3A_1415 : i32
          %select_n3A_1417 = arith.select %and3A_1414, %sub3A_1416, %div3A_1395 : i32
          %mul3A_1418 = arith.constant 128 : i32
          %mul3A_1419 = arith.muli %select_n3A_1417, %mul3A_1418 : i32
          %lt3A_1420 = arith.constant 999936 : i32
          %lt3A_1421 = arith.cmpi slt, %mul3A_1419, %lt3A_1420 : i32
          %convert_element_type3A_1422 = arith.extui %lt3A_1421 : i1 to i32
          %cond3A_1423 = arith.constant 0 : i32
          %cond3A_1424 = arith.cmpi ne, %convert_element_type3A_1422, %cond3A_1423 : i32
          scf.if %cond3A_1424 {
            %dma_start3A_1909 = arith.constant 0 : i32
            %dma_start3A_1910 = arith.constant 384 : i32
            %dma_start3A_1911 = tpu.memref_slice %arg8[%dma_start3A_1909, %dma_start3A_1910] : memref<64x1024xf32, #tpu.memory_space<vmem>> -> memref<64x128xf32, #tpu.memory_space<vmem>>
            %dma_start3A_1912 = arith.constant 0 : i32
            %dma_start3A_1913 = tpu.memref_slice %arg4[%dma_start3A_1912, %mul3A_1419] : memref<64x1000000xf32, #tpu.memory_space<hbm>> -> memref<64x128xf32, #tpu.memory_space<hbm>>
            %dma_start3A_1914 = arith.constant 0 : i32
            %dma_start3A_1915 = arith.constant 384 : i32
            %dma_start3A_1916 = tpu.memref_slice %arg8[%dma_start3A_1914, %dma_start3A_1915] : memref<64x1024xf32, #tpu.memory_space<vmem>> -> memref<64x128xf32, #tpu.memory_space<vmem>>
            %dma_start3A_1917 = arith.constant 0 : i32
            %dma_start3A_1918 = tpu.memref_slice %arg4[%dma_start3A_1917, %mul3A_1419] : memref<64x1000000xf32, #tpu.memory_space<hbm>> -> memref<64x128xf32, #tpu.memory_space<hbm>>
            tpu.enqueue_dma source(%dma_start3A_1918 : memref<64x128xf32, #tpu.memory_space<hbm>>) target(%dma_start3A_1916 : memref<64x128xf32, #tpu.memory_space<vmem>>) target_semaphore(%arg11 : memref<!tpu.dma_semaphore, #tpu.memory_space<semaphore_mem>>)
            %dma_wait3A_1919 = arith.constant 0 : i32
            %dma_wait3A_1920 = arith.constant 384 : i32
            %dma_wait3A_1921 = tpu.memref_slice %arg8[%dma_wait3A_1919, %dma_wait3A_1920] : memref<64x1024xf32, #tpu.memory_space<vmem>> -> memref<64x128xf32, #tpu.memory_space<vmem>>
            %dma_wait3A_1922 = arith.constant 0 : i32
            %dma_wait3A_1923 = tpu.memref_slice %arg4[%dma_wait3A_1922, %mul3A_1419] : memref<64x1000000xf32, #tpu.memory_space<hbm>> -> memref<64x128xf32, #tpu.memory_space<hbm>>
            %dma_wait3A_1924 = arith.constant 0 : i32
            %dma_wait3A_1925 = arith.constant 384 : i32
            %dma_wait3A_1926 = tpu.memref_slice %arg8[%dma_wait3A_1924, %dma_wait3A_1925] : memref<64x1024xf32, #tpu.memory_space<vmem>> -> memref<64x128xf32, #tpu.memory_space<vmem>>
            %dma_wait3A_1927 = arith.constant 0 : i32
            %dma_wait3A_1928 = tpu.memref_slice %arg4[%dma_wait3A_1927, %mul3A_1419] : memref<64x1000000xf32, #tpu.memory_space<hbm>> -> memref<64x128xf32, #tpu.memory_space<hbm>>
            tpu.wait_dma2 semaphore(%arg11 : memref<!tpu.dma_semaphore, #tpu.memory_space<semaphore_mem>>) src(%dma_wait3A_1928 : memref<64x128xf32, #tpu.memory_space<hbm>>) dst(%dma_wait3A_1926 : memref<64x128xf32, #tpu.memory_space<vmem>>)
          } else {
          }
          %slice3A_1425 = vector.extract_strided_slice %get3A_34 {offsets = [12], sizes = [1], strides = [1]} : vector<16xi32> to vector<1xi32>
          %squeeze3A_1426 = vector.extract %slice3A_1425[0] : i32 from vector<1xi32>
          %jit3A_1427 = arith.constant 128 : i32
          %div3A_1428 = arith.divsi %squeeze3A_1426, %jit3A_1427 : i32
          %sign3A_1429 = arith.constant 0 : i32
          %sign3A_1430 = arith.cmpi sgt, %squeeze3A_1426, %sign3A_1429 : i32
          %sign3A_1431 = arith.extui %sign3A_1430 : i1 to i32
          %sign3A_1432 = arith.constant 0 : i32
          %sign3A_1433 = arith.cmpi slt, %squeeze3A_1426, %sign3A_1432 : i32
          %sign3A_1434 = arith.extui %sign3A_1433 : i1 to i32
          %sign3A_1435 = arith.subi %sign3A_1431, %sign3A_1434 : i32
          %sign3A_1436 = arith.constant 0 : i32
          %sign3A_1437 = arith.cmpi sgt, %jit3A_1427, %sign3A_1436 : i32
          %sign3A_1438 = arith.extui %sign3A_1437 : i1 to i32
          %sign3A_1439 = arith.constant 0 : i32
          %sign3A_1440 = arith.cmpi slt, %jit3A_1427, %sign3A_1439 : i32
          %sign3A_1441 = arith.extui %sign3A_1440 : i1 to i32
          %sign3A_1442 = arith.subi %sign3A_1438, %sign3A_1441 : i32
          %ne3A_1443 = arith.cmpi ne, %sign3A_1435, %sign3A_1442 : i32
          %rem3A_1444 = arith.remsi %squeeze3A_1426, %jit3A_1427 : i32
          %ne3A_1445 = arith.constant 0 : i32
          %ne3A_1446 = arith.cmpi ne, %rem3A_1444, %ne3A_1445 : i32
          %and3A_1447 = arith.andi %ne3A_1443, %ne3A_1446 : i1
          %sub3A_1448 = arith.constant 1 : i32
          %sub3A_1449 = arith.subi %div3A_1428, %sub3A_1448 : i32
          %select_n3A_1450 = arith.select %and3A_1447, %sub3A_1449, %div3A_1428 : i32
          %mul3A_1451 = arith.constant 128 : i32
          %mul3A_1452 = arith.muli %select_n3A_1450, %mul3A_1451 : i32
          %lt3A_1453 = arith.constant 999936 : i32
          %lt3A_1454 = arith.cmpi slt, %mul3A_1452, %lt3A_1453 : i32
          %convert_element_type3A_1455 = arith.extui %lt3A_1454 : i1 to i32
          %cond3A_1456 = arith.constant 0 : i32
          %cond3A_1457 = arith.cmpi ne, %convert_element_type3A_1455, %cond3A_1456 : i32
          scf.if %cond3A_1457 {
            %dma_start3A_1909 = arith.constant 0 : i32
            %dma_start3A_1910 = arith.constant 512 : i32
            %dma_start3A_1911 = tpu.memref_slice %arg8[%dma_start3A_1909, %dma_start3A_1910] : memref<64x1024xf32, #tpu.memory_space<vmem>> -> memref<64x128xf32, #tpu.memory_space<vmem>>
            %dma_start3A_1912 = arith.constant 0 : i32
            %dma_start3A_1913 = tpu.memref_slice %arg4[%dma_start3A_1912, %mul3A_1452] : memref<64x1000000xf32, #tpu.memory_space<hbm>> -> memref<64x128xf32, #tpu.memory_space<hbm>>
            %dma_start3A_1914 = arith.constant 0 : i32
            %dma_start3A_1915 = arith.constant 512 : i32
            %dma_start3A_1916 = tpu.memref_slice %arg8[%dma_start3A_1914, %dma_start3A_1915] : memref<64x1024xf32, #tpu.memory_space<vmem>> -> memref<64x128xf32, #tpu.memory_space<vmem>>
            %dma_start3A_1917 = arith.constant 0 : i32
            %dma_start3A_1918 = tpu.memref_slice %arg4[%dma_start3A_1917, %mul3A_1452] : memref<64x1000000xf32, #tpu.memory_space<hbm>> -> memref<64x128xf32, #tpu.memory_space<hbm>>
            tpu.enqueue_dma source(%dma_start3A_1918 : memref<64x128xf32, #tpu.memory_space<hbm>>) target(%dma_start3A_1916 : memref<64x128xf32, #tpu.memory_space<vmem>>) target_semaphore(%arg11 : memref<!tpu.dma_semaphore, #tpu.memory_space<semaphore_mem>>)
            %dma_wait3A_1919 = arith.constant 0 : i32
            %dma_wait3A_1920 = arith.constant 512 : i32
            %dma_wait3A_1921 = tpu.memref_slice %arg8[%dma_wait3A_1919, %dma_wait3A_1920] : memref<64x1024xf32, #tpu.memory_space<vmem>> -> memref<64x128xf32, #tpu.memory_space<vmem>>
            %dma_wait3A_1922 = arith.constant 0 : i32
            %dma_wait3A_1923 = tpu.memref_slice %arg4[%dma_wait3A_1922, %mul3A_1452] : memref<64x1000000xf32, #tpu.memory_space<hbm>> -> memref<64x128xf32, #tpu.memory_space<hbm>>
            %dma_wait3A_1924 = arith.constant 0 : i32
            %dma_wait3A_1925 = arith.constant 512 : i32
            %dma_wait3A_1926 = tpu.memref_slice %arg8[%dma_wait3A_1924, %dma_wait3A_1925] : memref<64x1024xf32, #tpu.memory_space<vmem>> -> memref<64x128xf32, #tpu.memory_space<vmem>>
            %dma_wait3A_1927 = arith.constant 0 : i32
            %dma_wait3A_1928 = tpu.memref_slice %arg4[%dma_wait3A_1927, %mul3A_1452] : memref<64x1000000xf32, #tpu.memory_space<hbm>> -> memref<64x128xf32, #tpu.memory_space<hbm>>
            tpu.wait_dma2 semaphore(%arg11 : memref<!tpu.dma_semaphore, #tpu.memory_space<semaphore_mem>>) src(%dma_wait3A_1928 : memref<64x128xf32, #tpu.memory_space<hbm>>) dst(%dma_wait3A_1926 : memref<64x128xf32, #tpu.memory_space<vmem>>)
          } else {
          }
          %slice3A_1458 = vector.extract_strided_slice %get3A_34 {offsets = [13], sizes = [1], strides = [1]} : vector<16xi32> to vector<1xi32>
          %squeeze3A_1459 = vector.extract %slice3A_1458[0] : i32 from vector<1xi32>
          %jit3A_1460 = arith.constant 128 : i32
          %div3A_1461 = arith.divsi %squeeze3A_1459, %jit3A_1460 : i32
          %sign3A_1462 = arith.constant 0 : i32
          %sign3A_1463 = arith.cmpi sgt, %squeeze3A_1459, %sign3A_1462 : i32
          %sign3A_1464 = arith.extui %sign3A_1463 : i1 to i32
          %sign3A_1465 = arith.constant 0 : i32
          %sign3A_1466 = arith.cmpi slt, %squeeze3A_1459, %sign3A_1465 : i32
          %sign3A_1467 = arith.extui %sign3A_1466 : i1 to i32
          %sign3A_1468 = arith.subi %sign3A_1464, %sign3A_1467 : i32
          %sign3A_1469 = arith.constant 0 : i32
          %sign3A_1470 = arith.cmpi sgt, %jit3A_1460, %sign3A_1469 : i32
          %sign3A_1471 = arith.extui %sign3A_1470 : i1 to i32
          %sign3A_1472 = arith.constant 0 : i32
          %sign3A_1473 = arith.cmpi slt, %jit3A_1460, %sign3A_1472 : i32
          %sign3A_1474 = arith.extui %sign3A_1473 : i1 to i32
          %sign3A_1475 = arith.subi %sign3A_1471, %sign3A_1474 : i32
          %ne3A_1476 = arith.cmpi ne, %sign3A_1468, %sign3A_1475 : i32
          %rem3A_1477 = arith.remsi %squeeze3A_1459, %jit3A_1460 : i32
          %ne3A_1478 = arith.constant 0 : i32
          %ne3A_1479 = arith.cmpi ne, %rem3A_1477, %ne3A_1478 : i32
          %and3A_1480 = arith.andi %ne3A_1476, %ne3A_1479 : i1
          %sub3A_1481 = arith.constant 1 : i32
          %sub3A_1482 = arith.subi %div3A_1461, %sub3A_1481 : i32
          %select_n3A_1483 = arith.select %and3A_1480, %sub3A_1482, %div3A_1461 : i32
          %mul3A_1484 = arith.constant 128 : i32
          %mul3A_1485 = arith.muli %select_n3A_1483, %mul3A_1484 : i32
          %lt3A_1486 = arith.constant 999936 : i32
          %lt3A_1487 = arith.cmpi slt, %mul3A_1485, %lt3A_1486 : i32
          %convert_element_type3A_1488 = arith.extui %lt3A_1487 : i1 to i32
          %cond3A_1489 = arith.constant 0 : i32
          %cond3A_1490 = arith.cmpi ne, %convert_element_type3A_1488, %cond3A_1489 : i32
          scf.if %cond3A_1490 {
            %dma_start3A_1909 = arith.constant 0 : i32
            %dma_start3A_1910 = arith.constant 640 : i32
            %dma_start3A_1911 = tpu.memref_slice %arg8[%dma_start3A_1909, %dma_start3A_1910] : memref<64x1024xf32, #tpu.memory_space<vmem>> -> memref<64x128xf32, #tpu.memory_space<vmem>>
            %dma_start3A_1912 = arith.constant 0 : i32
            %dma_start3A_1913 = tpu.memref_slice %arg4[%dma_start3A_1912, %mul3A_1485] : memref<64x1000000xf32, #tpu.memory_space<hbm>> -> memref<64x128xf32, #tpu.memory_space<hbm>>
            %dma_start3A_1914 = arith.constant 0 : i32
            %dma_start3A_1915 = arith.constant 640 : i32
            %dma_start3A_1916 = tpu.memref_slice %arg8[%dma_start3A_1914, %dma_start3A_1915] : memref<64x1024xf32, #tpu.memory_space<vmem>> -> memref<64x128xf32, #tpu.memory_space<vmem>>
            %dma_start3A_1917 = arith.constant 0 : i32
            %dma_start3A_1918 = tpu.memref_slice %arg4[%dma_start3A_1917, %mul3A_1485] : memref<64x1000000xf32, #tpu.memory_space<hbm>> -> memref<64x128xf32, #tpu.memory_space<hbm>>
            tpu.enqueue_dma source(%dma_start3A_1918 : memref<64x128xf32, #tpu.memory_space<hbm>>) target(%dma_start3A_1916 : memref<64x128xf32, #tpu.memory_space<vmem>>) target_semaphore(%arg11 : memref<!tpu.dma_semaphore, #tpu.memory_space<semaphore_mem>>)
            %dma_wait3A_1919 = arith.constant 0 : i32
            %dma_wait3A_1920 = arith.constant 640 : i32
            %dma_wait3A_1921 = tpu.memref_slice %arg8[%dma_wait3A_1919, %dma_wait3A_1920] : memref<64x1024xf32, #tpu.memory_space<vmem>> -> memref<64x128xf32, #tpu.memory_space<vmem>>
            %dma_wait3A_1922 = arith.constant 0 : i32
            %dma_wait3A_1923 = tpu.memref_slice %arg4[%dma_wait3A_1922, %mul3A_1485] : memref<64x1000000xf32, #tpu.memory_space<hbm>> -> memref<64x128xf32, #tpu.memory_space<hbm>>
            %dma_wait3A_1924 = arith.constant 0 : i32
            %dma_wait3A_1925 = arith.constant 640 : i32
            %dma_wait3A_1926 = tpu.memref_slice %arg8[%dma_wait3A_1924, %dma_wait3A_1925] : memref<64x1024xf32, #tpu.memory_space<vmem>> -> memref<64x128xf32, #tpu.memory_space<vmem>>
            %dma_wait3A_1927 = arith.constant 0 : i32
            %dma_wait3A_1928 = tpu.memref_slice %arg4[%dma_wait3A_1927, %mul3A_1485] : memref<64x1000000xf32, #tpu.memory_space<hbm>> -> memref<64x128xf32, #tpu.memory_space<hbm>>
            tpu.wait_dma2 semaphore(%arg11 : memref<!tpu.dma_semaphore, #tpu.memory_space<semaphore_mem>>) src(%dma_wait3A_1928 : memref<64x128xf32, #tpu.memory_space<hbm>>) dst(%dma_wait3A_1926 : memref<64x128xf32, #tpu.memory_space<vmem>>)
          } else {
          }
          %slice3A_1491 = vector.extract_strided_slice %get3A_34 {offsets = [14], sizes = [1], strides = [1]} : vector<16xi32> to vector<1xi32>
          %squeeze3A_1492 = vector.extract %slice3A_1491[0] : i32 from vector<1xi32>
          %jit3A_1493 = arith.constant 128 : i32
          %div3A_1494 = arith.divsi %squeeze3A_1492, %jit3A_1493 : i32
          %sign3A_1495 = arith.constant 0 : i32
          %sign3A_1496 = arith.cmpi sgt, %squeeze3A_1492, %sign3A_1495 : i32
          %sign3A_1497 = arith.extui %sign3A_1496 : i1 to i32
          %sign3A_1498 = arith.constant 0 : i32
          %sign3A_1499 = arith.cmpi slt, %squeeze3A_1492, %sign3A_1498 : i32
          %sign3A_1500 = arith.extui %sign3A_1499 : i1 to i32
          %sign3A_1501 = arith.subi %sign3A_1497, %sign3A_1500 : i32
          %sign3A_1502 = arith.constant 0 : i32
          %sign3A_1503 = arith.cmpi sgt, %jit3A_1493, %sign3A_1502 : i32
          %sign3A_1504 = arith.extui %sign3A_1503 : i1 to i32
          %sign3A_1505 = arith.constant 0 : i32
          %sign3A_1506 = arith.cmpi slt, %jit3A_1493, %sign3A_1505 : i32
          %sign3A_1507 = arith.extui %sign3A_1506 : i1 to i32
          %sign3A_1508 = arith.subi %sign3A_1504, %sign3A_1507 : i32
          %ne3A_1509 = arith.cmpi ne, %sign3A_1501, %sign3A_1508 : i32
          %rem3A_1510 = arith.remsi %squeeze3A_1492, %jit3A_1493 : i32
          %ne3A_1511 = arith.constant 0 : i32
          %ne3A_1512 = arith.cmpi ne, %rem3A_1510, %ne3A_1511 : i32
          %and3A_1513 = arith.andi %ne3A_1509, %ne3A_1512 : i1
          %sub3A_1514 = arith.constant 1 : i32
          %sub3A_1515 = arith.subi %div3A_1494, %sub3A_1514 : i32
          %select_n3A_1516 = arith.select %and3A_1513, %sub3A_1515, %div3A_1494 : i32
          %mul3A_1517 = arith.constant 128 : i32
          %mul3A_1518 = arith.muli %select_n3A_1516, %mul3A_1517 : i32
          %lt3A_1519 = arith.constant 999936 : i32
          %lt3A_1520 = arith.cmpi slt, %mul3A_1518, %lt3A_1519 : i32
          %convert_element_type3A_1521 = arith.extui %lt3A_1520 : i1 to i32
          %cond3A_1522 = arith.constant 0 : i32
          %cond3A_1523 = arith.cmpi ne, %convert_element_type3A_1521, %cond3A_1522 : i32
          scf.if %cond3A_1523 {
            %dma_start3A_1909 = arith.constant 0 : i32
            %dma_start3A_1910 = arith.constant 768 : i32
            %dma_start3A_1911 = tpu.memref_slice %arg8[%dma_start3A_1909, %dma_start3A_1910] : memref<64x1024xf32, #tpu.memory_space<vmem>> -> memref<64x128xf32, #tpu.memory_space<vmem>>
            %dma_start3A_1912 = arith.constant 0 : i32
            %dma_start3A_1913 = tpu.memref_slice %arg4[%dma_start3A_1912, %mul3A_1518] : memref<64x1000000xf32, #tpu.memory_space<hbm>> -> memref<64x128xf32, #tpu.memory_space<hbm>>
            %dma_start3A_1914 = arith.constant 0 : i32
            %dma_start3A_1915 = arith.constant 768 : i32
            %dma_start3A_1916 = tpu.memref_slice %arg8[%dma_start3A_1914, %dma_start3A_1915] : memref<64x1024xf32, #tpu.memory_space<vmem>> -> memref<64x128xf32, #tpu.memory_space<vmem>>
            %dma_start3A_1917 = arith.constant 0 : i32
            %dma_start3A_1918 = tpu.memref_slice %arg4[%dma_start3A_1917, %mul3A_1518] : memref<64x1000000xf32, #tpu.memory_space<hbm>> -> memref<64x128xf32, #tpu.memory_space<hbm>>
            tpu.enqueue_dma source(%dma_start3A_1918 : memref<64x128xf32, #tpu.memory_space<hbm>>) target(%dma_start3A_1916 : memref<64x128xf32, #tpu.memory_space<vmem>>) target_semaphore(%arg11 : memref<!tpu.dma_semaphore, #tpu.memory_space<semaphore_mem>>)
            %dma_wait3A_1919 = arith.constant 0 : i32
            %dma_wait3A_1920 = arith.constant 768 : i32
            %dma_wait3A_1921 = tpu.memref_slice %arg8[%dma_wait3A_1919, %dma_wait3A_1920] : memref<64x1024xf32, #tpu.memory_space<vmem>> -> memref<64x128xf32, #tpu.memory_space<vmem>>
            %dma_wait3A_1922 = arith.constant 0 : i32
            %dma_wait3A_1923 = tpu.memref_slice %arg4[%dma_wait3A_1922, %mul3A_1518] : memref<64x1000000xf32, #tpu.memory_space<hbm>> -> memref<64x128xf32, #tpu.memory_space<hbm>>
            %dma_wait3A_1924 = arith.constant 0 : i32
            %dma_wait3A_1925 = arith.constant 768 : i32
            %dma_wait3A_1926 = tpu.memref_slice %arg8[%dma_wait3A_1924, %dma_wait3A_1925] : memref<64x1024xf32, #tpu.memory_space<vmem>> -> memref<64x128xf32, #tpu.memory_space<vmem>>
            %dma_wait3A_1927 = arith.constant 0 : i32
            %dma_wait3A_1928 = tpu.memref_slice %arg4[%dma_wait3A_1927, %mul3A_1518] : memref<64x1000000xf32, #tpu.memory_space<hbm>> -> memref<64x128xf32, #tpu.memory_space<hbm>>
            tpu.wait_dma2 semaphore(%arg11 : memref<!tpu.dma_semaphore, #tpu.memory_space<semaphore_mem>>) src(%dma_wait3A_1928 : memref<64x128xf32, #tpu.memory_space<hbm>>) dst(%dma_wait3A_1926 : memref<64x128xf32, #tpu.memory_space<vmem>>)
          } else {
          }
          %slice3A_1524 = vector.extract_strided_slice %get3A_34 {offsets = [15], sizes = [1], strides = [1]} : vector<16xi32> to vector<1xi32>
          %squeeze3A_1525 = vector.extract %slice3A_1524[0] : i32 from vector<1xi32>
          %jit3A_1526 = arith.constant 128 : i32
          %div3A_1527 = arith.divsi %squeeze3A_1525, %jit3A_1526 : i32
          %sign3A_1528 = arith.constant 0 : i32
          %sign3A_1529 = arith.cmpi sgt, %squeeze3A_1525, %sign3A_1528 : i32
          %sign3A_1530 = arith.extui %sign3A_1529 : i1 to i32
          %sign3A_1531 = arith.constant 0 : i32
          %sign3A_1532 = arith.cmpi slt, %squeeze3A_1525, %sign3A_1531 : i32
          %sign3A_1533 = arith.extui %sign3A_1532 : i1 to i32
          %sign3A_1534 = arith.subi %sign3A_1530, %sign3A_1533 : i32
          %sign3A_1535 = arith.constant 0 : i32
          %sign3A_1536 = arith.cmpi sgt, %jit3A_1526, %sign3A_1535 : i32
          %sign3A_1537 = arith.extui %sign3A_1536 : i1 to i32
          %sign3A_1538 = arith.constant 0 : i32
          %sign3A_1539 = arith.cmpi slt, %jit3A_1526, %sign3A_1538 : i32
          %sign3A_1540 = arith.extui %sign3A_1539 : i1 to i32
          %sign3A_1541 = arith.subi %sign3A_1537, %sign3A_1540 : i32
          %ne3A_1542 = arith.cmpi ne, %sign3A_1534, %sign3A_1541 : i32
          %rem3A_1543 = arith.remsi %squeeze3A_1525, %jit3A_1526 : i32
          %ne3A_1544 = arith.constant 0 : i32
          %ne3A_1545 = arith.cmpi ne, %rem3A_1543, %ne3A_1544 : i32
          %and3A_1546 = arith.andi %ne3A_1542, %ne3A_1545 : i1
          %sub3A_1547 = arith.constant 1 : i32
          %sub3A_1548 = arith.subi %div3A_1527, %sub3A_1547 : i32
          %select_n3A_1549 = arith.select %and3A_1546, %sub3A_1548, %div3A_1527 : i32
          %mul3A_1550 = arith.constant 128 : i32
          %mul3A_1551 = arith.muli %select_n3A_1549, %mul3A_1550 : i32
          %lt3A_1552 = arith.constant 999936 : i32
          %lt3A_1553 = arith.cmpi slt, %mul3A_1551, %lt3A_1552 : i32
          %convert_element_type3A_1554 = arith.extui %lt3A_1553 : i1 to i32
          %cond3A_1555 = arith.constant 0 : i32
          %cond3A_1556 = arith.cmpi ne, %convert_element_type3A_1554, %cond3A_1555 : i32
          scf.if %cond3A_1556 {
            %dma_start3A_1909 = arith.constant 0 : i32
            %dma_start3A_1910 = arith.constant 896 : i32
            %dma_start3A_1911 = tpu.memref_slice %arg8[%dma_start3A_1909, %dma_start3A_1910] : memref<64x1024xf32, #tpu.memory_space<vmem>> -> memref<64x128xf32, #tpu.memory_space<vmem>>
            %dma_start3A_1912 = arith.constant 0 : i32
            %dma_start3A_1913 = tpu.memref_slice %arg4[%dma_start3A_1912, %mul3A_1551] : memref<64x1000000xf32, #tpu.memory_space<hbm>> -> memref<64x128xf32, #tpu.memory_space<hbm>>
            %dma_start3A_1914 = arith.constant 0 : i32
            %dma_start3A_1915 = arith.constant 896 : i32
            %dma_start3A_1916 = tpu.memref_slice %arg8[%dma_start3A_1914, %dma_start3A_1915] : memref<64x1024xf32, #tpu.memory_space<vmem>> -> memref<64x128xf32, #tpu.memory_space<vmem>>
            %dma_start3A_1917 = arith.constant 0 : i32
            %dma_start3A_1918 = tpu.memref_slice %arg4[%dma_start3A_1917, %mul3A_1551] : memref<64x1000000xf32, #tpu.memory_space<hbm>> -> memref<64x128xf32, #tpu.memory_space<hbm>>
            tpu.enqueue_dma source(%dma_start3A_1918 : memref<64x128xf32, #tpu.memory_space<hbm>>) target(%dma_start3A_1916 : memref<64x128xf32, #tpu.memory_space<vmem>>) target_semaphore(%arg11 : memref<!tpu.dma_semaphore, #tpu.memory_space<semaphore_mem>>)
            %dma_wait3A_1919 = arith.constant 0 : i32
            %dma_wait3A_1920 = arith.constant 896 : i32
            %dma_wait3A_1921 = tpu.memref_slice %arg8[%dma_wait3A_1919, %dma_wait3A_1920] : memref<64x1024xf32, #tpu.memory_space<vmem>> -> memref<64x128xf32, #tpu.memory_space<vmem>>
            %dma_wait3A_1922 = arith.constant 0 : i32
            %dma_wait3A_1923 = tpu.memref_slice %arg4[%dma_wait3A_1922, %mul3A_1551] : memref<64x1000000xf32, #tpu.memory_space<hbm>> -> memref<64x128xf32, #tpu.memory_space<hbm>>
            %dma_wait3A_1924 = arith.constant 0 : i32
            %dma_wait3A_1925 = arith.constant 896 : i32
            %dma_wait3A_1926 = tpu.memref_slice %arg8[%dma_wait3A_1924, %dma_wait3A_1925] : memref<64x1024xf32, #tpu.memory_space<vmem>> -> memref<64x128xf32, #tpu.memory_space<vmem>>
            %dma_wait3A_1927 = arith.constant 0 : i32
            %dma_wait3A_1928 = tpu.memref_slice %arg4[%dma_wait3A_1927, %mul3A_1551] : memref<64x1000000xf32, #tpu.memory_space<hbm>> -> memref<64x128xf32, #tpu.memory_space<hbm>>
            tpu.wait_dma2 semaphore(%arg11 : memref<!tpu.dma_semaphore, #tpu.memory_space<semaphore_mem>>) src(%dma_wait3A_1928 : memref<64x128xf32, #tpu.memory_space<hbm>>) dst(%dma_wait3A_1926 : memref<64x128xf32, #tpu.memory_space<vmem>>)
          } else {
          }
          %slice3A_1557 = vector.extract_strided_slice %get3A_34 {offsets = [8], sizes = [1], strides = [1]} : vector<16xi32> to vector<1xi32>
          %squeeze3A_1558 = vector.extract %slice3A_1557[0] : i32 from vector<1xi32>
          %jit3A_1559 = arith.constant 128 : i32
          %div3A_1560 = arith.divsi %squeeze3A_1558, %jit3A_1559 : i32
          %sign3A_1561 = arith.constant 0 : i32
          %sign3A_1562 = arith.cmpi sgt, %squeeze3A_1558, %sign3A_1561 : i32
          %sign3A_1563 = arith.extui %sign3A_1562 : i1 to i32
          %sign3A_1564 = arith.constant 0 : i32
          %sign3A_1565 = arith.cmpi slt, %squeeze3A_1558, %sign3A_1564 : i32
          %sign3A_1566 = arith.extui %sign3A_1565 : i1 to i32
          %sign3A_1567 = arith.subi %sign3A_1563, %sign3A_1566 : i32
          %sign3A_1568 = arith.constant 0 : i32
          %sign3A_1569 = arith.cmpi sgt, %jit3A_1559, %sign3A_1568 : i32
          %sign3A_1570 = arith.extui %sign3A_1569 : i1 to i32
          %sign3A_1571 = arith.constant 0 : i32
          %sign3A_1572 = arith.cmpi slt, %jit3A_1559, %sign3A_1571 : i32
          %sign3A_1573 = arith.extui %sign3A_1572 : i1 to i32
          %sign3A_1574 = arith.subi %sign3A_1570, %sign3A_1573 : i32
          %ne3A_1575 = arith.cmpi ne, %sign3A_1567, %sign3A_1574 : i32
          %rem3A_1576 = arith.remsi %squeeze3A_1558, %jit3A_1559 : i32
          %ne3A_1577 = arith.constant 0 : i32
          %ne3A_1578 = arith.cmpi ne, %rem3A_1576, %ne3A_1577 : i32
          %and3A_1579 = arith.andi %ne3A_1575, %ne3A_1578 : i1
          %sub3A_1580 = arith.constant 1 : i32
          %sub3A_1581 = arith.subi %div3A_1560, %sub3A_1580 : i32
          %select_n3A_1582 = arith.select %and3A_1579, %sub3A_1581, %div3A_1560 : i32
          %mul3A_1583 = arith.constant 128 : i32
          %mul3A_1584 = arith.muli %select_n3A_1582, %mul3A_1583 : i32
          %mul3A_1585 = arith.constant 16 : i32
          %mul3A_1586 = arith.muli %scan3A_27, %mul3A_1585 : i32
          %add3A_1587 = arith.constant 8 : i32
          %add3A_1588 = arith.addi %mul3A_1586, %add3A_1587 : i32
          %add3A_1589 = arith.constant 0 : i32
          %add3A_1590 = arith.addi %add3A_1588, %add3A_1589 : i32
          %lt3A_1591 = arith.constant 999936 : i32
          %lt3A_1592 = arith.cmpi slt, %squeeze3A_1558, %lt3A_1591 : i32
          %convert_element_type3A_1593 = arith.extui %lt3A_1592 : i1 to i32
          %cond3A_1594 = arith.constant 0 : i32
          %cond3A_1595 = arith.cmpi ne, %convert_element_type3A_1593, %cond3A_1594 : i32
          scf.if %cond3A_1595 {
            %add3A_1909 = arith.constant 0 : i32
            %add3A_1910 = arith.addi %add3A_1909, %squeeze3A_1558 : i32
            %sub3A_1911 = arith.subi %add3A_1910, %mul3A_1584 : i32
            %min3A_1912 = arith.constant 1023 : i32
            %min3A_1913 = arith.minsi %sub3A_1911, %min3A_1912 : i32
            %broadcast_in_dim3A_1914 = vector.broadcast %min3A_1913 : i32 to vector<16xi32>
            %add3A_1915 = arith.constant 0 : i32
            %add3A_1916 = vector.broadcast %add3A_1915 : i32 to vector<16xi32>
            %add3A_1917 = arith.addi %iota3A, %add3A_1916 : vector<16xi32>
            %gather3A_1918 = tpu.vector_load_idx %arg8[%add3A_1917, %broadcast_in_dim3A_1914] : memref<64x1024xf32, #tpu.memory_space<vmem>>[vector<16xi32>, vector<16xi32>], vector<16xf32>,
            %swap3A_1919 = arith.index_cast %add3A_1590 : i32 to index
            %swap3A_1920 = arith.constant 0 : index
            %swap3A_1921 = tpu.vector_load %arg10[%swap3A_1919, %swap3A_1920] {strides = array<i32>} : memref<128x128xf32, #tpu.memory_space<vmem>>, vector<16xf32>,
            tpu.vector_store %arg10[%swap3A_1919, %swap3A_1920], %gather3A_1918 {strides = array<i32>} : memref<128x128xf32, #tpu.memory_space<vmem>>, vector<16xf32>,
            %add3A_1922 = arith.constant 16 : i32
            %add3A_1923 = vector.broadcast %add3A_1922 : i32 to vector<16xi32>
            %add3A_1924 = arith.addi %iota3A, %add3A_1923 : vector<16xi32>
            %gather3A_1925 = tpu.vector_load_idx %arg8[%add3A_1924, %broadcast_in_dim3A_1914] : memref<64x1024xf32, #tpu.memory_space<vmem>>[vector<16xi32>, vector<16xi32>], vector<16xf32>,
            %swap3A_1926 = arith.index_cast %add3A_1590 : i32 to index
            %swap3A_1927 = arith.constant 16 : index
            %swap3A_1928 = tpu.vector_load %arg10[%swap3A_1926, %swap3A_1927] {strides = array<i32>} : memref<128x128xf32, #tpu.memory_space<vmem>>, vector<16xf32>,
            tpu.vector_store %arg10[%swap3A_1926, %swap3A_1927], %gather3A_1925 {strides = array<i32>} : memref<128x128xf32, #tpu.memory_space<vmem>>, vector<16xf32>,
            %add3A_1929 = arith.constant 32 : i32
            %add3A_1930 = vector.broadcast %add3A_1929 : i32 to vector<16xi32>
            %add3A_1931 = arith.addi %iota3A, %add3A_1930 : vector<16xi32>
            %gather3A_1932 = tpu.vector_load_idx %arg8[%add3A_1931, %broadcast_in_dim3A_1914] : memref<64x1024xf32, #tpu.memory_space<vmem>>[vector<16xi32>, vector<16xi32>], vector<16xf32>,
            %swap3A_1933 = arith.index_cast %add3A_1590 : i32 to index
            %swap3A_1934 = arith.constant 32 : index
            %swap3A_1935 = tpu.vector_load %arg10[%swap3A_1933, %swap3A_1934] {strides = array<i32>} : memref<128x128xf32, #tpu.memory_space<vmem>>, vector<16xf32>,
            tpu.vector_store %arg10[%swap3A_1933, %swap3A_1934], %gather3A_1932 {strides = array<i32>} : memref<128x128xf32, #tpu.memory_space<vmem>>, vector<16xf32>,
            %add3A_1936 = arith.constant 48 : i32
            %add3A_1937 = vector.broadcast %add3A_1936 : i32 to vector<16xi32>
            %add3A_1938 = arith.addi %iota3A, %add3A_1937 : vector<16xi32>
            %gather3A_1939 = tpu.vector_load_idx %arg8[%add3A_1938, %broadcast_in_dim3A_1914] : memref<64x1024xf32, #tpu.memory_space<vmem>>[vector<16xi32>, vector<16xi32>], vector<16xf32>,
            %swap3A_1940 = arith.index_cast %add3A_1590 : i32 to index
            %swap3A_1941 = arith.constant 48 : index
            %swap3A_1942 = tpu.vector_load %arg10[%swap3A_1940, %swap3A_1941] {strides = array<i32>} : memref<128x128xf32, #tpu.memory_space<vmem>>, vector<16xf32>,
            tpu.vector_store %arg10[%swap3A_1940, %swap3A_1941], %gather3A_1939 {strides = array<i32>} : memref<128x128xf32, #tpu.memory_space<vmem>>, vector<16xf32>,
          } else {
          }
          %ge3A_1596 = arith.constant 999936 : i32
          %ge3A_1597 = arith.cmpi sge, %squeeze3A_1558, %ge3A_1596 : i32
          %convert_element_type3A_1598 = arith.extui %ge3A_1597 : i1 to i32
          %cond3A_1599 = arith.constant 0 : i32
          %cond3A_1600 = arith.cmpi ne, %convert_element_type3A_1598, %cond3A_1599 : i32
          scf.if %cond3A_1600 {
            %sub3A_1909 = arith.constant 999936 : i32
            %sub3A_1910 = arith.subi %squeeze3A_1558, %sub3A_1909 : i32
            %min3A_1911 = arith.constant 63 : i32
            %min3A_1912 = arith.minsi %sub3A_1910, %min3A_1911 : i32
            %broadcast_in_dim3A_1913 = vector.broadcast %min3A_1912 : i32 to vector<16xi32>
            %add3A_1914 = arith.constant 0 : i32
            %add3A_1915 = vector.broadcast %add3A_1914 : i32 to vector<16xi32>
            %add3A_1916 = arith.addi %iota3A, %add3A_1915 : vector<16xi32>
            %gather3A_1917 = tpu.vector_load_idx %arg9[%add3A_1916, %broadcast_in_dim3A_1913] : memref<64x64xf32, #tpu.memory_space<vmem>>[vector<16xi32>, vector<16xi32>], vector<16xf32>,
            %swap3A_1918 = arith.index_cast %add3A_1590 : i32 to index
            %swap3A_1919 = arith.constant 0 : index
            %swap3A_1920 = tpu.vector_load %arg10[%swap3A_1918, %swap3A_1919] {strides = array<i32>} : memref<128x128xf32, #tpu.memory_space<vmem>>, vector<16xf32>,
            tpu.vector_store %arg10[%swap3A_1918, %swap3A_1919], %gather3A_1917 {strides = array<i32>} : memref<128x128xf32, #tpu.memory_space<vmem>>, vector<16xf32>,
            %add3A_1921 = arith.constant 16 : i32
            %add3A_1922 = vector.broadcast %add3A_1921 : i32 to vector<16xi32>
            %add3A_1923 = arith.addi %iota3A, %add3A_1922 : vector<16xi32>
            %gather3A_1924 = tpu.vector_load_idx %arg9[%add3A_1923, %broadcast_in_dim3A_1913] : memref<64x64xf32, #tpu.memory_space<vmem>>[vector<16xi32>, vector<16xi32>], vector<16xf32>,
            %swap3A_1925 = arith.index_cast %add3A_1590 : i32 to index
            %swap3A_1926 = arith.constant 16 : index
            %swap3A_1927 = tpu.vector_load %arg10[%swap3A_1925, %swap3A_1926] {strides = array<i32>} : memref<128x128xf32, #tpu.memory_space<vmem>>, vector<16xf32>,
            tpu.vector_store %arg10[%swap3A_1925, %swap3A_1926], %gather3A_1924 {strides = array<i32>} : memref<128x128xf32, #tpu.memory_space<vmem>>, vector<16xf32>,
            %add3A_1928 = arith.constant 32 : i32
            %add3A_1929 = vector.broadcast %add3A_1928 : i32 to vector<16xi32>
            %add3A_1930 = arith.addi %iota3A, %add3A_1929 : vector<16xi32>
            %gather3A_1931 = tpu.vector_load_idx %arg9[%add3A_1930, %broadcast_in_dim3A_1913] : memref<64x64xf32, #tpu.memory_space<vmem>>[vector<16xi32>, vector<16xi32>], vector<16xf32>,
            %swap3A_1932 = arith.index_cast %add3A_1590 : i32 to index
            %swap3A_1933 = arith.constant 32 : index
            %swap3A_1934 = tpu.vector_load %arg10[%swap3A_1932, %swap3A_1933] {strides = array<i32>} : memref<128x128xf32, #tpu.memory_space<vmem>>, vector<16xf32>,
            tpu.vector_store %arg10[%swap3A_1932, %swap3A_1933], %gather3A_1931 {strides = array<i32>} : memref<128x128xf32, #tpu.memory_space<vmem>>, vector<16xf32>,
            %add3A_1935 = arith.constant 48 : i32
            %add3A_1936 = vector.broadcast %add3A_1935 : i32 to vector<16xi32>
            %add3A_1937 = arith.addi %iota3A, %add3A_1936 : vector<16xi32>
            %gather3A_1938 = tpu.vector_load_idx %arg9[%add3A_1937, %broadcast_in_dim3A_1913] : memref<64x64xf32, #tpu.memory_space<vmem>>[vector<16xi32>, vector<16xi32>], vector<16xf32>,
            %swap3A_1939 = arith.index_cast %add3A_1590 : i32 to index
            %swap3A_1940 = arith.constant 48 : index
            %swap3A_1941 = tpu.vector_load %arg10[%swap3A_1939, %swap3A_1940] {strides = array<i32>} : memref<128x128xf32, #tpu.memory_space<vmem>>, vector<16xf32>,
            tpu.vector_store %arg10[%swap3A_1939, %swap3A_1940], %gather3A_1938 {strides = array<i32>} : memref<128x128xf32, #tpu.memory_space<vmem>>, vector<16xf32>,
          } else {
          }
          %slice3A_1601 = vector.extract_strided_slice %get3A_34 {offsets = [9], sizes = [1], strides = [1]} : vector<16xi32> to vector<1xi32>
          %squeeze3A_1602 = vector.extract %slice3A_1601[0] : i32 from vector<1xi32>
          %jit3A_1603 = arith.constant 128 : i32
          %div3A_1604 = arith.divsi %squeeze3A_1602, %jit3A_1603 : i32
          %sign3A_1605 = arith.constant 0 : i32
          %sign3A_1606 = arith.cmpi sgt, %squeeze3A_1602, %sign3A_1605 : i32
          %sign3A_1607 = arith.extui %sign3A_1606 : i1 to i32
          %sign3A_1608 = arith.constant 0 : i32
          %sign3A_1609 = arith.cmpi slt, %squeeze3A_1602, %sign3A_1608 : i32
          %sign3A_1610 = arith.extui %sign3A_1609 : i1 to i32
          %sign3A_1611 = arith.subi %sign3A_1607, %sign3A_1610 : i32
          %sign3A_1612 = arith.constant 0 : i32
          %sign3A_1613 = arith.cmpi sgt, %jit3A_1603, %sign3A_1612 : i32
          %sign3A_1614 = arith.extui %sign3A_1613 : i1 to i32
          %sign3A_1615 = arith.constant 0 : i32
          %sign3A_1616 = arith.cmpi slt, %jit3A_1603, %sign3A_1615 : i32
          %sign3A_1617 = arith.extui %sign3A_1616 : i1 to i32
          %sign3A_1618 = arith.subi %sign3A_1614, %sign3A_1617 : i32
          %ne3A_1619 = arith.cmpi ne, %sign3A_1611, %sign3A_1618 : i32
          %rem3A_1620 = arith.remsi %squeeze3A_1602, %jit3A_1603 : i32
          %ne3A_1621 = arith.constant 0 : i32
          %ne3A_1622 = arith.cmpi ne, %rem3A_1620, %ne3A_1621 : i32
          %and3A_1623 = arith.andi %ne3A_1619, %ne3A_1622 : i1
          %sub3A_1624 = arith.constant 1 : i32
          %sub3A_1625 = arith.subi %div3A_1604, %sub3A_1624 : i32
          %select_n3A_1626 = arith.select %and3A_1623, %sub3A_1625, %div3A_1604 : i32
          %mul3A_1627 = arith.constant 128 : i32
          %mul3A_1628 = arith.muli %select_n3A_1626, %mul3A_1627 : i32
          %mul3A_1629 = arith.constant 16 : i32
          %mul3A_1630 = arith.muli %scan3A_27, %mul3A_1629 : i32
          %add3A_1631 = arith.constant 8 : i32
          %add3A_1632 = arith.addi %mul3A_1630, %add3A_1631 : i32
          %add3A_1633 = arith.constant 1 : i32
          %add3A_1634 = arith.addi %add3A_1632, %add3A_1633 : i32
          %lt3A_1635 = arith.constant 999936 : i32
          %lt3A_1636 = arith.cmpi slt, %squeeze3A_1602, %lt3A_1635 : i32
          %convert_element_type3A_1637 = arith.extui %lt3A_1636 : i1 to i32
          %cond3A_1638 = arith.constant 0 : i32
          %cond3A_1639 = arith.cmpi ne, %convert_element_type3A_1637, %cond3A_1638 : i32
          scf.if %cond3A_1639 {
            %add3A_1909 = arith.constant 128 : i32
            %add3A_1910 = arith.addi %add3A_1909, %squeeze3A_1602 : i32
            %sub3A_1911 = arith.subi %add3A_1910, %mul3A_1628 : i32
            %min3A_1912 = arith.constant 1023 : i32
            %min3A_1913 = arith.minsi %sub3A_1911, %min3A_1912 : i32
            %broadcast_in_dim3A_1914 = vector.broadcast %min3A_1913 : i32 to vector<16xi32>
            %add3A_1915 = arith.constant 0 : i32
            %add3A_1916 = vector.broadcast %add3A_1915 : i32 to vector<16xi32>
            %add3A_1917 = arith.addi %iota3A, %add3A_1916 : vector<16xi32>
            %gather3A_1918 = tpu.vector_load_idx %arg8[%add3A_1917, %broadcast_in_dim3A_1914] : memref<64x1024xf32, #tpu.memory_space<vmem>>[vector<16xi32>, vector<16xi32>], vector<16xf32>,
            %swap3A_1919 = arith.index_cast %add3A_1634 : i32 to index
            %swap3A_1920 = arith.constant 0 : index
            %swap3A_1921 = tpu.vector_load %arg10[%swap3A_1919, %swap3A_1920] {strides = array<i32>} : memref<128x128xf32, #tpu.memory_space<vmem>>, vector<16xf32>,
            tpu.vector_store %arg10[%swap3A_1919, %swap3A_1920], %gather3A_1918 {strides = array<i32>} : memref<128x128xf32, #tpu.memory_space<vmem>>, vector<16xf32>,
            %add3A_1922 = arith.constant 16 : i32
            %add3A_1923 = vector.broadcast %add3A_1922 : i32 to vector<16xi32>
            %add3A_1924 = arith.addi %iota3A, %add3A_1923 : vector<16xi32>
            %gather3A_1925 = tpu.vector_load_idx %arg8[%add3A_1924, %broadcast_in_dim3A_1914] : memref<64x1024xf32, #tpu.memory_space<vmem>>[vector<16xi32>, vector<16xi32>], vector<16xf32>,
            %swap3A_1926 = arith.index_cast %add3A_1634 : i32 to index
            %swap3A_1927 = arith.constant 16 : index
            %swap3A_1928 = tpu.vector_load %arg10[%swap3A_1926, %swap3A_1927] {strides = array<i32>} : memref<128x128xf32, #tpu.memory_space<vmem>>, vector<16xf32>,
            tpu.vector_store %arg10[%swap3A_1926, %swap3A_1927], %gather3A_1925 {strides = array<i32>} : memref<128x128xf32, #tpu.memory_space<vmem>>, vector<16xf32>,
            %add3A_1929 = arith.constant 32 : i32
            %add3A_1930 = vector.broadcast %add3A_1929 : i32 to vector<16xi32>
            %add3A_1931 = arith.addi %iota3A, %add3A_1930 : vector<16xi32>
            %gather3A_1932 = tpu.vector_load_idx %arg8[%add3A_1931, %broadcast_in_dim3A_1914] : memref<64x1024xf32, #tpu.memory_space<vmem>>[vector<16xi32>, vector<16xi32>], vector<16xf32>,
            %swap3A_1933 = arith.index_cast %add3A_1634 : i32 to index
            %swap3A_1934 = arith.constant 32 : index
            %swap3A_1935 = tpu.vector_load %arg10[%swap3A_1933, %swap3A_1934] {strides = array<i32>} : memref<128x128xf32, #tpu.memory_space<vmem>>, vector<16xf32>,
            tpu.vector_store %arg10[%swap3A_1933, %swap3A_1934], %gather3A_1932 {strides = array<i32>} : memref<128x128xf32, #tpu.memory_space<vmem>>, vector<16xf32>,
            %add3A_1936 = arith.constant 48 : i32
            %add3A_1937 = vector.broadcast %add3A_1936 : i32 to vector<16xi32>
            %add3A_1938 = arith.addi %iota3A, %add3A_1937 : vector<16xi32>
            %gather3A_1939 = tpu.vector_load_idx %arg8[%add3A_1938, %broadcast_in_dim3A_1914] : memref<64x1024xf32, #tpu.memory_space<vmem>>[vector<16xi32>, vector<16xi32>], vector<16xf32>,
            %swap3A_1940 = arith.index_cast %add3A_1634 : i32 to index
            %swap3A_1941 = arith.constant 48 : index
            %swap3A_1942 = tpu.vector_load %arg10[%swap3A_1940, %swap3A_1941] {strides = array<i32>} : memref<128x128xf32, #tpu.memory_space<vmem>>, vector<16xf32>,
            tpu.vector_store %arg10[%swap3A_1940, %swap3A_1941], %gather3A_1939 {strides = array<i32>} : memref<128x128xf32, #tpu.memory_space<vmem>>, vector<16xf32>,
          } else {
          }
          %ge3A_1640 = arith.constant 999936 : i32
          %ge3A_1641 = arith.cmpi sge, %squeeze3A_1602, %ge3A_1640 : i32
          %convert_element_type3A_1642 = arith.extui %ge3A_1641 : i1 to i32
          %cond3A_1643 = arith.constant 0 : i32
          %cond3A_1644 = arith.cmpi ne, %convert_element_type3A_1642, %cond3A_1643 : i32
          scf.if %cond3A_1644 {
            %sub3A_1909 = arith.constant 999936 : i32
            %sub3A_1910 = arith.subi %squeeze3A_1602, %sub3A_1909 : i32
            %min3A_1911 = arith.constant 63 : i32
            %min3A_1912 = arith.minsi %sub3A_1910, %min3A_1911 : i32
            %broadcast_in_dim3A_1913 = vector.broadcast %min3A_1912 : i32 to vector<16xi32>
            %add3A_1914 = arith.constant 0 : i32
            %add3A_1915 = vector.broadcast %add3A_1914 : i32 to vector<16xi32>
            %add3A_1916 = arith.addi %iota3A, %add3A_1915 : vector<16xi32>
            %gather3A_1917 = tpu.vector_load_idx %arg9[%add3A_1916, %broadcast_in_dim3A_1913] : memref<64x64xf32, #tpu.memory_space<vmem>>[vector<16xi32>, vector<16xi32>], vector<16xf32>,
            %swap3A_1918 = arith.index_cast %add3A_1634 : i32 to index
            %swap3A_1919 = arith.constant 0 : index
            %swap3A_1920 = tpu.vector_load %arg10[%swap3A_1918, %swap3A_1919] {strides = array<i32>} : memref<128x128xf32, #tpu.memory_space<vmem>>, vector<16xf32>,
            tpu.vector_store %arg10[%swap3A_1918, %swap3A_1919], %gather3A_1917 {strides = array<i32>} : memref<128x128xf32, #tpu.memory_space<vmem>>, vector<16xf32>,
            %add3A_1921 = arith.constant 16 : i32
            %add3A_1922 = vector.broadcast %add3A_1921 : i32 to vector<16xi32>
            %add3A_1923 = arith.addi %iota3A, %add3A_1922 : vector<16xi32>
            %gather3A_1924 = tpu.vector_load_idx %arg9[%add3A_1923, %broadcast_in_dim3A_1913] : memref<64x64xf32, #tpu.memory_space<vmem>>[vector<16xi32>, vector<16xi32>], vector<16xf32>,
            %swap3A_1925 = arith.index_cast %add3A_1634 : i32 to index
            %swap3A_1926 = arith.constant 16 : index
            %swap3A_1927 = tpu.vector_load %arg10[%swap3A_1925, %swap3A_1926] {strides = array<i32>} : memref<128x128xf32, #tpu.memory_space<vmem>>, vector<16xf32>,
            tpu.vector_store %arg10[%swap3A_1925, %swap3A_1926], %gather3A_1924 {strides = array<i32>} : memref<128x128xf32, #tpu.memory_space<vmem>>, vector<16xf32>,
            %add3A_1928 = arith.constant 32 : i32
            %add3A_1929 = vector.broadcast %add3A_1928 : i32 to vector<16xi32>
            %add3A_1930 = arith.addi %iota3A, %add3A_1929 : vector<16xi32>
            %gather3A_1931 = tpu.vector_load_idx %arg9[%add3A_1930, %broadcast_in_dim3A_1913] : memref<64x64xf32, #tpu.memory_space<vmem>>[vector<16xi32>, vector<16xi32>], vector<16xf32>,
            %swap3A_1932 = arith.index_cast %add3A_1634 : i32 to index
            %swap3A_1933 = arith.constant 32 : index
            %swap3A_1934 = tpu.vector_load %arg10[%swap3A_1932, %swap3A_1933] {strides = array<i32>} : memref<128x128xf32, #tpu.memory_space<vmem>>, vector<16xf32>,
            tpu.vector_store %arg10[%swap3A_1932, %swap3A_1933], %gather3A_1931 {strides = array<i32>} : memref<128x128xf32, #tpu.memory_space<vmem>>, vector<16xf32>,
            %add3A_1935 = arith.constant 48 : i32
            %add3A_1936 = vector.broadcast %add3A_1935 : i32 to vector<16xi32>
            %add3A_1937 = arith.addi %iota3A, %add3A_1936 : vector<16xi32>
            %gather3A_1938 = tpu.vector_load_idx %arg9[%add3A_1937, %broadcast_in_dim3A_1913] : memref<64x64xf32, #tpu.memory_space<vmem>>[vector<16xi32>, vector<16xi32>], vector<16xf32>,
            %swap3A_1939 = arith.index_cast %add3A_1634 : i32 to index
            %swap3A_1940 = arith.constant 48 : index
            %swap3A_1941 = tpu.vector_load %arg10[%swap3A_1939, %swap3A_1940] {strides = array<i32>} : memref<128x128xf32, #tpu.memory_space<vmem>>, vector<16xf32>,
            tpu.vector_store %arg10[%swap3A_1939, %swap3A_1940], %gather3A_1938 {strides = array<i32>} : memref<128x128xf32, #tpu.memory_space<vmem>>, vector<16xf32>,
          } else {
          }
          %slice3A_1645 = vector.extract_strided_slice %get3A_34 {offsets = [10], sizes = [1], strides = [1]} : vector<16xi32> to vector<1xi32>
          %squeeze3A_1646 = vector.extract %slice3A_1645[0] : i32 from vector<1xi32>
          %jit3A_1647 = arith.constant 128 : i32
          %div3A_1648 = arith.divsi %squeeze3A_1646, %jit3A_1647 : i32
          %sign3A_1649 = arith.constant 0 : i32
          %sign3A_1650 = arith.cmpi sgt, %squeeze3A_1646, %sign3A_1649 : i32
          %sign3A_1651 = arith.extui %sign3A_1650 : i1 to i32
          %sign3A_1652 = arith.constant 0 : i32
          %sign3A_1653 = arith.cmpi slt, %squeeze3A_1646, %sign3A_1652 : i32
          %sign3A_1654 = arith.extui %sign3A_1653 : i1 to i32
          %sign3A_1655 = arith.subi %sign3A_1651, %sign3A_1654 : i32
          %sign3A_1656 = arith.constant 0 : i32
          %sign3A_1657 = arith.cmpi sgt, %jit3A_1647, %sign3A_1656 : i32
          %sign3A_1658 = arith.extui %sign3A_1657 : i1 to i32
          %sign3A_1659 = arith.constant 0 : i32
          %sign3A_1660 = arith.cmpi slt, %jit3A_1647, %sign3A_1659 : i32
          %sign3A_1661 = arith.extui %sign3A_1660 : i1 to i32
          %sign3A_1662 = arith.subi %sign3A_1658, %sign3A_1661 : i32
          %ne3A_1663 = arith.cmpi ne, %sign3A_1655, %sign3A_1662 : i32
          %rem3A_1664 = arith.remsi %squeeze3A_1646, %jit3A_1647 : i32
          %ne3A_1665 = arith.constant 0 : i32
          %ne3A_1666 = arith.cmpi ne, %rem3A_1664, %ne3A_1665 : i32
          %and3A_1667 = arith.andi %ne3A_1663, %ne3A_1666 : i1
          %sub3A_1668 = arith.constant 1 : i32
          %sub3A_1669 = arith.subi %div3A_1648, %sub3A_1668 : i32
          %select_n3A_1670 = arith.select %and3A_1667, %sub3A_1669, %div3A_1648 : i32
          %mul3A_1671 = arith.constant 128 : i32
          %mul3A_1672 = arith.muli %select_n3A_1670, %mul3A_1671 : i32
          %mul3A_1673 = arith.constant 16 : i32
          %mul3A_1674 = arith.muli %scan3A_27, %mul3A_1673 : i32
          %add3A_1675 = arith.constant 8 : i32
          %add3A_1676 = arith.addi %mul3A_1674, %add3A_1675 : i32
          %add3A_1677 = arith.constant 2 : i32
          %add3A_1678 = arith.addi %add3A_1676, %add3A_1677 : i32
          %lt3A_1679 = arith.constant 999936 : i32
          %lt3A_1680 = arith.cmpi slt, %squeeze3A_1646, %lt3A_1679 : i32
          %convert_element_type3A_1681 = arith.extui %lt3A_1680 : i1 to i32
          %cond3A_1682 = arith.constant 0 : i32
          %cond3A_1683 = arith.cmpi ne, %convert_element_type3A_1681, %cond3A_1682 : i32
          scf.if %cond3A_1683 {
            %add3A_1909 = arith.constant 256 : i32
            %add3A_1910 = arith.addi %add3A_1909, %squeeze3A_1646 : i32
            %sub3A_1911 = arith.subi %add3A_1910, %mul3A_1672 : i32
            %min3A_1912 = arith.constant 1023 : i32
            %min3A_1913 = arith.minsi %sub3A_1911, %min3A_1912 : i32
            %broadcast_in_dim3A_1914 = vector.broadcast %min3A_1913 : i32 to vector<16xi32>
            %add3A_1915 = arith.constant 0 : i32
            %add3A_1916 = vector.broadcast %add3A_1915 : i32 to vector<16xi32>
            %add3A_1917 = arith.addi %iota3A, %add3A_1916 : vector<16xi32>
            %gather3A_1918 = tpu.vector_load_idx %arg8[%add3A_1917, %broadcast_in_dim3A_1914] : memref<64x1024xf32, #tpu.memory_space<vmem>>[vector<16xi32>, vector<16xi32>], vector<16xf32>,
            %swap3A_1919 = arith.index_cast %add3A_1678 : i32 to index
            %swap3A_1920 = arith.constant 0 : index
            %swap3A_1921 = tpu.vector_load %arg10[%swap3A_1919, %swap3A_1920] {strides = array<i32>} : memref<128x128xf32, #tpu.memory_space<vmem>>, vector<16xf32>,
            tpu.vector_store %arg10[%swap3A_1919, %swap3A_1920], %gather3A_1918 {strides = array<i32>} : memref<128x128xf32, #tpu.memory_space<vmem>>, vector<16xf32>,
            %add3A_1922 = arith.constant 16 : i32
            %add3A_1923 = vector.broadcast %add3A_1922 : i32 to vector<16xi32>
            %add3A_1924 = arith.addi %iota3A, %add3A_1923 : vector<16xi32>
            %gather3A_1925 = tpu.vector_load_idx %arg8[%add3A_1924, %broadcast_in_dim3A_1914] : memref<64x1024xf32, #tpu.memory_space<vmem>>[vector<16xi32>, vector<16xi32>], vector<16xf32>,
            %swap3A_1926 = arith.index_cast %add3A_1678 : i32 to index
            %swap3A_1927 = arith.constant 16 : index
            %swap3A_1928 = tpu.vector_load %arg10[%swap3A_1926, %swap3A_1927] {strides = array<i32>} : memref<128x128xf32, #tpu.memory_space<vmem>>, vector<16xf32>,
            tpu.vector_store %arg10[%swap3A_1926, %swap3A_1927], %gather3A_1925 {strides = array<i32>} : memref<128x128xf32, #tpu.memory_space<vmem>>, vector<16xf32>,
            %add3A_1929 = arith.constant 32 : i32
            %add3A_1930 = vector.broadcast %add3A_1929 : i32 to vector<16xi32>
            %add3A_1931 = arith.addi %iota3A, %add3A_1930 : vector<16xi32>
            %gather3A_1932 = tpu.vector_load_idx %arg8[%add3A_1931, %broadcast_in_dim3A_1914] : memref<64x1024xf32, #tpu.memory_space<vmem>>[vector<16xi32>, vector<16xi32>], vector<16xf32>,
            %swap3A_1933 = arith.index_cast %add3A_1678 : i32 to index
            %swap3A_1934 = arith.constant 32 : index
            %swap3A_1935 = tpu.vector_load %arg10[%swap3A_1933, %swap3A_1934] {strides = array<i32>} : memref<128x128xf32, #tpu.memory_space<vmem>>, vector<16xf32>,
            tpu.vector_store %arg10[%swap3A_1933, %swap3A_1934], %gather3A_1932 {strides = array<i32>} : memref<128x128xf32, #tpu.memory_space<vmem>>, vector<16xf32>,
            %add3A_1936 = arith.constant 48 : i32
            %add3A_1937 = vector.broadcast %add3A_1936 : i32 to vector<16xi32>
            %add3A_1938 = arith.addi %iota3A, %add3A_1937 : vector<16xi32>
            %gather3A_1939 = tpu.vector_load_idx %arg8[%add3A_1938, %broadcast_in_dim3A_1914] : memref<64x1024xf32, #tpu.memory_space<vmem>>[vector<16xi32>, vector<16xi32>], vector<16xf32>,
            %swap3A_1940 = arith.index_cast %add3A_1678 : i32 to index
            %swap3A_1941 = arith.constant 48 : index
            %swap3A_1942 = tpu.vector_load %arg10[%swap3A_1940, %swap3A_1941] {strides = array<i32>} : memref<128x128xf32, #tpu.memory_space<vmem>>, vector<16xf32>,
            tpu.vector_store %arg10[%swap3A_1940, %swap3A_1941], %gather3A_1939 {strides = array<i32>} : memref<128x128xf32, #tpu.memory_space<vmem>>, vector<16xf32>,
          } else {
          }
          %ge3A_1684 = arith.constant 999936 : i32
          %ge3A_1685 = arith.cmpi sge, %squeeze3A_1646, %ge3A_1684 : i32
          %convert_element_type3A_1686 = arith.extui %ge3A_1685 : i1 to i32
          %cond3A_1687 = arith.constant 0 : i32
          %cond3A_1688 = arith.cmpi ne, %convert_element_type3A_1686, %cond3A_1687 : i32
          scf.if %cond3A_1688 {
            %sub3A_1909 = arith.constant 999936 : i32
            %sub3A_1910 = arith.subi %squeeze3A_1646, %sub3A_1909 : i32
            %min3A_1911 = arith.constant 63 : i32
            %min3A_1912 = arith.minsi %sub3A_1910, %min3A_1911 : i32
            %broadcast_in_dim3A_1913 = vector.broadcast %min3A_1912 : i32 to vector<16xi32>
            %add3A_1914 = arith.constant 0 : i32
            %add3A_1915 = vector.broadcast %add3A_1914 : i32 to vector<16xi32>
            %add3A_1916 = arith.addi %iota3A, %add3A_1915 : vector<16xi32>
            %gather3A_1917 = tpu.vector_load_idx %arg9[%add3A_1916, %broadcast_in_dim3A_1913] : memref<64x64xf32, #tpu.memory_space<vmem>>[vector<16xi32>, vector<16xi32>], vector<16xf32>,
            %swap3A_1918 = arith.index_cast %add3A_1678 : i32 to index
            %swap3A_1919 = arith.constant 0 : index
            %swap3A_1920 = tpu.vector_load %arg10[%swap3A_1918, %swap3A_1919] {strides = array<i32>} : memref<128x128xf32, #tpu.memory_space<vmem>>, vector<16xf32>,
            tpu.vector_store %arg10[%swap3A_1918, %swap3A_1919], %gather3A_1917 {strides = array<i32>} : memref<128x128xf32, #tpu.memory_space<vmem>>, vector<16xf32>,
            %add3A_1921 = arith.constant 16 : i32
            %add3A_1922 = vector.broadcast %add3A_1921 : i32 to vector<16xi32>
            %add3A_1923 = arith.addi %iota3A, %add3A_1922 : vector<16xi32>
            %gather3A_1924 = tpu.vector_load_idx %arg9[%add3A_1923, %broadcast_in_dim3A_1913] : memref<64x64xf32, #tpu.memory_space<vmem>>[vector<16xi32>, vector<16xi32>], vector<16xf32>,
            %swap3A_1925 = arith.index_cast %add3A_1678 : i32 to index
            %swap3A_1926 = arith.constant 16 : index
            %swap3A_1927 = tpu.vector_load %arg10[%swap3A_1925, %swap3A_1926] {strides = array<i32>} : memref<128x128xf32, #tpu.memory_space<vmem>>, vector<16xf32>,
            tpu.vector_store %arg10[%swap3A_1925, %swap3A_1926], %gather3A_1924 {strides = array<i32>} : memref<128x128xf32, #tpu.memory_space<vmem>>, vector<16xf32>,
            %add3A_1928 = arith.constant 32 : i32
            %add3A_1929 = vector.broadcast %add3A_1928 : i32 to vector<16xi32>
            %add3A_1930 = arith.addi %iota3A, %add3A_1929 : vector<16xi32>
            %gather3A_1931 = tpu.vector_load_idx %arg9[%add3A_1930, %broadcast_in_dim3A_1913] : memref<64x64xf32, #tpu.memory_space<vmem>>[vector<16xi32>, vector<16xi32>], vector<16xf32>,
            %swap3A_1932 = arith.index_cast %add3A_1678 : i32 to index
            %swap3A_1933 = arith.constant 32 : index
            %swap3A_1934 = tpu.vector_load %arg10[%swap3A_1932, %swap3A_1933] {strides = array<i32>} : memref<128x128xf32, #tpu.memory_space<vmem>>, vector<16xf32>,
            tpu.vector_store %arg10[%swap3A_1932, %swap3A_1933], %gather3A_1931 {strides = array<i32>} : memref<128x128xf32, #tpu.memory_space<vmem>>, vector<16xf32>,
            %add3A_1935 = arith.constant 48 : i32
            %add3A_1936 = vector.broadcast %add3A_1935 : i32 to vector<16xi32>
            %add3A_1937 = arith.addi %iota3A, %add3A_1936 : vector<16xi32>
            %gather3A_1938 = tpu.vector_load_idx %arg9[%add3A_1937, %broadcast_in_dim3A_1913] : memref<64x64xf32, #tpu.memory_space<vmem>>[vector<16xi32>, vector<16xi32>], vector<16xf32>,
            %swap3A_1939 = arith.index_cast %add3A_1678 : i32 to index
            %swap3A_1940 = arith.constant 48 : index
            %swap3A_1941 = tpu.vector_load %arg10[%swap3A_1939, %swap3A_1940] {strides = array<i32>} : memref<128x128xf32, #tpu.memory_space<vmem>>, vector<16xf32>,
            tpu.vector_store %arg10[%swap3A_1939, %swap3A_1940], %gather3A_1938 {strides = array<i32>} : memref<128x128xf32, #tpu.memory_space<vmem>>, vector<16xf32>,
          } else {
          }
          %slice3A_1689 = vector.extract_strided_slice %get3A_34 {offsets = [11], sizes = [1], strides = [1]} : vector<16xi32> to vector<1xi32>
          %squeeze3A_1690 = vector.extract %slice3A_1689[0] : i32 from vector<1xi32>
          %jit3A_1691 = arith.constant 128 : i32
          %div3A_1692 = arith.divsi %squeeze3A_1690, %jit3A_1691 : i32
          %sign3A_1693 = arith.constant 0 : i32
          %sign3A_1694 = arith.cmpi sgt, %squeeze3A_1690, %sign3A_1693 : i32
          %sign3A_1695 = arith.extui %sign3A_1694 : i1 to i32
          %sign3A_1696 = arith.constant 0 : i32
          %sign3A_1697 = arith.cmpi slt, %squeeze3A_1690, %sign3A_1696 : i32
          %sign3A_1698 = arith.extui %sign3A_1697 : i1 to i32
          %sign3A_1699 = arith.subi %sign3A_1695, %sign3A_1698 : i32
          %sign3A_1700 = arith.constant 0 : i32
          %sign3A_1701 = arith.cmpi sgt, %jit3A_1691, %sign3A_1700 : i32
          %sign3A_1702 = arith.extui %sign3A_1701 : i1 to i32
          %sign3A_1703 = arith.constant 0 : i32
          %sign3A_1704 = arith.cmpi slt, %jit3A_1691, %sign3A_1703 : i32
          %sign3A_1705 = arith.extui %sign3A_1704 : i1 to i32
          %sign3A_1706 = arith.subi %sign3A_1702, %sign3A_1705 : i32
          %ne3A_1707 = arith.cmpi ne, %sign3A_1699, %sign3A_1706 : i32
          %rem3A_1708 = arith.remsi %squeeze3A_1690, %jit3A_1691 : i32
          %ne3A_1709 = arith.constant 0 : i32
          %ne3A_1710 = arith.cmpi ne, %rem3A_1708, %ne3A_1709 : i32
          %and3A_1711 = arith.andi %ne3A_1707, %ne3A_1710 : i1
          %sub3A_1712 = arith.constant 1 : i32
          %sub3A_1713 = arith.subi %div3A_1692, %sub3A_1712 : i32
          %select_n3A_1714 = arith.select %and3A_1711, %sub3A_1713, %div3A_1692 : i32
          %mul3A_1715 = arith.constant 128 : i32
          %mul3A_1716 = arith.muli %select_n3A_1714, %mul3A_1715 : i32
          %mul3A_1717 = arith.constant 16 : i32
          %mul3A_1718 = arith.muli %scan3A_27, %mul3A_1717 : i32
          %add3A_1719 = arith.constant 8 : i32
          %add3A_1720 = arith.addi %mul3A_1718, %add3A_1719 : i32
          %add3A_1721 = arith.constant 3 : i32
          %add3A_1722 = arith.addi %add3A_1720, %add3A_1721 : i32
          %lt3A_1723 = arith.constant 999936 : i32
          %lt3A_1724 = arith.cmpi slt, %squeeze3A_1690, %lt3A_1723 : i32
          %convert_element_type3A_1725 = arith.extui %lt3A_1724 : i1 to i32
          %cond3A_1726 = arith.constant 0 : i32
          %cond3A_1727 = arith.cmpi ne, %convert_element_type3A_1725, %cond3A_1726 : i32
          scf.if %cond3A_1727 {
            %add3A_1909 = arith.constant 384 : i32
            %add3A_1910 = arith.addi %add3A_1909, %squeeze3A_1690 : i32
            %sub3A_1911 = arith.subi %add3A_1910, %mul3A_1716 : i32
            %min3A_1912 = arith.constant 1023 : i32
            %min3A_1913 = arith.minsi %sub3A_1911, %min3A_1912 : i32
            %broadcast_in_dim3A_1914 = vector.broadcast %min3A_1913 : i32 to vector<16xi32>
            %add3A_1915 = arith.constant 0 : i32
            %add3A_1916 = vector.broadcast %add3A_1915 : i32 to vector<16xi32>
            %add3A_1917 = arith.addi %iota3A, %add3A_1916 : vector<16xi32>
            %gather3A_1918 = tpu.vector_load_idx %arg8[%add3A_1917, %broadcast_in_dim3A_1914] : memref<64x1024xf32, #tpu.memory_space<vmem>>[vector<16xi32>, vector<16xi32>], vector<16xf32>,
            %swap3A_1919 = arith.index_cast %add3A_1722 : i32 to index
            %swap3A_1920 = arith.constant 0 : index
            %swap3A_1921 = tpu.vector_load %arg10[%swap3A_1919, %swap3A_1920] {strides = array<i32>} : memref<128x128xf32, #tpu.memory_space<vmem>>, vector<16xf32>,
            tpu.vector_store %arg10[%swap3A_1919, %swap3A_1920], %gather3A_1918 {strides = array<i32>} : memref<128x128xf32, #tpu.memory_space<vmem>>, vector<16xf32>,
            %add3A_1922 = arith.constant 16 : i32
            %add3A_1923 = vector.broadcast %add3A_1922 : i32 to vector<16xi32>
            %add3A_1924 = arith.addi %iota3A, %add3A_1923 : vector<16xi32>
            %gather3A_1925 = tpu.vector_load_idx %arg8[%add3A_1924, %broadcast_in_dim3A_1914] : memref<64x1024xf32, #tpu.memory_space<vmem>>[vector<16xi32>, vector<16xi32>], vector<16xf32>,
            %swap3A_1926 = arith.index_cast %add3A_1722 : i32 to index
            %swap3A_1927 = arith.constant 16 : index
            %swap3A_1928 = tpu.vector_load %arg10[%swap3A_1926, %swap3A_1927] {strides = array<i32>} : memref<128x128xf32, #tpu.memory_space<vmem>>, vector<16xf32>,
            tpu.vector_store %arg10[%swap3A_1926, %swap3A_1927], %gather3A_1925 {strides = array<i32>} : memref<128x128xf32, #tpu.memory_space<vmem>>, vector<16xf32>,
            %add3A_1929 = arith.constant 32 : i32
            %add3A_1930 = vector.broadcast %add3A_1929 : i32 to vector<16xi32>
            %add3A_1931 = arith.addi %iota3A, %add3A_1930 : vector<16xi32>
            %gather3A_1932 = tpu.vector_load_idx %arg8[%add3A_1931, %broadcast_in_dim3A_1914] : memref<64x1024xf32, #tpu.memory_space<vmem>>[vector<16xi32>, vector<16xi32>], vector<16xf32>,
            %swap3A_1933 = arith.index_cast %add3A_1722 : i32 to index
            %swap3A_1934 = arith.constant 32 : index
            %swap3A_1935 = tpu.vector_load %arg10[%swap3A_1933, %swap3A_1934] {strides = array<i32>} : memref<128x128xf32, #tpu.memory_space<vmem>>, vector<16xf32>,
            tpu.vector_store %arg10[%swap3A_1933, %swap3A_1934], %gather3A_1932 {strides = array<i32>} : memref<128x128xf32, #tpu.memory_space<vmem>>, vector<16xf32>,
            %add3A_1936 = arith.constant 48 : i32
            %add3A_1937 = vector.broadcast %add3A_1936 : i32 to vector<16xi32>
            %add3A_1938 = arith.addi %iota3A, %add3A_1937 : vector<16xi32>
            %gather3A_1939 = tpu.vector_load_idx %arg8[%add3A_1938, %broadcast_in_dim3A_1914] : memref<64x1024xf32, #tpu.memory_space<vmem>>[vector<16xi32>, vector<16xi32>], vector<16xf32>,
            %swap3A_1940 = arith.index_cast %add3A_1722 : i32 to index
            %swap3A_1941 = arith.constant 48 : index
            %swap3A_1942 = tpu.vector_load %arg10[%swap3A_1940, %swap3A_1941] {strides = array<i32>} : memref<128x128xf32, #tpu.memory_space<vmem>>, vector<16xf32>,
            tpu.vector_store %arg10[%swap3A_1940, %swap3A_1941], %gather3A_1939 {strides = array<i32>} : memref<128x128xf32, #tpu.memory_space<vmem>>, vector<16xf32>,
          } else {
          }
          %ge3A_1728 = arith.constant 999936 : i32
          %ge3A_1729 = arith.cmpi sge, %squeeze3A_1690, %ge3A_1728 : i32
          %convert_element_type3A_1730 = arith.extui %ge3A_1729 : i1 to i32
          %cond3A_1731 = arith.constant 0 : i32
          %cond3A_1732 = arith.cmpi ne, %convert_element_type3A_1730, %cond3A_1731 : i32
          scf.if %cond3A_1732 {
            %sub3A_1909 = arith.constant 999936 : i32
            %sub3A_1910 = arith.subi %squeeze3A_1690, %sub3A_1909 : i32
            %min3A_1911 = arith.constant 63 : i32
            %min3A_1912 = arith.minsi %sub3A_1910, %min3A_1911 : i32
            %broadcast_in_dim3A_1913 = vector.broadcast %min3A_1912 : i32 to vector<16xi32>
            %add3A_1914 = arith.constant 0 : i32
            %add3A_1915 = vector.broadcast %add3A_1914 : i32 to vector<16xi32>
            %add3A_1916 = arith.addi %iota3A, %add3A_1915 : vector<16xi32>
            %gather3A_1917 = tpu.vector_load_idx %arg9[%add3A_1916, %broadcast_in_dim3A_1913] : memref<64x64xf32, #tpu.memory_space<vmem>>[vector<16xi32>, vector<16xi32>], vector<16xf32>,
            %swap3A_1918 = arith.index_cast %add3A_1722 : i32 to index
            %swap3A_1919 = arith.constant 0 : index
            %swap3A_1920 = tpu.vector_load %arg10[%swap3A_1918, %swap3A_1919] {strides = array<i32>} : memref<128x128xf32, #tpu.memory_space<vmem>>, vector<16xf32>,
            tpu.vector_store %arg10[%swap3A_1918, %swap3A_1919], %gather3A_1917 {strides = array<i32>} : memref<128x128xf32, #tpu.memory_space<vmem>>, vector<16xf32>,
            %add3A_1921 = arith.constant 16 : i32
            %add3A_1922 = vector.broadcast %add3A_1921 : i32 to vector<16xi32>
            %add3A_1923 = arith.addi %iota3A, %add3A_1922 : vector<16xi32>
            %gather3A_1924 = tpu.vector_load_idx %arg9[%add3A_1923, %broadcast_in_dim3A_1913] : memref<64x64xf32, #tpu.memory_space<vmem>>[vector<16xi32>, vector<16xi32>], vector<16xf32>,
            %swap3A_1925 = arith.index_cast %add3A_1722 : i32 to index
            %swap3A_1926 = arith.constant 16 : index
            %swap3A_1927 = tpu.vector_load %arg10[%swap3A_1925, %swap3A_1926] {strides = array<i32>} : memref<128x128xf32, #tpu.memory_space<vmem>>, vector<16xf32>,
            tpu.vector_store %arg10[%swap3A_1925, %swap3A_1926], %gather3A_1924 {strides = array<i32>} : memref<128x128xf32, #tpu.memory_space<vmem>>, vector<16xf32>,
            %add3A_1928 = arith.constant 32 : i32
            %add3A_1929 = vector.broadcast %add3A_1928 : i32 to vector<16xi32>
            %add3A_1930 = arith.addi %iota3A, %add3A_1929 : vector<16xi32>
            %gather3A_1931 = tpu.vector_load_idx %arg9[%add3A_1930, %broadcast_in_dim3A_1913] : memref<64x64xf32, #tpu.memory_space<vmem>>[vector<16xi32>, vector<16xi32>], vector<16xf32>,
            %swap3A_1932 = arith.index_cast %add3A_1722 : i32 to index
            %swap3A_1933 = arith.constant 32 : index
            %swap3A_1934 = tpu.vector_load %arg10[%swap3A_1932, %swap3A_1933] {strides = array<i32>} : memref<128x128xf32, #tpu.memory_space<vmem>>, vector<16xf32>,
            tpu.vector_store %arg10[%swap3A_1932, %swap3A_1933], %gather3A_1931 {strides = array<i32>} : memref<128x128xf32, #tpu.memory_space<vmem>>, vector<16xf32>,
            %add3A_1935 = arith.constant 48 : i32
            %add3A_1936 = vector.broadcast %add3A_1935 : i32 to vector<16xi32>
            %add3A_1937 = arith.addi %iota3A, %add3A_1936 : vector<16xi32>
            %gather3A_1938 = tpu.vector_load_idx %arg9[%add3A_1937, %broadcast_in_dim3A_1913] : memref<64x64xf32, #tpu.memory_space<vmem>>[vector<16xi32>, vector<16xi32>], vector<16xf32>,
            %swap3A_1939 = arith.index_cast %add3A_1722 : i32 to index
            %swap3A_1940 = arith.constant 48 : index
            %swap3A_1941 = tpu.vector_load %arg10[%swap3A_1939, %swap3A_1940] {strides = array<i32>} : memref<128x128xf32, #tpu.memory_space<vmem>>, vector<16xf32>,
            tpu.vector_store %arg10[%swap3A_1939, %swap3A_1940], %gather3A_1938 {strides = array<i32>} : memref<128x128xf32, #tpu.memory_space<vmem>>, vector<16xf32>,
          } else {
          }
          %slice3A_1733 = vector.extract_strided_slice %get3A_34 {offsets = [12], sizes = [1], strides = [1]} : vector<16xi32> to vector<1xi32>
          %squeeze3A_1734 = vector.extract %slice3A_1733[0] : i32 from vector<1xi32>
          %jit3A_1735 = arith.constant 128 : i32
          %div3A_1736 = arith.divsi %squeeze3A_1734, %jit3A_1735 : i32
          %sign3A_1737 = arith.constant 0 : i32
          %sign3A_1738 = arith.cmpi sgt, %squeeze3A_1734, %sign3A_1737 : i32
          %sign3A_1739 = arith.extui %sign3A_1738 : i1 to i32
          %sign3A_1740 = arith.constant 0 : i32
          %sign3A_1741 = arith.cmpi slt, %squeeze3A_1734, %sign3A_1740 : i32
          %sign3A_1742 = arith.extui %sign3A_1741 : i1 to i32
          %sign3A_1743 = arith.subi %sign3A_1739, %sign3A_1742 : i32
          %sign3A_1744 = arith.constant 0 : i32
          %sign3A_1745 = arith.cmpi sgt, %jit3A_1735, %sign3A_1744 : i32
          %sign3A_1746 = arith.extui %sign3A_1745 : i1 to i32
          %sign3A_1747 = arith.constant 0 : i32
          %sign3A_1748 = arith.cmpi slt, %jit3A_1735, %sign3A_1747 : i32
          %sign3A_1749 = arith.extui %sign3A_1748 : i1 to i32
          %sign3A_1750 = arith.subi %sign3A_1746, %sign3A_1749 : i32
          %ne3A_1751 = arith.cmpi ne, %sign3A_1743, %sign3A_1750 : i32
          %rem3A_1752 = arith.remsi %squeeze3A_1734, %jit3A_1735 : i32
          %ne3A_1753 = arith.constant 0 : i32
          %ne3A_1754 = arith.cmpi ne, %rem3A_1752, %ne3A_1753 : i32
          %and3A_1755 = arith.andi %ne3A_1751, %ne3A_1754 : i1
          %sub3A_1756 = arith.constant 1 : i32
          %sub3A_1757 = arith.subi %div3A_1736, %sub3A_1756 : i32
          %select_n3A_1758 = arith.select %and3A_1755, %sub3A_1757, %div3A_1736 : i32
          %mul3A_1759 = arith.constant 128 : i32
          %mul3A_1760 = arith.muli %select_n3A_1758, %mul3A_1759 : i32
          %mul3A_1761 = arith.constant 16 : i32
          %mul3A_1762 = arith.muli %scan3A_27, %mul3A_1761 : i32
          %add3A_1763 = arith.constant 8 : i32
          %add3A_1764 = arith.addi %mul3A_1762, %add3A_1763 : i32
          %add3A_1765 = arith.constant 4 : i32
          %add3A_1766 = arith.addi %add3A_1764, %add3A_1765 : i32
          %lt3A_1767 = arith.constant 999936 : i32
          %lt3A_1768 = arith.cmpi slt, %squeeze3A_1734, %lt3A_1767 : i32
          %convert_element_type3A_1769 = arith.extui %lt3A_1768 : i1 to i32
          %cond3A_1770 = arith.constant 0 : i32
          %cond3A_1771 = arith.cmpi ne, %convert_element_type3A_1769, %cond3A_1770 : i32
          scf.if %cond3A_1771 {
            %add3A_1909 = arith.constant 512 : i32
            %add3A_1910 = arith.addi %add3A_1909, %squeeze3A_1734 : i32
            %sub3A_1911 = arith.subi %add3A_1910, %mul3A_1760 : i32
            %min3A_1912 = arith.constant 1023 : i32
            %min3A_1913 = arith.minsi %sub3A_1911, %min3A_1912 : i32
            %broadcast_in_dim3A_1914 = vector.broadcast %min3A_1913 : i32 to vector<16xi32>
            %add3A_1915 = arith.constant 0 : i32
            %add3A_1916 = vector.broadcast %add3A_1915 : i32 to vector<16xi32>
            %add3A_1917 = arith.addi %iota3A, %add3A_1916 : vector<16xi32>
            %gather3A_1918 = tpu.vector_load_idx %arg8[%add3A_1917, %broadcast_in_dim3A_1914] : memref<64x1024xf32, #tpu.memory_space<vmem>>[vector<16xi32>, vector<16xi32>], vector<16xf32>,
            %swap3A_1919 = arith.index_cast %add3A_1766 : i32 to index
            %swap3A_1920 = arith.constant 0 : index
            %swap3A_1921 = tpu.vector_load %arg10[%swap3A_1919, %swap3A_1920] {strides = array<i32>} : memref<128x128xf32, #tpu.memory_space<vmem>>, vector<16xf32>,
            tpu.vector_store %arg10[%swap3A_1919, %swap3A_1920], %gather3A_1918 {strides = array<i32>} : memref<128x128xf32, #tpu.memory_space<vmem>>, vector<16xf32>,
            %add3A_1922 = arith.constant 16 : i32
            %add3A_1923 = vector.broadcast %add3A_1922 : i32 to vector<16xi32>
            %add3A_1924 = arith.addi %iota3A, %add3A_1923 : vector<16xi32>
            %gather3A_1925 = tpu.vector_load_idx %arg8[%add3A_1924, %broadcast_in_dim3A_1914] : memref<64x1024xf32, #tpu.memory_space<vmem>>[vector<16xi32>, vector<16xi32>], vector<16xf32>,
            %swap3A_1926 = arith.index_cast %add3A_1766 : i32 to index
            %swap3A_1927 = arith.constant 16 : index
            %swap3A_1928 = tpu.vector_load %arg10[%swap3A_1926, %swap3A_1927] {strides = array<i32>} : memref<128x128xf32, #tpu.memory_space<vmem>>, vector<16xf32>,
            tpu.vector_store %arg10[%swap3A_1926, %swap3A_1927], %gather3A_1925 {strides = array<i32>} : memref<128x128xf32, #tpu.memory_space<vmem>>, vector<16xf32>,
            %add3A_1929 = arith.constant 32 : i32
            %add3A_1930 = vector.broadcast %add3A_1929 : i32 to vector<16xi32>
            %add3A_1931 = arith.addi %iota3A, %add3A_1930 : vector<16xi32>
            %gather3A_1932 = tpu.vector_load_idx %arg8[%add3A_1931, %broadcast_in_dim3A_1914] : memref<64x1024xf32, #tpu.memory_space<vmem>>[vector<16xi32>, vector<16xi32>], vector<16xf32>,
            %swap3A_1933 = arith.index_cast %add3A_1766 : i32 to index
            %swap3A_1934 = arith.constant 32 : index
            %swap3A_1935 = tpu.vector_load %arg10[%swap3A_1933, %swap3A_1934] {strides = array<i32>} : memref<128x128xf32, #tpu.memory_space<vmem>>, vector<16xf32>,
            tpu.vector_store %arg10[%swap3A_1933, %swap3A_1934], %gather3A_1932 {strides = array<i32>} : memref<128x128xf32, #tpu.memory_space<vmem>>, vector<16xf32>,
            %add3A_1936 = arith.constant 48 : i32
            %add3A_1937 = vector.broadcast %add3A_1936 : i32 to vector<16xi32>
            %add3A_1938 = arith.addi %iota3A, %add3A_1937 : vector<16xi32>
            %gather3A_1939 = tpu.vector_load_idx %arg8[%add3A_1938, %broadcast_in_dim3A_1914] : memref<64x1024xf32, #tpu.memory_space<vmem>>[vector<16xi32>, vector<16xi32>], vector<16xf32>,
            %swap3A_1940 = arith.index_cast %add3A_1766 : i32 to index
            %swap3A_1941 = arith.constant 48 : index
            %swap3A_1942 = tpu.vector_load %arg10[%swap3A_1940, %swap3A_1941] {strides = array<i32>} : memref<128x128xf32, #tpu.memory_space<vmem>>, vector<16xf32>,
            tpu.vector_store %arg10[%swap3A_1940, %swap3A_1941], %gather3A_1939 {strides = array<i32>} : memref<128x128xf32, #tpu.memory_space<vmem>>, vector<16xf32>,
          } else {
          }
          %ge3A_1772 = arith.constant 999936 : i32
          %ge3A_1773 = arith.cmpi sge, %squeeze3A_1734, %ge3A_1772 : i32
          %convert_element_type3A_1774 = arith.extui %ge3A_1773 : i1 to i32
          %cond3A_1775 = arith.constant 0 : i32
          %cond3A_1776 = arith.cmpi ne, %convert_element_type3A_1774, %cond3A_1775 : i32
          scf.if %cond3A_1776 {
            %sub3A_1909 = arith.constant 999936 : i32
            %sub3A_1910 = arith.subi %squeeze3A_1734, %sub3A_1909 : i32
            %min3A_1911 = arith.constant 63 : i32
            %min3A_1912 = arith.minsi %sub3A_1910, %min3A_1911 : i32
            %broadcast_in_dim3A_1913 = vector.broadcast %min3A_1912 : i32 to vector<16xi32>
            %add3A_1914 = arith.constant 0 : i32
            %add3A_1915 = vector.broadcast %add3A_1914 : i32 to vector<16xi32>
            %add3A_1916 = arith.addi %iota3A, %add3A_1915 : vector<16xi32>
            %gather3A_1917 = tpu.vector_load_idx %arg9[%add3A_1916, %broadcast_in_dim3A_1913] : memref<64x64xf32, #tpu.memory_space<vmem>>[vector<16xi32>, vector<16xi32>], vector<16xf32>,
            %swap3A_1918 = arith.index_cast %add3A_1766 : i32 to index
            %swap3A_1919 = arith.constant 0 : index
            %swap3A_1920 = tpu.vector_load %arg10[%swap3A_1918, %swap3A_1919] {strides = array<i32>} : memref<128x128xf32, #tpu.memory_space<vmem>>, vector<16xf32>,
            tpu.vector_store %arg10[%swap3A_1918, %swap3A_1919], %gather3A_1917 {strides = array<i32>} : memref<128x128xf32, #tpu.memory_space<vmem>>, vector<16xf32>,
            %add3A_1921 = arith.constant 16 : i32
            %add3A_1922 = vector.broadcast %add3A_1921 : i32 to vector<16xi32>
            %add3A_1923 = arith.addi %iota3A, %add3A_1922 : vector<16xi32>
            %gather3A_1924 = tpu.vector_load_idx %arg9[%add3A_1923, %broadcast_in_dim3A_1913] : memref<64x64xf32, #tpu.memory_space<vmem>>[vector<16xi32>, vector<16xi32>], vector<16xf32>,
            %swap3A_1925 = arith.index_cast %add3A_1766 : i32 to index
            %swap3A_1926 = arith.constant 16 : index
            %swap3A_1927 = tpu.vector_load %arg10[%swap3A_1925, %swap3A_1926] {strides = array<i32>} : memref<128x128xf32, #tpu.memory_space<vmem>>, vector<16xf32>,
            tpu.vector_store %arg10[%swap3A_1925, %swap3A_1926], %gather3A_1924 {strides = array<i32>} : memref<128x128xf32, #tpu.memory_space<vmem>>, vector<16xf32>,
            %add3A_1928 = arith.constant 32 : i32
            %add3A_1929 = vector.broadcast %add3A_1928 : i32 to vector<16xi32>
            %add3A_1930 = arith.addi %iota3A, %add3A_1929 : vector<16xi32>
            %gather3A_1931 = tpu.vector_load_idx %arg9[%add3A_1930, %broadcast_in_dim3A_1913] : memref<64x64xf32, #tpu.memory_space<vmem>>[vector<16xi32>, vector<16xi32>], vector<16xf32>,
            %swap3A_1932 = arith.index_cast %add3A_1766 : i32 to index
            %swap3A_1933 = arith.constant 32 : index
            %swap3A_1934 = tpu.vector_load %arg10[%swap3A_1932, %swap3A_1933] {strides = array<i32>} : memref<128x128xf32, #tpu.memory_space<vmem>>, vector<16xf32>,
            tpu.vector_store %arg10[%swap3A_1932, %swap3A_1933], %gather3A_1931 {strides = array<i32>} : memref<128x128xf32, #tpu.memory_space<vmem>>, vector<16xf32>,
            %add3A_1935 = arith.constant 48 : i32
            %add3A_1936 = vector.broadcast %add3A_1935 : i32 to vector<16xi32>
            %add3A_1937 = arith.addi %iota3A, %add3A_1936 : vector<16xi32>
            %gather3A_1938 = tpu.vector_load_idx %arg9[%add3A_1937, %broadcast_in_dim3A_1913] : memref<64x64xf32, #tpu.memory_space<vmem>>[vector<16xi32>, vector<16xi32>], vector<16xf32>,
            %swap3A_1939 = arith.index_cast %add3A_1766 : i32 to index
            %swap3A_1940 = arith.constant 48 : index
            %swap3A_1941 = tpu.vector_load %arg10[%swap3A_1939, %swap3A_1940] {strides = array<i32>} : memref<128x128xf32, #tpu.memory_space<vmem>>, vector<16xf32>,
            tpu.vector_store %arg10[%swap3A_1939, %swap3A_1940], %gather3A_1938 {strides = array<i32>} : memref<128x128xf32, #tpu.memory_space<vmem>>, vector<16xf32>,
          } else {
          }
          %slice3A_1777 = vector.extract_strided_slice %get3A_34 {offsets = [13], sizes = [1], strides = [1]} : vector<16xi32> to vector<1xi32>
          %squeeze3A_1778 = vector.extract %slice3A_1777[0] : i32 from vector<1xi32>
          %jit3A_1779 = arith.constant 128 : i32
          %div3A_1780 = arith.divsi %squeeze3A_1778, %jit3A_1779 : i32
          %sign3A_1781 = arith.constant 0 : i32
          %sign3A_1782 = arith.cmpi sgt, %squeeze3A_1778, %sign3A_1781 : i32
          %sign3A_1783 = arith.extui %sign3A_1782 : i1 to i32
          %sign3A_1784 = arith.constant 0 : i32
          %sign3A_1785 = arith.cmpi slt, %squeeze3A_1778, %sign3A_1784 : i32
          %sign3A_1786 = arith.extui %sign3A_1785 : i1 to i32
          %sign3A_1787 = arith.subi %sign3A_1783, %sign3A_1786 : i32
          %sign3A_1788 = arith.constant 0 : i32
          %sign3A_1789 = arith.cmpi sgt, %jit3A_1779, %sign3A_1788 : i32
          %sign3A_1790 = arith.extui %sign3A_1789 : i1 to i32
          %sign3A_1791 = arith.constant 0 : i32
          %sign3A_1792 = arith.cmpi slt, %jit3A_1779, %sign3A_1791 : i32
          %sign3A_1793 = arith.extui %sign3A_1792 : i1 to i32
          %sign3A_1794 = arith.subi %sign3A_1790, %sign3A_1793 : i32
          %ne3A_1795 = arith.cmpi ne, %sign3A_1787, %sign3A_1794 : i32
          %rem3A_1796 = arith.remsi %squeeze3A_1778, %jit3A_1779 : i32
          %ne3A_1797 = arith.constant 0 : i32
          %ne3A_1798 = arith.cmpi ne, %rem3A_1796, %ne3A_1797 : i32
          %and3A_1799 = arith.andi %ne3A_1795, %ne3A_1798 : i1
          %sub3A_1800 = arith.constant 1 : i32
          %sub3A_1801 = arith.subi %div3A_1780, %sub3A_1800 : i32
          %select_n3A_1802 = arith.select %and3A_1799, %sub3A_1801, %div3A_1780 : i32
          %mul3A_1803 = arith.constant 128 : i32
          %mul3A_1804 = arith.muli %select_n3A_1802, %mul3A_1803 : i32
          %mul3A_1805 = arith.constant 16 : i32
          %mul3A_1806 = arith.muli %scan3A_27, %mul3A_1805 : i32
          %add3A_1807 = arith.constant 8 : i32
          %add3A_1808 = arith.addi %mul3A_1806, %add3A_1807 : i32
          %add3A_1809 = arith.constant 5 : i32
          %add3A_1810 = arith.addi %add3A_1808, %add3A_1809 : i32
          %lt3A_1811 = arith.constant 999936 : i32
          %lt3A_1812 = arith.cmpi slt, %squeeze3A_1778, %lt3A_1811 : i32
          %convert_element_type3A_1813 = arith.extui %lt3A_1812 : i1 to i32
          %cond3A_1814 = arith.constant 0 : i32
          %cond3A_1815 = arith.cmpi ne, %convert_element_type3A_1813, %cond3A_1814 : i32
          scf.if %cond3A_1815 {
            %add3A_1909 = arith.constant 640 : i32
            %add3A_1910 = arith.addi %add3A_1909, %squeeze3A_1778 : i32
            %sub3A_1911 = arith.subi %add3A_1910, %mul3A_1804 : i32
            %min3A_1912 = arith.constant 1023 : i32
            %min3A_1913 = arith.minsi %sub3A_1911, %min3A_1912 : i32
            %broadcast_in_dim3A_1914 = vector.broadcast %min3A_1913 : i32 to vector<16xi32>
            %add3A_1915 = arith.constant 0 : i32
            %add3A_1916 = vector.broadcast %add3A_1915 : i32 to vector<16xi32>
            %add3A_1917 = arith.addi %iota3A, %add3A_1916 : vector<16xi32>
            %gather3A_1918 = tpu.vector_load_idx %arg8[%add3A_1917, %broadcast_in_dim3A_1914] : memref<64x1024xf32, #tpu.memory_space<vmem>>[vector<16xi32>, vector<16xi32>], vector<16xf32>,
            %swap3A_1919 = arith.index_cast %add3A_1810 : i32 to index
            %swap3A_1920 = arith.constant 0 : index
            %swap3A_1921 = tpu.vector_load %arg10[%swap3A_1919, %swap3A_1920] {strides = array<i32>} : memref<128x128xf32, #tpu.memory_space<vmem>>, vector<16xf32>,
            tpu.vector_store %arg10[%swap3A_1919, %swap3A_1920], %gather3A_1918 {strides = array<i32>} : memref<128x128xf32, #tpu.memory_space<vmem>>, vector<16xf32>,
            %add3A_1922 = arith.constant 16 : i32
            %add3A_1923 = vector.broadcast %add3A_1922 : i32 to vector<16xi32>
            %add3A_1924 = arith.addi %iota3A, %add3A_1923 : vector<16xi32>
            %gather3A_1925 = tpu.vector_load_idx %arg8[%add3A_1924, %broadcast_in_dim3A_1914] : memref<64x1024xf32, #tpu.memory_space<vmem>>[vector<16xi32>, vector<16xi32>], vector<16xf32>,
            %swap3A_1926 = arith.index_cast %add3A_1810 : i32 to index
            %swap3A_1927 = arith.constant 16 : index
            %swap3A_1928 = tpu.vector_load %arg10[%swap3A_1926, %swap3A_1927] {strides = array<i32>} : memref<128x128xf32, #tpu.memory_space<vmem>>, vector<16xf32>,
            tpu.vector_store %arg10[%swap3A_1926, %swap3A_1927], %gather3A_1925 {strides = array<i32>} : memref<128x128xf32, #tpu.memory_space<vmem>>, vector<16xf32>,
            %add3A_1929 = arith.constant 32 : i32
            %add3A_1930 = vector.broadcast %add3A_1929 : i32 to vector<16xi32>
            %add3A_1931 = arith.addi %iota3A, %add3A_1930 : vector<16xi32>
            %gather3A_1932 = tpu.vector_load_idx %arg8[%add3A_1931, %broadcast_in_dim3A_1914] : memref<64x1024xf32, #tpu.memory_space<vmem>>[vector<16xi32>, vector<16xi32>], vector<16xf32>,
            %swap3A_1933 = arith.index_cast %add3A_1810 : i32 to index
            %swap3A_1934 = arith.constant 32 : index
            %swap3A_1935 = tpu.vector_load %arg10[%swap3A_1933, %swap3A_1934] {strides = array<i32>} : memref<128x128xf32, #tpu.memory_space<vmem>>, vector<16xf32>,
            tpu.vector_store %arg10[%swap3A_1933, %swap3A_1934], %gather3A_1932 {strides = array<i32>} : memref<128x128xf32, #tpu.memory_space<vmem>>, vector<16xf32>,
            %add3A_1936 = arith.constant 48 : i32
            %add3A_1937 = vector.broadcast %add3A_1936 : i32 to vector<16xi32>
            %add3A_1938 = arith.addi %iota3A, %add3A_1937 : vector<16xi32>
            %gather3A_1939 = tpu.vector_load_idx %arg8[%add3A_1938, %broadcast_in_dim3A_1914] : memref<64x1024xf32, #tpu.memory_space<vmem>>[vector<16xi32>, vector<16xi32>], vector<16xf32>,
            %swap3A_1940 = arith.index_cast %add3A_1810 : i32 to index
            %swap3A_1941 = arith.constant 48 : index
            %swap3A_1942 = tpu.vector_load %arg10[%swap3A_1940, %swap3A_1941] {strides = array<i32>} : memref<128x128xf32, #tpu.memory_space<vmem>>, vector<16xf32>,
            tpu.vector_store %arg10[%swap3A_1940, %swap3A_1941], %gather3A_1939 {strides = array<i32>} : memref<128x128xf32, #tpu.memory_space<vmem>>, vector<16xf32>,
          } else {
          }
          %ge3A_1816 = arith.constant 999936 : i32
          %ge3A_1817 = arith.cmpi sge, %squeeze3A_1778, %ge3A_1816 : i32
          %convert_element_type3A_1818 = arith.extui %ge3A_1817 : i1 to i32
          %cond3A_1819 = arith.constant 0 : i32
          %cond3A_1820 = arith.cmpi ne, %convert_element_type3A_1818, %cond3A_1819 : i32
          scf.if %cond3A_1820 {
            %sub3A_1909 = arith.constant 999936 : i32
            %sub3A_1910 = arith.subi %squeeze3A_1778, %sub3A_1909 : i32
            %min3A_1911 = arith.constant 63 : i32
            %min3A_1912 = arith.minsi %sub3A_1910, %min3A_1911 : i32
            %broadcast_in_dim3A_1913 = vector.broadcast %min3A_1912 : i32 to vector<16xi32>
            %add3A_1914 = arith.constant 0 : i32
            %add3A_1915 = vector.broadcast %add3A_1914 : i32 to vector<16xi32>
            %add3A_1916 = arith.addi %iota3A, %add3A_1915 : vector<16xi32>
            %gather3A_1917 = tpu.vector_load_idx %arg9[%add3A_1916, %broadcast_in_dim3A_1913] : memref<64x64xf32, #tpu.memory_space<vmem>>[vector<16xi32>, vector<16xi32>], vector<16xf32>,
            %swap3A_1918 = arith.index_cast %add3A_1810 : i32 to index
            %swap3A_1919 = arith.constant 0 : index
            %swap3A_1920 = tpu.vector_load %arg10[%swap3A_1918, %swap3A_1919] {strides = array<i32>} : memref<128x128xf32, #tpu.memory_space<vmem>>, vector<16xf32>,
            tpu.vector_store %arg10[%swap3A_1918, %swap3A_1919], %gather3A_1917 {strides = array<i32>} : memref<128x128xf32, #tpu.memory_space<vmem>>, vector<16xf32>,
            %add3A_1921 = arith.constant 16 : i32
            %add3A_1922 = vector.broadcast %add3A_1921 : i32 to vector<16xi32>
            %add3A_1923 = arith.addi %iota3A, %add3A_1922 : vector<16xi32>
            %gather3A_1924 = tpu.vector_load_idx %arg9[%add3A_1923, %broadcast_in_dim3A_1913] : memref<64x64xf32, #tpu.memory_space<vmem>>[vector<16xi32>, vector<16xi32>], vector<16xf32>,
            %swap3A_1925 = arith.index_cast %add3A_1810 : i32 to index
            %swap3A_1926 = arith.constant 16 : index
            %swap3A_1927 = tpu.vector_load %arg10[%swap3A_1925, %swap3A_1926] {strides = array<i32>} : memref<128x128xf32, #tpu.memory_space<vmem>>, vector<16xf32>,
            tpu.vector_store %arg10[%swap3A_1925, %swap3A_1926], %gather3A_1924 {strides = array<i32>} : memref<128x128xf32, #tpu.memory_space<vmem>>, vector<16xf32>,
            %add3A_1928 = arith.constant 32 : i32
            %add3A_1929 = vector.broadcast %add3A_1928 : i32 to vector<16xi32>
            %add3A_1930 = arith.addi %iota3A, %add3A_1929 : vector<16xi32>
            %gather3A_1931 = tpu.vector_load_idx %arg9[%add3A_1930, %broadcast_in_dim3A_1913] : memref<64x64xf32, #tpu.memory_space<vmem>>[vector<16xi32>, vector<16xi32>], vector<16xf32>,
            %swap3A_1932 = arith.index_cast %add3A_1810 : i32 to index
            %swap3A_1933 = arith.constant 32 : index
            %swap3A_1934 = tpu.vector_load %arg10[%swap3A_1932, %swap3A_1933] {strides = array<i32>} : memref<128x128xf32, #tpu.memory_space<vmem>>, vector<16xf32>,
            tpu.vector_store %arg10[%swap3A_1932, %swap3A_1933], %gather3A_1931 {strides = array<i32>} : memref<128x128xf32, #tpu.memory_space<vmem>>, vector<16xf32>,
            %add3A_1935 = arith.constant 48 : i32
            %add3A_1936 = vector.broadcast %add3A_1935 : i32 to vector<16xi32>
            %add3A_1937 = arith.addi %iota3A, %add3A_1936 : vector<16xi32>
            %gather3A_1938 = tpu.vector_load_idx %arg9[%add3A_1937, %broadcast_in_dim3A_1913] : memref<64x64xf32, #tpu.memory_space<vmem>>[vector<16xi32>, vector<16xi32>], vector<16xf32>,
            %swap3A_1939 = arith.index_cast %add3A_1810 : i32 to index
            %swap3A_1940 = arith.constant 48 : index
            %swap3A_1941 = tpu.vector_load %arg10[%swap3A_1939, %swap3A_1940] {strides = array<i32>} : memref<128x128xf32, #tpu.memory_space<vmem>>, vector<16xf32>,
            tpu.vector_store %arg10[%swap3A_1939, %swap3A_1940], %gather3A_1938 {strides = array<i32>} : memref<128x128xf32, #tpu.memory_space<vmem>>, vector<16xf32>,
          } else {
          }
          %slice3A_1821 = vector.extract_strided_slice %get3A_34 {offsets = [14], sizes = [1], strides = [1]} : vector<16xi32> to vector<1xi32>
          %squeeze3A_1822 = vector.extract %slice3A_1821[0] : i32 from vector<1xi32>
          %jit3A_1823 = arith.constant 128 : i32
          %div3A_1824 = arith.divsi %squeeze3A_1822, %jit3A_1823 : i32
          %sign3A_1825 = arith.constant 0 : i32
          %sign3A_1826 = arith.cmpi sgt, %squeeze3A_1822, %sign3A_1825 : i32
          %sign3A_1827 = arith.extui %sign3A_1826 : i1 to i32
          %sign3A_1828 = arith.constant 0 : i32
          %sign3A_1829 = arith.cmpi slt, %squeeze3A_1822, %sign3A_1828 : i32
          %sign3A_1830 = arith.extui %sign3A_1829 : i1 to i32
          %sign3A_1831 = arith.subi %sign3A_1827, %sign3A_1830 : i32
          %sign3A_1832 = arith.constant 0 : i32
          %sign3A_1833 = arith.cmpi sgt, %jit3A_1823, %sign3A_1832 : i32
          %sign3A_1834 = arith.extui %sign3A_1833 : i1 to i32
          %sign3A_1835 = arith.constant 0 : i32
          %sign3A_1836 = arith.cmpi slt, %jit3A_1823, %sign3A_1835 : i32
          %sign3A_1837 = arith.extui %sign3A_1836 : i1 to i32
          %sign3A_1838 = arith.subi %sign3A_1834, %sign3A_1837 : i32
          %ne3A_1839 = arith.cmpi ne, %sign3A_1831, %sign3A_1838 : i32
          %rem3A_1840 = arith.remsi %squeeze3A_1822, %jit3A_1823 : i32
          %ne3A_1841 = arith.constant 0 : i32
          %ne3A_1842 = arith.cmpi ne, %rem3A_1840, %ne3A_1841 : i32
          %and3A_1843 = arith.andi %ne3A_1839, %ne3A_1842 : i1
          %sub3A_1844 = arith.constant 1 : i32
          %sub3A_1845 = arith.subi %div3A_1824, %sub3A_1844 : i32
          %select_n3A_1846 = arith.select %and3A_1843, %sub3A_1845, %div3A_1824 : i32
          %mul3A_1847 = arith.constant 128 : i32
          %mul3A_1848 = arith.muli %select_n3A_1846, %mul3A_1847 : i32
          %mul3A_1849 = arith.constant 16 : i32
          %mul3A_1850 = arith.muli %scan3A_27, %mul3A_1849 : i32
          %add3A_1851 = arith.constant 8 : i32
          %add3A_1852 = arith.addi %mul3A_1850, %add3A_1851 : i32
          %add3A_1853 = arith.constant 6 : i32
          %add3A_1854 = arith.addi %add3A_1852, %add3A_1853 : i32
          %lt3A_1855 = arith.constant 999936 : i32
          %lt3A_1856 = arith.cmpi slt, %squeeze3A_1822, %lt3A_1855 : i32
          %convert_element_type3A_1857 = arith.extui %lt3A_1856 : i1 to i32
          %cond3A_1858 = arith.constant 0 : i32
          %cond3A_1859 = arith.cmpi ne, %convert_element_type3A_1857, %cond3A_1858 : i32
          scf.if %cond3A_1859 {
            %add3A_1909 = arith.constant 768 : i32
            %add3A_1910 = arith.addi %add3A_1909, %squeeze3A_1822 : i32
            %sub3A_1911 = arith.subi %add3A_1910, %mul3A_1848 : i32
            %min3A_1912 = arith.constant 1023 : i32
            %min3A_1913 = arith.minsi %sub3A_1911, %min3A_1912 : i32
            %broadcast_in_dim3A_1914 = vector.broadcast %min3A_1913 : i32 to vector<16xi32>
            %add3A_1915 = arith.constant 0 : i32
            %add3A_1916 = vector.broadcast %add3A_1915 : i32 to vector<16xi32>
            %add3A_1917 = arith.addi %iota3A, %add3A_1916 : vector<16xi32>
            %gather3A_1918 = tpu.vector_load_idx %arg8[%add3A_1917, %broadcast_in_dim3A_1914] : memref<64x1024xf32, #tpu.memory_space<vmem>>[vector<16xi32>, vector<16xi32>], vector<16xf32>,
            %swap3A_1919 = arith.index_cast %add3A_1854 : i32 to index
            %swap3A_1920 = arith.constant 0 : index
            %swap3A_1921 = tpu.vector_load %arg10[%swap3A_1919, %swap3A_1920] {strides = array<i32>} : memref<128x128xf32, #tpu.memory_space<vmem>>, vector<16xf32>,
            tpu.vector_store %arg10[%swap3A_1919, %swap3A_1920], %gather3A_1918 {strides = array<i32>} : memref<128x128xf32, #tpu.memory_space<vmem>>, vector<16xf32>,
            %add3A_1922 = arith.constant 16 : i32
            %add3A_1923 = vector.broadcast %add3A_1922 : i32 to vector<16xi32>
            %add3A_1924 = arith.addi %iota3A, %add3A_1923 : vector<16xi32>
            %gather3A_1925 = tpu.vector_load_idx %arg8[%add3A_1924, %broadcast_in_dim3A_1914] : memref<64x1024xf32, #tpu.memory_space<vmem>>[vector<16xi32>, vector<16xi32>], vector<16xf32>,
            %swap3A_1926 = arith.index_cast %add3A_1854 : i32 to index
            %swap3A_1927 = arith.constant 16 : index
            %swap3A_1928 = tpu.vector_load %arg10[%swap3A_1926, %swap3A_1927] {strides = array<i32>} : memref<128x128xf32, #tpu.memory_space<vmem>>, vector<16xf32>,
            tpu.vector_store %arg10[%swap3A_1926, %swap3A_1927], %gather3A_1925 {strides = array<i32>} : memref<128x128xf32, #tpu.memory_space<vmem>>, vector<16xf32>,
            %add3A_1929 = arith.constant 32 : i32
            %add3A_1930 = vector.broadcast %add3A_1929 : i32 to vector<16xi32>
            %add3A_1931 = arith.addi %iota3A, %add3A_1930 : vector<16xi32>
            %gather3A_1932 = tpu.vector_load_idx %arg8[%add3A_1931, %broadcast_in_dim3A_1914] : memref<64x1024xf32, #tpu.memory_space<vmem>>[vector<16xi32>, vector<16xi32>], vector<16xf32>,
            %swap3A_1933 = arith.index_cast %add3A_1854 : i32 to index
            %swap3A_1934 = arith.constant 32 : index
            %swap3A_1935 = tpu.vector_load %arg10[%swap3A_1933, %swap3A_1934] {strides = array<i32>} : memref<128x128xf32, #tpu.memory_space<vmem>>, vector<16xf32>,
            tpu.vector_store %arg10[%swap3A_1933, %swap3A_1934], %gather3A_1932 {strides = array<i32>} : memref<128x128xf32, #tpu.memory_space<vmem>>, vector<16xf32>,
            %add3A_1936 = arith.constant 48 : i32
            %add3A_1937 = vector.broadcast %add3A_1936 : i32 to vector<16xi32>
            %add3A_1938 = arith.addi %iota3A, %add3A_1937 : vector<16xi32>
            %gather3A_1939 = tpu.vector_load_idx %arg8[%add3A_1938, %broadcast_in_dim3A_1914] : memref<64x1024xf32, #tpu.memory_space<vmem>>[vector<16xi32>, vector<16xi32>], vector<16xf32>,
            %swap3A_1940 = arith.index_cast %add3A_1854 : i32 to index
            %swap3A_1941 = arith.constant 48 : index
            %swap3A_1942 = tpu.vector_load %arg10[%swap3A_1940, %swap3A_1941] {strides = array<i32>} : memref<128x128xf32, #tpu.memory_space<vmem>>, vector<16xf32>,
            tpu.vector_store %arg10[%swap3A_1940, %swap3A_1941], %gather3A_1939 {strides = array<i32>} : memref<128x128xf32, #tpu.memory_space<vmem>>, vector<16xf32>,
          } else {
          }
          %ge3A_1860 = arith.constant 999936 : i32
          %ge3A_1861 = arith.cmpi sge, %squeeze3A_1822, %ge3A_1860 : i32
          %convert_element_type3A_1862 = arith.extui %ge3A_1861 : i1 to i32
          %cond3A_1863 = arith.constant 0 : i32
          %cond3A_1864 = arith.cmpi ne, %convert_element_type3A_1862, %cond3A_1863 : i32
          scf.if %cond3A_1864 {
            %sub3A_1909 = arith.constant 999936 : i32
            %sub3A_1910 = arith.subi %squeeze3A_1822, %sub3A_1909 : i32
            %min3A_1911 = arith.constant 63 : i32
            %min3A_1912 = arith.minsi %sub3A_1910, %min3A_1911 : i32
            %broadcast_in_dim3A_1913 = vector.broadcast %min3A_1912 : i32 to vector<16xi32>
            %add3A_1914 = arith.constant 0 : i32
            %add3A_1915 = vector.broadcast %add3A_1914 : i32 to vector<16xi32>
            %add3A_1916 = arith.addi %iota3A, %add3A_1915 : vector<16xi32>
            %gather3A_1917 = tpu.vector_load_idx %arg9[%add3A_1916, %broadcast_in_dim3A_1913] : memref<64x64xf32, #tpu.memory_space<vmem>>[vector<16xi32>, vector<16xi32>], vector<16xf32>,
            %swap3A_1918 = arith.index_cast %add3A_1854 : i32 to index
            %swap3A_1919 = arith.constant 0 : index
            %swap3A_1920 = tpu.vector_load %arg10[%swap3A_1918, %swap3A_1919] {strides = array<i32>} : memref<128x128xf32, #tpu.memory_space<vmem>>, vector<16xf32>,
            tpu.vector_store %arg10[%swap3A_1918, %swap3A_1919], %gather3A_1917 {strides = array<i32>} : memref<128x128xf32, #tpu.memory_space<vmem>>, vector<16xf32>,
            %add3A_1921 = arith.constant 16 : i32
            %add3A_1922 = vector.broadcast %add3A_1921 : i32 to vector<16xi32>
            %add3A_1923 = arith.addi %iota3A, %add3A_1922 : vector<16xi32>
            %gather3A_1924 = tpu.vector_load_idx %arg9[%add3A_1923, %broadcast_in_dim3A_1913] : memref<64x64xf32, #tpu.memory_space<vmem>>[vector<16xi32>, vector<16xi32>], vector<16xf32>,
            %swap3A_1925 = arith.index_cast %add3A_1854 : i32 to index
            %swap3A_1926 = arith.constant 16 : index
            %swap3A_1927 = tpu.vector_load %arg10[%swap3A_1925, %swap3A_1926] {strides = array<i32>} : memref<128x128xf32, #tpu.memory_space<vmem>>, vector<16xf32>,
            tpu.vector_store %arg10[%swap3A_1925, %swap3A_1926], %gather3A_1924 {strides = array<i32>} : memref<128x128xf32, #tpu.memory_space<vmem>>, vector<16xf32>,
            %add3A_1928 = arith.constant 32 : i32
            %add3A_1929 = vector.broadcast %add3A_1928 : i32 to vector<16xi32>
            %add3A_1930 = arith.addi %iota3A, %add3A_1929 : vector<16xi32>
            %gather3A_1931 = tpu.vector_load_idx %arg9[%add3A_1930, %broadcast_in_dim3A_1913] : memref<64x64xf32, #tpu.memory_space<vmem>>[vector<16xi32>, vector<16xi32>], vector<16xf32>,
            %swap3A_1932 = arith.index_cast %add3A_1854 : i32 to index
            %swap3A_1933 = arith.constant 32 : index
            %swap3A_1934 = tpu.vector_load %arg10[%swap3A_1932, %swap3A_1933] {strides = array<i32>} : memref<128x128xf32, #tpu.memory_space<vmem>>, vector<16xf32>,
            tpu.vector_store %arg10[%swap3A_1932, %swap3A_1933], %gather3A_1931 {strides = array<i32>} : memref<128x128xf32, #tpu.memory_space<vmem>>, vector<16xf32>,
            %add3A_1935 = arith.constant 48 : i32
            %add3A_1936 = vector.broadcast %add3A_1935 : i32 to vector<16xi32>
            %add3A_1937 = arith.addi %iota3A, %add3A_1936 : vector<16xi32>
            %gather3A_1938 = tpu.vector_load_idx %arg9[%add3A_1937, %broadcast_in_dim3A_1913] : memref<64x64xf32, #tpu.memory_space<vmem>>[vector<16xi32>, vector<16xi32>], vector<16xf32>,
            %swap3A_1939 = arith.index_cast %add3A_1854 : i32 to index
            %swap3A_1940 = arith.constant 48 : index
            %swap3A_1941 = tpu.vector_load %arg10[%swap3A_1939, %swap3A_1940] {strides = array<i32>} : memref<128x128xf32, #tpu.memory_space<vmem>>, vector<16xf32>,
            tpu.vector_store %arg10[%swap3A_1939, %swap3A_1940], %gather3A_1938 {strides = array<i32>} : memref<128x128xf32, #tpu.memory_space<vmem>>, vector<16xf32>,
          } else {
          }
          %slice3A_1865 = vector.extract_strided_slice %get3A_34 {offsets = [15], sizes = [1], strides = [1]} : vector<16xi32> to vector<1xi32>
          %squeeze3A_1866 = vector.extract %slice3A_1865[0] : i32 from vector<1xi32>
          %jit3A_1867 = arith.constant 128 : i32
          %div3A_1868 = arith.divsi %squeeze3A_1866, %jit3A_1867 : i32
          %sign3A_1869 = arith.constant 0 : i32
          %sign3A_1870 = arith.cmpi sgt, %squeeze3A_1866, %sign3A_1869 : i32
          %sign3A_1871 = arith.extui %sign3A_1870 : i1 to i32
          %sign3A_1872 = arith.constant 0 : i32
          %sign3A_1873 = arith.cmpi slt, %squeeze3A_1866, %sign3A_1872 : i32
          %sign3A_1874 = arith.extui %sign3A_1873 : i1 to i32
          %sign3A_1875 = arith.subi %sign3A_1871, %sign3A_1874 : i32
          %sign3A_1876 = arith.constant 0 : i32
          %sign3A_1877 = arith.cmpi sgt, %jit3A_1867, %sign3A_1876 : i32
          %sign3A_1878 = arith.extui %sign3A_1877 : i1 to i32
          %sign3A_1879 = arith.constant 0 : i32
          %sign3A_1880 = arith.cmpi slt, %jit3A_1867, %sign3A_1879 : i32
          %sign3A_1881 = arith.extui %sign3A_1880 : i1 to i32
          %sign3A_1882 = arith.subi %sign3A_1878, %sign3A_1881 : i32
          %ne3A_1883 = arith.cmpi ne, %sign3A_1875, %sign3A_1882 : i32
          %rem3A_1884 = arith.remsi %squeeze3A_1866, %jit3A_1867 : i32
          %ne3A_1885 = arith.constant 0 : i32
          %ne3A_1886 = arith.cmpi ne, %rem3A_1884, %ne3A_1885 : i32
          %and3A_1887 = arith.andi %ne3A_1883, %ne3A_1886 : i1
          %sub3A_1888 = arith.constant 1 : i32
          %sub3A_1889 = arith.subi %div3A_1868, %sub3A_1888 : i32
          %select_n3A_1890 = arith.select %and3A_1887, %sub3A_1889, %div3A_1868 : i32
          %mul3A_1891 = arith.constant 128 : i32
          %mul3A_1892 = arith.muli %select_n3A_1890, %mul3A_1891 : i32
          %mul3A_1893 = arith.constant 16 : i32
          %mul3A_1894 = arith.muli %scan3A_27, %mul3A_1893 : i32
          %add3A_1895 = arith.constant 8 : i32
          %add3A_1896 = arith.addi %mul3A_1894, %add3A_1895 : i32
          %add3A_1897 = arith.constant 7 : i32
          %add3A_1898 = arith.addi %add3A_1896, %add3A_1897 : i32
          %lt3A_1899 = arith.constant 999936 : i32
          %lt3A_1900 = arith.cmpi slt, %squeeze3A_1866, %lt3A_1899 : i32
          %convert_element_type3A_1901 = arith.extui %lt3A_1900 : i1 to i32
          %cond3A_1902 = arith.constant 0 : i32
          %cond3A_1903 = arith.cmpi ne, %convert_element_type3A_1901, %cond3A_1902 : i32
          scf.if %cond3A_1903 {
            %add3A_1909 = arith.constant 896 : i32
            %add3A_1910 = arith.addi %add3A_1909, %squeeze3A_1866 : i32
            %sub3A_1911 = arith.subi %add3A_1910, %mul3A_1892 : i32
            %min3A_1912 = arith.constant 1023 : i32
            %min3A_1913 = arith.minsi %sub3A_1911, %min3A_1912 : i32
            %broadcast_in_dim3A_1914 = vector.broadcast %min3A_1913 : i32 to vector<16xi32>
            %add3A_1915 = arith.constant 0 : i32
            %add3A_1916 = vector.broadcast %add3A_1915 : i32 to vector<16xi32>
            %add3A_1917 = arith.addi %iota3A, %add3A_1916 : vector<16xi32>
            %gather3A_1918 = tpu.vector_load_idx %arg8[%add3A_1917, %broadcast_in_dim3A_1914] : memref<64x1024xf32, #tpu.memory_space<vmem>>[vector<16xi32>, vector<16xi32>], vector<16xf32>,
            %swap3A_1919 = arith.index_cast %add3A_1898 : i32 to index
            %swap3A_1920 = arith.constant 0 : index
            %swap3A_1921 = tpu.vector_load %arg10[%swap3A_1919, %swap3A_1920] {strides = array<i32>} : memref<128x128xf32, #tpu.memory_space<vmem>>, vector<16xf32>,
            tpu.vector_store %arg10[%swap3A_1919, %swap3A_1920], %gather3A_1918 {strides = array<i32>} : memref<128x128xf32, #tpu.memory_space<vmem>>, vector<16xf32>,
            %add3A_1922 = arith.constant 16 : i32
            %add3A_1923 = vector.broadcast %add3A_1922 : i32 to vector<16xi32>
            %add3A_1924 = arith.addi %iota3A, %add3A_1923 : vector<16xi32>
            %gather3A_1925 = tpu.vector_load_idx %arg8[%add3A_1924, %broadcast_in_dim3A_1914] : memref<64x1024xf32, #tpu.memory_space<vmem>>[vector<16xi32>, vector<16xi32>], vector<16xf32>,
            %swap3A_1926 = arith.index_cast %add3A_1898 : i32 to index
            %swap3A_1927 = arith.constant 16 : index
            %swap3A_1928 = tpu.vector_load %arg10[%swap3A_1926, %swap3A_1927] {strides = array<i32>} : memref<128x128xf32, #tpu.memory_space<vmem>>, vector<16xf32>,
            tpu.vector_store %arg10[%swap3A_1926, %swap3A_1927], %gather3A_1925 {strides = array<i32>} : memref<128x128xf32, #tpu.memory_space<vmem>>, vector<16xf32>,
            %add3A_1929 = arith.constant 32 : i32
            %add3A_1930 = vector.broadcast %add3A_1929 : i32 to vector<16xi32>
            %add3A_1931 = arith.addi %iota3A, %add3A_1930 : vector<16xi32>
            %gather3A_1932 = tpu.vector_load_idx %arg8[%add3A_1931, %broadcast_in_dim3A_1914] : memref<64x1024xf32, #tpu.memory_space<vmem>>[vector<16xi32>, vector<16xi32>], vector<16xf32>,
            %swap3A_1933 = arith.index_cast %add3A_1898 : i32 to index
            %swap3A_1934 = arith.constant 32 : index
            %swap3A_1935 = tpu.vector_load %arg10[%swap3A_1933, %swap3A_1934] {strides = array<i32>} : memref<128x128xf32, #tpu.memory_space<vmem>>, vector<16xf32>,
            tpu.vector_store %arg10[%swap3A_1933, %swap3A_1934], %gather3A_1932 {strides = array<i32>} : memref<128x128xf32, #tpu.memory_space<vmem>>, vector<16xf32>,
            %add3A_1936 = arith.constant 48 : i32
            %add3A_1937 = vector.broadcast %add3A_1936 : i32 to vector<16xi32>
            %add3A_1938 = arith.addi %iota3A, %add3A_1937 : vector<16xi32>
            %gather3A_1939 = tpu.vector_load_idx %arg8[%add3A_1938, %broadcast_in_dim3A_1914] : memref<64x1024xf32, #tpu.memory_space<vmem>>[vector<16xi32>, vector<16xi32>], vector<16xf32>,
            %swap3A_1940 = arith.index_cast %add3A_1898 : i32 to index
            %swap3A_1941 = arith.constant 48 : index
            %swap3A_1942 = tpu.vector_load %arg10[%swap3A_1940, %swap3A_1941] {strides = array<i32>} : memref<128x128xf32, #tpu.memory_space<vmem>>, vector<16xf32>,
            tpu.vector_store %arg10[%swap3A_1940, %swap3A_1941], %gather3A_1939 {strides = array<i32>} : memref<128x128xf32, #tpu.memory_space<vmem>>, vector<16xf32>,
          } else {
          }
          %ge3A_1904 = arith.constant 999936 : i32
          %ge3A_1905 = arith.cmpi sge, %squeeze3A_1866, %ge3A_1904 : i32
          %convert_element_type3A_1906 = arith.extui %ge3A_1905 : i1 to i32
          %cond3A_1907 = arith.constant 0 : i32
          %cond3A_1908 = arith.cmpi ne, %convert_element_type3A_1906, %cond3A_1907 : i32
          scf.if %cond3A_1908 {
            %sub3A_1909 = arith.constant 999936 : i32
            %sub3A_1910 = arith.subi %squeeze3A_1866, %sub3A_1909 : i32
            %min3A_1911 = arith.constant 63 : i32
            %min3A_1912 = arith.minsi %sub3A_1910, %min3A_1911 : i32
            %broadcast_in_dim3A_1913 = vector.broadcast %min3A_1912 : i32 to vector<16xi32>
            %add3A_1914 = arith.constant 0 : i32
            %add3A_1915 = vector.broadcast %add3A_1914 : i32 to vector<16xi32>
            %add3A_1916 = arith.addi %iota3A, %add3A_1915 : vector<16xi32>
            %gather3A_1917 = tpu.vector_load_idx %arg9[%add3A_1916, %broadcast_in_dim3A_1913] : memref<64x64xf32, #tpu.memory_space<vmem>>[vector<16xi32>, vector<16xi32>], vector<16xf32>,
            %swap3A_1918 = arith.index_cast %add3A_1898 : i32 to index
            %swap3A_1919 = arith.constant 0 : index
            %swap3A_1920 = tpu.vector_load %arg10[%swap3A_1918, %swap3A_1919] {strides = array<i32>} : memref<128x128xf32, #tpu.memory_space<vmem>>, vector<16xf32>,
            tpu.vector_store %arg10[%swap3A_1918, %swap3A_1919], %gather3A_1917 {strides = array<i32>} : memref<128x128xf32, #tpu.memory_space<vmem>>, vector<16xf32>,
            %add3A_1921 = arith.constant 16 : i32
            %add3A_1922 = vector.broadcast %add3A_1921 : i32 to vector<16xi32>
            %add3A_1923 = arith.addi %iota3A, %add3A_1922 : vector<16xi32>
            %gather3A_1924 = tpu.vector_load_idx %arg9[%add3A_1923, %broadcast_in_dim3A_1913] : memref<64x64xf32, #tpu.memory_space<vmem>>[vector<16xi32>, vector<16xi32>], vector<16xf32>,
            %swap3A_1925 = arith.index_cast %add3A_1898 : i32 to index
            %swap3A_1926 = arith.constant 16 : index
            %swap3A_1927 = tpu.vector_load %arg10[%swap3A_1925, %swap3A_1926] {strides = array<i32>} : memref<128x128xf32, #tpu.memory_space<vmem>>, vector<16xf32>,
            tpu.vector_store %arg10[%swap3A_1925, %swap3A_1926], %gather3A_1924 {strides = array<i32>} : memref<128x128xf32, #tpu.memory_space<vmem>>, vector<16xf32>,
            %add3A_1928 = arith.constant 32 : i32
            %add3A_1929 = vector.broadcast %add3A_1928 : i32 to vector<16xi32>
            %add3A_1930 = arith.addi %iota3A, %add3A_1929 : vector<16xi32>
            %gather3A_1931 = tpu.vector_load_idx %arg9[%add3A_1930, %broadcast_in_dim3A_1913] : memref<64x64xf32, #tpu.memory_space<vmem>>[vector<16xi32>, vector<16xi32>], vector<16xf32>,
            %swap3A_1932 = arith.index_cast %add3A_1898 : i32 to index
            %swap3A_1933 = arith.constant 32 : index
            %swap3A_1934 = tpu.vector_load %arg10[%swap3A_1932, %swap3A_1933] {strides = array<i32>} : memref<128x128xf32, #tpu.memory_space<vmem>>, vector<16xf32>,
            tpu.vector_store %arg10[%swap3A_1932, %swap3A_1933], %gather3A_1931 {strides = array<i32>} : memref<128x128xf32, #tpu.memory_space<vmem>>, vector<16xf32>,
            %add3A_1935 = arith.constant 48 : i32
            %add3A_1936 = vector.broadcast %add3A_1935 : i32 to vector<16xi32>
            %add3A_1937 = arith.addi %iota3A, %add3A_1936 : vector<16xi32>
            %gather3A_1938 = tpu.vector_load_idx %arg9[%add3A_1937, %broadcast_in_dim3A_1913] : memref<64x64xf32, #tpu.memory_space<vmem>>[vector<16xi32>, vector<16xi32>], vector<16xf32>,
            %swap3A_1939 = arith.index_cast %add3A_1898 : i32 to index
            %swap3A_1940 = arith.constant 48 : index
            %swap3A_1941 = tpu.vector_load %arg10[%swap3A_1939, %swap3A_1940] {strides = array<i32>} : memref<128x128xf32, #tpu.memory_space<vmem>>, vector<16xf32>,
            tpu.vector_store %arg10[%swap3A_1939, %swap3A_1940], %gather3A_1938 {strides = array<i32>} : memref<128x128xf32, #tpu.memory_space<vmem>>, vector<16xf32>,
          } else {
          }
        } else {
        }
        %jit3A_675 = arith.constant -2048 : i32
        %select_n3A_676 = arith.select %ge3A_66, %jit3A_675, %multiple_of3A : i32
        scf.yield %select_n3A_676 : i32
      }
      %scan3A_16 = arith.constant 8 : i32
      %dma_start3A = arith.constant 0 : i32
      %dma_start3A_17 = tpu.memref_slice %arg7[%scan3A_9, %dma_start3A] : memref<8x128xi32, #tpu.memory_space<vmem>> -> memref<1x128xi32, #tpu.memory_space<vmem>>
      %dma_start3A_18 = tpu.memref_squeeze %dma_start3A_17 : memref<1x128xi32, #tpu.memory_space<vmem>> -> memref<128xi32, #tpu.memory_space<vmem>>
      %dma_start3A_19 = arith.constant 0 : i32
      %dma_start3A_20 = arith.constant 0 : i32
      %dma_start3A_21 = tpu.memref_slice %arg5[%dma_start3A_19, %dma_start3A_20] : memref<32768x128xf32, #tpu.memory_space<hbm>> -> memref<32768x128xf32, #tpu.memory_space<hbm>>
      tpu.enqueue_indirect_dma source(%arg10 : memref<128x128xf32, #tpu.memory_space<vmem>>) target(%dma_start3A_21 : memref<32768x128xf32, #tpu.memory_space<hbm>>) offsets(%dma_start3A_18 : memref<128xi32, #tpu.memory_space<vmem>>) semaphore(%arg12 : memref<!tpu.dma_semaphore, #tpu.memory_space<semaphore_mem>>)
      %dma_wait3A = arith.constant 0 : i32
      %dma_wait3A_22 = tpu.memref_slice %arg7[%scan3A_9, %dma_wait3A] : memref<8x128xi32, #tpu.memory_space<vmem>> -> memref<1x128xi32, #tpu.memory_space<vmem>>
      %dma_wait3A_23 = tpu.memref_squeeze %dma_wait3A_22 : memref<1x128xi32, #tpu.memory_space<vmem>> -> memref<128xi32, #tpu.memory_space<vmem>>
      %dma_wait3A_24 = arith.constant 0 : i32
      %dma_wait3A_25 = arith.constant 0 : i32
      %dma_wait3A_26 = tpu.memref_slice %arg5[%dma_wait3A_24, %dma_wait3A_25] : memref<32768x128xf32, #tpu.memory_space<hbm>> -> memref<32768x128xf32, #tpu.memory_space<hbm>>
      tpu.wait_indirect_dma semaphore(%arg12 : memref<!tpu.dma_semaphore, #tpu.memory_space<semaphore_mem>>) src(%arg10 : memref<128x128xf32, #tpu.memory_space<vmem>>) dst(%dma_wait3A_26 : memref<32768x128xf32, #tpu.memory_space<hbm>>)
      scf.yield %scan3A_15 : i32
    }
    %scan3A_8 = arith.constant 8 : i32
    return
  }
}

</mosaic_0001>

<sc_bundles>
// kernel: gather_offload_async_start
scs
__scs_entry_jumppad:
0x0: {  	(pc) =	sbr.rel $0x88, $3  }
0x1: {  	(tag) =	ssettag $0x0;
	lr =	simm.s32 $0x1  }
0x2: {  	[smem:$0x3F9E] =	sst lr;
	_ =	strace $0xD0000000  }
0x3: {  	_ = 	snop  }
0x4: {  	_ = 	snop  }
0x5: {  	_ = 	snop  }
0x6: {  	_ = 	snop  }
0x7: {  	_ = 	snop  }
__scs_overlays_trampoline_lowered:
0x8: {  	[smem:$0x3FAD] =	sst s0  }
0x9: {  	[smem:$0x3FAE] =	sst s1  }
0xa: {  	[smem:$0x3FAF] =	sst s2  }
0xb: {  	[smem:$0x3FB0] =	sst s3  }
0xc: {  	[smem:$0x3FB1] =	sst s4  }
0xd: {  	[smem:$0x3FB2] =	sst s5  }
0xe: {  	[smem:$0x3FB3] =	sst s6  }
0xf: {  	[smem:$0x3FB4] =	sst s7  }
0x10: {  	[smem:$0x3FB5] =	sst s8  }
0x11: {  	[smem:$0x3FB6] =	sst s9;
	s0 =	simm.s32 @!p0 $0x0  }
0x12: {  	s1 =	sld [smem:$0x3F9C];
	s0 =	simm.s32 @p0 $0x1  }
0x13: {  	[smem:$0x3FB7] =	sst s0;
	s0 =	simm.s32 @!p1 $0x0  }
0x14: {  	s2 =	sld [smem:$0x3F9B];
	s0 =	simm.s32 @p1 $0x1  }
0x15: {  	[smem:$0x3FB8] =	sst s0;
	s0 =	simm.s32 @!p2 $0x0  }
0x16: {  	s3 =	sld [smem:$0x3FDB];
	s0 =	simm.s32 @p2 $0x1  }
0x17: {  	s4 =	simm.s32 $0x1BF5;
	[smem:$0x3FBA] =	sst s0  }
0x18: {  	s0 =	sld [smem:$0x3F9D];
	_ =	swait.ge [sflag:s4], $0x0  }
0x19: {  	s7 =	sld [smem:$0x3F9E]  }
0x1a: {  	s8 =	sadd.s32 $0xFFFFE003, lr  }
0x1b: {  	s9 =	sadd.s32 $0xFFFFFEF7, lr;
	s5 =	simm.s32 $0xFFFFFFFF;
	p2 =	slt.u32 s8, $0xFFFFF086  }
0x1c: {  	p1 =	slt.u32 s9, $0xF7A;
	s5 =	simm.s32 @!p2 $0x0  }
0x1d: {  	s5 =	simm.s32 @p1 $0x1;
	p0 =	seq.s32 s7, s2  }
0x1e: {  	s7 =	smul.u32 @!p0 $0xF7A, s2;
	p2 =	seq.s32 @!p0 s5, $0x0  }
0x1f: {  	s9 =	smul.u32 $0xF7A, s1;
	s8 =	simm.s32 @!p0 $0x1BF5;
	p2 =	por !p2, p0  }
0x20: {  	[sflag:s8] =	ssyncset.s32 @!p0 $0xFFFFF086;
	s6 =	sadd.s32 @!p0 s3, s7;
	s7 =	simm.s32 @!p0 $0x108  }
0x21: {  	s3 =	sadd.s32 s3, s9;
	s6 =	sadd.s32 @!p0 $0x88, s6;
	s7 =	simm.s32 @p2 $0x1082  }
0x22: {  	[simem:s7], [sflag:s8] =	dma.local @!p0 [hbm:s6], $0xF7A  }
0x23: {  	s9 =	sor.u32 $0xD0000000, s2;
	s6 =	simm.s32 $0x108;
	_ =	swait.ge @!p0 [sflag:s8], $0x0  }
0x24: {  	s3 =	sadd.s32 $0x88, s3;
	s6 =	simm.s32 @!p1 $0x1082;
	[sflag:s4] =	ssyncset.s32 $0xFFFFF086  }
0x25: {  	[simem:s6], [sflag:s4] =	dma.local [hbm:s3], $0xF7A  }
0x26: {  	[smem:$0x3F9E] =	sst s1;
	(tag) =	ssettag s2;
	_ =	strace s9  }
0x27: {  	s1 =	sld [smem:$0x3FAE]  }
0x28: {  	s2 =	sld [smem:$0x3FAF]  }
0x29: {  	s4 =	sld [smem:$0x3FB1]  }
0x2a: {  	p0 =	seq.s32 s5, $0x0;
	s5 =	sld [smem:$0x3FB2]  }
0x2b: {  	s6 =	sld [smem:$0x3FB3]  }
0x2c: {  	s7 =	sld [smem:$0x3FB4]  }
0x2d: {  	s3 =	simm.s32 $0x108;
	s8 =	sld [smem:$0x3FB5]  }
0x2e: {  	s3 =	simm.s32 @!p0 $0x1082;
	s9 =	sld [smem:$0x3FB6]  }
0x2f: {  	lr =	sadd.s32 s0, s3;
	s0 =	sld [smem:$0x3FAD]  }
0x30: {  	s3 =	sld [smem:$0x3FB0]  }
0x31: {  	[smem:$0x3FB9] =	sst s10  }
0x32: {  	s10 =	sld [smem:$0x3FB7];
	_ =	sdelay $0x3  }
0x33: {  	p0 =	seq.s32 s10, $0x1;
	s10 =	sld [smem:$0x3FB9];
	_ =	sdelay $0x3  }
0x34: {  	[smem:$0x3FB9] =	sst s10  }
0x35: {  	s10 =	sld [smem:$0x3FB8];
	_ =	sdelay $0x3  }
0x36: {  	p1 =	seq.s32 s10, $0x1;
	s10 =	sld [smem:$0x3FB9];
	_ =	sdelay $0x3  }
0x37: {  	[smem:$0x3FB9] =	sst s10  }
0x38: {  	s10 =	sld [smem:$0x3FBA]  }
0x39: {  	_ = 	snop;
	(pc) =	sbr.ind lr, $3  }
0x3a: {  	_ = 	snop  }
0x3b: {  	_ = 	snop  }
0x3c: {  	p2 =	seq.s32 s10, $0x1;
	s10 =	sld [smem:$0x3FB9]  }
0x3d: {  	_ =	shalt  }
0x3e: {  	_ =	shalt  }
0x3f: {  	_ =	shalt  }
0x40: {  	_ =	shalt  }
0x41: {  	_ =	shalt  }
0x42: {  	_ =	shalt  }
0x43: {  	_ =	shalt  }
0x44: {  	_ =	shalt  }
0x45: {  	_ =	shalt  }
0x46: {  	_ =	shalt  }
0x47: {  	_ =	shalt  }
0x48: {  	_ =	shalt  }
0x49: {  	_ =	shalt  }
0x4a: {  	_ =	shalt  }
0x4b: {  	_ =	shalt  }
0x4c: {  	_ =	shalt  }
0x4d: {  	_ =	shalt  }
0x4e: {  	_ =	shalt  }
0x4f: {  	_ =	shalt  }
0x50: {  	_ =	shalt  }
0x51: {  	_ =	shalt  }
0x52: {  	_ =	shalt  }
0x53: {  	_ =	shalt  }
0x54: {  	_ =	shalt  }
0x55: {  	_ =	shalt  }
0x56: {  	_ =	shalt  }
0x57: {  	_ =	shalt  }
0x58: {  	_ =	shalt  }
0x59: {  	_ =	shalt  }
0x5a: {  	_ =	shalt  }
0x5b: {  	_ =	shalt  }
0x5c: {  	_ =	shalt  }
0x5d: {  	_ =	shalt  }
0x5e: {  	_ =	shalt  }
0x5f: {  	_ =	shalt  }
0x60: {  	_ =	shalt  }
0x61: {  	_ =	shalt  }
0x62: {  	_ =	shalt  }
0x63: {  	_ =	shalt  }
0x64: {  	_ =	shalt  }
0x65: {  	_ =	shalt  }
0x66: {  	_ =	shalt  }
0x67: {  	_ =	shalt  }
0x68: {  	_ =	shalt  }
0x69: {  	_ =	shalt  }
0x6a: {  	_ =	shalt  }
0x6b: {  	_ =	shalt  }
0x6c: {  	_ =	shalt  }
0x6d: {  	_ =	shalt  }
0x6e: {  	_ =	shalt  }
0x6f: {  	_ =	shalt  }
0x70: {  	_ =	shalt  }
0x71: {  	_ =	shalt  }
0x72: {  	_ =	shalt  }
0x73: {  	_ =	shalt  }
0x74: {  	_ =	shalt  }
0x75: {  	_ =	shalt  }
0x76: {  	_ =	shalt  }
0x77: {  	_ =	shalt  }
0x78: {  	_ =	shalt  }
0x79: {  	_ =	shalt  }
0x7a: {  	_ =	shalt  }
0x7b: {  	_ =	shalt  }
0x7c: {  	_ =	shalt  }
0x7d: {  	_ =	shalt  }
0x7e: {  	_ =	shalt  }
0x7f: {  	_ =	shalt  }
0x80: {  	_ =	shalt  }
0x81: {  	_ =	shalt  }
0x82: {  	_ =	shalt  }
0x83: {  	_ =	shalt  }
0x84: {  	_ =	shalt  }
0x85: {  	_ =	shalt  }
0x86: {  	_ =	shalt  }
0x87: {  	_ =	shalt  }
.Lfunc_end0:
.L_simem_size_0:
called_computation_lowered:
.L_overlay_start_0:
0x88: {  	s2 =	sld [smem:$0x3FD9]  }
0x89: {  	s3 =	sld [smem:$0x3FFE];
	_ =	sdelay $0x1  }
0x8a: {  	s1 =	srdreg.scid  }
0x8b: {  	s0 =	sand.u32 $0x1, s1  }
0x8c: {  	s14 =	sshll.u32 s0, $0xA;
	s2 =	sadd.s32 s3, s2  }
0x8d: {  	s2 =	sadd.s32 s2, s14  }
0x8e: {  	[smem:$0x3FC5] =	sst s2  }
0x8f: {  	_ = 	snop  }
0x90: {  	s2 =	sld [smem:$0x3FD0];
	_ =	sdelay $0x2  }
0x91: {  	s15 =	simm.s32 $0xA;
	s4 =	simm.s32 $0x10  }
0x92: {  	[smem:s4], [sflag:s15] =	dma.local [hbm:s2], $0x1  }
0x93: {  	_ =	swait.eq [sflag:s15], $0x1  }
0x94: {  	[sflag:s15] =	ssyncset.done $0x0  }
0x95: {  	s16 =	sld [smem:$0x10];
	[sflag:s15] =	ssyncadd.s32 $0xFFFFFFFF  }
0x96: {  	s17 =	sld [smem:$0x11];
	(tm) =	ssettm $0x1  }
0x97: {  	s18 =	sld [smem:$0x3FFB];
	_ =	sdelay $0x3  }
0x98: {  	_ =	strace s18  }
0x99: {  	s4 =	sld [smem:$0x3FFC];
	_ =	sdelay $0x3  }
0x9a: {  	_ =	strace s4  }
0x9b: {  	s4 =	sld [smem:$0x3FFD];
	_ =	sdelay $0x3  }
0x9c: {  	_ =	strace s4  }
0x9d: {  	_ =	strace $0x8FFFFFFF  }
0x9e: {  	s19 =	sld [smem:$0x3FDB];
	_ =	sdelay $0x1  }
0x9f: {  	s5 =	simm.s32 $_scs_section_size  }
0xa0: {  	s6 =	simm.s32 $_size__tile_overlayer_lowered;
	s7 =	simm.s32 $_tile_overlayer_lowered  }
0xa1: {  	s22 =	simm.s32 $0x1BFF;
	s21 =	sshll.u32 s7, $0x1;
	s4 =	sadd.s32 s5, s19  }
0xa2: {  	s8 =	simm.s32 $0x0;
	s20 =	sshll.u32 s6, $0x1;
	s6 =	sadd.s32 s21, s4  }
0xa3: {  	[timem:s8], [sflag:s22] =	dma.local [hbm:s6], s20  }
0xa4: {  	_ =	swait.ge [sflag:s22], s20  }
0xa5: {  	s5 =	ssub.s32 $0x0, s20;
	[sflag:s22] =	ssyncset.done $0x0  }
0xa6: {  	[sflag:s22] =	ssyncadd.s32 s5;
	_ =	sdelay $0x1  }
0xa7: {  	s23 =	simm.s32 $0x1B8B  }
0xa8: {  	_ =	swait.ge [sflag:s23], $0x1  }
0xa9: {  	[sflag:s23] =	ssyncset.done $0x0  }
0xaa: {  	s25 =	simm.s32 $0x1B8E;
	s24 =	sld [smem:$0x3FFE];
	[sflag:s23] =	ssyncadd.s32 $0xFFFFFFFF  }
0xab: {  	s26 =	simm.s32 $execute0_lowered;
	[smem:$0x3FD2] =	sst s25  }
0xac: {  	s6 =	sshll.u32 s26, $0x1;
	_ =	strace $0x80000046;
	[dreg:$0x1] =	wrdreg $0xFFFFFFFF  }
0xad: {  	s28 =	simm.s32 $_size_execute0_lowered;
	s4 =	sadd.s32 s4, s6;
	[dreg:$0x0] =	wrdreg $0x0  }
0xae: {  	s6 =	sshll.u32 s28, $0x1;
	[dreg:$0x2] =	wrdreg s4  }
0xaf: {  	[dreg:$0x3] =	wrdreg s6  }
0xb0: {  	[dreg:$0x4] =	wrdreg $0xC0  }
0xb1: {  	_ =	task [dreg:s8], $0x5FFFF  }
0xb2: {  	[dreg:$0x1] =	wrdreg $0xFFFFFFFF  }
0xb3: {  	[dreg:$0x0] =	wrdreg $0x60  }
0xb4: {  	[dreg:$0x2] =	wrdreg s17  }
0xb5: {  	[dreg:$0x3] =	wrdreg s16  }
0xb6: {  	[dreg:$0x4] =	wrdreg s24  }
0xb7: {  	[dreg:$0x5] =	wrdreg $0x9  }
0xb8: {  	_ =	task.clear_ibuf [dreg:s8], $0x6FFFF;
	_ =	strace $0x90000046  }
0xb9: {  	s29 =	simm.s32 $0x9;
	_ =	strace $0x80000048  }
0xba: {  	_ =	swait.ge [sflag:s29], $0x1  }
0xbb: {  	[sflag:s29] =	ssyncadd.s32 $0xFFFFFFFF  }
0xbc: {  	_ =	strace $0x90000048  }
0xbd: {  	_ =	sfence  }
0xbe: {  	s30 =	sld [smem:$0x0];
	_ =	sdelay $0x2  }
0xbf: {  	s31 =	sshll.u32 s1, $0xD;
	s1 =	sshrl.u32 s1, $0x2  }
0xc0: {  	s3 =	sand.u32 $0x4000, s31;
	s1 =	sadd.s32 s1, s30  }
0xc1: {  	s0 =	sor.u32 s3, s0;
	s1 =	sshll.u32 s1, $0x11  }
0xc2: {  	s0 =	sor.u32 s1, s0  }
0xc3: {  	s0 =	sadd.s32 $0x8F2B, s0  }
0xc4: {  	[sflag:s0] =	ssyncadd.remote.s32 $0x1  }
0xc5: {  	_ =	sfence.sel $0xFFFF  }
0xc6: {  	[dreg:$0x0] =	wrdreg $0xFFFFFFFF;
	(pc) =	sbr.abs _section_cstart, $3  }
0xc7: {  	[dreg:$0x1] =	wrdreg $0xFFFFFFFF  }
0xc8: {  	_ =	task.clear_ibuf [dreg:s8], $0x2FFFF;
	_ =	strace $0x9FFFFFFF  }
0xc9: {  	(tm) =	ssettm $0x7FFFFFFF  }
tec
execute0_lowered:
.L_overlay_start_1:
0x0: {  	(tag) =	ssettag $0x1  }
0x1: {  	s2 =	rddreg [dreg:$0x0]  }
0x2: {  	s1 =	srdreg.scid;
	s3 =	rddreg [dreg:$0x1]  }
0x3: {  	s0 =	stileid.u32;
	s5 =	rddreg [dreg:$0x2]  }
0x4: {  	s9 =	simm.s32 $0x1;
	s10 =	simm.s32 $0x3;
	s1 =	sshll.u32 s1, $0x9  }
0x5: {  	s13 =	simm.s32 $0x0;
	s4 =	sshll.u32 s0, $0xA;
	s6 =	sand.u32 $0x200, s1  }
0x6: {  	s12 =	simm.s32 $0x0;
	s5 =	sadd.s32 $0x1000, s5;
	s4 =	sor.u32 s4, s6  }
0x7: {  	s1 =	rddreg [dreg:$0x3];
	_ =	strace $0x80000047;
	s8 =	ssub.s32 $0x8000, s4  }
.Ltmp0:
0x8: {  	s6 =	simm.s32 $0x1;
	s7 =	sand.u32 $0x3E00, s8;
	(pc) =	sbr.rel .LBB2_1-.Ltmp0, $4  }
0x9: {  	[sflag:s6] =	ssyncpa.u1 $0x0;
	s11 =	smov.u32 s4;
	p0 =	sne.s32 s7, $0x0  }
0xa: {  	s8 =	sshrl.u32 s8, $0xE;
	s7 =	simm.s32 $0x2;
	s9 =	simm.s32 @!p0 $0x0  }
0xb: {  	[sflag:s7] =	ssyncpa.u1 $0x0;
	p0 =	por $0x0, $0x0;
	s8 =	sadd.s32 s9, s8  }
0xc: {  	vm0 =	vmmov $0xffff;
	[sflag:s10] =	ssyncpa.u1 $0x0;
	s10 =	simm.s32 $0x0;
	s9 =	sadd.s32 $0x1, s8  }
.LBB2_4:
0xd: {  	v2 =	vnsel vm1, $0x0, v2  }
0xe: {  	vm1 =	vgt.s32 v0, $0x0;
	v2 =	vmin.u32 v2, $0x7FFF  }
0xf: {  	v0 =	vnsel vm1, $0x0, v0  }
0x10: {  	v0 =	vmin.u32 v0, $0x7FFF  }
0x11: {  	[tilespmem:s15], [sflag:$0x1] =	stream.indirect_vreg.gather [hbm4b:s2+s10], $0x1, v1, vm0, $0x4038;
	[tilespmem:$0x800] =	vst v63  }
0x12: {  	(ifvalue) =	ssetifvalue $0x7FFFFFFF  }
0x13: {  	[tilespmem:s16], [sflag:$0x1] =	stream.indirect_vreg.gather [hbm4b:s2+s10], $0x1, v2, vm0, $0x4038;
	[tilespmem:$0x800] =	vst v63  }
0x14: {  	s29 =	sadd.s32 $0x10, s16;
	(ifvalue) =	ssetifvalue $0x7FFFFFFF  }
0x15: {  	[tilespmem:s29], [sflag:$0x1] =	stream.indirect_vreg.gather [hbm4b:s2+s10], $0x1, v0, vm0, $0x4038;
	[tilespmem:$0x800] =	vst v63  }
0x16: {  	_ =	swait.ge [sflag:s6], $0x200  }
0x17: {  	s30 =	sshrl.u32 s13, $0x3;
	[sflag:s6] =	ssyncset.done $0x0  }
0x18: {  	s31 =	sand.u32 $0x7, s13;
	s15 =	sadd.s32 s5, s30;
	[sflag:s6] =	ssyncadd.s32 $0xFFFFFE00  }
0x19: {  	[hbm4b:s15+s31] =	stream.linear.scatter [tilespmem:s14], [sflag:$0x3], $0x200, $0x38;
	[tilespmem:$0x800] =	vst v63  }
.LBB2_5:
0x1a: {  	s15 =	sadd.s32 $0x4000, s11  }
0x1b: {  	p2 =	sgt.s32 s15, $0x7FFF  }
0x1c: {  	s15 =	smov.u32 @p2 s4;
	p2 =	sne.s32 s12, s9  }
.Ltmp1:
0x1d: {  	p1 =	slt.u32 s12, $0x2;
	(pc) =	sbr.rel @!p2 .LBB2_6-.Ltmp1, $4  }
0x1e: {  	s14 =	simm.s32 @!p1 $0x3  }
0x1f: {  	s16 =	sadd.s32 $0x1, s12;
	_ =	swait.ge @!p1 [sflag:s14], $0x200  }
0x20: {  	s13 =	smov.u32 s11;
	p0 =	por !p0, !p0;
	[sflag:s14] =	ssyncset.done @!p1 $0x0  }
0x21: {  	s12 =	smov.u32 s16;
	s11 =	smov.u32 s15;
	[sflag:s14] =	ssyncadd.s32 @!p1 $0xFFFFFE00  }
.LBB2_1:
0x22: {  	p1 =	sge.u32 s12, s8  }
0x23: {  	s14 =	sxor.u32 @!p1 $0xFFFFFFFF, s12  }
0x24: {  	s31 =	sadd.s32 $0xFFFFFFFF, s12;
	s15 =	sshrl.u32 @!p1 s11, $0x3;
	s14 =	sshll.u32 @!p1 s14, $0x9  }
0x25: {  	s16 =	sand.u32 @!p1 $0x7, s11;
	s15 =	sadd.s32 @!p1 s3, s15;
	s14 =	sand.u32 @!p1 $0x200, s14  }
0x26: {  	[tilespmem:s14], [sflag:$0x2] =	stream.linear.gather @!p1 [hbm4b:s15+s16], $0x200, $0x38;
	[tilespmem:$0x800] =	vst v63  }
0x27: {  	p1 =	sge.u32 s31, s8  }
.Ltmp2:
0x28: {  	_ = 	snop;
	(pc) =	sbr.rel @p1 .LBB2_5-.Ltmp2, $1  }
0x29: {  	_ =	sdelay $0x3  }
0x2a: {  	s14 =	simm.s32 $0x1  }
0x2b: {  	_ =	swait.ge [sflag:s7], $0x200;
	s14 =	simm.s32 @!p0 $0x0  }
0x2c: {  	[sflag:s7] =	ssyncset.done $0x0;
	s14 =	sshll.u32 s14, $0x9  }
0x2d: {  	[sflag:s7] =	ssyncadd.s32 $0xFFFFFE00;
	(ifvalue) =	ssetifvalue $0x7FFFFFFF;
	v0 =	vld.msk [tilespmem:s14+$0x0 ss:$0x1], $0xffff;
	_ =	sdelay $0x4  }
0x2e: {  	s15 =	sadd.s32 $0x10, s14;
	vm1 =	vgt.s32 v0, $0x0  }
0x2f: {  	v2 =	vld.msk [tilespmem:s15+$0x0 ss:$0x1], $0xffff;
	v1 =	vnsel vm1, $0x0, v0  }
0x30: {  	v1 =	vmin.u32 v1, $0x7FFF;
	_ =	sdelay $0x1  }
0x31: {  	s16 =	sshll.u32 s12, $0x9;
	s18 =	simm.s32 $0x20  }
0x32: {  	s16 =	sand.u32 $0x200, s16;
	s17 =	sadd.s32 $0x10, s15;
	s15 =	sor.u32 $0x400, s14  }
0x33: {  	s14 =	sor.u32 $0x400, s16;
	s16 =	sadd.s32 $0x10, s15;
	v0 =	vld.msk [tilespmem:s17+$0x0 ss:$0x1], $0xffff;
	vm1 =	vgt.s32 v2, $0x0;
	(ifvalue) =	ssetifvalue $0x7FFFFFFF  }
.LBB2_3:
0x34: {  	[tilespmem:s15], [sflag:$0x1] =	stream.indirect_vreg.gather [hbm4b:s2+s10], $0x1, v1, vm0, $0x4038;
	[tilespmem:$0x800] =	vst v63  }
0x35: {  	s18 =	sadd.s32 $0x10, s18  }
0x36: {  	v2 =	vnsel vm1, $0x0, v2;
	p1 =	slt.u32 s18, $0x1F0  }
.Ltmp3:
0x37: {  	s15 =	smov.u32 s16;
	v1 =	vmin.u32 v2, $0x7FFF;
	(pc) =	sbr.rel @p1 .LBB2_3-.Ltmp3, $3  }
0x38: {  	_ =	sdelay $0x1  }
0x39: {  	s17 =	sadd.s32 $0x10, s17  }
0x3a: {  	vm1 =	vgt.s32 v0, $0x0;
	s16 =	sadd.s32 $0x10, s16;
	v2 =	vmov v0;
	(ifvalue) =	ssetifvalue $0x7FFFFFFF;
	v0 =	vld.msk [tilespmem:s17+$0x0 ss:$0x1], $0xffff  }
.Ltmp4:
0x3b: {  	_ = 	snop;
	(pc) =	sbr.rel .LBB2_4-.Ltmp4, $1  }
0x3c: {  	_ =	sdelay $0x3  }
.LBB2_6:
0x3d: {  	_ =	sfence.sel $0x180000  }
0x3e: {  	s2 =	simm.s32 $0x2;
	[bflag:$0x0] =	sbarrier.arrive $0xFFFF  }
0x3f: {  	s30 =	simm.s32 $0x3;
	[sflag:s2] =	ssyncpa.u1 $0x1  }
0x40: {  	s31 =	simm.s32 $0x1;
	[sflag:s30] =	ssyncpa.u1 $0x1  }
0x41: {  	[sflag:s31] =	ssyncpa.u1 $0x1  }
0x42: {  	p0 =	sne.s32 s0, $0x0;
	_ =	strace $0x90000047  }
0x43: {  	s0 =	sadd.s32 @!p0 $0x100000, s1;
	[bflag:$0x2] =	sbarrier.arrive $0xFFFF  }
0x44: {  	[sflag:s0] =	ssyncadd.tile.s32 @!p0 $0x1;
	_ =	shalt  }
.Lfunc_end2:
_tile_overlayer_lowered:
.L_overlay_start_2:
0x45: {  	(tag) =	ssettag $0x2  }
0x46: {  	s0 =	rddreg [dreg:$0x0];
	s2 =	stileid.u32  }
0x47: {  	s1 =	rddreg [dreg:$0x1];
	p0 =	sne.s32 s2, $0x0  }
0x48: {  	s3 =	rddreg [dreg:$0x2];
	[bflag:$0x3] =	sbarrier.arrive $0xFFFF;
	s2 =	simm.s32 @!p0 $0x1C01  }
0x49: {  	[timem:s3], [sflag:s2] =	dma.local @!p0 [hbm:s0], s1  }
0x4a: {  	s0 =	simm.s32 @!p0 $0x1  }
0x4b: {  	_ =	swait.ge @!p0 [sflag:s0], s1  }
0x4c: {  	s1 =	ssub.s32 @!p0 $0x0, s1;
	[sflag:s0] =	ssyncset.done @!p0 $0x0  }
0x4d: {  	[sflag:s0] =	ssyncadd.s32 @!p0 s1  }
0x4e: {  	[bflag:$0x3] =	sbarrier.arrive $0xFFFF  }
0x4f: {  	_ =	shalt  }

// kernel: kernel.3.cloned.1.call-start
scs
__scs_entry_jumppad:
0x0: {  	(pc) =	sbr.rel $0x88, $3  }
0x1: {  	(tag) =	ssettag $0x0;
	lr =	simm.s32 $0x1  }
0x2: {  	[smem:$0x3F9E] =	sst lr;
	_ =	strace $0xD0000000  }
0x3: {  	_ = 	snop  }
0x4: {  	_ = 	snop  }
0x5: {  	_ = 	snop  }
0x6: {  	_ = 	snop  }
0x7: {  	_ = 	snop  }
__scs_overlays_trampoline_lowered:
0x8: {  	[smem:$0x3FAD] =	sst s0  }
0x9: {  	[smem:$0x3FAE] =	sst s1  }
0xa: {  	[smem:$0x3FAF] =	sst s2  }
0xb: {  	[smem:$0x3FB0] =	sst s3  }
0xc: {  	[smem:$0x3FB1] =	sst s4  }
0xd: {  	[smem:$0x3FB2] =	sst s5  }
0xe: {  	[smem:$0x3FB3] =	sst s6  }
0xf: {  	[smem:$0x3FB4] =	sst s7  }
0x10: {  	[smem:$0x3FB5] =	sst s8  }
0x11: {  	[smem:$0x3FB6] =	sst s9;
	s0 =	simm.s32 @!p0 $0x0  }
0x12: {  	s1 =	sld [smem:$0x3F9C];
	s0 =	simm.s32 @p0 $0x1  }
0x13: {  	[smem:$0x3FB7] =	sst s0;
	s0 =	simm.s32 @!p1 $0x0  }
0x14: {  	s2 =	sld [smem:$0x3F9B];
	s0 =	simm.s32 @p1 $0x1  }
0x15: {  	[smem:$0x3FB8] =	sst s0;
	s0 =	simm.s32 @!p2 $0x0  }
0x16: {  	s3 =	sld [smem:$0x3FDB];
	s0 =	simm.s32 @p2 $0x1  }
0x17: {  	s4 =	simm.s32 $0x1BF5;
	[smem:$0x3FBA] =	sst s0  }
0x18: {  	s0 =	sld [smem:$0x3F9D];
	_ =	swait.ge [sflag:s4], $0x0  }
0x19: {  	s7 =	sld [smem:$0x3F9E]  }
0x1a: {  	s8 =	sadd.s32 $0xFFFFE003, lr  }
0x1b: {  	s9 =	sadd.s32 $0xFFFFFEF7, lr;
	s5 =	simm.s32 $0xFFFFFFFF;
	p2 =	slt.u32 s8, $0xFFFFF086  }
0x1c: {  	p1 =	slt.u32 s9, $0xF7A;
	s5 =	simm.s32 @!p2 $0x0  }
0x1d: {  	s5 =	simm.s32 @p1 $0x1;
	p0 =	seq.s32 s7, s2  }
0x1e: {  	s7 =	smul.u32 @!p0 $0xF7A, s2;
	p2 =	seq.s32 @!p0 s5, $0x0  }
0x1f: {  	s9 =	smul.u32 $0xF7A, s1;
	s8 =	simm.s32 @!p0 $0x1BF5;
	p2 =	por !p2, p0  }
0x20: {  	[sflag:s8] =	ssyncset.s32 @!p0 $0xFFFFF086;
	s6 =	sadd.s32 @!p0 s3, s7;
	s7 =	simm.s32 @!p0 $0x108  }
0x21: {  	s3 =	sadd.s32 s3, s9;
	s6 =	sadd.s32 @!p0 $0x88, s6;
	s7 =	simm.s32 @p2 $0x1082  }
0x22: {  	[simem:s7], [sflag:s8] =	dma.local @!p0 [hbm:s6], $0xF7A  }
0x23: {  	s9 =	sor.u32 $0xD0000000, s2;
	s6 =	simm.s32 $0x108;
	_ =	swait.ge @!p0 [sflag:s8], $0x0  }
0x24: {  	s3 =	sadd.s32 $0x88, s3;
	s6 =	simm.s32 @!p1 $0x1082;
	[sflag:s4] =	ssyncset.s32 $0xFFFFF086  }
0x25: {  	[simem:s6], [sflag:s4] =	dma.local [hbm:s3], $0xF7A  }
0x26: {  	[smem:$0x3F9E] =	sst s1;
	(tag) =	ssettag s2;
	_ =	strace s9  }
0x27: {  	s1 =	sld [smem:$0x3FAE]  }
0x28: {  	s2 =	sld [smem:$0x3FAF]  }
0x29: {  	s4 =	sld [smem:$0x3FB1]  }
0x2a: {  	p0 =	seq.s32 s5, $0x0;
	s5 =	sld [smem:$0x3FB2]  }
0x2b: {  	s6 =	sld [smem:$0x3FB3]  }
0x2c: {  	s7 =	sld [smem:$0x3FB4]  }
0x2d: {  	s3 =	simm.s32 $0x108;
	s8 =	sld [smem:$0x3FB5]  }
0x2e: {  	s3 =	simm.s32 @!p0 $0x1082;
	s9 =	sld [smem:$0x3FB6]  }
0x2f: {  	lr =	sadd.s32 s0, s3;
	s0 =	sld [smem:$0x3FAD]  }
0x30: {  	s3 =	sld [smem:$0x3FB0]  }
0x31: {  	[smem:$0x3FB9] =	sst s10  }
0x32: {  	s10 =	sld [smem:$0x3FB7];
	_ =	sdelay $0x3  }
0x33: {  	p0 =	seq.s32 s10, $0x1;
	s10 =	sld [smem:$0x3FB9];
	_ =	sdelay $0x3  }
0x34: {  	[smem:$0x3FB9] =	sst s10  }
0x35: {  	s10 =	sld [smem:$0x3FB8];
	_ =	sdelay $0x3  }
0x36: {  	p1 =	seq.s32 s10, $0x1;
	s10 =	sld [smem:$0x3FB9];
	_ =	sdelay $0x3  }
0x37: {  	[smem:$0x3FB9] =	sst s10  }
0x38: {  	s10 =	sld [smem:$0x3FBA]  }
0x39: {  	_ = 	snop;
	(pc) =	sbr.ind lr, $3  }
0x3a: {  	_ = 	snop  }
0x3b: {  	_ = 	snop  }
0x3c: {  	p2 =	seq.s32 s10, $0x1;
	s10 =	sld [smem:$0x3FB9]  }
0x3d: {  	_ =	shalt  }
0x3e: {  	_ =	shalt  }
0x3f: {  	_ =	shalt  }
0x40: {  	_ =	shalt  }
0x41: {  	_ =	shalt  }
0x42: {  	_ =	shalt  }
0x43: {  	_ =	shalt  }
0x44: {  	_ =	shalt  }
0x45: {  	_ =	shalt  }
0x46: {  	_ =	shalt  }
0x47: {  	_ =	shalt  }
0x48: {  	_ =	shalt  }
0x49: {  	_ =	shalt  }
0x4a: {  	_ =	shalt  }
0x4b: {  	_ =	shalt  }
0x4c: {  	_ =	shalt  }
0x4d: {  	_ =	shalt  }
0x4e: {  	_ =	shalt  }
0x4f: {  	_ =	shalt  }
0x50: {  	_ =	shalt  }
0x51: {  	_ =	shalt  }
0x52: {  	_ =	shalt  }
0x53: {  	_ =	shalt  }
0x54: {  	_ =	shalt  }
0x55: {  	_ =	shalt  }
0x56: {  	_ =	shalt  }
0x57: {  	_ =	shalt  }
0x58: {  	_ =	shalt  }
0x59: {  	_ =	shalt  }
0x5a: {  	_ =	shalt  }
0x5b: {  	_ =	shalt  }
0x5c: {  	_ =	shalt  }
0x5d: {  	_ =	shalt  }
0x5e: {  	_ =	shalt  }
0x5f: {  	_ =	shalt  }
0x60: {  	_ =	shalt  }
0x61: {  	_ =	shalt  }
0x62: {  	_ =	shalt  }
0x63: {  	_ =	shalt  }
0x64: {  	_ =	shalt  }
0x65: {  	_ =	shalt  }
0x66: {  	_ =	shalt  }
0x67: {  	_ =	shalt  }
0x68: {  	_ =	shalt  }
0x69: {  	_ =	shalt  }
0x6a: {  	_ =	shalt  }
0x6b: {  	_ =	shalt  }
0x6c: {  	_ =	shalt  }
0x6d: {  	_ =	shalt  }
0x6e: {  	_ =	shalt  }
0x6f: {  	_ =	shalt  }
0x70: {  	_ =	shalt  }
0x71: {  	_ =	shalt  }
0x72: {  	_ =	shalt  }
0x73: {  	_ =	shalt  }
0x74: {  	_ =	shalt  }
0x75: {  	_ =	shalt  }
0x76: {  	_ =	shalt  }
0x77: {  	_ =	shalt  }
0x78: {  	_ =	shalt  }
0x79: {  	_ =	shalt  }
0x7a: {  	_ =	shalt  }
0x7b: {  	_ =	shalt  }
0x7c: {  	_ =	shalt  }
0x7d: {  	_ =	shalt  }
0x7e: {  	_ =	shalt  }
0x7f: {  	_ =	shalt  }
0x80: {  	_ =	shalt  }
0x81: {  	_ =	shalt  }
0x82: {  	_ =	shalt  }
0x83: {  	_ =	shalt  }
0x84: {  	_ =	shalt  }
0x85: {  	_ =	shalt  }
0x86: {  	_ =	shalt  }
0x87: {  	_ =	shalt  }
.Lfunc_end0:
.L_simem_size_0:
called_computation.1_lowered:
.L_overlay_start_0:
0x88: {  	s2 =	sld [smem:$0x3FD9]  }
0x89: {  	s3 =	sld [smem:$0x3FFE];
	_ =	sdelay $0x1  }
0x8a: {  	s1 =	srdreg.scid  }
0x8b: {  	s0 =	sand.u32 $0x1, s1  }
0x8c: {  	s14 =	sshll.u32 s0, $0xA;
	s2 =	sadd.s32 s3, s2  }
0x8d: {  	s2 =	sadd.s32 s2, s14  }
0x8e: {  	[smem:$0x3FC5] =	sst s2  }
0x8f: {  	_ = 	snop  }
0x90: {  	s2 =	sld [smem:$0x3FD0];
	_ =	sdelay $0x2  }
0x91: {  	s4 =	simm.s32 $0xA;
	s5 =	simm.s32 $0x10;
	s15 =	sld [smem:$0x3FC7]  }
0x92: {  	[smem:s5], [sflag:s4] =	dma.local [hbm:s2], $0x1  }
0x93: {  	_ =	swait.eq [sflag:s4], $0x1  }
0x94: {  	[sflag:s4] =	ssyncset.done $0x0  }
0x95: {  	[sflag:s4] =	ssyncadd.s32 $0xFFFFFFFF  }
0x96: {  	s16 =	sld [smem:$0x11];
	(tm) =	ssettm $0x1  }
0x97: {  	s17 =	sld [smem:$0x3FFB];
	_ =	sdelay $0x3  }
0x98: {  	_ =	strace s17  }
0x99: {  	s4 =	sld [smem:$0x3FFC];
	_ =	sdelay $0x3  }
0x9a: {  	_ =	strace s4  }
0x9b: {  	s4 =	sld [smem:$0x3FFD];
	_ =	sdelay $0x3  }
0x9c: {  	_ =	strace s4  }
0x9d: {  	_ =	strace $0x8FFFFFFF  }
0x9e: {  	s18 =	sld [smem:$0x3FDB];
	_ =	sdelay $0x1  }
0x9f: {  	s19 =	simm.s32 $_scs_section_size  }
0xa0: {  	s6 =	simm.s32 $_size__tile_overlayer_lowered;
	s7 =	simm.s32 $_tile_overlayer_lowered  }
0xa1: {  	s22 =	simm.s32 $0x1BFF;
	s21 =	sshll.u32 s7, $0x1;
	s4 =	sadd.s32 s19, s18  }
0xa2: {  	s8 =	simm.s32 $0x0;
	s20 =	sshll.u32 s6, $0x1;
	s6 =	sadd.s32 s21, s4  }
0xa3: {  	[timem:s8], [sflag:s22] =	dma.local [hbm:s6], s20  }
0xa4: {  	_ =	swait.ge [sflag:s22], s20  }
0xa5: {  	s5 =	ssub.s32 $0x0, s20;
	[sflag:s22] =	ssyncset.done $0x0  }
0xa6: {  	[sflag:s22] =	ssyncadd.s32 s5;
	_ =	sdelay $0x1  }
0xa7: {  	s23 =	simm.s32 $0x1B8B  }
0xa8: {  	_ =	swait.ge [sflag:s23], $0x1  }
0xa9: {  	[sflag:s23] =	ssyncset.done $0x0  }
0xaa: {  	s25 =	simm.s32 $0x1B8E;
	s24 =	sld [smem:$0x3FFE];
	[sflag:s23] =	ssyncadd.s32 $0xFFFFFFFF  }
0xab: {  	s26 =	simm.s32 $execute0_lowered;
	[smem:$0x3FD2] =	sst s25  }
0xac: {  	s6 =	sshll.u32 s26, $0x1;
	_ =	strace $0x80000049;
	[dreg:$0x1] =	wrdreg $0xFFFFFFFF  }
0xad: {  	s28 =	simm.s32 $_size_execute0_lowered;
	s4 =	sadd.s32 s4, s6;
	[dreg:$0x0] =	wrdreg $0x0  }
0xae: {  	s6 =	sshll.u32 s28, $0x1;
	[dreg:$0x2] =	wrdreg s4  }
0xaf: {  	[dreg:$0x3] =	wrdreg s6  }
0xb0: {  	[dreg:$0x4] =	wrdreg $0xC0  }
0xb1: {  	_ =	task [dreg:s8], $0x5FFFF  }
0xb2: {  	[dreg:$0x1] =	wrdreg $0xFFFFFFFF  }
0xb3: {  	[dreg:$0x0] =	wrdreg $0x60  }
0xb4: {  	[dreg:$0x2] =	wrdreg s16  }
0xb5: {  	[dreg:$0x3] =	wrdreg s24  }
0xb6: {  	[dreg:$0x4] =	wrdreg s15  }
0xb7: {  	[dreg:$0x5] =	wrdreg $0x9  }
0xb8: {  	_ =	task.clear_ibuf [dreg:s8], $0x6FFFF;
	_ =	strace $0x90000049  }
0xb9: {  	s29 =	simm.s32 $0x9;
	_ =	strace $0x8000004B  }
0xba: {  	_ =	swait.ge [sflag:s29], $0x1  }
0xbb: {  	[sflag:s29] =	ssyncadd.s32 $0xFFFFFFFF  }
0xbc: {  	_ =	strace $0x9000004B  }
0xbd: {  	_ =	sfence  }
0xbe: {  	s30 =	sld [smem:$0x0];
	_ =	sdelay $0x2  }
0xbf: {  	s31 =	sshll.u32 s1, $0xD;
	s1 =	sshrl.u32 s1, $0x2  }
0xc0: {  	s3 =	sand.u32 $0x4000, s31;
	s1 =	sadd.s32 s1, s30  }
0xc1: {  	s0 =	sor.u32 s3, s0;
	s1 =	sshll.u32 s1, $0x11  }
0xc2: {  	s0 =	sor.u32 s1, s0  }
0xc3: {  	s0 =	sadd.s32 $0x8F2B, s0  }
0xc4: {  	[sflag:s0] =	ssyncadd.remote.s32 $0x1  }
0xc5: {  	_ =	sfence.sel $0xFFFF  }
0xc6: {  	[dreg:$0x0] =	wrdreg $0xFFFFFFFF;
	(pc) =	sbr.abs _section_cstart, $3  }
0xc7: {  	[dreg:$0x1] =	wrdreg $0xFFFFFFFF  }
0xc8: {  	_ =	task.clear_ibuf [dreg:s8], $0x2FFFF;
	_ =	strace $0x9FFFFFFF  }
0xc9: {  	(tm) =	ssettm $0x7FFFFFFF  }
tec
execute0_lowered:
.L_overlay_start_1:
0x0: {  	(tag) =	ssettag $0x1  }
0x1: {  	v0 =	vimm.s32 $0x2380;
	vm14 =	vcmask $0x300;
	vm13 =	vcmask $0x704  }
0x2: {  	vm12 =	vcmask $0xB08;
	vm11 =	vcmask $0xF0C;
	vm10 =	vcmask $0x1310  }
0x3: {  	vm9 =	vcmask $0x1714;
	vm8 =	vcmask $0x1B18;
	vm7 =	vcmask $0x1F1C  }
0x4: {  	vm6 =	vcmask $0x2320;
	vm5 =	vcmask $0x2724;
	vm4 =	vcmask $0x2B28  }
0x5: {  	vm3 =	vcmask $0x2F2C;
	vm2 =	vcmask $0x3330;
	vm1 =	vcmask $0x3734  }
0x6: {  	vm0 =	vcmask $0x3B38;
	v1 =	vimm.s32 $0x6380;
	v2 =	vimm.s32 $0xA380  }
0x7: {  	v3 =	vimm.s32 $0xE380;
	v4 =	vlaneseq.u32;
	v0 =	vsel vm14, $0x0, v0  }
0x8: {  	v1 =	vsel vm14, $0x4000, v1;
	v2 =	vsel vm14, $0x8000, v2;
	v3 =	vsel vm14, $0xC000, v3  }
0x9: {  	v4 =	vmul.u32 $0x80, v4;
	v0 =	vsel vm13, $0x80, v0;
	v1 =	vsel vm13, $0x4080, v1  }
0xa: {  	v2 =	vsel vm13, $0x8080, v2;
	v3 =	vsel vm13, $0xC080, v3;
	v0 =	vsel vm12, $0x100, v0  }
0xb: {  	v1 =	vsel vm12, $0x4100, v1;
	v2 =	vsel vm12, $0x8100, v2;
	v3 =	vsel vm12, $0xC100, v3  }
0xc: {  	v0 =	vsel vm11, $0x180, v0;
	v1 =	vsel vm11, $0x4180, v1;
	v2 =	vsel vm11, $0x8180, v2  }
0xd: {  	v3 =	vsel vm11, $0xC180, v3;
	v0 =	vsel vm10, $0x200, v0;
	v1 =	vsel vm10, $0x4200, v1  }
0xe: {  	v2 =	vsel vm10, $0x8200, v2;
	v3 =	vsel vm10, $0xC200, v3;
	v0 =	vsel vm9, $0x280, v0  }
0xf: {  	v1 =	vsel vm9, $0x4280, v1;
	v2 =	vsel vm9, $0x8280, v2;
	v3 =	vsel vm9, $0xC280, v3  }
0x10: {  	v0 =	vsel vm8, $0x300, v0;
	v1 =	vsel vm8, $0x4300, v1;
	v2 =	vsel vm8, $0x8300, v2  }
0x11: {  	s0 =	rddreg [dreg:$0x0];
	v3 =	vsel vm8, $0xC300, v3;
	v0 =	vsel vm7, $0x380, v0;
	v1 =	vsel vm7, $0x4380, v1  }
0x12: {  	s2 =	rddreg [dreg:$0x1];
	v2 =	vsel vm7, $0x8380, v2;
	v3 =	vsel vm7, $0xC380, v3;
	v0 =	vsel vm6, $0x2000, v0  }
0x13: {  	s23 =	rddreg [dreg:$0x2];
	s1 =	simm.s32 $0x0;
	s3 =	srdreg.scid;
	v1 =	vsel vm6, $0x6000, v1;
	v2 =	vsel vm6, $0xA000, v2;
	v3 =	vsel vm6, $0xE000, v3  }
0x14: {  	s26 =	stileid.u32;
	[smem:$0x7FF] =	sst s1;
	s3 =	sand.u32 $0x1, s3;
	v0 =	vsel vm5, $0x2080, v0;
	v1 =	vsel vm5, $0x6080, v1;
	v2 =	vsel vm5, $0xA080, v2  }
0x15: {  	s5 =	sshll.u32 s26, $0x8;
	s28 =	sadd.s32 $0x1000, s2;
	s30 =	sadd.s32 $0xF4200, s23;
	v3 =	vsel vm5, $0xE080, v3;
	v0 =	vsel vm4, $0x2100, v0;
	v1 =	vsel vm4, $0x6100, v1  }
0x16: {  	s4 =	ssub.s32 $0x2, s3;
	s3 =	sshll.u32 s3, $0x7;
	_ =	strace $0x8000004A;
	v2 =	vsel vm4, $0xA100, v2;
	v3 =	vsel vm4, $0xE100, v3;
	v0 =	vsel vm3, $0x2180, v0  }
.Ltmp0:
0x17: {  	[dreg:$0x4] =	wrdreg s28;
	s3 =	sor.u32 s3, s5;
	v1 =	vsel vm3, $0x6180, v1;
	v2 =	vsel vm3, $0xA180, v2;
	v3 =	vsel vm3, $0xE180, v3;
	(pc) =	sbr.rel .LBB2_1-.Ltmp0, $4  }
0x18: {  	[dreg:$0x7] =	wrdreg s30;
	s6 =	sshrl.u32 s4, $0x1;
	s0 =	sadd.s32 s0, s3;
	v0 =	vsel vm2, $0x2200, v0;
	v1 =	vsel vm2, $0x6200, v1;
	v2 =	vsel vm2, $0xA200, v2  }
0x19: {  	s4 =	ssub.s32 s4, s6;
	s29 =	sadd.s32 s2, s3;
	[dreg:$0x5] =	wrdreg s0;
	v3 =	vsel vm2, $0xE200, v3;
	v0 =	vsel vm1, $0x2280, v0;
	v1 =	vsel vm1, $0x6280, v1  }
0x1a: {  	s12 =	simm.s32 $0x10800;
	[dreg:$0x6] =	wrdreg s29;
	s31 =	smax.u32 s4, $0x1;
	v2 =	vsel vm1, $0xA280, v2;
	v3 =	vsel vm1, $0xE280, v3;
	v0 =	vsel vm0, $0x2300, v0  }
0x1b: {  	s13 =	simm.s32 $0x800;
	s1 =	simm.s32 $0x0;
	[dreg:$0x8] =	wrdreg s31;
	v1 =	vsel vm0, $0x6300, v1;
	v2 =	vsel vm0, $0xA300, v2;
	v3 =	vsel vm0, $0xE300, v3  }
.LBB2_55:
0x1c: {  	s1 =	rddreg [dreg:$0x9]  }
0x1d: {  	s0 =	rddreg [dreg:$0x8];
	s1 =	sadd.s32 $0x1, s1  }
0x1e: {  	p0 =	sne.s32 s1, s0  }
.Ltmp1:
0x1f: {  	_ = 	snop;
	(pc) =	sbr.rel @!p0 .LBB2_56-.Ltmp1, $1  }
0x20: {  	_ =	sdelay $0x3  }
.LBB2_1:
0x21: {  	[dreg:$0x9] =	wrdreg s1  }
0x22: {  	s0 =	simm.s32 $0x0;
	s28 =	rddreg [dreg:$0x5];
	s2 =	simm.s32 $0x3  }
0x23: {  	[tilespmem:s0], [sflag:$0x3] =	stream.linear.gather [hbm4b:s28+s0], $0x400, $0x38;
	[tilespmem:$0x16800] =	vst v63  }
0x24: {  	_ =	swait.ge [sflag:s2], $0x400  }
0x25: {  	[sflag:s2] =	ssyncset.done $0x0  }
0x26: {  	s3 =	simm.s32 $0x400;
	s29 =	rddreg [dreg:$0x6];
	[sflag:s2] =	ssyncadd.s32 $0xFFFFFC00  }
0x27: {  	[tilespmem:s3], [sflag:$0x3] =	stream.linear.gather [hbm4b:s29+s0], $0x400, $0x38;
	[tilespmem:$0x16800] =	vst v63  }
0x28: {  	_ =	swait.ge [sflag:s2], $0x400  }
0x29: {  	s31 =	simm.s32 $0x7A1400;
	[sflag:s2] =	ssyncset.done $0x0  }
.Ltmp2:
0x2a: {  	s30 =	rddreg [dreg:$0x7];
	[sflag:s2] =	ssyncadd.s32 $0xFFFFFC00;
	(pc) =	sbr.rel .LBB2_2-.Ltmp2, $4  }
0x2b: {  	[tilespmem:s12], [sflag:$0x3] =	stream.strided.gather [hbm4b:s30+s3], $0x2000, s31, s3, $0x38;
	[tilespmem:$0x16800] =	vst v63  }
0x2c: {  	_ =	swait.ge [sflag:s2], $0x2000  }
0x2d: {  	s9 =	simm.s32 $0xFFFFF800;
	[sflag:s2] =	ssyncset.done $0x0  }
0x2e: {  	s1 =	simm.s32 $0x0;
	s0 =	simm.s32 $0x0;
	[sflag:s2] =	ssyncadd.s32 $0xFFFFE000  }
.LBB2_54:
0x2f: {  	s0 =	rddreg [dreg:$0xc]  }
0x30: {  	s1 =	rddreg [dreg:$0x4];
	s2 =	simm.s32 $0x80;
	s0 =	sshrl.u32 s0, $0x2  }
0x31: {  	s3 =	simm.s32 $0x12800;
	s29 =	simm.s32 $0x2;
	s0 =	sadd.s32 $0x400, s0  }
0x32: {  	[hbm4b:s1+s2] =	stream.indirect.scatter [tilespmem:s3], [sflag:$0x2], $0x80, s0, s2, $0xb8;
	[tilespmem:$0x16800] =	vst v63  }
0x33: {  	_ =	swait.ge [sflag:s29], $0x4000  }
0x34: {  	s30 =	rddreg [dreg:$0xb]  }
0x35: {  	s1 =	sadd.s32 $0x1, s30  }
0x36: {  	p0 =	sne.s32 s1, $0x8  }
.Ltmp3:
0x37: {  	_ = 	snop;
	(pc) =	sbr.rel @!p0 .LBB2_55-.Ltmp3, $3  }
0x38: {  	_ =	sdelay $0x1  }
0x39: {  	[sflag:s29] =	ssyncset.done $0x0;
	s31 =	rddreg [dreg:$0xa]  }
0x3a: {  	[sflag:s29] =	ssyncadd.s32 $0xFFFFC000;
	s0 =	sadd.s32 $0x80, s31  }
.LBB2_2:
.Ltmp4:
0x3b: {  	(pc) =	sbr.rel .LBB2_3-.Ltmp4, $4  }
0x3c: {  	_ = 	snop  }
0x3d: {  	[dreg:$0xb] =	wrdreg s1  }
0x3e: {  	s31 =	sshll.u32 s1, $0x9;
	[dreg:$0xa] =	wrdreg s0  }
0x3f: {  	s21 =	simm.s32 $0x0;
	s22 =	simm.s32 $0x12C00;
	v5 =	vmov s0;
	[dreg:$0xc] =	wrdreg s31  }
.LBB2_51:
0x40: {  	s0 =	smin.u32 s14, $0xF423F  }
0x41: {  	s0 =	sadd.s32 $0xFFF0BE00, s0  }
0x42: {  	v6 =	vadd.s32 s0, v4;
	_ =	sdelay $0x4  }
0x43: {  	v7 =	vor.u32 $0x800, v4;
	v6 =	vld.idx.msk [tilespmem:v6+s12+$0x0], $0xffff  }
0x44: {  	v7 =	vadd.s32 s0, v7;
	_ =	sdelay $0x3  }
0x45: {  	[tilespmem:s22+$0x380] =	vst v6  }
0x46: {  	v6 =	vld.idx.msk [tilespmem:v7+s12+$0x0], $0xffff;
	v7 =	vor.u32 $0x1000, v4  }
0x47: {  	v7 =	vadd.s32 s0, v7;
	_ =	sdelay $0x3  }
0x48: {  	[tilespmem:s22+$0x390] =	vst v6  }
0x49: {  	v6 =	vld.idx.msk [tilespmem:v7+s12+$0x0], $0xffff;
	v7 =	vor.u32 $0x1800, v4  }
0x4a: {  	v7 =	vadd.s32 s0, v7;
	_ =	sdelay $0x3  }
0x4b: {  	[tilespmem:s22+$0x3A0] =	vst v6  }
0x4c: {  	v6 =	vld.idx.msk [tilespmem:v7+s12+$0x0], $0xffff  }
.LBB2_52:
0x4d: {  	_ =	sdelay $0x3  }
0x4e: {  	s9 =	simm.s32 $0xFFFFF800;
	[tilespmem:s22+$0x3B0] =	vst v6  }
.LBB2_53:
0x4f: {  	s21 =	sadd.s32 $0x40, s21  }
0x50: {  	p0 =	sne.s32 s21, $0x200  }
.Ltmp5:
0x51: {  	_ = 	snop;
	(pc) =	sbr.rel @!p0 .LBB2_54-.Ltmp5, $2  }
0x52: {  	_ =	sdelay $0x2  }
0x53: {  	s22 =	sadd.s32 $0x800, s22  }
.LBB2_3:
0x54: {  	_ =	sdelay $0x2  }
0x55: {  	s0 =	sshra.s32 s21, $0x2  }
0x56: {  	v6 =	vld.idx.msk [tilespmem:v5+s0+$0x0 ss:$0x1], $0xffff;
	_ =	sdelay $0x4  }
0x57: {  	(v2sf) =	vpush v6, $0x0;
	_ =	sdelay $0x6  }
0x58: {  	(v2sf) =	vpush v6, $0xF;
	_ =	sdelay $0x7  }
0x59: {  	s10 =	spop (v2sf)  }
0x5a: {  	s24 =	sand.u32 $0x7F, s10  }
0x5b: {  	s2 =	sshra.s32 s10, $0x1F;
	p0 =	slt.s32 s10, $0x1;
	p1 =	sne.s32 s24, $0x0  }
0x5c: {  	s25 =	sshrl.u32 s2, $0x19;
	p0 =	por !p0, !p1  }
0x5d: {  	s2 =	simm.s32 $0x1;
	s0 =	sadd.s32 s25, s10;
	p0 =	por !p0, !p0  }
0x5e: {  	s0 =	sshrl.u32 s0, $0x7;
	s2 =	simm.s32 @!p0 $0x0  }
0x5f: {  	s26 =	sadd.s32 $0x400, s9;
	s0 =	ssub.s32 s0, s2  }
0x60: {  	s1 =	spop (v2sf);
	p5 =	slt.s32 s10, s9;
	s6 =	sshll.u32 s0, $0x7  }
0x61: {  	p6 =	sge.s32 s1, s26;
	p2 =	slt.s32 s6, $0xF3E00;
	s0 =	smov.u32 s6  }
0x62: {  	p0 =	por p5, p6;
	s0 =	simm.s32 @!p2 $0xF3E00  }
0x63: {  	s2 =	sand.u32 @p0 $0xFFFFF80, s0  }
0x64: {  	s3 =	simm.s32 @p0 $0x0;
	s4 =	simm.s32 @p0 $0x800;
	s2 =	sadd.s32 @p0 s23, s2  }
0x65: {  	[tilespmem:s4], [sflag:$0x1] =	stream.linear.gather @p0 [hbm4b:s2+s3], $0x1000, $0x38;
	[tilespmem:$0x16800] =	vst v63  }
0x66: {  	s5 =	simm.s32 @p0 $0x2800;
	s4 =	sadd.s32 @p0 $0xF4280, s2  }
0x67: {  	[tilespmem:s5], [sflag:$0x1] =	stream.linear.gather @p0 [hbm4b:s4+s3], $0x1000, $0x38;
	[tilespmem:$0x16800] =	vst v63  }
0x68: {  	s4 =	sadd.s32 @p0 $0x1E8500, s2;
	s5 =	simm.s32 @p0 $0x4800  }
0x69: {  	[tilespmem:s5], [sflag:$0x1] =	stream.linear.gather @p0 [hbm4b:s4+s3], $0x1000, $0x38;
	[tilespmem:$0x16800] =	vst v63  }
0x6a: {  	s4 =	sadd.s32 @p0 $0x2DC780, s2;
	s5 =	simm.s32 @p0 $0x6800  }
0x6b: {  	[tilespmem:s5], [sflag:$0x1] =	stream.linear.gather @p0 [hbm4b:s4+s3], $0x1000, $0x38;
	[tilespmem:$0x16800] =	vst v63  }
0x6c: {  	s4 =	sadd.s32 @p0 $0x3D0A00, s2;
	s5 =	simm.s32 @p0 $0x8800  }
0x6d: {  	[tilespmem:s5], [sflag:$0x1] =	stream.linear.gather @p0 [hbm4b:s4+s3], $0x1000, $0x38;
	[tilespmem:$0x16800] =	vst v63  }
0x6e: {  	s4 =	sadd.s32 @p0 $0x4C4C80, s2;
	s5 =	simm.s32 @p0 $0xA800  }
0x6f: {  	[tilespmem:s5], [sflag:$0x1] =	stream.linear.gather @p0 [hbm4b:s4+s3], $0x1000, $0x38;
	[tilespmem:$0x16800] =	vst v63  }
0x70: {  	s4 =	sadd.s32 @p0 $0x5B8F00, s2;
	s5 =	simm.s32 @p0 $0xC800  }
0x71: {  	[tilespmem:s5], [sflag:$0x1] =	stream.linear.gather @p0 [hbm4b:s4+s3], $0x1000, $0x38;
	[tilespmem:$0x16800] =	vst v63  }
0x72: {  	s2 =	sadd.s32 @p0 $0x6AD180, s2;
	s4 =	simm.s32 @p0 $0xE800  }
0x73: {  	[tilespmem:s4], [sflag:$0x1] =	stream.linear.gather @p0 [hbm4b:s2+s3], $0x1000, $0x38;
	[tilespmem:$0x16800] =	vst v63  }
0x74: {  	s2 =	sadd.s32 @p0 $0x200, s0  }
0x75: {  	s2 =	sand.u32 @p0 $0x1FFFFF80, s2  }
0x76: {  	s4 =	simm.s32 @p0 $0x1800;
	s2 =	sadd.s32 @p0 s23, s2  }
0x77: {  	[tilespmem:s4], [sflag:$0x1] =	stream.linear.gather @p0 [hbm4b:s2+s3], $0x1000, $0x38;
	[tilespmem:$0x16800] =	vst v63  }
0x78: {  	s5 =	simm.s32 @p0 $0x3800;
	s4 =	sadd.s32 @p0 $0xF4280, s2  }
0x79: {  	[tilespmem:s5], [sflag:$0x1] =	stream.linear.gather @p0 [hbm4b:s4+s3], $0x1000, $0x38;
	[tilespmem:$0x16800] =	vst v63  }
0x7a: {  	s4 =	sadd.s32 @p0 $0x1E8500, s2;
	s5 =	simm.s32 @p0 $0x5800  }
0x7b: {  	[tilespmem:s5], [sflag:$0x1] =	stream.linear.gather @p0 [hbm4b:s4+s3], $0x1000, $0x38;
	[tilespmem:$0x16800] =	vst v63  }
0x7c: {  	s4 =	sadd.s32 @p0 $0x2DC780, s2;
	s5 =	simm.s32 @p0 $0x7800  }
0x7d: {  	[tilespmem:s5], [sflag:$0x1] =	stream.linear.gather @p0 [hbm4b:s4+s3], $0x1000, $0x38;
	[tilespmem:$0x16800] =	vst v63  }
0x7e: {  	s4 =	sadd.s32 @p0 $0x3D0A00, s2;
	s5 =	simm.s32 @p0 $0x9800  }
0x7f: {  	[tilespmem:s5], [sflag:$0x1] =	stream.linear.gather @p0 [hbm4b:s4+s3], $0x1000, $0x38;
	[tilespmem:$0x16800] =	vst v63  }
0x80: {  	s4 =	sadd.s32 @p0 $0x4C4C80, s2;
	s5 =	simm.s32 @p0 $0xB800  }
0x81: {  	[tilespmem:s5], [sflag:$0x1] =	stream.linear.gather @p0 [hbm4b:s4+s3], $0x1000, $0x38;
	[tilespmem:$0x16800] =	vst v63  }
0x82: {  	s4 =	sadd.s32 @p0 $0x5B8F00, s2;
	s5 =	simm.s32 @p0 $0xD800  }
0x83: {  	[tilespmem:s5], [sflag:$0x1] =	stream.linear.gather @p0 [hbm4b:s4+s3], $0x1000, $0x38;
	[tilespmem:$0x16800] =	vst v63  }
0x84: {  	s9 =	smov.u32 @p0 s0;
	s0 =	sadd.s32 @p0 $0x6AD180, s2;
	s2 =	simm.s32 @p0 $0xF800  }
0x85: {  	[tilespmem:s2], [sflag:$0x1] =	stream.linear.gather @p0 [hbm4b:s0+s3], $0x1000, $0x38;
	[tilespmem:$0x16800] =	vst v63  }
0x86: {  	s0 =	ssub.s32 s10, s9  }
0x87: {  	p1 =	slt.s32 s0, $0x3FF  }
0x88: {  	s0 =	simm.s32 @!p1 $0x3FF  }
0x89: {  	s2 =	simm.s32 @p0 $0x1;
	v7 =	vmov s0  }
0x8a: {  	_ =	swait.ge @p0 [sflag:s2], $0x8000;
	v8 =	vshll.u32 v7, $0x3  }
0x8b: {  	[sflag:s2] =	ssyncset.done @p0 $0x0;
	v7 =	vand.u32 $0x7F, v7;
	v8 =	vand.u32 $0xFFFFFC00, v8  }
0x8c: {  	[sflag:s2] =	ssyncadd.s32 @p0 $0xFFFF8000;
	v7 =	vor.u32 v7, v8  }
0x8d: {  	_ =	swait.ge @p0 [sflag:s2], $0x8000;
	v8 =	vadd.s32 v0, v7  }
0x8e: {  	(v2sf) =	vpush v6, $0x1;
	_ =	sdelay $0x1  }
0x8f: {  	[sflag:s2] =	ssyncset.done @p0 $0x0  }
0x90: {  	[sflag:s2] =	ssyncadd.s32 @p0 $0xFFFF8000  }
0x91: {  	v8 =	vld.idx.msk [tilespmem:v8+s13+$0x0], $0xffff  }
0x92: {  	v9 =	vadd.s32 v1, v7;
	_ =	sdelay $0x3  }
0x93: {  	[tilespmem:s22+$0xFFFFFC00] =	vst v8  }
0x94: {  	v8 =	vld.idx.msk [tilespmem:v9+s13+$0x0], $0xffff  }
0x95: {  	v36 =	vadd.s32 v2, v7;
	_ =	sdelay $0x3  }
0x96: {  	s8 =	spop (v2sf);
	[tilespmem:s22+$0xFFFFFC10] =	vst v8  }
0x97: {  	s0 =	ssub.s32 s8, s9;
	v8 =	vld.idx.msk [tilespmem:v36+s13+$0x0], $0xffff  }
0x98: {  	v7 =	vadd.s32 v3, v7;
	p0 =	slt.s32 s0, $0x3FF  }
0x99: {  	s0 =	simm.s32 @!p0 $0x3FF  }
0x9a: {  	v37 =	vmov s0  }
0x9b: {  	v10 =	vshll.u32 v37, $0x3  }
0x9c: {  	v38 =	vand.u32 $0x7F, v37;
	v39 =	vand.u32 $0xFFFFFC00, v10;
	[tilespmem:s22+$0xFFFFFC20] =	vst v8  }
0x9d: {  	v8 =	vor.u32 v38, v39;
	v7 =	vld.idx.msk [tilespmem:v7+s13+$0x0], $0xffff  }
0x9e: {  	v9 =	vadd.s32 v0, v8  }
0x9f: {  	(v2sf) =	vpush v6, $0x2;
	_ =	sdelay $0x2  }
0xa0: {  	[tilespmem:s22+$0xFFFFFC30] =	vst v7  }
0xa1: {  	v7 =	vld.idx.msk [tilespmem:v9+s13+$0x0], $0xffff  }
0xa2: {  	v40 =	vadd.s32 v1, v8;
	_ =	sdelay $0x3  }
0xa3: {  	[tilespmem:s22+$0xFFFFFC80] =	vst v7  }
0xa4: {  	v7 =	vld.idx.msk [tilespmem:v40+s13+$0x0], $0xffff  }
0xa5: {  	v41 =	vadd.s32 v2, v8;
	_ =	sdelay $0x3  }
0xa6: {  	s7 =	spop (v2sf);
	[tilespmem:s22+$0xFFFFFC90] =	vst v7  }
0xa7: {  	s0 =	ssub.s32 s7, s9;
	v7 =	vld.idx.msk [tilespmem:v41+s13+$0x0], $0xffff  }
0xa8: {  	v8 =	vadd.s32 v3, v8;
	p0 =	slt.s32 s0, $0x3FF  }
0xa9: {  	s0 =	simm.s32 @!p0 $0x3FF  }
0xaa: {  	v42 =	vmov s0  }
0xab: {  	v43 =	vshll.u32 v42, $0x3  }
0xac: {  	v44 =	vand.u32 $0xFFFFFC00, v43;
	[tilespmem:s22+$0xFFFFFCA0] =	vst v7;
	v7 =	vand.u32 $0x7F, v42  }
0xad: {  	v8 =	vld.idx.msk [tilespmem:v8+s13+$0x0], $0xffff;
	v7 =	vor.u32 v7, v44  }
0xae: {  	v9 =	vadd.s32 v0, v7  }
0xaf: {  	(v2sf) =	vpush v6, $0x3;
	_ =	sdelay $0x2  }
0xb0: {  	[tilespmem:s22+$0xFFFFFCB0] =	vst v8  }
0xb1: {  	v8 =	vld.idx.msk [tilespmem:v9+s13+$0x0], $0xffff  }
0xb2: {  	v45 =	vadd.s32 v1, v7;
	_ =	sdelay $0x3  }
0xb3: {  	[tilespmem:s22+$0xFFFFFD00] =	vst v8  }
0xb4: {  	v8 =	vld.idx.msk [tilespmem:v45+s13+$0x0], $0xffff  }
0xb5: {  	v46 =	vadd.s32 v2, v7;
	_ =	sdelay $0x3  }
0xb6: {  	s5 =	spop (v2sf);
	[tilespmem:s22+$0xFFFFFD10] =	vst v8  }
0xb7: {  	s0 =	ssub.s32 s5, s9;
	v8 =	vld.idx.msk [tilespmem:v46+s13+$0x0], $0xffff  }
0xb8: {  	p0 =	slt.s32 s0, $0x3FF;
	v7 =	vadd.s32 v3, v7  }
0xb9: {  	s0 =	simm.s32 @!p0 $0x3FF  }
0xba: {  	v47 =	vmov s0  }
0xbb: {  	v48 =	vshll.u32 v47, $0x3  }
0xbc: {  	v49 =	vand.u32 $0x7F, v47;
	v50 =	vand.u32 $0xFFFFFC00, v48;
	[tilespmem:s22+$0xFFFFFD20] =	vst v8  }
0xbd: {  	v8 =	vor.u32 v49, v50;
	v7 =	vld.idx.msk [tilespmem:v7+s13+$0x0], $0xffff  }
0xbe: {  	v9 =	vadd.s32 v0, v8  }
0xbf: {  	(v2sf) =	vpush v6, $0x4;
	_ =	sdelay $0x2  }
0xc0: {  	[tilespmem:s22+$0xFFFFFD30] =	vst v7  }
0xc1: {  	v7 =	vld.idx.msk [tilespmem:v9+s13+$0x0], $0xffff  }
0xc2: {  	v51 =	vadd.s32 v1, v8;
	_ =	sdelay $0x3  }
0xc3: {  	[tilespmem:s22+$0xFFFFFD80] =	vst v7  }
0xc4: {  	v7 =	vld.idx.msk [tilespmem:v51+s13+$0x0], $0xffff  }
0xc5: {  	v52 =	vadd.s32 v2, v8;
	_ =	sdelay $0x3  }
0xc6: {  	s2 =	spop (v2sf);
	[tilespmem:s22+$0xFFFFFD90] =	vst v7  }
0xc7: {  	s0 =	ssub.s32 s2, s9;
	v7 =	vld.idx.msk [tilespmem:v52+s13+$0x0], $0xffff  }
0xc8: {  	p0 =	slt.s32 s0, $0x3FF;
	v8 =	vadd.s32 v3, v8  }
0xc9: {  	s0 =	simm.s32 @!p0 $0x3FF  }
0xca: {  	v53 =	vmov s0  }
0xcb: {  	v54 =	vshll.u32 v53, $0x3  }
0xcc: {  	v55 =	vand.u32 $0xFFFFFC00, v54;
	[tilespmem:s22+$0xFFFFFDA0] =	vst v7;
	v7 =	vand.u32 $0x7F, v53  }
0xcd: {  	v8 =	vld.idx.msk [tilespmem:v8+s13+$0x0], $0xffff;
	v7 =	vor.u32 v7, v55  }
0xce: {  	v9 =	vadd.s32 v0, v7  }
0xcf: {  	(v2sf) =	vpush v6, $0x5;
	_ =	sdelay $0x2  }
0xd0: {  	[tilespmem:s22+$0xFFFFFDB0] =	vst v8  }
0xd1: {  	v8 =	vld.idx.msk [tilespmem:v9+s13+$0x0], $0xffff  }
0xd2: {  	v56 =	vadd.s32 v1, v7;
	_ =	sdelay $0x3  }
0xd3: {  	[tilespmem:s22+$0xFFFFFE00] =	vst v8  }
0xd4: {  	v8 =	vld.idx.msk [tilespmem:v56+s13+$0x0], $0xffff  }
0xd5: {  	v57 =	vadd.s32 v2, v7;
	_ =	sdelay $0x3  }
0xd6: {  	s11 =	spop (v2sf);
	[tilespmem:s22+$0xFFFFFE10] =	vst v8  }
0xd7: {  	s0 =	ssub.s32 s11, s9;
	v8 =	vld.idx.msk [tilespmem:v57+s13+$0x0], $0xffff  }
0xd8: {  	p0 =	slt.s32 s0, $0x3FF;
	v7 =	vadd.s32 v3, v7  }
0xd9: {  	s0 =	simm.s32 @!p0 $0x3FF  }
0xda: {  	v58 =	vmov s0  }
0xdb: {  	v59 =	vshll.u32 v58, $0x3  }
0xdc: {  	v60 =	vand.u32 $0x7F, v58;
	v61 =	vand.u32 $0xFFFFFC00, v59;
	[tilespmem:s22+$0xFFFFFE20] =	vst v8  }
0xdd: {  	v8 =	vor.u32 v60, v61;
	v7 =	vld.idx.msk [tilespmem:v7+s13+$0x0], $0xffff  }
0xde: {  	v9 =	vadd.s32 v0, v8  }
0xdf: {  	(v2sf) =	vpush v6, $0x6;
	_ =	sdelay $0x2  }
0xe0: {  	[tilespmem:s22+$0xFFFFFE30] =	vst v7  }
0xe1: {  	v7 =	vld.idx.msk [tilespmem:v9+s13+$0x0], $0xffff  }
0xe2: {  	v62 =	vadd.s32 v1, v8;
	_ =	sdelay $0x3  }
0xe3: {  	[tilespmem:s22+$0xFFFFFE80] =	vst v7  }
0xe4: {  	v7 =	vld.idx.msk [tilespmem:v62+s13+$0x0], $0xffff  }
0xe5: {  	v63 =	vadd.s32 v2, v8;
	_ =	sdelay $0x3  }
0xe6: {  	s3 =	spop (v2sf);
	[tilespmem:s22+$0xFFFFFE90] =	vst v7  }
0xe7: {  	s0 =	ssub.s32 s3, s9;
	v7 =	vld.idx.msk [tilespmem:v63+s13+$0x0], $0xffff  }
0xe8: {  	p0 =	slt.s32 s0, $0x3FF;
	v8 =	vadd.s32 v3, v8  }
0xe9: {  	s0 =	simm.s32 @!p0 $0x3FF  }
0xea: {  	v12 =	vmov s0  }
0xeb: {  	v13 =	vshll.u32 v12, $0x3  }
0xec: {  	v14 =	vand.u32 $0xFFFFFC00, v13;
	[tilespmem:s22+$0xFFFFFEA0] =	vst v7;
	v7 =	vand.u32 $0x7F, v12  }
0xed: {  	v8 =	vld.idx.msk [tilespmem:v8+s13+$0x0], $0xffff;
	v7 =	vor.u32 v7, v14  }
0xee: {  	v9 =	vadd.s32 v0, v7  }
0xef: {  	(v2sf) =	vpush v6, $0x7;
	_ =	sdelay $0x2  }
0xf0: {  	[tilespmem:s22+$0xFFFFFEB0] =	vst v8  }
0xf1: {  	v8 =	vld.idx.msk [tilespmem:v9+s13+$0x0], $0xffff  }
0xf2: {  	v15 =	vadd.s32 v1, v7;
	_ =	sdelay $0x3  }
0xf3: {  	[tilespmem:s22+$0xFFFFFF00] =	vst v8  }
0xf4: {  	v8 =	vld.idx.msk [tilespmem:v15+s13+$0x0], $0xffff  }
0xf5: {  	v16 =	vadd.s32 v2, v7;
	_ =	sdelay $0x3  }
0xf6: {  	s0 =	spop (v2sf);
	[tilespmem:s22+$0xFFFFFF10] =	vst v8  }
0xf7: {  	s4 =	ssub.s32 s0, s9;
	v8 =	vld.idx.msk [tilespmem:v16+s13+$0x0], $0xffff  }
0xf8: {  	p0 =	slt.s32 s4, $0x3FF;
	v7 =	vadd.s32 v3, v7  }
0xf9: {  	s4 =	simm.s32 @!p0 $0x3FF  }
0xfa: {  	v17 =	vmov s4  }
0xfb: {  	v18 =	vshll.u32 v17, $0x3  }
0xfc: {  	v19 =	vand.u32 $0x7F, v17;
	v20 =	vand.u32 $0xFFFFFC00, v18;
	[tilespmem:s22+$0xFFFFFF20] =	vst v8  }
0xfd: {  	v8 =	vor.u32 v19, v20;
	v7 =	vld.idx.msk [tilespmem:v7+s13+$0x0], $0xffff  }
0xfe: {  	v9 =	vadd.s32 v0, v8  }
0xff: {  	(v2sf) =	vpush v6, $0x8;
	_ =	sdelay $0x2  }
0x100: {  	[tilespmem:s22+$0xFFFFFF30] =	vst v7  }
0x101: {  	v7 =	vld.idx.msk [tilespmem:v9+s13+$0x0], $0xffff  }
0x102: {  	v21 =	vadd.s32 v1, v8;
	_ =	sdelay $0x3  }
0x103: {  	[tilespmem:s22+$0xFFFFFF80] =	vst v7  }
0x104: {  	v7 =	vld.idx.msk [tilespmem:v21+s13+$0x0], $0xffff  }
0x105: {  	v22 =	vadd.s32 v2, v8;
	_ =	sdelay $0x3  }
0x106: {  	s31 =	spop (v2sf);
	[tilespmem:s22+$0xFFFFFF90] =	vst v7  }
0x107: {  	s4 =	ssub.s32 s31, s9;
	v7 =	vld.idx.msk [tilespmem:v22+s13+$0x0], $0xffff  }
0x108: {  	p0 =	slt.s32 s4, $0x3FF;
	v8 =	vadd.s32 v3, v8  }
0x109: {  	s4 =	simm.s32 @!p0 $0x3FF  }
0x10a: {  	v23 =	vmov s4  }
0x10b: {  	v24 =	vshll.u32 v23, $0x3  }
0x10c: {  	v25 =	vand.u32 $0xFFFFFC00, v24;
	[tilespmem:s22+$0xFFFFFFA0] =	vst v7;
	v7 =	vand.u32 $0x7F, v23  }
0x10d: {  	v8 =	vld.idx.msk [tilespmem:v8+s13+$0x0], $0xffff;
	v7 =	vor.u32 v7, v25  }
0x10e: {  	v9 =	vadd.s32 v0, v7  }
0x10f: {  	(v2sf) =	vpush v6, $0x9;
	_ =	sdelay $0x2  }
0x110: {  	[tilespmem:s22+$0xFFFFFFB0] =	vst v8  }
0x111: {  	v8 =	vld.idx.msk [tilespmem:v9+s13+$0x0], $0xffff  }
0x112: {  	v26 =	vadd.s32 v1, v7;
	_ =	sdelay $0x3  }
0x113: {  	[tilespmem:s22+$0x0] =	vst v8  }
0x114: {  	v8 =	vld.idx.msk [tilespmem:v26+s13+$0x0], $0xffff  }
0x115: {  	v27 =	vadd.s32 v2, v7;
	_ =	sdelay $0x3  }
0x116: {  	s30 =	spop (v2sf);
	[tilespmem:s22+$0x10] =	vst v8  }
0x117: {  	s4 =	ssub.s32 s30, s9;
	v8 =	vld.idx.msk [tilespmem:v27+s13+$0x0], $0xffff  }
0x118: {  	p0 =	slt.s32 s4, $0x3FF;
	v7 =	vadd.s32 v3, v7  }
0x119: {  	s4 =	simm.s32 @!p0 $0x3FF  }
0x11a: {  	v28 =	vmov s4  }
0x11b: {  	v29 =	vshll.u32 v28, $0x3  }
0x11c: {  	v30 =	vand.u32 $0x7F, v28;
	v31 =	vand.u32 $0xFFFFFC00, v29;
	[tilespmem:s22+$0x20] =	vst v8  }
0x11d: {  	v8 =	vor.u32 v30, v31;
	v7 =	vld.idx.msk [tilespmem:v7+s13+$0x0], $0xffff  }
0x11e: {  	v9 =	vadd.s32 v0, v8  }
0x11f: {  	(v2sf) =	vpush v6, $0xA;
	_ =	sdelay $0x2  }
0x120: {  	[tilespmem:s22+$0x30] =	vst v7  }
0x121: {  	v7 =	vld.idx.msk [tilespmem:v9+s13+$0x0], $0xffff  }
0x122: {  	v32 =	vadd.s32 v1, v8;
	_ =	sdelay $0x3  }
0x123: {  	[tilespmem:s22+$0x80] =	vst v7  }
0x124: {  	v7 =	vld.idx.msk [tilespmem:v32+s13+$0x0], $0xffff  }
0x125: {  	v33 =	vadd.s32 v2, v8;
	_ =	sdelay $0x3  }
0x126: {  	s29 =	spop (v2sf);
	[tilespmem:s22+$0x90] =	vst v7  }
0x127: {  	s4 =	ssub.s32 s29, s9;
	v7 =	vld.idx.msk [tilespmem:v33+s13+$0x0], $0xffff  }
0x128: {  	p0 =	slt.s32 s4, $0x3FF;
	v8 =	vadd.s32 v3, v8  }
0x129: {  	s4 =	simm.s32 @!p0 $0x3FF  }
0x12a: {  	v34 =	vmov s4  }
0x12b: {  	v35 =	vshll.u32 v34, $0x3  }
0x12c: {  	v36 =	vand.u32 $0xFFFFFC00, v35;
	[tilespmem:s22+$0xA0] =	vst v7;
	v7 =	vand.u32 $0x7F, v34  }
0x12d: {  	v8 =	vld.idx.msk [tilespmem:v8+s13+$0x0], $0xffff;
	v7 =	vor.u32 v7, v36  }
0x12e: {  	v9 =	vadd.s32 v0, v7  }
0x12f: {  	(v2sf) =	vpush v6, $0xB;
	_ =	sdelay $0x2  }
0x130: {  	[tilespmem:s22+$0xB0] =	vst v8  }
0x131: {  	v8 =	vld.idx.msk [tilespmem:v9+s13+$0x0], $0xffff  }
0x132: {  	v37 =	vadd.s32 v1, v7;
	_ =	sdelay $0x3  }
0x133: {  	[tilespmem:s22+$0x100] =	vst v8  }
0x134: {  	v8 =	vld.idx.msk [tilespmem:v37+s13+$0x0], $0xffff  }
0x135: {  	v38 =	vadd.s32 v2, v7;
	_ =	sdelay $0x3  }
0x136: {  	s28 =	spop (v2sf);
	[tilespmem:s22+$0x110] =	vst v8  }
0x137: {  	s4 =	ssub.s32 s28, s9;
	v8 =	vld.idx.msk [tilespmem:v38+s13+$0x0], $0xffff  }
0x138: {  	p0 =	slt.s32 s4, $0x3FF;
	v7 =	vadd.s32 v3, v7  }
0x139: {  	s4 =	simm.s32 @!p0 $0x3FF  }
0x13a: {  	v39 =	vmov s4  }
0x13b: {  	v40 =	vshll.u32 v39, $0x3  }
0x13c: {  	v41 =	vand.u32 $0x7F, v39;
	v42 =	vand.u32 $0xFFFFFC00, v40;
	[tilespmem:s22+$0x120] =	vst v8  }
0x13d: {  	v8 =	vor.u32 v41, v42;
	v7 =	vld.idx.msk [tilespmem:v7+s13+$0x0], $0xffff  }
0x13e: {  	v9 =	vadd.s32 v0, v8  }
0x13f: {  	(v2sf) =	vpush v6, $0xC;
	_ =	sdelay $0x2  }
0x140: {  	[tilespmem:s22+$0x130] =	vst v7  }
0x141: {  	v7 =	vld.idx.msk [tilespmem:v9+s13+$0x0], $0xffff  }
0x142: {  	v43 =	vadd.s32 v1, v8;
	_ =	sdelay $0x3  }
0x143: {  	[tilespmem:s22+$0x180] =	vst v7  }
0x144: {  	v7 =	vld.idx.msk [tilespmem:v43+s13+$0x0], $0xffff  }
0x145: {  	v44 =	vadd.s32 v2, v8;
	_ =	sdelay $0x3  }
0x146: {  	s26 =	spop (v2sf);
	[tilespmem:s22+$0x190] =	vst v7  }
0x147: {  	s4 =	ssub.s32 s26, s9;
	v7 =	vld.idx.msk [tilespmem:v44+s13+$0x0], $0xffff  }
0x148: {  	p0 =	slt.s32 s4, $0x3FF;
	v8 =	vadd.s32 v3, v8  }
0x149: {  	s4 =	simm.s32 @!p0 $0x3FF  }
0x14a: {  	v45 =	vmov s4  }
0x14b: {  	v46 =	vshll.u32 v45, $0x3  }
0x14c: {  	v47 =	vand.u32 $0xFFFFFC00, v46;
	[tilespmem:s22+$0x1A0] =	vst v7;
	v7 =	vand.u32 $0x7F, v45  }
0x14d: {  	v8 =	vld.idx.msk [tilespmem:v8+s13+$0x0], $0xffff;
	v7 =	vor.u32 v7, v47  }
0x14e: {  	v9 =	vadd.s32 v0, v7  }
0x14f: {  	(v2sf) =	vpush v6, $0xD;
	_ =	sdelay $0x2  }
0x150: {  	[tilespmem:s22+$0x1B0] =	vst v8  }
0x151: {  	v8 =	vld.idx.msk [tilespmem:v9+s13+$0x0], $0xffff  }
0x152: {  	v48 =	vadd.s32 v1, v7;
	_ =	sdelay $0x3  }
0x153: {  	[tilespmem:s22+$0x200] =	vst v8  }
0x154: {  	v8 =	vld.idx.msk [tilespmem:v48+s13+$0x0], $0xffff  }
0x155: {  	v49 =	vadd.s32 v2, v7;
	_ =	sdelay $0x3  }
0x156: {  	s25 =	spop (v2sf);
	[tilespmem:s22+$0x210] =	vst v8  }
0x157: {  	s4 =	ssub.s32 s25, s9;
	v8 =	vld.idx.msk [tilespmem:v49+s13+$0x0], $0xffff  }
0x158: {  	p0 =	slt.s32 s4, $0x3FF;
	v7 =	vadd.s32 v3, v7  }
0x159: {  	s4 =	simm.s32 @!p0 $0x3FF  }
0x15a: {  	v50 =	vmov s4  }
0x15b: {  	v51 =	vshll.u32 v50, $0x3  }
0x15c: {  	v52 =	vand.u32 $0x7F, v50;
	v53 =	vand.u32 $0xFFFFFC00, v51;
	[tilespmem:s22+$0x220] =	vst v8  }
0x15d: {  	v8 =	vor.u32 v52, v53;
	v7 =	vld.idx.msk [tilespmem:v7+s13+$0x0], $0xffff  }
0x15e: {  	v9 =	vadd.s32 v0, v8  }
0x15f: {  	(v2sf) =	vpush v6, $0xE;
	_ =	sdelay $0x2  }
0x160: {  	[tilespmem:s22+$0x230] =	vst v7  }
0x161: {  	v6 =	vld.idx.msk [tilespmem:v9+s13+$0x0], $0xffff  }
0x162: {  	v7 =	vadd.s32 v1, v8;
	_ =	sdelay $0x3  }
0x163: {  	[tilespmem:s22+$0x280] =	vst v6  }
0x164: {  	v6 =	vld.idx.msk [tilespmem:v7+s13+$0x0], $0xffff  }
0x165: {  	v7 =	vadd.s32 v2, v8;
	_ =	sdelay $0x3  }
0x166: {  	s14 =	spop (v2sf);
	[tilespmem:s22+$0x290] =	vst v6  }
0x167: {  	s4 =	ssub.s32 s14, s9;
	v6 =	vld.idx.msk [tilespmem:v7+s13+$0x0], $0xffff  }
0x168: {  	p0 =	slt.s32 s4, $0x3FF;
	v7 =	vadd.s32 v3, v8  }
0x169: {  	s4 =	simm.s32 @!p0 $0x3FF  }
0x16a: {  	v54 =	vmov s4  }
0x16b: {  	v55 =	vshll.u32 v54, $0x3  }
0x16c: {  	v56 =	vand.u32 $0xFFFFFC00, v55;
	[tilespmem:s22+$0x2A0] =	vst v6;
	v6 =	vand.u32 $0x7F, v54  }
0x16d: {  	v7 =	vld.idx.msk [tilespmem:v7+s13+$0x0], $0xffff;
	v6 =	vor.u32 v6, v56  }
0x16e: {  	v8 =	vadd.s32 v0, v6;
	_ =	sdelay $0x3  }
0x16f: {  	[tilespmem:s22+$0x2B0] =	vst v7  }
0x170: {  	v7 =	vld.idx.msk [tilespmem:v8+s13+$0x0], $0xffff  }
0x171: {  	v57 =	vadd.s32 v1, v6;
	_ =	sdelay $0x3  }
0x172: {  	[tilespmem:s22+$0x300] =	vst v7  }
0x173: {  	v7 =	vld.idx.msk [tilespmem:v57+s13+$0x0], $0xffff  }
0x174: {  	v58 =	vadd.s32 v2, v6;
	_ =	sdelay $0x3  }
0x175: {  	[tilespmem:s22+$0x310] =	vst v7  }
0x176: {  	s4 =	ssub.s32 s1, s9;
	v7 =	vld.idx.msk [tilespmem:v58+s13+$0x0], $0xffff  }
0x177: {  	p1 =	slt.s32 s4, $0x3FF;
	v6 =	vadd.s32 v3, v6  }
0x178: {  	p0 =	slt.s32 s4, $0x400;
	s4 =	simm.s32 @!p1 $0x3FF  }
0x179: {  	v59 =	vmov s4  }
0x17a: {  	v60 =	vshll.u32 v59, $0x3  }
0x17b: {  	v61 =	vand.u32 $0xFFFFFC00, v60;
	[tilespmem:s22+$0x320] =	vst v7;
	v7 =	vand.u32 $0x7F, v59  }
0x17c: {  	v6 =	vld.idx.msk [tilespmem:v6+s13+$0x0], $0xffff;
	v7 =	vor.u32 v7, v61  }
0x17d: {  	v8 =	vadd.s32 v0, v7;
	_ =	sdelay $0x3  }
0x17e: {  	[tilespmem:s22+$0x330] =	vst v6  }
0x17f: {  	v6 =	vld.idx.msk [tilespmem:v8+s13+$0x0], $0xffff  }
0x180: {  	v62 =	vadd.s32 v1, v7;
	_ =	sdelay $0x3  }
0x181: {  	[tilespmem:s22+$0x380] =	vst v6  }
0x182: {  	v6 =	vld.idx.msk [tilespmem:v62+s13+$0x0], $0xffff  }
0x183: {  	v63 =	vadd.s32 v2, v7;
	_ =	sdelay $0x3  }
0x184: {  	[tilespmem:s22+$0x390] =	vst v6  }
0x185: {  	v6 =	vld.idx.msk [tilespmem:v63+s13+$0x0], $0xffff  }
0x186: {  	v7 =	vadd.s32 v3, v7;
	_ =	sdelay $0x3  }
0x187: {  	[tilespmem:s22+$0x3A0] =	vst v6  }
0x188: {  	v6 =	vld.idx.msk [tilespmem:v7+s13+$0x0], $0xffff  }
.Ltmp6:
0x189: {  	_ = 	snop;
	(pc) =	sbr.rel @p0 .LBB2_53-.Ltmp6, $2  }
0x18a: {  	_ =	sdelay $0x2  }
0x18b: {  	[tilespmem:s22+$0x3B0] =	vst v6  }
0x18c: {  	p1 =	sgt.s32 s6, $0xF41FF  }
0x18d: {  	[dreg:$0xe] =	wrdreg s14;
	s4 =	sand.u32 @!p1 $0x1FFFFF80, s6  }
0x18e: {  	s9 =	simm.s32 @!p1 $0x0;
	s14 =	simm.s32 @!p1 $0x800;
	s4 =	sadd.s32 @!p1 s23, s4  }
0x18f: {  	[tilespmem:s14], [sflag:$0x1] =	stream.linear.gather @!p1 [hbm4b:s4+s9], $0x400, $0x38;
	[tilespmem:$0x16800] =	vst v63  }
0x190: {  	s15 =	simm.s32 @!p1 $0x2800;
	s14 =	sadd.s32 @!p1 $0xF4280, s4  }
0x191: {  	[tilespmem:s15], [sflag:$0x1] =	stream.linear.gather @!p1 [hbm4b:s14+s9], $0x400, $0x38;
	[tilespmem:$0x16800] =	vst v63  }
0x192: {  	s14 =	sadd.s32 @!p1 $0x1E8500, s4;
	s15 =	simm.s32 @!p1 $0x4800  }
0x193: {  	[tilespmem:s15], [sflag:$0x1] =	stream.linear.gather @!p1 [hbm4b:s14+s9], $0x400, $0x38;
	[tilespmem:$0x16800] =	vst v63  }
0x194: {  	[dreg:$0xd] =	wrdreg s1;
	s14 =	sadd.s32 @!p1 $0x2DC780, s4;
	s15 =	simm.s32 @!p1 $0x6800  }
0x195: {  	[tilespmem:s15], [sflag:$0x1] =	stream.linear.gather @!p1 [hbm4b:s14+s9], $0x400, $0x38;
	[tilespmem:$0x16800] =	vst v63  }
0x196: {  	s24 =	sand.u32 $0x7F, s8;
	s14 =	sadd.s32 @!p1 $0x3D0A00, s4;
	s15 =	simm.s32 @!p1 $0x8800  }
0x197: {  	[tilespmem:s15], [sflag:$0x1] =	stream.linear.gather @!p1 [hbm4b:s14+s9], $0x400, $0x38;
	[tilespmem:$0x16800] =	vst v63  }
0x198: {  	s1 =	sshra.s32 s8, $0x1F;
	s14 =	sadd.s32 @!p1 $0x4C4C80, s4;
	s15 =	simm.s32 @!p1 $0xA800  }
0x199: {  	[tilespmem:s15], [sflag:$0x1] =	stream.linear.gather @!p1 [hbm4b:s14+s9], $0x400, $0x38;
	[tilespmem:$0x16800] =	vst v63  }
0x19a: {  	p0 =	slt.s32 s8, $0x1;
	s14 =	sadd.s32 @!p1 $0x5B8F00, s4;
	s15 =	simm.s32 @!p1 $0xC800  }
0x19b: {  	[tilespmem:s15], [sflag:$0x1] =	stream.linear.gather @!p1 [hbm4b:s14+s9], $0x400, $0x38;
	[tilespmem:$0x16800] =	vst v63  }
0x19c: {  	p2 =	sne.s32 s24, $0x0;
	s4 =	sadd.s32 @!p1 $0x6AD180, s4;
	s14 =	simm.s32 @!p1 $0xE800  }
0x19d: {  	[tilespmem:s14], [sflag:$0x1] =	stream.linear.gather @!p1 [hbm4b:s4+s9], $0x400, $0x38;
	[tilespmem:$0x16800] =	vst v63  }
0x19e: {  	p0 =	por !p0, !p2;
	s14 =	sshrl.u32 s1, $0x19  }
0x19f: {  	p0 =	por !p0, !p0;
	s9 =	simm.s32 $0x1;
	s4 =	sadd.s32 s14, s8  }
0x1a0: {  	s9 =	simm.s32 @!p0 $0x0;
	s4 =	sshrl.u32 s4, $0x7  }
0x1a1: {  	s14 =	simm.s32 @!p1 $0x1;
	s4 =	ssub.s32 s4, s9  }
0x1a2: {  	_ =	swait.ge @!p1 [sflag:s14], $0x2000;
	s9 =	sshll.u32 s4, $0x7  }
0x1a3: {  	[sflag:s14] =	ssyncset.done @!p1 $0x0;
	p0 =	sgt.s32 s9, $0xF41FF  }
0x1a4: {  	[sflag:s14] =	ssyncadd.s32 @!p1 $0xFFFFE000;
	s4 =	sand.u32 @!p0 $0x1FFFFF80, s9  }
0x1a5: {  	s14 =	simm.s32 @!p0 $0x0;
	s15 =	simm.s32 @!p0 $0xC00;
	s4 =	sadd.s32 @!p0 s23, s4  }
0x1a6: {  	[tilespmem:s15], [sflag:$0x1] =	stream.linear.gather @!p0 [hbm4b:s4+s14], $0x400, $0x38;
	[tilespmem:$0x16800] =	vst v63  }
0x1a7: {  	s16 =	simm.s32 @!p0 $0x2C00;
	s15 =	sadd.s32 @!p0 $0xF4280, s4  }
0x1a8: {  	[tilespmem:s16], [sflag:$0x1] =	stream.linear.gather @!p0 [hbm4b:s15+s14], $0x400, $0x38;
	[tilespmem:$0x16800] =	vst v63  }
0x1a9: {  	s15 =	sadd.s32 @!p0 $0x1E8500, s4;
	s16 =	simm.s32 @!p0 $0x4C00  }
0x1aa: {  	[tilespmem:s16], [sflag:$0x1] =	stream.linear.gather @!p0 [hbm4b:s15+s14], $0x400, $0x38;
	[tilespmem:$0x16800] =	vst v63  }
0x1ab: {  	s15 =	sadd.s32 @!p0 $0x2DC780, s4;
	s16 =	simm.s32 @!p0 $0x6C00  }
0x1ac: {  	[tilespmem:s16], [sflag:$0x1] =	stream.linear.gather @!p0 [hbm4b:s15+s14], $0x400, $0x38;
	[tilespmem:$0x16800] =	vst v63  }
0x1ad: {  	s15 =	sadd.s32 @!p0 $0x3D0A00, s4;
	s16 =	simm.s32 @!p0 $0x8C00  }
0x1ae: {  	[tilespmem:s16], [sflag:$0x1] =	stream.linear.gather @!p0 [hbm4b:s15+s14], $0x400, $0x38;
	[tilespmem:$0x16800] =	vst v63  }
0x1af: {  	s15 =	sadd.s32 @!p0 $0x4C4C80, s4;
	s16 =	simm.s32 @!p0 $0xAC00  }
0x1b0: {  	[tilespmem:s16], [sflag:$0x1] =	stream.linear.gather @!p0 [hbm4b:s15+s14], $0x400, $0x38;
	[tilespmem:$0x16800] =	vst v63  }
0x1b1: {  	s15 =	sadd.s32 @!p0 $0x5B8F00, s4;
	s16 =	simm.s32 @!p0 $0xCC00  }
0x1b2: {  	[tilespmem:s16], [sflag:$0x1] =	stream.linear.gather @!p0 [hbm4b:s15+s14], $0x400, $0x38;
	[tilespmem:$0x16800] =	vst v63  }
0x1b3: {  	s4 =	sadd.s32 @!p0 $0x6AD180, s4;
	s15 =	simm.s32 @!p0 $0xEC00  }
0x1b4: {  	[tilespmem:s15], [sflag:$0x1] =	stream.linear.gather @!p0 [hbm4b:s4+s14], $0x400, $0x38;
	[tilespmem:$0x16800] =	vst v63  }
0x1b5: {  	s15 =	sand.u32 $0x7F, s7  }
0x1b6: {  	p3 =	slt.s32 s7, $0x1;
	s16 =	sshra.s32 s7, $0x1F;
	p4 =	sne.s32 s15, $0x0  }
0x1b7: {  	s17 =	sshrl.u32 s16, $0x19;
	p1 =	por !p3, !p4  }
0x1b8: {  	s4 =	sadd.s32 s17, s7;
	s14 =	simm.s32 $0x1;
	p1 =	por !p1, !p1  }
0x1b9: {  	s4 =	sshrl.u32 s4, $0x7;
	s14 =	simm.s32 @!p1 $0x0  }
0x1ba: {  	s15 =	simm.s32 @!p0 $0x1;
	s4 =	ssub.s32 s4, s14  }
0x1bb: {  	_ =	swait.ge @!p0 [sflag:s15], $0x2000;
	s17 =	sshll.u32 s4, $0x7  }
0x1bc: {  	[sflag:s15] =	ssyncset.done @!p0 $0x0;
	p1 =	sgt.s32 s17, $0xF41FF  }
0x1bd: {  	[sflag:s15] =	ssyncadd.s32 @!p0 $0xFFFFE000;
	s4 =	sand.u32 @!p1 $0x1FFFFF80, s17  }
0x1be: {  	s14 =	simm.s32 @!p1 $0x0;
	s15 =	simm.s32 @!p1 $0x1000;
	s4 =	sadd.s32 @!p1 s23, s4  }
0x1bf: {  	[tilespmem:s15], [sflag:$0x1] =	stream.linear.gather @!p1 [hbm4b:s4+s14], $0x400, $0x38;
	[tilespmem:$0x16800] =	vst v63  }
0x1c0: {  	s16 =	simm.s32 @!p1 $0x3000;
	s15 =	sadd.s32 @!p1 $0xF4280, s4  }
0x1c1: {  	[tilespmem:s16], [sflag:$0x1] =	stream.linear.gather @!p1 [hbm4b:s15+s14], $0x400, $0x38;
	[tilespmem:$0x16800] =	vst v63  }
0x1c2: {  	s18 =	sand.u32 $0x7F, s5;
	s15 =	sadd.s32 @!p1 $0x1E8500, s4;
	s16 =	simm.s32 @!p1 $0x5000  }
0x1c3: {  	[tilespmem:s16], [sflag:$0x1] =	stream.linear.gather @!p1 [hbm4b:s15+s14], $0x400, $0x38;
	[tilespmem:$0x16800] =	vst v63  }
0x1c4: {  	s19 =	sshra.s32 s5, $0x1F;
	s15 =	sadd.s32 @!p1 $0x2DC780, s4;
	s16 =	simm.s32 @!p1 $0x7000  }
0x1c5: {  	[tilespmem:s16], [sflag:$0x1] =	stream.linear.gather @!p1 [hbm4b:s15+s14], $0x400, $0x38;
	[tilespmem:$0x16800] =	vst v63  }
0x1c6: {  	p5 =	slt.s32 s5, $0x1;
	s15 =	sadd.s32 @!p1 $0x3D0A00, s4;
	s16 =	simm.s32 @!p1 $0x9000  }
0x1c7: {  	[tilespmem:s16], [sflag:$0x1] =	stream.linear.gather @!p1 [hbm4b:s15+s14], $0x400, $0x38;
	[tilespmem:$0x16800] =	vst v63  }
0x1c8: {  	p6 =	sne.s32 s18, $0x0;
	s15 =	sadd.s32 @!p1 $0x4C4C80, s4;
	s16 =	simm.s32 @!p1 $0xB000  }
0x1c9: {  	[tilespmem:s16], [sflag:$0x1] =	stream.linear.gather @!p1 [hbm4b:s15+s14], $0x400, $0x38;
	[tilespmem:$0x16800] =	vst v63  }
0x1ca: {  	s20 =	sshrl.u32 s19, $0x19;
	s15 =	sadd.s32 @!p1 $0x5B8F00, s4;
	s16 =	simm.s32 @!p1 $0xD000  }
0x1cb: {  	[tilespmem:s16], [sflag:$0x1] =	stream.linear.gather @!p1 [hbm4b:s15+s14], $0x400, $0x38;
	[tilespmem:$0x16800] =	vst v63  }
0x1cc: {  	p0 =	por !p5, !p6;
	s4 =	sadd.s32 @!p1 $0x6AD180, s4;
	s15 =	simm.s32 @!p1 $0xF000  }
0x1cd: {  	[tilespmem:s15], [sflag:$0x1] =	stream.linear.gather @!p1 [hbm4b:s4+s14], $0x400, $0x38;
	[tilespmem:$0x16800] =	vst v63  }
0x1ce: {  	p0 =	por !p0, !p0;
	s4 =	sadd.s32 s20, s5;
	s14 =	simm.s32 $0x1  }
0x1cf: {  	s4 =	sshrl.u32 s4, $0x7;
	s14 =	simm.s32 @!p0 $0x0  }
0x1d0: {  	s15 =	simm.s32 @!p1 $0x1;
	s4 =	ssub.s32 s4, s14  }
0x1d1: {  	_ =	swait.ge @!p1 [sflag:s15], $0x2000;
	s14 =	sshll.u32 s4, $0x7  }
0x1d2: {  	[sflag:s15] =	ssyncset.done @!p1 $0x0;
	p0 =	sgt.s32 s14, $0xF41FF  }
0x1d3: {  	[sflag:s15] =	ssyncadd.s32 @!p1 $0xFFFFE000;
	s4 =	sand.u32 @!p0 $0x1FFFFF80, s14  }
0x1d4: {  	s15 =	simm.s32 @!p0 $0x0;
	s16 =	simm.s32 @!p0 $0x1400;
	s4 =	sadd.s32 @!p0 s23, s4  }
0x1d5: {  	[tilespmem:s16], [sflag:$0x1] =	stream.linear.gather @!p0 [hbm4b:s4+s15], $0x400, $0x38;
	[tilespmem:$0x16800] =	vst v63  }
0x1d6: {  	s20 =	simm.s32 @!p0 $0x3400;
	s16 =	sadd.s32 @!p0 $0xF4280, s4  }
0x1d7: {  	[tilespmem:s20], [sflag:$0x1] =	stream.linear.gather @!p0 [hbm4b:s16+s15], $0x400, $0x38;
	[tilespmem:$0x16800] =	vst v63  }
0x1d8: {  	s16 =	sadd.s32 @!p0 $0x1E8500, s4;
	s20 =	simm.s32 @!p0 $0x5400  }
0x1d9: {  	[tilespmem:s20], [sflag:$0x1] =	stream.linear.gather @!p0 [hbm4b:s16+s15], $0x400, $0x38;
	[tilespmem:$0x16800] =	vst v63  }
0x1da: {  	s16 =	sadd.s32 @!p0 $0x2DC780, s4;
	s20 =	simm.s32 @!p0 $0x7400  }
0x1db: {  	[tilespmem:s20], [sflag:$0x1] =	stream.linear.gather @!p0 [hbm4b:s16+s15], $0x400, $0x38;
	[tilespmem:$0x16800] =	vst v63  }
0x1dc: {  	s24 =	sand.u32 $0x7F, s2;
	s16 =	sadd.s32 @!p0 $0x3D0A00, s4;
	s20 =	simm.s32 @!p0 $0x9400  }
0x1dd: {  	[tilespmem:s20], [sflag:$0x1] =	stream.linear.gather @!p0 [hbm4b:s16+s15], $0x400, $0x38;
	[tilespmem:$0x16800] =	vst v63  }
0x1de: {  	s1 =	sshra.s32 s2, $0x1F;
	s16 =	sadd.s32 @!p0 $0x4C4C80, s4;
	s20 =	simm.s32 @!p0 $0xB400  }
0x1df: {  	[tilespmem:s20], [sflag:$0x1] =	stream.linear.gather @!p0 [hbm4b:s16+s15], $0x400, $0x38;
	[tilespmem:$0x16800] =	vst v63  }
0x1e0: {  	p3 =	slt.s32 s2, $0x1;
	s16 =	sadd.s32 @!p0 $0x5B8F00, s4;
	s20 =	simm.s32 @!p0 $0xD400  }
0x1e1: {  	[tilespmem:s20], [sflag:$0x1] =	stream.linear.gather @!p0 [hbm4b:s16+s15], $0x400, $0x38;
	[tilespmem:$0x16800] =	vst v63  }
0x1e2: {  	p4 =	sne.s32 s24, $0x0;
	s4 =	sadd.s32 @!p0 $0x6AD180, s4;
	s16 =	simm.s32 @!p0 $0xF400  }
0x1e3: {  	[tilespmem:s16], [sflag:$0x1] =	stream.linear.gather @!p0 [hbm4b:s4+s15], $0x400, $0x38;
	[tilespmem:$0x16800] =	vst v63  }
0x1e4: {  	p1 =	por !p3, !p4;
	s16 =	sshrl.u32 s1, $0x19  }
0x1e5: {  	p1 =	por !p1, !p1;
	s15 =	simm.s32 $0x1;
	s4 =	sadd.s32 s16, s2  }
0x1e6: {  	s15 =	simm.s32 @!p1 $0x0;
	s4 =	sshrl.u32 s4, $0x7  }
0x1e7: {  	s16 =	simm.s32 @!p0 $0x1;
	s4 =	ssub.s32 s4, s15  }
0x1e8: {  	_ =	swait.ge @!p0 [sflag:s16], $0x2000;
	s15 =	sshll.u32 s4, $0x7  }
0x1e9: {  	[sflag:s16] =	ssyncset.done @!p0 $0x0;
	p1 =	sgt.s32 s15, $0xF41FF  }
0x1ea: {  	[sflag:s16] =	ssyncadd.s32 @!p0 $0xFFFFE000;
	s4 =	sand.u32 @!p1 $0x1FFFFF80, s15  }
0x1eb: {  	s16 =	simm.s32 @!p1 $0x0;
	s20 =	simm.s32 @!p1 $0x1800;
	s4 =	sadd.s32 @!p1 s23, s4  }
0x1ec: {  	[tilespmem:s20], [sflag:$0x1] =	stream.linear.gather @!p1 [hbm4b:s4+s16], $0x400, $0x38;
	[tilespmem:$0x16800] =	vst v63  }
0x1ed: {  	s18 =	simm.s32 @!p1 $0x3800;
	s20 =	sadd.s32 @!p1 $0xF4280, s4  }
0x1ee: {  	[tilespmem:s18], [sflag:$0x1] =	stream.linear.gather @!p1 [hbm4b:s20+s16], $0x400, $0x38;
	[tilespmem:$0x16800] =	vst v63  }
0x1ef: {  	s18 =	sadd.s32 @!p1 $0x1E8500, s4;
	s20 =	simm.s32 @!p1 $0x5800  }
0x1f0: {  	[tilespmem:s20], [sflag:$0x1] =	stream.linear.gather @!p1 [hbm4b:s18+s16], $0x400, $0x38;
	[tilespmem:$0x16800] =	vst v63  }
0x1f1: {  	s18 =	sadd.s32 @!p1 $0x2DC780, s4;
	s20 =	simm.s32 @!p1 $0x7800  }
0x1f2: {  	[tilespmem:s20], [sflag:$0x1] =	stream.linear.gather @!p1 [hbm4b:s18+s16], $0x400, $0x38;
	[tilespmem:$0x16800] =	vst v63  }
0x1f3: {  	s18 =	sadd.s32 @!p1 $0x3D0A00, s4;
	s20 =	simm.s32 @!p1 $0x9800  }
0x1f4: {  	[tilespmem:s20], [sflag:$0x1] =	stream.linear.gather @!p1 [hbm4b:s18+s16], $0x400, $0x38;
	[tilespmem:$0x16800] =	vst v63  }
0x1f5: {  	s18 =	sadd.s32 @!p1 $0x4C4C80, s4;
	s20 =	simm.s32 @!p1 $0xB800  }
0x1f6: {  	[tilespmem:s20], [sflag:$0x1] =	stream.linear.gather @!p1 [hbm4b:s18+s16], $0x400, $0x38;
	[tilespmem:$0x16800] =	vst v63  }
0x1f7: {  	s18 =	sadd.s32 @!p1 $0x5B8F00, s4;
	s20 =	simm.s32 @!p1 $0xD800  }
0x1f8: {  	[tilespmem:s20], [sflag:$0x1] =	stream.linear.gather @!p1 [hbm4b:s18+s16], $0x400, $0x38;
	[tilespmem:$0x16800] =	vst v63  }
0x1f9: {  	s4 =	sadd.s32 @!p1 $0x6AD180, s4;
	s18 =	simm.s32 @!p1 $0xF800  }
0x1fa: {  	[tilespmem:s18], [sflag:$0x1] =	stream.linear.gather @!p1 [hbm4b:s4+s16], $0x400, $0x38;
	[tilespmem:$0x16800] =	vst v63  }
0x1fb: {  	s18 =	sand.u32 $0x7F, s11  }
0x1fc: {  	s19 =	sshra.s32 s11, $0x1F;
	p5 =	slt.s32 s11, $0x1;
	p6 =	sne.s32 s18, $0x0  }
0x1fd: {  	s20 =	sshrl.u32 s19, $0x19;
	p0 =	por !p5, !p6  }
0x1fe: {  	s4 =	sadd.s32 s20, s11;
	s16 =	simm.s32 $0x1;
	p0 =	por !p0, !p0  }
0x1ff: {  	s4 =	sshrl.u32 s4, $0x7;
	s16 =	simm.s32 @!p0 $0x0  }
0x200: {  	s18 =	simm.s32 @!p1 $0x1;
	s4 =	ssub.s32 s4, s16  }
0x201: {  	_ =	swait.ge @!p1 [sflag:s18], $0x2000;
	s4 =	sshll.u32 s4, $0x7  }
0x202: {  	[sflag:s18] =	ssyncset.done @!p1 $0x0;
	p0 =	sgt.s32 s4, $0xF41FF  }
0x203: {  	[sflag:s18] =	ssyncadd.s32 @!p1 $0xFFFFE000;
	s16 =	sand.u32 @!p0 $0x1FFFFF80, s4  }
0x204: {  	s18 =	simm.s32 @!p0 $0x0;
	s20 =	simm.s32 @!p0 $0x1C00;
	s16 =	sadd.s32 @!p0 s23, s16  }
0x205: {  	[tilespmem:s20], [sflag:$0x1] =	stream.linear.gather @!p0 [hbm4b:s16+s18], $0x400, $0x38;
	[tilespmem:$0x16800] =	vst v63  }
0x206: {  	s19 =	simm.s32 @!p0 $0x3C00;
	s20 =	sadd.s32 @!p0 $0xF4280, s16  }
0x207: {  	[tilespmem:s19], [sflag:$0x1] =	stream.linear.gather @!p0 [hbm4b:s20+s18], $0x400, $0x38;
	[tilespmem:$0x16800] =	vst v63  }
0x208: {  	s19 =	sadd.s32 @!p0 $0x1E8500, s16;
	s20 =	simm.s32 @!p0 $0x5C00  }
0x209: {  	[tilespmem:s20], [sflag:$0x1] =	stream.linear.gather @!p0 [hbm4b:s19+s18], $0x400, $0x38;
	[tilespmem:$0x16800] =	vst v63  }
0x20a: {  	s19 =	sadd.s32 @!p0 $0x2DC780, s16;
	s20 =	simm.s32 @!p0 $0x7C00  }
0x20b: {  	[tilespmem:s20], [sflag:$0x1] =	stream.linear.gather @!p0 [hbm4b:s19+s18], $0x400, $0x38;
	[tilespmem:$0x16800] =	vst v63  }
0x20c: {  	s24 =	sand.u32 $0x7F, s3;
	s19 =	sadd.s32 @!p0 $0x3D0A00, s16;
	s20 =	simm.s32 @!p0 $0x9C00  }
0x20d: {  	[tilespmem:s20], [sflag:$0x1] =	stream.linear.gather @!p0 [hbm4b:s19+s18], $0x400, $0x38;
	[tilespmem:$0x16800] =	vst v63  }
0x20e: {  	p3 =	slt.s32 s3, $0x1;
	s19 =	sadd.s32 @!p0 $0x4C4C80, s16;
	s20 =	simm.s32 @!p0 $0xBC00  }
0x20f: {  	[tilespmem:s20], [sflag:$0x1] =	stream.linear.gather @!p0 [hbm4b:s19+s18], $0x400, $0x38;
	[tilespmem:$0x16800] =	vst v63  }
0x210: {  	p4 =	sne.s32 s24, $0x0;
	s19 =	sadd.s32 @!p0 $0x5B8F00, s16;
	s20 =	simm.s32 @!p0 $0xDC00  }
0x211: {  	[tilespmem:s20], [sflag:$0x1] =	stream.linear.gather @!p0 [hbm4b:s19+s18], $0x400, $0x38;
	[tilespmem:$0x16800] =	vst v63  }
0x212: {  	s1 =	sshra.s32 s3, $0x1F;
	s16 =	sadd.s32 @!p0 $0x6AD180, s16;
	s19 =	simm.s32 @!p0 $0xFC00  }
0x213: {  	[tilespmem:s19], [sflag:$0x1] =	stream.linear.gather @!p0 [hbm4b:s16+s18], $0x400, $0x38;
	[tilespmem:$0x16800] =	vst v63  }
0x214: {  	p1 =	por !p3, !p4;
	s18 =	sshrl.u32 s1, $0x19  }
0x215: {  	p1 =	por !p1, !p1;
	s16 =	sadd.s32 s18, s3;
	s18 =	simm.s32 $0x1  }
0x216: {  	s16 =	sshrl.u32 s16, $0x7;
	s18 =	simm.s32 @!p1 $0x0  }
0x217: {  	s19 =	simm.s32 @!p0 $0x1;
	s16 =	ssub.s32 s16, s18  }
0x218: {  	_ =	swait.ge @!p0 [sflag:s19], $0x2000;
	s16 =	sshll.u32 s16, $0x7  }
0x219: {  	[sflag:s19] =	ssyncset.done @!p0 $0x0;
	p1 =	sgt.s32 s16, $0xF41FF  }
0x21a: {  	[sflag:s19] =	ssyncadd.s32 @!p0 $0xFFFFE000;
	s18 =	sand.u32 @!p1 $0x1FFFFF80, s16  }
0x21b: {  	s19 =	simm.s32 @!p1 $0x0;
	s20 =	simm.s32 @!p1 $0x2000;
	s18 =	sadd.s32 @!p1 s23, s18  }
0x21c: {  	[tilespmem:s20], [sflag:$0x1] =	stream.linear.gather @!p1 [hbm4b:s18+s19], $0x400, $0x38;
	[tilespmem:$0x16800] =	vst v63  }
0x21d: {  	s1 =	simm.s32 @!p1 $0x4000;
	s20 =	sadd.s32 @!p1 $0xF4280, s18  }
0x21e: {  	[tilespmem:s1], [sflag:$0x1] =	stream.linear.gather @!p1 [hbm4b:s20+s19], $0x400, $0x38;
	[tilespmem:$0x16800] =	vst v63  }
0x21f: {  	s1 =	sadd.s32 @!p1 $0x1E8500, s18;
	s20 =	simm.s32 @!p1 $0x6000  }
0x220: {  	[tilespmem:s20], [sflag:$0x1] =	stream.linear.gather @!p1 [hbm4b:s1+s19], $0x400, $0x38;
	[tilespmem:$0x16800] =	vst v63  }
0x221: {  	s1 =	sadd.s32 @!p1 $0x2DC780, s18;
	s20 =	simm.s32 @!p1 $0x8000  }
0x222: {  	[tilespmem:s20], [sflag:$0x1] =	stream.linear.gather @!p1 [hbm4b:s1+s19], $0x400, $0x38;
	[tilespmem:$0x16800] =	vst v63  }
0x223: {  	s1 =	sadd.s32 @!p1 $0x3D0A00, s18;
	s20 =	simm.s32 @!p1 $0xA000  }
0x224: {  	[tilespmem:s20], [sflag:$0x1] =	stream.linear.gather @!p1 [hbm4b:s1+s19], $0x400, $0x38;
	[tilespmem:$0x16800] =	vst v63  }
0x225: {  	s1 =	sadd.s32 @!p1 $0x4C4C80, s18;
	s20 =	simm.s32 @!p1 $0xC000  }
0x226: {  	[tilespmem:s20], [sflag:$0x1] =	stream.linear.gather @!p1 [hbm4b:s1+s19], $0x400, $0x38;
	[tilespmem:$0x16800] =	vst v63  }
0x227: {  	s1 =	sadd.s32 @!p1 $0x5B8F00, s18;
	s20 =	simm.s32 @!p1 $0xE000  }
0x228: {  	[tilespmem:s20], [sflag:$0x1] =	stream.linear.gather @!p1 [hbm4b:s1+s19], $0x400, $0x38;
	[tilespmem:$0x16800] =	vst v63  }
0x229: {  	s1 =	sadd.s32 @!p1 $0x6AD180, s18;
	s18 =	simm.s32 @!p1 $0x10000  }
0x22a: {  	[tilespmem:s18], [sflag:$0x1] =	stream.linear.gather @!p1 [hbm4b:s1+s19], $0x400, $0x38;
	[tilespmem:$0x16800] =	vst v63  }
0x22b: {  	s19 =	sand.u32 $0x7F, s0  }
0x22c: {  	p5 =	slt.s32 s0, $0x1;
	s20 =	sshra.s32 s0, $0x1F;
	p6 =	sne.s32 s19, $0x0  }
0x22d: {  	s24 =	sshrl.u32 s20, $0x19;
	p0 =	por !p5, !p6  }
0x22e: {  	s1 =	sadd.s32 s24, s0;
	s18 =	simm.s32 $0x1;
	p0 =	por !p0, !p0  }
0x22f: {  	s1 =	sshrl.u32 s1, $0x7;
	s18 =	simm.s32 @!p0 $0x0  }
0x230: {  	s19 =	simm.s32 @!p1 $0x1;
	s1 =	ssub.s32 s1, s18  }
0x231: {  	_ =	swait.ge @!p1 [sflag:s19], $0x2000;
	s20 =	sshll.u32 s1, $0x7  }
0x232: {  	[sflag:s19] =	ssyncset.done @!p1 $0x0;
	p0 =	sgt.s32 s20, $0xF41FF  }
0x233: {  	[sflag:s19] =	ssyncadd.s32 @!p1 $0xFFFFE000;
	s1 =	sand.u32 @!p0 $0x1FFFFF80, s20  }
0x234: {  	s18 =	simm.s32 @!p0 $0x0;
	s19 =	simm.s32 @!p0 $0x2400;
	s1 =	sadd.s32 @!p0 s23, s1  }
0x235: {  	[tilespmem:s19], [sflag:$0x1] =	stream.linear.gather @!p0 [hbm4b:s1+s18], $0x400, $0x38;
	[tilespmem:$0x16800] =	vst v63  }
0x236: {  	s24 =	smov.u32 s23;
	s23 =	simm.s32 @!p0 $0x4400;
	s19 =	sadd.s32 @!p0 $0xF4280, s1  }
0x237: {  	[tilespmem:s23], [sflag:$0x1] =	stream.linear.gather @!p0 [hbm4b:s19+s18], $0x400, $0x38;
	[tilespmem:$0x16800] =	vst v63  }
0x238: {  	s19 =	sadd.s32 @!p0 $0x1E8500, s1;
	s23 =	simm.s32 @!p0 $0x6400  }
0x239: {  	[tilespmem:s23], [sflag:$0x1] =	stream.linear.gather @!p0 [hbm4b:s19+s18], $0x400, $0x38;
	[tilespmem:$0x16800] =	vst v63  }
0x23a: {  	s19 =	sadd.s32 @!p0 $0x2DC780, s1;
	s23 =	simm.s32 @!p0 $0x8400  }
0x23b: {  	[tilespmem:s23], [sflag:$0x1] =	stream.linear.gather @!p0 [hbm4b:s19+s18], $0x400, $0x38;
	[tilespmem:$0x16800] =	vst v63  }
0x23c: {  	s19 =	sadd.s32 @!p0 $0x3D0A00, s1;
	s23 =	simm.s32 @!p0 $0xA400  }
0x23d: {  	[tilespmem:s23], [sflag:$0x1] =	stream.linear.gather @!p0 [hbm4b:s19+s18], $0x400, $0x38;
	[tilespmem:$0x16800] =	vst v63  }
0x23e: {  	s19 =	sadd.s32 @!p0 $0x4C4C80, s1;
	s23 =	simm.s32 @!p0 $0xC400  }
0x23f: {  	[tilespmem:s23], [sflag:$0x1] =	stream.linear.gather @!p0 [hbm4b:s19+s18], $0x400, $0x38;
	[tilespmem:$0x16800] =	vst v63  }
0x240: {  	s19 =	sadd.s32 @!p0 $0x5B8F00, s1;
	s23 =	simm.s32 @!p0 $0xE400  }
0x241: {  	[tilespmem:s23], [sflag:$0x1] =	stream.linear.gather @!p0 [hbm4b:s19+s18], $0x400, $0x38;
	[tilespmem:$0x16800] =	vst v63  }
0x242: {  	p1 =	sgt.s32 s10, $0xF41FF;
	s1 =	sadd.s32 @!p0 $0x6AD180, s1;
	s19 =	simm.s32 @!p0 $0x10400  }
0x243: {  	[tilespmem:s19], [sflag:$0x1] =	stream.linear.gather @!p0 [hbm4b:s1+s18], $0x400, $0x38;
	[tilespmem:$0x16800] =	vst v63  }
.Ltmp7:
0x244: {  	_ = 	snop;
	(pc) =	sbr.rel @p1 .LBB2_6-.Ltmp7, $4  }
0x245: {  	s1 =	simm.s32 @!p0 $0x1  }
0x246: {  	_ =	swait.ge @!p0 [sflag:s1], $0x2000  }
0x247: {  	[sflag:s1] =	ssyncset.done @!p0 $0x0  }
0x248: {  	[sflag:s1] =	ssyncadd.s32 @!p0 $0xFFFFE000  }
0x249: {  	s1 =	ssub.s32 s10, s6  }
0x24a: {  	p0 =	slt.s32 s1, $0x3FF  }
0x24b: {  	s1 =	simm.s32 @!p0 $0x3FF  }
0x24c: {  	v6 =	vmov s1  }
0x24d: {  	v7 =	vshll.u32 v6, $0x3  }
0x24e: {  	v6 =	vand.u32 $0x7F, v6;
	v7 =	vand.u32 $0xFFFFFC00, v7  }
0x24f: {  	v6 =	vor.u32 v6, v7  }
0x250: {  	v7 =	vadd.s32 v0, v6;
	_ =	sdelay $0x4  }
0x251: {  	v7 =	vld.idx.msk [tilespmem:v7+s13+$0x0], $0xffff  }
0x252: {  	v8 =	vadd.s32 v1, v6;
	_ =	sdelay $0x3  }
0x253: {  	[tilespmem:s22+$0xFFFFFC00] =	vst v7  }
0x254: {  	v7 =	vld.idx.msk [tilespmem:v8+s13+$0x0], $0xffff  }
0x255: {  	v8 =	vadd.s32 v2, v6;
	_ =	sdelay $0x3  }
0x256: {  	[tilespmem:s22+$0xFFFFFC10] =	vst v7  }
0x257: {  	v7 =	vld.idx.msk [tilespmem:v8+s13+$0x0], $0xffff  }
0x258: {  	v6 =	vadd.s32 v3, v6  }
.Ltmp8:
0x259: {  	_ = 	snop;
	(pc) =	sbr.rel .LBB2_7-.Ltmp8, $3  }
0x25a: {  	_ =	sdelay $0x1  }
0x25b: {  	[tilespmem:s22+$0xFFFFFC20] =	vst v7  }
0x25c: {  	v6 =	vld.idx.msk [tilespmem:v6+s13+$0x0], $0xffff  }
.LBB2_6:
0x25d: {  	s1 =	smin.u32 s10, $0xF423F  }
0x25e: {  	s1 =	sadd.s32 $0xFFF0BE00, s1  }
0x25f: {  	v6 =	vadd.s32 s1, v4;
	_ =	sdelay $0x4  }
0x260: {  	v7 =	vor.u32 $0x800, v4;
	v6 =	vld.idx.msk [tilespmem:v6+s12+$0x0], $0xffff  }
0x261: {  	v7 =	vadd.s32 s1, v7;
	_ =	sdelay $0x3  }
0x262: {  	[tilespmem:s22+$0xFFFFFC00] =	vst v6  }
0x263: {  	v6 =	vld.idx.msk [tilespmem:v7+s12+$0x0], $0xffff;
	v7 =	vor.u32 $0x1000, v4  }
0x264: {  	v7 =	vadd.s32 s1, v7;
	_ =	sdelay $0x3  }
0x265: {  	[tilespmem:s22+$0xFFFFFC10] =	vst v6  }
0x266: {  	v6 =	vld.idx.msk [tilespmem:v7+s12+$0x0], $0xffff;
	v7 =	vor.u32 $0x1800, v4  }
0x267: {  	v7 =	vadd.s32 s1, v7;
	_ =	sdelay $0x3  }
0x268: {  	[tilespmem:s22+$0xFFFFFC20] =	vst v6  }
0x269: {  	v6 =	vld.idx.msk [tilespmem:v7+s12+$0x0], $0xffff  }
.LBB2_7:
0x26a: {  	p0 =	sgt.s32 s8, $0xF41FF  }
.Ltmp9:
0x26b: {  	_ = 	snop;
	(pc) =	sbr.rel @p0 .LBB2_9-.Ltmp9, $2  }
0x26c: {  	_ =	sdelay $0x2  }
0x26d: {  	s23 =	smov.u32 s24;
	[tilespmem:s22+$0xFFFFFC30] =	vst v6  }
0x26e: {  	s1 =	ssub.s32 s8, s9  }
0x26f: {  	s1 =	sadd.s32 $0x80, s1  }
0x270: {  	p0 =	slt.s32 s1, $0x3FF  }
0x271: {  	s1 =	simm.s32 @!p0 $0x3FF  }
0x272: {  	v6 =	vmov s1  }
0x273: {  	v7 =	vshll.u32 v6, $0x3  }
0x274: {  	v6 =	vand.u32 $0x7F, v6;
	v7 =	vand.u32 $0xFFFFFC00, v7  }
0x275: {  	v6 =	vor.u32 v6, v7  }
0x276: {  	v7 =	vadd.s32 v0, v6;
	_ =	sdelay $0x4  }
0x277: {  	v7 =	vld.idx.msk [tilespmem:v7+s13+$0x0], $0xffff  }
0x278: {  	v8 =	vadd.s32 v1, v6;
	_ =	sdelay $0x3  }
0x279: {  	[tilespmem:s22+$0xFFFFFC80] =	vst v7  }
0x27a: {  	v7 =	vld.idx.msk [tilespmem:v8+s13+$0x0], $0xffff  }
0x27b: {  	v8 =	vadd.s32 v2, v6;
	_ =	sdelay $0x3  }
0x27c: {  	[tilespmem:s22+$0xFFFFFC90] =	vst v7  }
0x27d: {  	v7 =	vld.idx.msk [tilespmem:v8+s13+$0x0], $0xffff  }
0x27e: {  	v6 =	vadd.s32 v3, v6  }
.Ltmp10:
0x27f: {  	_ = 	snop;
	(pc) =	sbr.rel .LBB2_10-.Ltmp10, $3  }
0x280: {  	_ =	sdelay $0x1  }
0x281: {  	[tilespmem:s22+$0xFFFFFCA0] =	vst v7  }
0x282: {  	v6 =	vld.idx.msk [tilespmem:v6+s13+$0x0], $0xffff  }
.LBB2_9:
0x283: {  	s1 =	smin.u32 s8, $0xF423F  }
0x284: {  	s1 =	sadd.s32 $0xFFF0BE00, s1  }
0x285: {  	v6 =	vadd.s32 s1, v4;
	_ =	sdelay $0x4  }
0x286: {  	v7 =	vor.u32 $0x800, v4;
	v6 =	vld.idx.msk [tilespmem:v6+s12+$0x0], $0xffff  }
0x287: {  	v7 =	vadd.s32 s1, v7;
	_ =	sdelay $0x3  }
0x288: {  	[tilespmem:s22+$0xFFFFFC80] =	vst v6  }
0x289: {  	v6 =	vld.idx.msk [tilespmem:v7+s12+$0x0], $0xffff;
	v7 =	vor.u32 $0x1000, v4  }
0x28a: {  	v7 =	vadd.s32 s1, v7;
	_ =	sdelay $0x3  }
0x28b: {  	[tilespmem:s22+$0xFFFFFC90] =	vst v6  }
0x28c: {  	v6 =	vld.idx.msk [tilespmem:v7+s12+$0x0], $0xffff;
	v7 =	vor.u32 $0x1800, v4  }
0x28d: {  	v7 =	vadd.s32 s1, v7;
	_ =	sdelay $0x3  }
0x28e: {  	[tilespmem:s22+$0xFFFFFCA0] =	vst v6  }
0x28f: {  	v6 =	vld.idx.msk [tilespmem:v7+s12+$0x0], $0xffff  }
.LBB2_10:
0x290: {  	p0 =	sgt.s32 s7, $0xF41FF  }
.Ltmp11:
0x291: {  	_ = 	snop;
	(pc) =	sbr.rel @p0 .LBB2_12-.Ltmp11, $2  }
0x292: {  	_ =	sdelay $0x2  }
0x293: {  	[tilespmem:s22+$0xFFFFFCB0] =	vst v6  }
0x294: {  	s1 =	ssub.s32 s7, s17  }
0x295: {  	s1 =	sadd.s32 $0x100, s1  }
0x296: {  	p0 =	slt.s32 s1, $0x3FF  }
0x297: {  	s1 =	simm.s32 @!p0 $0x3FF  }
0x298: {  	v6 =	vmov s1  }
0x299: {  	v7 =	vshll.u32 v6, $0x3  }
0x29a: {  	v6 =	vand.u32 $0x7F, v6;
	v7 =	vand.u32 $0xFFFFFC00, v7  }
0x29b: {  	v6 =	vor.u32 v6, v7  }
0x29c: {  	v7 =	vadd.s32 v0, v6;
	_ =	sdelay $0x4  }
0x29d: {  	v7 =	vld.idx.msk [tilespmem:v7+s13+$0x0], $0xffff  }
0x29e: {  	v8 =	vadd.s32 v1, v6;
	_ =	sdelay $0x3  }
0x29f: {  	[tilespmem:s22+$0xFFFFFD00] =	vst v7  }
0x2a0: {  	v7 =	vld.idx.msk [tilespmem:v8+s13+$0x0], $0xffff  }
0x2a1: {  	v8 =	vadd.s32 v2, v6;
	_ =	sdelay $0x3  }
0x2a2: {  	[tilespmem:s22+$0xFFFFFD10] =	vst v7  }
0x2a3: {  	v7 =	vld.idx.msk [tilespmem:v8+s13+$0x0], $0xffff  }
0x2a4: {  	v6 =	vadd.s32 v3, v6  }
.Ltmp12:
0x2a5: {  	_ = 	snop;
	(pc) =	sbr.rel .LBB2_13-.Ltmp12, $3  }
0x2a6: {  	_ =	sdelay $0x1  }
0x2a7: {  	[tilespmem:s22+$0xFFFFFD20] =	vst v7  }
0x2a8: {  	v6 =	vld.idx.msk [tilespmem:v6+s13+$0x0], $0xffff  }
.LBB2_12:
0x2a9: {  	s1 =	smin.u32 s7, $0xF423F  }
0x2aa: {  	s1 =	sadd.s32 $0xFFF0BE00, s1  }
0x2ab: {  	v6 =	vadd.s32 s1, v4;
	_ =	sdelay $0x4  }
0x2ac: {  	v7 =	vor.u32 $0x800, v4;
	v6 =	vld.idx.msk [tilespmem:v6+s12+$0x0], $0xffff  }
0x2ad: {  	v7 =	vadd.s32 s1, v7;
	_ =	sdelay $0x3  }
0x2ae: {  	[tilespmem:s22+$0xFFFFFD00] =	vst v6  }
0x2af: {  	v6 =	vld.idx.msk [tilespmem:v7+s12+$0x0], $0xffff;
	v7 =	vor.u32 $0x1000, v4  }
0x2b0: {  	v7 =	vadd.s32 s1, v7;
	_ =	sdelay $0x3  }
0x2b1: {  	[tilespmem:s22+$0xFFFFFD10] =	vst v6  }
0x2b2: {  	v6 =	vld.idx.msk [tilespmem:v7+s12+$0x0], $0xffff;
	v7 =	vor.u32 $0x1800, v4  }
0x2b3: {  	v7 =	vadd.s32 s1, v7;
	_ =	sdelay $0x3  }
0x2b4: {  	[tilespmem:s22+$0xFFFFFD20] =	vst v6  }
0x2b5: {  	v6 =	vld.idx.msk [tilespmem:v7+s12+$0x0], $0xffff  }
.LBB2_13:
0x2b6: {  	p0 =	sgt.s32 s5, $0xF41FF  }
.Ltmp13:
0x2b7: {  	_ = 	snop;
	(pc) =	sbr.rel @p0 .LBB2_15-.Ltmp13, $2  }
0x2b8: {  	_ =	sdelay $0x2  }
0x2b9: {  	[tilespmem:s22+$0xFFFFFD30] =	vst v6  }
0x2ba: {  	s1 =	ssub.s32 s5, s14  }
0x2bb: {  	s1 =	sadd.s32 $0x180, s1  }
0x2bc: {  	p0 =	slt.s32 s1, $0x3FF  }
0x2bd: {  	s1 =	simm.s32 @!p0 $0x3FF  }
0x2be: {  	v6 =	vmov s1  }
0x2bf: {  	v7 =	vshll.u32 v6, $0x3  }
0x2c0: {  	v6 =	vand.u32 $0x7F, v6;
	v7 =	vand.u32 $0xFFFFFC00, v7  }
0x2c1: {  	v6 =	vor.u32 v6, v7  }
0x2c2: {  	v7 =	vadd.s32 v0, v6;
	_ =	sdelay $0x4  }
0x2c3: {  	v7 =	vld.idx.msk [tilespmem:v7+s13+$0x0], $0xffff  }
0x2c4: {  	v8 =	vadd.s32 v1, v6;
	_ =	sdelay $0x3  }
0x2c5: {  	[tilespmem:s22+$0xFFFFFD80] =	vst v7  }
0x2c6: {  	v7 =	vld.idx.msk [tilespmem:v8+s13+$0x0], $0xffff  }
0x2c7: {  	v8 =	vadd.s32 v2, v6;
	_ =	sdelay $0x3  }
0x2c8: {  	[tilespmem:s22+$0xFFFFFD90] =	vst v7  }
0x2c9: {  	v7 =	vld.idx.msk [tilespmem:v8+s13+$0x0], $0xffff  }
0x2ca: {  	v6 =	vadd.s32 v3, v6  }
.Ltmp14:
0x2cb: {  	_ = 	snop;
	(pc) =	sbr.rel .LBB2_16-.Ltmp14, $3  }
0x2cc: {  	_ =	sdelay $0x1  }
0x2cd: {  	[tilespmem:s22+$0xFFFFFDA0] =	vst v7  }
0x2ce: {  	s14 =	rddreg [dreg:$0xd];
	v6 =	vld.idx.msk [tilespmem:v6+s13+$0x0], $0xffff  }
.LBB2_15:
0x2cf: {  	s1 =	smin.u32 s5, $0xF423F  }
0x2d0: {  	s1 =	sadd.s32 $0xFFF0BE00, s1  }
0x2d1: {  	v6 =	vadd.s32 s1, v4;
	_ =	sdelay $0x4  }
0x2d2: {  	v7 =	vor.u32 $0x800, v4;
	v6 =	vld.idx.msk [tilespmem:v6+s12+$0x0], $0xffff  }
0x2d3: {  	v7 =	vadd.s32 s1, v7;
	_ =	sdelay $0x3  }
0x2d4: {  	[tilespmem:s22+$0xFFFFFD80] =	vst v6  }
0x2d5: {  	v6 =	vld.idx.msk [tilespmem:v7+s12+$0x0], $0xffff;
	v7 =	vor.u32 $0x1000, v4  }
0x2d6: {  	v7 =	vadd.s32 s1, v7;
	_ =	sdelay $0x3  }
0x2d7: {  	[tilespmem:s22+$0xFFFFFD90] =	vst v6  }
0x2d8: {  	v6 =	vld.idx.msk [tilespmem:v7+s12+$0x0], $0xffff;
	v7 =	vor.u32 $0x1800, v4  }
0x2d9: {  	v7 =	vadd.s32 s1, v7;
	_ =	sdelay $0x3  }
0x2da: {  	[tilespmem:s22+$0xFFFFFDA0] =	vst v6  }
0x2db: {  	s14 =	rddreg [dreg:$0xd];
	v6 =	vld.idx.msk [tilespmem:v7+s12+$0x0], $0xffff  }
.LBB2_16:
0x2dc: {  	p0 =	sgt.s32 s2, $0xF41FF  }
.Ltmp15:
0x2dd: {  	_ = 	snop;
	(pc) =	sbr.rel @p0 .LBB2_18-.Ltmp15, $2  }
0x2de: {  	_ =	sdelay $0x2  }
0x2df: {  	[tilespmem:s22+$0xFFFFFDB0] =	vst v6  }
0x2e0: {  	s1 =	ssub.s32 s2, s15  }
0x2e1: {  	s1 =	sadd.s32 $0x200, s1  }
0x2e2: {  	p0 =	slt.s32 s1, $0x3FF  }
0x2e3: {  	s1 =	simm.s32 @!p0 $0x3FF  }
0x2e4: {  	v6 =	vmov s1  }
0x2e5: {  	v7 =	vshll.u32 v6, $0x3  }
0x2e6: {  	v6 =	vand.u32 $0x7F, v6;
	v7 =	vand.u32 $0xFFFFFC00, v7  }
0x2e7: {  	v6 =	vor.u32 v6, v7  }
0x2e8: {  	v7 =	vadd.s32 v0, v6;
	_ =	sdelay $0x4  }
0x2e9: {  	v7 =	vld.idx.msk [tilespmem:v7+s13+$0x0], $0xffff  }
0x2ea: {  	v8 =	vadd.s32 v1, v6;
	_ =	sdelay $0x3  }
0x2eb: {  	[tilespmem:s22+$0xFFFFFE00] =	vst v7  }
0x2ec: {  	v7 =	vld.idx.msk [tilespmem:v8+s13+$0x0], $0xffff  }
0x2ed: {  	v8 =	vadd.s32 v2, v6;
	_ =	sdelay $0x3  }
0x2ee: {  	[tilespmem:s22+$0xFFFFFE10] =	vst v7  }
0x2ef: {  	v7 =	vld.idx.msk [tilespmem:v8+s13+$0x0], $0xffff  }
0x2f0: {  	v6 =	vadd.s32 v3, v6  }
.Ltmp16:
0x2f1: {  	_ = 	snop;
	(pc) =	sbr.rel .LBB2_19-.Ltmp16, $3  }
0x2f2: {  	_ =	sdelay $0x1  }
0x2f3: {  	[tilespmem:s22+$0xFFFFFE20] =	vst v7  }
0x2f4: {  	s15 =	rddreg [dreg:$0xe];
	v6 =	vld.idx.msk [tilespmem:v6+s13+$0x0], $0xffff  }
.LBB2_18:
0x2f5: {  	s1 =	smin.u32 s2, $0xF423F  }
0x2f6: {  	s1 =	sadd.s32 $0xFFF0BE00, s1  }
0x2f7: {  	v6 =	vadd.s32 s1, v4;
	_ =	sdelay $0x4  }
0x2f8: {  	v7 =	vor.u32 $0x800, v4;
	v6 =	vld.idx.msk [tilespmem:v6+s12+$0x0], $0xffff  }
0x2f9: {  	v7 =	vadd.s32 s1, v7;
	_ =	sdelay $0x3  }
0x2fa: {  	[tilespmem:s22+$0xFFFFFE00] =	vst v6  }
0x2fb: {  	v6 =	vld.idx.msk [tilespmem:v7+s12+$0x0], $0xffff;
	v7 =	vor.u32 $0x1000, v4  }
0x2fc: {  	v7 =	vadd.s32 s1, v7;
	_ =	sdelay $0x3  }
0x2fd: {  	[tilespmem:s22+$0xFFFFFE10] =	vst v6  }
0x2fe: {  	v6 =	vld.idx.msk [tilespmem:v7+s12+$0x0], $0xffff;
	v7 =	vor.u32 $0x1800, v4  }
0x2ff: {  	v7 =	vadd.s32 s1, v7;
	_ =	sdelay $0x3  }
0x300: {  	[tilespmem:s22+$0xFFFFFE20] =	vst v6  }
0x301: {  	s15 =	rddreg [dreg:$0xe];
	v6 =	vld.idx.msk [tilespmem:v7+s12+$0x0], $0xffff  }
.LBB2_19:
0x302: {  	p0 =	sgt.s32 s11, $0xF41FF  }
.Ltmp17:
0x303: {  	_ = 	snop;
	(pc) =	sbr.rel @p0 .LBB2_21-.Ltmp17, $2  }
0x304: {  	_ =	sdelay $0x2  }
0x305: {  	[tilespmem:s22+$0xFFFFFE30] =	vst v6  }
0x306: {  	s1 =	ssub.s32 s11, s4  }
0x307: {  	s1 =	sadd.s32 $0x280, s1  }
0x308: {  	p0 =	slt.s32 s1, $0x3FF  }
0x309: {  	s1 =	simm.s32 @!p0 $0x3FF  }
0x30a: {  	v6 =	vmov s1  }
0x30b: {  	v7 =	vshll.u32 v6, $0x3  }
0x30c: {  	v6 =	vand.u32 $0x7F, v6;
	v7 =	vand.u32 $0xFFFFFC00, v7  }
0x30d: {  	v6 =	vor.u32 v6, v7  }
0x30e: {  	v7 =	vadd.s32 v0, v6;
	_ =	sdelay $0x4  }
0x30f: {  	v7 =	vld.idx.msk [tilespmem:v7+s13+$0x0], $0xffff  }
0x310: {  	v8 =	vadd.s32 v1, v6;
	_ =	sdelay $0x3  }
0x311: {  	[tilespmem:s22+$0xFFFFFE80] =	vst v7  }
0x312: {  	v7 =	vld.idx.msk [tilespmem:v8+s13+$0x0], $0xffff  }
0x313: {  	v8 =	vadd.s32 v2, v6;
	_ =	sdelay $0x3  }
0x314: {  	[tilespmem:s22+$0xFFFFFE90] =	vst v7  }
0x315: {  	v7 =	vld.idx.msk [tilespmem:v8+s13+$0x0], $0xffff  }
0x316: {  	v6 =	vadd.s32 v3, v6  }
.Ltmp18:
0x317: {  	_ = 	snop;
	(pc) =	sbr.rel .LBB2_22-.Ltmp18, $3  }
0x318: {  	_ =	sdelay $0x1  }
0x319: {  	[tilespmem:s22+$0xFFFFFEA0] =	vst v7  }
0x31a: {  	v6 =	vld.idx.msk [tilespmem:v6+s13+$0x0], $0xffff  }
.LBB2_21:
0x31b: {  	s1 =	smin.u32 s11, $0xF423F  }
0x31c: {  	s1 =	sadd.s32 $0xFFF0BE00, s1  }
0x31d: {  	v6 =	vadd.s32 s1, v4;
	_ =	sdelay $0x4  }
0x31e: {  	v7 =	vor.u32 $0x800, v4;
	v6 =	vld.idx.msk [tilespmem:v6+s12+$0x0], $0xffff  }
0x31f: {  	v7 =	vadd.s32 s1, v7;
	_ =	sdelay $0x3  }
0x320: {  	[tilespmem:s22+$0xFFFFFE80] =	vst v6  }
0x321: {  	v6 =	vld.idx.msk [tilespmem:v7+s12+$0x0], $0xffff;
	v7 =	vor.u32 $0x1000, v4  }
0x322: {  	v7 =	vadd.s32 s1, v7;
	_ =	sdelay $0x3  }
0x323: {  	[tilespmem:s22+$0xFFFFFE90] =	vst v6  }
0x324: {  	v6 =	vld.idx.msk [tilespmem:v7+s12+$0x0], $0xffff;
	v7 =	vor.u32 $0x1800, v4  }
0x325: {  	v7 =	vadd.s32 s1, v7;
	_ =	sdelay $0x3  }
0x326: {  	[tilespmem:s22+$0xFFFFFEA0] =	vst v6  }
0x327: {  	v6 =	vld.idx.msk [tilespmem:v7+s12+$0x0], $0xffff  }
.LBB2_22:
0x328: {  	p0 =	sgt.s32 s3, $0xF41FF  }
.Ltmp19:
0x329: {  	_ = 	snop;
	(pc) =	sbr.rel @p0 .LBB2_24-.Ltmp19, $2  }
0x32a: {  	_ =	sdelay $0x2  }
0x32b: {  	[tilespmem:s22+$0xFFFFFEB0] =	vst v6  }
0x32c: {  	s1 =	ssub.s32 s3, s16  }
0x32d: {  	s1 =	sadd.s32 $0x300, s1  }
0x32e: {  	p0 =	slt.s32 s1, $0x3FF  }
0x32f: {  	s1 =	simm.s32 @!p0 $0x3FF  }
0x330: {  	v6 =	vmov s1  }
0x331: {  	v7 =	vshll.u32 v6, $0x3  }
0x332: {  	v6 =	vand.u32 $0x7F, v6;
	v7 =	vand.u32 $0xFFFFFC00, v7  }
0x333: {  	v6 =	vor.u32 v6, v7  }
0x334: {  	v7 =	vadd.s32 v0, v6;
	_ =	sdelay $0x4  }
0x335: {  	v7 =	vld.idx.msk [tilespmem:v7+s13+$0x0], $0xffff  }
0x336: {  	v8 =	vadd.s32 v1, v6;
	_ =	sdelay $0x3  }
0x337: {  	[tilespmem:s22+$0xFFFFFF00] =	vst v7  }
0x338: {  	v7 =	vld.idx.msk [tilespmem:v8+s13+$0x0], $0xffff  }
0x339: {  	v8 =	vadd.s32 v2, v6;
	_ =	sdelay $0x3  }
0x33a: {  	[tilespmem:s22+$0xFFFFFF10] =	vst v7  }
0x33b: {  	v7 =	vld.idx.msk [tilespmem:v8+s13+$0x0], $0xffff  }
0x33c: {  	v6 =	vadd.s32 v3, v6  }
.Ltmp20:
0x33d: {  	_ = 	snop;
	(pc) =	sbr.rel .LBB2_25-.Ltmp20, $3  }
0x33e: {  	_ =	sdelay $0x1  }
0x33f: {  	[tilespmem:s22+$0xFFFFFF20] =	vst v7  }
0x340: {  	v6 =	vld.idx.msk [tilespmem:v6+s13+$0x0], $0xffff  }
.LBB2_24:
0x341: {  	s1 =	smin.u32 s3, $0xF423F  }
0x342: {  	s1 =	sadd.s32 $0xFFF0BE00, s1  }
0x343: {  	v6 =	vadd.s32 s1, v4;
	_ =	sdelay $0x4  }
0x344: {  	v7 =	vor.u32 $0x800, v4;
	v6 =	vld.idx.msk [tilespmem:v6+s12+$0x0], $0xffff  }
0x345: {  	v7 =	vadd.s32 s1, v7;
	_ =	sdelay $0x3  }
0x346: {  	[tilespmem:s22+$0xFFFFFF00] =	vst v6  }
0x347: {  	v6 =	vld.idx.msk [tilespmem:v7+s12+$0x0], $0xffff;
	v7 =	vor.u32 $0x1000, v4  }
0x348: {  	v7 =	vadd.s32 s1, v7;
	_ =	sdelay $0x3  }
0x349: {  	[tilespmem:s22+$0xFFFFFF10] =	vst v6  }
0x34a: {  	v6 =	vld.idx.msk [tilespmem:v7+s12+$0x0], $0xffff;
	v7 =	vor.u32 $0x1800, v4  }
0x34b: {  	v7 =	vadd.s32 s1, v7;
	_ =	sdelay $0x3  }
0x34c: {  	[tilespmem:s22+$0xFFFFFF20] =	vst v6  }
0x34d: {  	v6 =	vld.idx.msk [tilespmem:v7+s12+$0x0], $0xffff  }
.LBB2_25:
0x34e: {  	p0 =	sgt.s32 s0, $0xF41FF  }
.Ltmp21:
0x34f: {  	_ = 	snop;
	(pc) =	sbr.rel @p0 .LBB2_27-.Ltmp21, $2  }
0x350: {  	_ =	sdelay $0x2  }
0x351: {  	[tilespmem:s22+$0xFFFFFF30] =	vst v6  }
0x352: {  	s0 =	ssub.s32 s0, s20  }
0x353: {  	s0 =	sadd.s32 $0x380, s0  }
0x354: {  	p0 =	slt.s32 s0, $0x3FF  }
0x355: {  	s0 =	simm.s32 @!p0 $0x3FF  }
0x356: {  	v6 =	vmov s0  }
0x357: {  	v7 =	vshll.u32 v6, $0x3  }
0x358: {  	v6 =	vand.u32 $0x7F, v6;
	v7 =	vand.u32 $0xFFFFFC00, v7  }
0x359: {  	v6 =	vor.u32 v6, v7  }
0x35a: {  	v7 =	vadd.s32 v0, v6;
	_ =	sdelay $0x4  }
0x35b: {  	v7 =	vld.idx.msk [tilespmem:v7+s13+$0x0], $0xffff  }
0x35c: {  	v8 =	vadd.s32 v1, v6;
	_ =	sdelay $0x3  }
0x35d: {  	[tilespmem:s22+$0xFFFFFF80] =	vst v7  }
0x35e: {  	v7 =	vld.idx.msk [tilespmem:v8+s13+$0x0], $0xffff  }
0x35f: {  	v8 =	vadd.s32 v2, v6;
	_ =	sdelay $0x3  }
0x360: {  	[tilespmem:s22+$0xFFFFFF90] =	vst v7  }
0x361: {  	v7 =	vld.idx.msk [tilespmem:v8+s13+$0x0], $0xffff  }
0x362: {  	v6 =	vadd.s32 v3, v6  }
.Ltmp22:
0x363: {  	_ = 	snop;
	(pc) =	sbr.rel .LBB2_28-.Ltmp22, $3  }
0x364: {  	_ =	sdelay $0x1  }
0x365: {  	[tilespmem:s22+$0xFFFFFFA0] =	vst v7  }
0x366: {  	v6 =	vld.idx.msk [tilespmem:v6+s13+$0x0], $0xffff  }
.LBB2_27:
0x367: {  	s0 =	smin.u32 s0, $0xF423F  }
0x368: {  	s0 =	sadd.s32 $0xFFF0BE00, s0  }
0x369: {  	v6 =	vadd.s32 s0, v4;
	_ =	sdelay $0x4  }
0x36a: {  	v7 =	vor.u32 $0x800, v4;
	v6 =	vld.idx.msk [tilespmem:v6+s12+$0x0], $0xffff  }
0x36b: {  	v7 =	vadd.s32 s0, v7;
	_ =	sdelay $0x3  }
0x36c: {  	[tilespmem:s22+$0xFFFFFF80] =	vst v6  }
0x36d: {  	v6 =	vld.idx.msk [tilespmem:v7+s12+$0x0], $0xffff;
	v7 =	vor.u32 $0x1000, v4  }
0x36e: {  	v7 =	vadd.s32 s0, v7;
	_ =	sdelay $0x3  }
0x36f: {  	[tilespmem:s22+$0xFFFFFF90] =	vst v6  }
0x370: {  	v6 =	vld.idx.msk [tilespmem:v7+s12+$0x0], $0xffff;
	v7 =	vor.u32 $0x1800, v4  }
0x371: {  	v7 =	vadd.s32 s0, v7;
	_ =	sdelay $0x3  }
0x372: {  	[tilespmem:s22+$0xFFFFFFA0] =	vst v6  }
0x373: {  	v6 =	vld.idx.msk [tilespmem:v7+s12+$0x0], $0xffff  }
.LBB2_28:
0x374: {  	s0 =	sand.u32 $0x7F, s31  }
0x375: {  	s1 =	sshra.s32 s31, $0x1F;
	p0 =	slt.s32 s31, $0x1;
	p1 =	sne.s32 s0, $0x0  }
0x376: {  	s9 =	sshrl.u32 s1, $0x19;
	p0 =	por !p0, !p1  }
0x377: {  	s1 =	simm.s32 $0x1;
	s0 =	sadd.s32 s9, s31;
	p0 =	por !p0, !p0  }
0x378: {  	s0 =	sshrl.u32 s0, $0x7;
	s1 =	simm.s32 @!p0 $0x0  }
0x379: {  	s0 =	ssub.s32 s0, s1  }
0x37a: {  	s0 =	sshll.u32 s0, $0x7  }
0x37b: {  	p0 =	sgt.s32 s0, $0xF41FF  }
0x37c: {  	s1 =	sand.u32 @!p0 $0x1FFFFF80, s0  }
0x37d: {  	[tilespmem:s22+$0xFFFFFFB0] =	vst v6;
	s2 =	simm.s32 @!p0 $0x0;
	s3 =	simm.s32 @!p0 $0x800;
	s1 =	sadd.s32 @!p0 s23, s1  }
0x37e: {  	[tilespmem:s3], [sflag:$0x1] =	stream.linear.gather @!p0 [hbm4b:s1+s2], $0x400, $0x38;
	[tilespmem:$0x16800] =	vst v63  }
0x37f: {  	s4 =	simm.s32 @!p0 $0x2800;
	s3 =	sadd.s32 @!p0 $0xF4280, s1  }
0x380: {  	[tilespmem:s4], [sflag:$0x1] =	stream.linear.gather @!p0 [hbm4b:s3+s2], $0x400, $0x38;
	[tilespmem:$0x16800] =	vst v63  }
0x381: {  	s10 =	sand.u32 $0x7F, s30;
	s3 =	sadd.s32 @!p0 $0x1E8500, s1;
	s4 =	simm.s32 @!p0 $0x4800  }
0x382: {  	[tilespmem:s4], [sflag:$0x1] =	stream.linear.gather @!p0 [hbm4b:s3+s2], $0x400, $0x38;
	[tilespmem:$0x16800] =	vst v63  }
0x383: {  	s11 =	sshra.s32 s30, $0x1F;
	s3 =	sadd.s32 @!p0 $0x2DC780, s1;
	s4 =	simm.s32 @!p0 $0x6800  }
0x384: {  	[tilespmem:s4], [sflag:$0x1] =	stream.linear.gather @!p0 [hbm4b:s3+s2], $0x400, $0x38;
	[tilespmem:$0x16800] =	vst v63  }
0x385: {  	p6 =	slt.s32 s30, $0x1;
	s3 =	sadd.s32 @!p0 $0x3D0A00, s1;
	s4 =	simm.s32 @!p0 $0x8800  }
0x386: {  	[tilespmem:s4], [sflag:$0x1] =	stream.linear.gather @!p0 [hbm4b:s3+s2], $0x400, $0x38;
	[tilespmem:$0x16800] =	vst v63  }
0x387: {  	p2 =	sne.s32 s10, $0x0;
	s3 =	sadd.s32 @!p0 $0x4C4C80, s1;
	s4 =	simm.s32 @!p0 $0xA800  }
0x388: {  	[tilespmem:s4], [sflag:$0x1] =	stream.linear.gather @!p0 [hbm4b:s3+s2], $0x400, $0x38;
	[tilespmem:$0x16800] =	vst v63  }
0x389: {  	s16 =	sshrl.u32 s11, $0x19;
	s3 =	sadd.s32 @!p0 $0x5B8F00, s1;
	s4 =	simm.s32 @!p0 $0xC800  }
0x38a: {  	[tilespmem:s4], [sflag:$0x1] =	stream.linear.gather @!p0 [hbm4b:s3+s2], $0x400, $0x38;
	[tilespmem:$0x16800] =	vst v63  }
0x38b: {  	p1 =	por !p6, !p2;
	s1 =	sadd.s32 @!p0 $0x6AD180, s1;
	s3 =	simm.s32 @!p0 $0xE800  }
0x38c: {  	[tilespmem:s3], [sflag:$0x1] =	stream.linear.gather @!p0 [hbm4b:s1+s2], $0x400, $0x38;
	[tilespmem:$0x16800] =	vst v63  }
0x38d: {  	p1 =	por !p1, !p1;
	s1 =	sadd.s32 s16, s30;
	s2 =	simm.s32 $0x1  }
0x38e: {  	s1 =	sshrl.u32 s1, $0x7;
	s2 =	simm.s32 @!p1 $0x0  }
0x38f: {  	s3 =	simm.s32 @!p0 $0x1;
	s1 =	ssub.s32 s1, s2  }
0x390: {  	_ =	swait.ge @!p0 [sflag:s3], $0x2000;
	s2 =	sshll.u32 s1, $0x7  }
0x391: {  	[sflag:s3] =	ssyncset.done @!p0 $0x0;
	p1 =	sgt.s32 s2, $0xF41FF  }
0x392: {  	[sflag:s3] =	ssyncadd.s32 @!p0 $0xFFFFE000;
	s1 =	sand.u32 @!p1 $0x1FFFFF80, s2  }
0x393: {  	s3 =	simm.s32 @!p1 $0x0;
	s4 =	simm.s32 @!p1 $0xC00;
	s1 =	sadd.s32 @!p1 s23, s1  }
0x394: {  	[tilespmem:s4], [sflag:$0x1] =	stream.linear.gather @!p1 [hbm4b:s1+s3], $0x400, $0x38;
	[tilespmem:$0x16800] =	vst v63  }
0x395: {  	s5 =	simm.s32 @!p1 $0x2C00;
	s4 =	sadd.s32 @!p1 $0xF4280, s1  }
0x396: {  	[tilespmem:s5], [sflag:$0x1] =	stream.linear.gather @!p1 [hbm4b:s4+s3], $0x400, $0x38;
	[tilespmem:$0x16800] =	vst v63  }
0x397: {  	s17 =	sand.u32 $0x7F, s29;
	s4 =	sadd.s32 @!p1 $0x1E8500, s1;
	s5 =	simm.s32 @!p1 $0x4C00  }
0x398: {  	[tilespmem:s5], [sflag:$0x1] =	stream.linear.gather @!p1 [hbm4b:s4+s3], $0x400, $0x38;
	[tilespmem:$0x16800] =	vst v63  }
0x399: {  	s18 =	sshra.s32 s29, $0x1F;
	s4 =	sadd.s32 @!p1 $0x2DC780, s1;
	s5 =	simm.s32 @!p1 $0x6C00  }
0x39a: {  	[tilespmem:s5], [sflag:$0x1] =	stream.linear.gather @!p1 [hbm4b:s4+s3], $0x400, $0x38;
	[tilespmem:$0x16800] =	vst v63  }
0x39b: {  	p3 =	slt.s32 s29, $0x1;
	s4 =	sadd.s32 @!p1 $0x3D0A00, s1;
	s5 =	simm.s32 @!p1 $0x8C00  }
0x39c: {  	[tilespmem:s5], [sflag:$0x1] =	stream.linear.gather @!p1 [hbm4b:s4+s3], $0x400, $0x38;
	[tilespmem:$0x16800] =	vst v63  }
0x39d: {  	p4 =	sne.s32 s17, $0x0;
	s4 =	sadd.s32 @!p1 $0x4C4C80, s1;
	s5 =	simm.s32 @!p1 $0xAC00  }
0x39e: {  	[tilespmem:s5], [sflag:$0x1] =	stream.linear.gather @!p1 [hbm4b:s4+s3], $0x400, $0x38;
	[tilespmem:$0x16800] =	vst v63  }
0x39f: {  	s19 =	sshrl.u32 s18, $0x19;
	s4 =	sadd.s32 @!p1 $0x5B8F00, s1;
	s5 =	simm.s32 @!p1 $0xCC00  }
0x3a0: {  	[tilespmem:s5], [sflag:$0x1] =	stream.linear.gather @!p1 [hbm4b:s4+s3], $0x400, $0x38;
	[tilespmem:$0x16800] =	vst v63  }
0x3a1: {  	p0 =	por !p3, !p4;
	s1 =	sadd.s32 @!p1 $0x6AD180, s1;
	s4 =	simm.s32 @!p1 $0xEC00  }
0x3a2: {  	[tilespmem:s4], [sflag:$0x1] =	stream.linear.gather @!p1 [hbm4b:s1+s3], $0x400, $0x38;
	[tilespmem:$0x16800] =	vst v63  }
0x3a3: {  	p0 =	por !p0, !p0;
	s1 =	sadd.s32 s19, s29;
	s3 =	simm.s32 $0x1  }
0x3a4: {  	s1 =	sshrl.u32 s1, $0x7;
	s3 =	simm.s32 @!p0 $0x0  }
0x3a5: {  	s4 =	simm.s32 @!p1 $0x1;
	s1 =	ssub.s32 s1, s3  }
0x3a6: {  	_ =	swait.ge @!p1 [sflag:s4], $0x2000;
	s3 =	sshll.u32 s1, $0x7  }
0x3a7: {  	[sflag:s4] =	ssyncset.done @!p1 $0x0;
	p0 =	sgt.s32 s3, $0xF41FF  }
0x3a8: {  	[sflag:s4] =	ssyncadd.s32 @!p1 $0xFFFFE000;
	s1 =	sand.u32 @!p0 $0x1FFFFF80, s3  }
0x3a9: {  	s4 =	simm.s32 @!p0 $0x0;
	s5 =	simm.s32 @!p0 $0x1000;
	s1 =	sadd.s32 @!p0 s23, s1  }
0x3aa: {  	[tilespmem:s5], [sflag:$0x1] =	stream.linear.gather @!p0 [hbm4b:s1+s4], $0x400, $0x38;
	[tilespmem:$0x16800] =	vst v63  }
0x3ab: {  	s6 =	simm.s32 @!p0 $0x3000;
	s5 =	sadd.s32 @!p0 $0xF4280, s1  }
0x3ac: {  	[tilespmem:s6], [sflag:$0x1] =	stream.linear.gather @!p0 [hbm4b:s5+s4], $0x400, $0x38;
	[tilespmem:$0x16800] =	vst v63  }
0x3ad: {  	s5 =	sadd.s32 @!p0 $0x1E8500, s1;
	s6 =	simm.s32 @!p0 $0x5000  }
0x3ae: {  	[tilespmem:s6], [sflag:$0x1] =	stream.linear.gather @!p0 [hbm4b:s5+s4], $0x400, $0x38;
	[tilespmem:$0x16800] =	vst v63  }
0x3af: {  	s5 =	sadd.s32 @!p0 $0x2DC780, s1;
	s6 =	simm.s32 @!p0 $0x7000  }
0x3b0: {  	[tilespmem:s6], [sflag:$0x1] =	stream.linear.gather @!p0 [hbm4b:s5+s4], $0x400, $0x38;
	[tilespmem:$0x16800] =	vst v63  }
0x3b1: {  	s20 =	sand.u32 $0x7F, s28;
	s5 =	sadd.s32 @!p0 $0x3D0A00, s1;
	s6 =	simm.s32 @!p0 $0x9000  }
0x3b2: {  	[tilespmem:s6], [sflag:$0x1] =	stream.linear.gather @!p0 [hbm4b:s5+s4], $0x400, $0x38;
	[tilespmem:$0x16800] =	vst v63  }
0x3b3: {  	s24 =	sshra.s32 s28, $0x1F;
	s5 =	sadd.s32 @!p0 $0x4C4C80, s1;
	s6 =	simm.s32 @!p0 $0xB000  }
0x3b4: {  	[tilespmem:s6], [sflag:$0x1] =	stream.linear.gather @!p0 [hbm4b:s5+s4], $0x400, $0x38;
	[tilespmem:$0x16800] =	vst v63  }
0x3b5: {  	p5 =	slt.s32 s28, $0x1;
	s5 =	sadd.s32 @!p0 $0x5B8F00, s1;
	s6 =	simm.s32 @!p0 $0xD000  }
0x3b6: {  	[tilespmem:s6], [sflag:$0x1] =	stream.linear.gather @!p0 [hbm4b:s5+s4], $0x400, $0x38;
	[tilespmem:$0x16800] =	vst v63  }
0x3b7: {  	p6 =	sne.s32 s20, $0x0;
	s1 =	sadd.s32 @!p0 $0x6AD180, s1;
	s5 =	simm.s32 @!p0 $0xF000  }
0x3b8: {  	[tilespmem:s5], [sflag:$0x1] =	stream.linear.gather @!p0 [hbm4b:s1+s4], $0x400, $0x38;
	[tilespmem:$0x16800] =	vst v63  }
0x3b9: {  	p1 =	por !p5, !p6;
	s5 =	sshrl.u32 s24, $0x19  }
0x3ba: {  	p1 =	por !p1, !p1;
	s4 =	simm.s32 $0x1;
	s1 =	sadd.s32 s5, s28  }
0x3bb: {  	s4 =	simm.s32 @!p1 $0x0;
	s1 =	sshrl.u32 s1, $0x7  }
0x3bc: {  	s5 =	simm.s32 @!p0 $0x1;
	s1 =	ssub.s32 s1, s4  }
0x3bd: {  	_ =	swait.ge @!p0 [sflag:s5], $0x2000;
	s4 =	sshll.u32 s1, $0x7  }
0x3be: {  	[sflag:s5] =	ssyncset.done @!p0 $0x0;
	p1 =	sgt.s32 s4, $0xF41FF  }
0x3bf: {  	[sflag:s5] =	ssyncadd.s32 @!p0 $0xFFFFE000;
	s1 =	sand.u32 @!p1 $0x1FFFFF80, s4  }
0x3c0: {  	s5 =	simm.s32 @!p1 $0x0;
	s6 =	simm.s32 @!p1 $0x1400;
	s1 =	sadd.s32 @!p1 s23, s1  }
0x3c1: {  	[tilespmem:s6], [sflag:$0x1] =	stream.linear.gather @!p1 [hbm4b:s1+s5], $0x400, $0x38;
	[tilespmem:$0x16800] =	vst v63  }
0x3c2: {  	s7 =	simm.s32 @!p1 $0x3400;
	s6 =	sadd.s32 @!p1 $0xF4280, s1  }
0x3c3: {  	[tilespmem:s7], [sflag:$0x1] =	stream.linear.gather @!p1 [hbm4b:s6+s5], $0x400, $0x38;
	[tilespmem:$0x16800] =	vst v63  }
0x3c4: {  	s6 =	sadd.s32 @!p1 $0x1E8500, s1;
	s7 =	simm.s32 @!p1 $0x5400  }
0x3c5: {  	[tilespmem:s7], [sflag:$0x1] =	stream.linear.gather @!p1 [hbm4b:s6+s5], $0x400, $0x38;
	[tilespmem:$0x16800] =	vst v63  }
0x3c6: {  	s6 =	sadd.s32 @!p1 $0x2DC780, s1;
	s7 =	simm.s32 @!p1 $0x7400  }
0x3c7: {  	[tilespmem:s7], [sflag:$0x1] =	stream.linear.gather @!p1 [hbm4b:s6+s5], $0x400, $0x38;
	[tilespmem:$0x16800] =	vst v63  }
0x3c8: {  	s6 =	sadd.s32 @!p1 $0x3D0A00, s1;
	s7 =	simm.s32 @!p1 $0x9400  }
0x3c9: {  	[tilespmem:s7], [sflag:$0x1] =	stream.linear.gather @!p1 [hbm4b:s6+s5], $0x400, $0x38;
	[tilespmem:$0x16800] =	vst v63  }
0x3ca: {  	s6 =	sadd.s32 @!p1 $0x4C4C80, s1;
	s7 =	simm.s32 @!p1 $0xB400  }
0x3cb: {  	[tilespmem:s7], [sflag:$0x1] =	stream.linear.gather @!p1 [hbm4b:s6+s5], $0x400, $0x38;
	[tilespmem:$0x16800] =	vst v63  }
0x3cc: {  	s6 =	sadd.s32 @!p1 $0x5B8F00, s1;
	s7 =	simm.s32 @!p1 $0xD400  }
0x3cd: {  	[tilespmem:s7], [sflag:$0x1] =	stream.linear.gather @!p1 [hbm4b:s6+s5], $0x400, $0x38;
	[tilespmem:$0x16800] =	vst v63  }
0x3ce: {  	s1 =	sadd.s32 @!p1 $0x6AD180, s1;
	s6 =	simm.s32 @!p1 $0xF400  }
0x3cf: {  	[tilespmem:s6], [sflag:$0x1] =	stream.linear.gather @!p1 [hbm4b:s1+s5], $0x400, $0x38;
	[tilespmem:$0x16800] =	vst v63  }
0x3d0: {  	s6 =	sand.u32 $0x7F, s26  }
0x3d1: {  	p3 =	slt.s32 s26, $0x1;
	s7 =	sshra.s32 s26, $0x1F;
	p4 =	sne.s32 s6, $0x0  }
0x3d2: {  	s8 =	sshrl.u32 s7, $0x19;
	p0 =	por !p3, !p4  }
0x3d3: {  	s1 =	sadd.s32 s8, s26;
	s5 =	simm.s32 $0x1;
	p0 =	por !p0, !p0  }
0x3d4: {  	s1 =	sshrl.u32 s1, $0x7;
	s5 =	simm.s32 @!p0 $0x0  }
0x3d5: {  	s6 =	simm.s32 @!p1 $0x1;
	s1 =	ssub.s32 s1, s5  }
0x3d6: {  	_ =	swait.ge @!p1 [sflag:s6], $0x2000;
	s5 =	sshll.u32 s1, $0x7  }
0x3d7: {  	[sflag:s6] =	ssyncset.done @!p1 $0x0;
	p0 =	sgt.s32 s5, $0xF41FF  }
0x3d8: {  	[sflag:s6] =	ssyncadd.s32 @!p1 $0xFFFFE000;
	s1 =	sand.u32 @!p0 $0x1FFFFF80, s5  }
0x3d9: {  	s6 =	simm.s32 @!p0 $0x0;
	s7 =	simm.s32 @!p0 $0x1800;
	s1 =	sadd.s32 @!p0 s23, s1  }
0x3da: {  	[tilespmem:s7], [sflag:$0x1] =	stream.linear.gather @!p0 [hbm4b:s1+s6], $0x400, $0x38;
	[tilespmem:$0x16800] =	vst v63  }
0x3db: {  	s8 =	simm.s32 @!p0 $0x3800;
	s7 =	sadd.s32 @!p0 $0xF4280, s1  }
0x3dc: {  	[tilespmem:s8], [sflag:$0x1] =	stream.linear.gather @!p0 [hbm4b:s7+s6], $0x400, $0x38;
	[tilespmem:$0x16800] =	vst v63  }
0x3dd: {  	s10 =	sshra.s32 s25, $0x1F;
	s7 =	sadd.s32 @!p0 $0x1E8500, s1;
	s8 =	simm.s32 @!p0 $0x5800  }
0x3de: {  	[tilespmem:s8], [sflag:$0x1] =	stream.linear.gather @!p0 [hbm4b:s7+s6], $0x400, $0x38;
	[tilespmem:$0x16800] =	vst v63  }
0x3df: {  	s9 =	sand.u32 $0x7F, s25;
	s7 =	sadd.s32 @!p0 $0x2DC780, s1;
	s8 =	simm.s32 @!p0 $0x7800  }
0x3e0: {  	[tilespmem:s8], [sflag:$0x1] =	stream.linear.gather @!p0 [hbm4b:s7+s6], $0x400, $0x38;
	[tilespmem:$0x16800] =	vst v63  }
0x3e1: {  	s11 =	sshrl.u32 s10, $0x19;
	s7 =	sadd.s32 @!p0 $0x3D0A00, s1;
	s8 =	simm.s32 @!p0 $0x9800  }
0x3e2: {  	[tilespmem:s8], [sflag:$0x1] =	stream.linear.gather @!p0 [hbm4b:s7+s6], $0x400, $0x38;
	[tilespmem:$0x16800] =	vst v63  }
0x3e3: {  	p5 =	slt.s32 s25, $0x1;
	s7 =	sadd.s32 @!p0 $0x4C4C80, s1;
	s8 =	simm.s32 @!p0 $0xB800  }
0x3e4: {  	[tilespmem:s8], [sflag:$0x1] =	stream.linear.gather @!p0 [hbm4b:s7+s6], $0x400, $0x38;
	[tilespmem:$0x16800] =	vst v63  }
0x3e5: {  	p6 =	sne.s32 s9, $0x0;
	s7 =	sadd.s32 @!p0 $0x5B8F00, s1;
	s8 =	simm.s32 @!p0 $0xD800  }
0x3e6: {  	[tilespmem:s8], [sflag:$0x1] =	stream.linear.gather @!p0 [hbm4b:s7+s6], $0x400, $0x38;
	[tilespmem:$0x16800] =	vst v63  }
0x3e7: {  	p1 =	por !p5, !p6;
	s1 =	sadd.s32 @!p0 $0x6AD180, s1;
	s7 =	simm.s32 @!p0 $0xF800  }
0x3e8: {  	[tilespmem:s7], [sflag:$0x1] =	stream.linear.gather @!p0 [hbm4b:s1+s6], $0x400, $0x38;
	[tilespmem:$0x16800] =	vst v63  }
0x3e9: {  	p1 =	por !p1, !p1;
	s1 =	sadd.s32 s11, s25;
	s6 =	simm.s32 $0x1  }
0x3ea: {  	s1 =	sshrl.u32 s1, $0x7;
	s6 =	simm.s32 @!p1 $0x0  }
0x3eb: {  	s7 =	simm.s32 @!p0 $0x1;
	s1 =	ssub.s32 s1, s6  }
0x3ec: {  	_ =	swait.ge @!p0 [sflag:s7], $0x2000;
	s6 =	sshll.u32 s1, $0x7  }
0x3ed: {  	[sflag:s7] =	ssyncset.done @!p0 $0x0;
	p1 =	sgt.s32 s6, $0xF41FF  }
0x3ee: {  	[sflag:s7] =	ssyncadd.s32 @!p0 $0xFFFFE000;
	s1 =	sand.u32 @!p1 $0x1FFFFF80, s6  }
0x3ef: {  	s7 =	simm.s32 @!p1 $0x0;
	s8 =	simm.s32 @!p1 $0x1C00;
	s1 =	sadd.s32 @!p1 s23, s1  }
0x3f0: {  	[tilespmem:s8], [sflag:$0x1] =	stream.linear.gather @!p1 [hbm4b:s1+s7], $0x400, $0x38;
	[tilespmem:$0x16800] =	vst v63  }
0x3f1: {  	s9 =	simm.s32 @!p1 $0x3C00;
	s8 =	sadd.s32 @!p1 $0xF4280, s1  }
0x3f2: {  	[tilespmem:s9], [sflag:$0x1] =	stream.linear.gather @!p1 [hbm4b:s8+s7], $0x400, $0x38;
	[tilespmem:$0x16800] =	vst v63  }
0x3f3: {  	s17 =	sshra.s32 s15, $0x1F;
	s8 =	sadd.s32 @!p1 $0x1E8500, s1;
	s9 =	simm.s32 @!p1 $0x5C00  }
0x3f4: {  	[tilespmem:s9], [sflag:$0x1] =	stream.linear.gather @!p1 [hbm4b:s8+s7], $0x400, $0x38;
	[tilespmem:$0x16800] =	vst v63  }
0x3f5: {  	s18 =	sshrl.u32 s17, $0x19;
	s8 =	sadd.s32 @!p1 $0x2DC780, s1;
	s9 =	simm.s32 @!p1 $0x7C00  }
0x3f6: {  	[tilespmem:s9], [sflag:$0x1] =	stream.linear.gather @!p1 [hbm4b:s8+s7], $0x400, $0x38;
	[tilespmem:$0x16800] =	vst v63  }
0x3f7: {  	s16 =	sand.u32 $0x7F, s15;
	s8 =	sadd.s32 @!p1 $0x3D0A00, s1;
	s9 =	simm.s32 @!p1 $0x9C00  }
0x3f8: {  	[tilespmem:s9], [sflag:$0x1] =	stream.linear.gather @!p1 [hbm4b:s8+s7], $0x400, $0x38;
	[tilespmem:$0x16800] =	vst v63  }
0x3f9: {  	p3 =	slt.s32 s15, $0x1;
	s8 =	sadd.s32 @!p1 $0x4C4C80, s1;
	s9 =	simm.s32 @!p1 $0xBC00  }
0x3fa: {  	[tilespmem:s9], [sflag:$0x1] =	stream.linear.gather @!p1 [hbm4b:s8+s7], $0x400, $0x38;
	[tilespmem:$0x16800] =	vst v63  }
0x3fb: {  	p4 =	sne.s32 s16, $0x0;
	s8 =	sadd.s32 @!p1 $0x5B8F00, s1;
	s9 =	simm.s32 @!p1 $0xDC00  }
0x3fc: {  	[tilespmem:s9], [sflag:$0x1] =	stream.linear.gather @!p1 [hbm4b:s8+s7], $0x400, $0x38;
	[tilespmem:$0x16800] =	vst v63  }
0x3fd: {  	p0 =	por !p3, !p4;
	s1 =	sadd.s32 @!p1 $0x6AD180, s1;
	s8 =	simm.s32 @!p1 $0xFC00  }
0x3fe: {  	[tilespmem:s8], [sflag:$0x1] =	stream.linear.gather @!p1 [hbm4b:s1+s7], $0x400, $0x38;
	[tilespmem:$0x16800] =	vst v63  }
0x3ff: {  	p0 =	por !p0, !p0;
	s1 =	sadd.s32 s18, s15;
	s7 =	simm.s32 $0x1  }
0x400: {  	s1 =	sshrl.u32 s1, $0x7;
	s7 =	simm.s32 @!p0 $0x0  }
0x401: {  	s8 =	simm.s32 @!p1 $0x1;
	s1 =	ssub.s32 s1, s7  }
0x402: {  	_ =	swait.ge @!p1 [sflag:s8], $0x2000;
	s7 =	sshll.u32 s1, $0x7  }
0x403: {  	[sflag:s8] =	ssyncset.done @!p1 $0x0;
	p0 =	sgt.s32 s7, $0xF41FF  }
0x404: {  	[sflag:s8] =	ssyncadd.s32 @!p1 $0xFFFFE000;
	s1 =	sand.u32 @!p0 $0x1FFFFF80, s7  }
0x405: {  	s8 =	simm.s32 @!p0 $0x0;
	s9 =	simm.s32 @!p0 $0x2000;
	s1 =	sadd.s32 @!p0 s23, s1  }
0x406: {  	[tilespmem:s9], [sflag:$0x1] =	stream.linear.gather @!p0 [hbm4b:s1+s8], $0x400, $0x38;
	[tilespmem:$0x16800] =	vst v63  }
0x407: {  	s10 =	simm.s32 @!p0 $0x4000;
	s9 =	sadd.s32 @!p0 $0xF4280, s1  }
0x408: {  	[tilespmem:s10], [sflag:$0x1] =	stream.linear.gather @!p0 [hbm4b:s9+s8], $0x400, $0x38;
	[tilespmem:$0x16800] =	vst v63  }
0x409: {  	s20 =	sshra.s32 s14, $0x1F;
	s9 =	sadd.s32 @!p0 $0x1E8500, s1;
	s10 =	simm.s32 @!p0 $0x6000  }
0x40a: {  	[tilespmem:s10], [sflag:$0x1] =	stream.linear.gather @!p0 [hbm4b:s9+s8], $0x400, $0x38;
	[tilespmem:$0x16800] =	vst v63  }
0x40b: {  	s19 =	sand.u32 $0x7F, s14;
	s9 =	sadd.s32 @!p0 $0x2DC780, s1;
	s10 =	simm.s32 @!p0 $0x8000  }
0x40c: {  	[tilespmem:s10], [sflag:$0x1] =	stream.linear.gather @!p0 [hbm4b:s9+s8], $0x400, $0x38;
	[tilespmem:$0x16800] =	vst v63  }
0x40d: {  	s24 =	sshrl.u32 s20, $0x19;
	s9 =	sadd.s32 @!p0 $0x3D0A00, s1;
	s10 =	simm.s32 @!p0 $0xA000  }
0x40e: {  	[tilespmem:s10], [sflag:$0x1] =	stream.linear.gather @!p0 [hbm4b:s9+s8], $0x400, $0x38;
	[tilespmem:$0x16800] =	vst v63  }
0x40f: {  	p5 =	slt.s32 s14, $0x1;
	s9 =	sadd.s32 @!p0 $0x4C4C80, s1;
	s10 =	simm.s32 @!p0 $0xC000  }
0x410: {  	[tilespmem:s10], [sflag:$0x1] =	stream.linear.gather @!p0 [hbm4b:s9+s8], $0x400, $0x38;
	[tilespmem:$0x16800] =	vst v63  }
0x411: {  	p6 =	sne.s32 s19, $0x0;
	s9 =	sadd.s32 @!p0 $0x5B8F00, s1;
	s10 =	simm.s32 @!p0 $0xE000  }
0x412: {  	[tilespmem:s10], [sflag:$0x1] =	stream.linear.gather @!p0 [hbm4b:s9+s8], $0x400, $0x38;
	[tilespmem:$0x16800] =	vst v63  }
0x413: {  	p1 =	por !p5, !p6;
	s1 =	sadd.s32 @!p0 $0x6AD180, s1;
	s9 =	simm.s32 @!p0 $0x10000  }
0x414: {  	[tilespmem:s9], [sflag:$0x1] =	stream.linear.gather @!p0 [hbm4b:s1+s8], $0x400, $0x38;
	[tilespmem:$0x16800] =	vst v63  }
0x415: {  	p1 =	por !p1, !p1;
	s1 =	sadd.s32 s24, s14;
	s8 =	simm.s32 $0x1  }
0x416: {  	s1 =	sshrl.u32 s1, $0x7;
	s8 =	simm.s32 @!p1 $0x0  }
0x417: {  	s9 =	simm.s32 @!p0 $0x1;
	s1 =	ssub.s32 s1, s8  }
0x418: {  	_ =	swait.ge @!p0 [sflag:s9], $0x2000;
	s8 =	sshll.u32 s1, $0x7  }
0x419: {  	[sflag:s9] =	ssyncset.done @!p0 $0x0;
	p1 =	sgt.s32 s8, $0xF41FF  }
0x41a: {  	[sflag:s9] =	ssyncadd.s32 @!p0 $0xFFFFE000;
	s1 =	sand.u32 @!p1 $0x1FFFFF80, s8  }
0x41b: {  	s9 =	simm.s32 @!p1 $0x0;
	s10 =	simm.s32 @!p1 $0x2400;
	s1 =	sadd.s32 @!p1 s23, s1  }
0x41c: {  	[tilespmem:s10], [sflag:$0x1] =	stream.linear.gather @!p1 [hbm4b:s1+s9], $0x400, $0x38;
	[tilespmem:$0x16800] =	vst v63  }
0x41d: {  	s11 =	simm.s32 @!p1 $0x4400;
	s10 =	sadd.s32 @!p1 $0xF4280, s1  }
0x41e: {  	[tilespmem:s11], [sflag:$0x1] =	stream.linear.gather @!p1 [hbm4b:s10+s9], $0x400, $0x38;
	[tilespmem:$0x16800] =	vst v63  }
0x41f: {  	s10 =	sadd.s32 @!p1 $0x1E8500, s1;
	s11 =	simm.s32 @!p1 $0x6400  }
0x420: {  	[tilespmem:s11], [sflag:$0x1] =	stream.linear.gather @!p1 [hbm4b:s10+s9], $0x400, $0x38;
	[tilespmem:$0x16800] =	vst v63  }
0x421: {  	s10 =	sadd.s32 @!p1 $0x2DC780, s1;
	s11 =	simm.s32 @!p1 $0x8400  }
0x422: {  	[tilespmem:s11], [sflag:$0x1] =	stream.linear.gather @!p1 [hbm4b:s10+s9], $0x400, $0x38;
	[tilespmem:$0x16800] =	vst v63  }
0x423: {  	s10 =	sadd.s32 @!p1 $0x3D0A00, s1;
	s11 =	simm.s32 @!p1 $0xA400  }
0x424: {  	[tilespmem:s11], [sflag:$0x1] =	stream.linear.gather @!p1 [hbm4b:s10+s9], $0x400, $0x38;
	[tilespmem:$0x16800] =	vst v63  }
0x425: {  	s10 =	sadd.s32 @!p1 $0x4C4C80, s1;
	s11 =	simm.s32 @!p1 $0xC400  }
0x426: {  	[tilespmem:s11], [sflag:$0x1] =	stream.linear.gather @!p1 [hbm4b:s10+s9], $0x400, $0x38;
	[tilespmem:$0x16800] =	vst v63  }
0x427: {  	s10 =	sadd.s32 @!p1 $0x5B8F00, s1;
	s11 =	simm.s32 @!p1 $0xE400  }
0x428: {  	[tilespmem:s11], [sflag:$0x1] =	stream.linear.gather @!p1 [hbm4b:s10+s9], $0x400, $0x38;
	[tilespmem:$0x16800] =	vst v63  }
0x429: {  	p0 =	sgt.s32 s31, $0xF41FF;
	s1 =	sadd.s32 @!p1 $0x6AD180, s1;
	s10 =	simm.s32 @!p1 $0x10400  }
0x42a: {  	[tilespmem:s10], [sflag:$0x1] =	stream.linear.gather @!p1 [hbm4b:s1+s9], $0x400, $0x38;
	[tilespmem:$0x16800] =	vst v63  }
.Ltmp23:
0x42b: {  	_ = 	snop;
	(pc) =	sbr.rel @p0 .LBB2_30-.Ltmp23, $4  }
0x42c: {  	s1 =	simm.s32 @!p1 $0x1  }
0x42d: {  	_ =	swait.ge @!p1 [sflag:s1], $0x2000  }
0x42e: {  	[sflag:s1] =	ssyncset.done @!p1 $0x0  }
0x42f: {  	[sflag:s1] =	ssyncadd.s32 @!p1 $0xFFFFE000  }
0x430: {  	s0 =	ssub.s32 s31, s0  }
0x431: {  	p0 =	slt.s32 s0, $0x3FF  }
0x432: {  	s0 =	simm.s32 @!p0 $0x3FF  }
0x433: {  	v6 =	vmov s0  }
0x434: {  	v7 =	vshll.u32 v6, $0x3  }
0x435: {  	v6 =	vand.u32 $0x7F, v6;
	v7 =	vand.u32 $0xFFFFFC00, v7  }
0x436: {  	v6 =	vor.u32 v6, v7  }
0x437: {  	v7 =	vadd.s32 v0, v6;
	_ =	sdelay $0x4  }
0x438: {  	v7 =	vld.idx.msk [tilespmem:v7+s13+$0x0], $0xffff  }
0x439: {  	v8 =	vadd.s32 v1, v6;
	_ =	sdelay $0x3  }
0x43a: {  	[tilespmem:s22+$0x0] =	vst v7  }
0x43b: {  	v7 =	vld.idx.msk [tilespmem:v8+s13+$0x0], $0xffff  }
0x43c: {  	v8 =	vadd.s32 v2, v6;
	_ =	sdelay $0x3  }
0x43d: {  	[tilespmem:s22+$0x10] =	vst v7  }
0x43e: {  	v7 =	vld.idx.msk [tilespmem:v8+s13+$0x0], $0xffff  }
0x43f: {  	v6 =	vadd.s32 v3, v6  }
.Ltmp24:
0x440: {  	_ = 	snop;
	(pc) =	sbr.rel .LBB2_31-.Ltmp24, $3  }
0x441: {  	_ =	sdelay $0x1  }
0x442: {  	[tilespmem:s22+$0x20] =	vst v7  }
0x443: {  	v6 =	vld.idx.msk [tilespmem:v6+s13+$0x0], $0xffff  }
.LBB2_30:
0x444: {  	s0 =	smin.u32 s31, $0xF423F  }
0x445: {  	s0 =	sadd.s32 $0xFFF0BE00, s0  }
0x446: {  	v6 =	vadd.s32 s0, v4;
	_ =	sdelay $0x4  }
0x447: {  	v7 =	vor.u32 $0x800, v4;
	v6 =	vld.idx.msk [tilespmem:v6+s12+$0x0], $0xffff  }
0x448: {  	v7 =	vadd.s32 s0, v7;
	_ =	sdelay $0x3  }
0x449: {  	[tilespmem:s22+$0x0] =	vst v6  }
0x44a: {  	v6 =	vld.idx.msk [tilespmem:v7+s12+$0x0], $0xffff;
	v7 =	vor.u32 $0x1000, v4  }
0x44b: {  	v7 =	vadd.s32 s0, v7;
	_ =	sdelay $0x3  }
0x44c: {  	[tilespmem:s22+$0x10] =	vst v6  }
0x44d: {  	v6 =	vld.idx.msk [tilespmem:v7+s12+$0x0], $0xffff;
	v7 =	vor.u32 $0x1800, v4  }
0x44e: {  	v7 =	vadd.s32 s0, v7;
	_ =	sdelay $0x3  }
0x44f: {  	[tilespmem:s22+$0x20] =	vst v6  }
0x450: {  	v6 =	vld.idx.msk [tilespmem:v7+s12+$0x0], $0xffff  }
.LBB2_31:
0x451: {  	p0 =	sgt.s32 s30, $0xF41FF  }
.Ltmp25:
0x452: {  	_ = 	snop;
	(pc) =	sbr.rel @p0 .LBB2_33-.Ltmp25, $2  }
0x453: {  	_ =	sdelay $0x2  }
0x454: {  	[tilespmem:s22+$0x30] =	vst v6  }
0x455: {  	s0 =	ssub.s32 s30, s2  }
0x456: {  	s0 =	sadd.s32 $0x80, s0  }
0x457: {  	p0 =	slt.s32 s0, $0x3FF  }
0x458: {  	s0 =	simm.s32 @!p0 $0x3FF  }
0x459: {  	v6 =	vmov s0  }
0x45a: {  	v7 =	vshll.u32 v6, $0x3  }
0x45b: {  	v6 =	vand.u32 $0x7F, v6;
	v7 =	vand.u32 $0xFFFFFC00, v7  }
0x45c: {  	v6 =	vor.u32 v6, v7  }
0x45d: {  	v7 =	vadd.s32 v0, v6;
	_ =	sdelay $0x4  }
0x45e: {  	v7 =	vld.idx.msk [tilespmem:v7+s13+$0x0], $0xffff  }
0x45f: {  	v8 =	vadd.s32 v1, v6;
	_ =	sdelay $0x3  }
0x460: {  	[tilespmem:s22+$0x80] =	vst v7  }
0x461: {  	v7 =	vld.idx.msk [tilespmem:v8+s13+$0x0], $0xffff  }
0x462: {  	v8 =	vadd.s32 v2, v6;
	_ =	sdelay $0x3  }
0x463: {  	[tilespmem:s22+$0x90] =	vst v7  }
0x464: {  	v7 =	vld.idx.msk [tilespmem:v8+s13+$0x0], $0xffff  }
0x465: {  	v6 =	vadd.s32 v3, v6  }
.Ltmp26:
0x466: {  	_ = 	snop;
	(pc) =	sbr.rel .LBB2_34-.Ltmp26, $3  }
0x467: {  	_ =	sdelay $0x1  }
0x468: {  	[tilespmem:s22+$0xA0] =	vst v7  }
0x469: {  	v6 =	vld.idx.msk [tilespmem:v6+s13+$0x0], $0xffff  }
.LBB2_33:
0x46a: {  	s0 =	smin.u32 s30, $0xF423F  }
0x46b: {  	s0 =	sadd.s32 $0xFFF0BE00, s0  }
0x46c: {  	v6 =	vadd.s32 s0, v4;
	_ =	sdelay $0x4  }
0x46d: {  	v7 =	vor.u32 $0x800, v4;
	v6 =	vld.idx.msk [tilespmem:v6+s12+$0x0], $0xffff  }
0x46e: {  	v7 =	vadd.s32 s0, v7;
	_ =	sdelay $0x3  }
0x46f: {  	[tilespmem:s22+$0x80] =	vst v6  }
0x470: {  	v6 =	vld.idx.msk [tilespmem:v7+s12+$0x0], $0xffff;
	v7 =	vor.u32 $0x1000, v4  }
0x471: {  	v7 =	vadd.s32 s0, v7;
	_ =	sdelay $0x3  }
0x472: {  	[tilespmem:s22+$0x90] =	vst v6  }
0x473: {  	v6 =	vld.idx.msk [tilespmem:v7+s12+$0x0], $0xffff;
	v7 =	vor.u32 $0x1800, v4  }
0x474: {  	v7 =	vadd.s32 s0, v7;
	_ =	sdelay $0x3  }
0x475: {  	[tilespmem:s22+$0xA0] =	vst v6  }
0x476: {  	v6 =	vld.idx.msk [tilespmem:v7+s12+$0x0], $0xffff  }
.LBB2_34:
0x477: {  	p0 =	sgt.s32 s29, $0xF41FF  }
.Ltmp27:
0x478: {  	_ = 	snop;
	(pc) =	sbr.rel @p0 .LBB2_36-.Ltmp27, $2  }
0x479: {  	_ =	sdelay $0x2  }
0x47a: {  	[tilespmem:s22+$0xB0] =	vst v6  }
0x47b: {  	s0 =	ssub.s32 s29, s3  }
0x47c: {  	s0 =	sadd.s32 $0x100, s0  }
0x47d: {  	p0 =	slt.s32 s0, $0x3FF  }
0x47e: {  	s0 =	simm.s32 @!p0 $0x3FF  }
0x47f: {  	v6 =	vmov s0  }
0x480: {  	v7 =	vshll.u32 v6, $0x3  }
0x481: {  	v6 =	vand.u32 $0x7F, v6;
	v7 =	vand.u32 $0xFFFFFC00, v7  }
0x482: {  	v6 =	vor.u32 v6, v7  }
0x483: {  	v7 =	vadd.s32 v0, v6;
	_ =	sdelay $0x4  }
0x484: {  	v7 =	vld.idx.msk [tilespmem:v7+s13+$0x0], $0xffff  }
0x485: {  	v8 =	vadd.s32 v1, v6;
	_ =	sdelay $0x3  }
0x486: {  	[tilespmem:s22+$0x100] =	vst v7  }
0x487: {  	v7 =	vld.idx.msk [tilespmem:v8+s13+$0x0], $0xffff  }
0x488: {  	v8 =	vadd.s32 v2, v6;
	_ =	sdelay $0x3  }
0x489: {  	[tilespmem:s22+$0x110] =	vst v7  }
0x48a: {  	v7 =	vld.idx.msk [tilespmem:v8+s13+$0x0], $0xffff  }
0x48b: {  	v6 =	vadd.s32 v3, v6  }
.Ltmp28:
0x48c: {  	_ = 	snop;
	(pc) =	sbr.rel .LBB2_37-.Ltmp28, $3  }
0x48d: {  	_ =	sdelay $0x1  }
0x48e: {  	[tilespmem:s22+$0x120] =	vst v7  }
0x48f: {  	v6 =	vld.idx.msk [tilespmem:v6+s13+$0x0], $0xffff  }
.LBB2_36:
0x490: {  	s0 =	smin.u32 s29, $0xF423F  }
0x491: {  	s0 =	sadd.s32 $0xFFF0BE00, s0  }
0x492: {  	v6 =	vadd.s32 s0, v4;
	_ =	sdelay $0x4  }
0x493: {  	v7 =	vor.u32 $0x800, v4;
	v6 =	vld.idx.msk [tilespmem:v6+s12+$0x0], $0xffff  }
0x494: {  	v7 =	vadd.s32 s0, v7;
	_ =	sdelay $0x3  }
0x495: {  	[tilespmem:s22+$0x100] =	vst v6  }
0x496: {  	v6 =	vld.idx.msk [tilespmem:v7+s12+$0x0], $0xffff;
	v7 =	vor.u32 $0x1000, v4  }
0x497: {  	v7 =	vadd.s32 s0, v7;
	_ =	sdelay $0x3  }
0x498: {  	[tilespmem:s22+$0x110] =	vst v6  }
0x499: {  	v6 =	vld.idx.msk [tilespmem:v7+s12+$0x0], $0xffff;
	v7 =	vor.u32 $0x1800, v4  }
0x49a: {  	v7 =	vadd.s32 s0, v7;
	_ =	sdelay $0x3  }
0x49b: {  	[tilespmem:s22+$0x120] =	vst v6  }
0x49c: {  	v6 =	vld.idx.msk [tilespmem:v7+s12+$0x0], $0xffff  }
.LBB2_37:
0x49d: {  	p0 =	sgt.s32 s28, $0xF41FF  }
.Ltmp29:
0x49e: {  	_ = 	snop;
	(pc) =	sbr.rel @p0 .LBB2_39-.Ltmp29, $2  }
0x49f: {  	_ =	sdelay $0x2  }
0x4a0: {  	[tilespmem:s22+$0x130] =	vst v6  }
0x4a1: {  	s0 =	ssub.s32 s28, s4  }
0x4a2: {  	s0 =	sadd.s32 $0x180, s0  }
0x4a3: {  	p0 =	slt.s32 s0, $0x3FF  }
0x4a4: {  	s0 =	simm.s32 @!p0 $0x3FF  }
0x4a5: {  	v6 =	vmov s0  }
0x4a6: {  	v7 =	vshll.u32 v6, $0x3  }
0x4a7: {  	v6 =	vand.u32 $0x7F, v6;
	v7 =	vand.u32 $0xFFFFFC00, v7  }
0x4a8: {  	v6 =	vor.u32 v6, v7  }
0x4a9: {  	v7 =	vadd.s32 v0, v6;
	_ =	sdelay $0x4  }
0x4aa: {  	v7 =	vld.idx.msk [tilespmem:v7+s13+$0x0], $0xffff  }
0x4ab: {  	v8 =	vadd.s32 v1, v6;
	_ =	sdelay $0x3  }
0x4ac: {  	[tilespmem:s22+$0x180] =	vst v7  }
0x4ad: {  	v7 =	vld.idx.msk [tilespmem:v8+s13+$0x0], $0xffff  }
0x4ae: {  	v8 =	vadd.s32 v2, v6;
	_ =	sdelay $0x3  }
0x4af: {  	[tilespmem:s22+$0x190] =	vst v7  }
0x4b0: {  	v7 =	vld.idx.msk [tilespmem:v8+s13+$0x0], $0xffff  }
0x4b1: {  	v6 =	vadd.s32 v3, v6  }
.Ltmp30:
0x4b2: {  	_ = 	snop;
	(pc) =	sbr.rel .LBB2_40-.Ltmp30, $3  }
0x4b3: {  	_ =	sdelay $0x1  }
0x4b4: {  	[tilespmem:s22+$0x1A0] =	vst v7  }
0x4b5: {  	v6 =	vld.idx.msk [tilespmem:v6+s13+$0x0], $0xffff  }
.LBB2_39:
0x4b6: {  	s0 =	smin.u32 s28, $0xF423F  }
0x4b7: {  	s0 =	sadd.s32 $0xFFF0BE00, s0  }
0x4b8: {  	v6 =	vadd.s32 s0, v4;
	_ =	sdelay $0x4  }
0x4b9: {  	v7 =	vor.u32 $0x800, v4;
	v6 =	vld.idx.msk [tilespmem:v6+s12+$0x0], $0xffff  }
0x4ba: {  	v7 =	vadd.s32 s0, v7;
	_ =	sdelay $0x3  }
0x4bb: {  	[tilespmem:s22+$0x180] =	vst v6  }
0x4bc: {  	v6 =	vld.idx.msk [tilespmem:v7+s12+$0x0], $0xffff;
	v7 =	vor.u32 $0x1000, v4  }
0x4bd: {  	v7 =	vadd.s32 s0, v7;
	_ =	sdelay $0x3  }
0x4be: {  	[tilespmem:s22+$0x190] =	vst v6  }
0x4bf: {  	v6 =	vld.idx.msk [tilespmem:v7+s12+$0x0], $0xffff;
	v7 =	vor.u32 $0x1800, v4  }
0x4c0: {  	v7 =	vadd.s32 s0, v7;
	_ =	sdelay $0x3  }
0x4c1: {  	[tilespmem:s22+$0x1A0] =	vst v6  }
0x4c2: {  	v6 =	vld.idx.msk [tilespmem:v7+s12+$0x0], $0xffff  }
.LBB2_40:
0x4c3: {  	p0 =	sgt.s32 s26, $0xF41FF  }
.Ltmp31:
0x4c4: {  	_ = 	snop;
	(pc) =	sbr.rel @p0 .LBB2_42-.Ltmp31, $2  }
0x4c5: {  	_ =	sdelay $0x2  }
0x4c6: {  	[tilespmem:s22+$0x1B0] =	vst v6  }
0x4c7: {  	s0 =	ssub.s32 s26, s5  }
0x4c8: {  	s0 =	sadd.s32 $0x200, s0  }
0x4c9: {  	p0 =	slt.s32 s0, $0x3FF  }
0x4ca: {  	s0 =	simm.s32 @!p0 $0x3FF  }
0x4cb: {  	v6 =	vmov s0  }
0x4cc: {  	v7 =	vshll.u32 v6, $0x3  }
0x4cd: {  	v6 =	vand.u32 $0x7F, v6;
	v7 =	vand.u32 $0xFFFFFC00, v7  }
0x4ce: {  	v6 =	vor.u32 v6, v7  }
0x4cf: {  	v7 =	vadd.s32 v0, v6;
	_ =	sdelay $0x4  }
0x4d0: {  	v7 =	vld.idx.msk [tilespmem:v7+s13+$0x0], $0xffff  }
0x4d1: {  	v8 =	vadd.s32 v1, v6;
	_ =	sdelay $0x3  }
0x4d2: {  	[tilespmem:s22+$0x200] =	vst v7  }
0x4d3: {  	v7 =	vld.idx.msk [tilespmem:v8+s13+$0x0], $0xffff  }
0x4d4: {  	v8 =	vadd.s32 v2, v6;
	_ =	sdelay $0x3  }
0x4d5: {  	[tilespmem:s22+$0x210] =	vst v7  }
0x4d6: {  	v7 =	vld.idx.msk [tilespmem:v8+s13+$0x0], $0xffff  }
0x4d7: {  	v6 =	vadd.s32 v3, v6  }
.Ltmp32:
0x4d8: {  	_ = 	snop;
	(pc) =	sbr.rel .LBB2_43-.Ltmp32, $3  }
0x4d9: {  	_ =	sdelay $0x1  }
0x4da: {  	[tilespmem:s22+$0x220] =	vst v7  }
0x4db: {  	v6 =	vld.idx.msk [tilespmem:v6+s13+$0x0], $0xffff  }
.LBB2_42:
0x4dc: {  	s0 =	smin.u32 s26, $0xF423F  }
0x4dd: {  	s0 =	sadd.s32 $0xFFF0BE00, s0  }
0x4de: {  	v6 =	vadd.s32 s0, v4;
	_ =	sdelay $0x4  }
0x4df: {  	v7 =	vor.u32 $0x800, v4;
	v6 =	vld.idx.msk [tilespmem:v6+s12+$0x0], $0xffff  }
0x4e0: {  	v7 =	vadd.s32 s0, v7;
	_ =	sdelay $0x3  }
0x4e1: {  	[tilespmem:s22+$0x200] =	vst v6  }
0x4e2: {  	v6 =	vld.idx.msk [tilespmem:v7+s12+$0x0], $0xffff;
	v7 =	vor.u32 $0x1000, v4  }
0x4e3: {  	v7 =	vadd.s32 s0, v7;
	_ =	sdelay $0x3  }
0x4e4: {  	[tilespmem:s22+$0x210] =	vst v6  }
0x4e5: {  	v6 =	vld.idx.msk [tilespmem:v7+s12+$0x0], $0xffff;
	v7 =	vor.u32 $0x1800, v4  }
0x4e6: {  	v7 =	vadd.s32 s0, v7;
	_ =	sdelay $0x3  }
0x4e7: {  	[tilespmem:s22+$0x220] =	vst v6  }
0x4e8: {  	v6 =	vld.idx.msk [tilespmem:v7+s12+$0x0], $0xffff  }
.LBB2_43:
0x4e9: {  	p0 =	sgt.s32 s25, $0xF41FF  }
.Ltmp33:
0x4ea: {  	_ = 	snop;
	(pc) =	sbr.rel @p0 .LBB2_45-.Ltmp33, $2  }
0x4eb: {  	_ =	sdelay $0x2  }
0x4ec: {  	[tilespmem:s22+$0x230] =	vst v6  }
0x4ed: {  	s0 =	ssub.s32 s25, s6  }
0x4ee: {  	s0 =	sadd.s32 $0x280, s0  }
0x4ef: {  	p0 =	slt.s32 s0, $0x3FF  }
0x4f0: {  	s0 =	simm.s32 @!p0 $0x3FF  }
0x4f1: {  	v6 =	vmov s0  }
0x4f2: {  	v7 =	vshll.u32 v6, $0x3  }
0x4f3: {  	v6 =	vand.u32 $0x7F, v6;
	v7 =	vand.u32 $0xFFFFFC00, v7  }
0x4f4: {  	v6 =	vor.u32 v6, v7  }
0x4f5: {  	v7 =	vadd.s32 v0, v6;
	_ =	sdelay $0x4  }
0x4f6: {  	v7 =	vld.idx.msk [tilespmem:v7+s13+$0x0], $0xffff  }
0x4f7: {  	v8 =	vadd.s32 v1, v6;
	_ =	sdelay $0x3  }
0x4f8: {  	[tilespmem:s22+$0x280] =	vst v7  }
0x4f9: {  	v7 =	vld.idx.msk [tilespmem:v8+s13+$0x0], $0xffff  }
0x4fa: {  	v8 =	vadd.s32 v2, v6;
	_ =	sdelay $0x3  }
0x4fb: {  	[tilespmem:s22+$0x290] =	vst v7  }
0x4fc: {  	v7 =	vld.idx.msk [tilespmem:v8+s13+$0x0], $0xffff  }
0x4fd: {  	v6 =	vadd.s32 v3, v6  }
.Ltmp34:
0x4fe: {  	_ = 	snop;
	(pc) =	sbr.rel .LBB2_46-.Ltmp34, $3  }
0x4ff: {  	_ =	sdelay $0x1  }
0x500: {  	[tilespmem:s22+$0x2A0] =	vst v7  }
0x501: {  	v6 =	vld.idx.msk [tilespmem:v6+s13+$0x0], $0xffff  }
.LBB2_45:
0x502: {  	s0 =	smin.u32 s25, $0xF423F  }
0x503: {  	s0 =	sadd.s32 $0xFFF0BE00, s0  }
0x504: {  	v6 =	vadd.s32 s0, v4;
	_ =	sdelay $0x4  }
0x505: {  	v7 =	vor.u32 $0x800, v4;
	v6 =	vld.idx.msk [tilespmem:v6+s12+$0x0], $0xffff  }
0x506: {  	v7 =	vadd.s32 s0, v7;
	_ =	sdelay $0x3  }
0x507: {  	[tilespmem:s22+$0x280] =	vst v6  }
0x508: {  	v6 =	vld.idx.msk [tilespmem:v7+s12+$0x0], $0xffff;
	v7 =	vor.u32 $0x1000, v4  }
0x509: {  	v7 =	vadd.s32 s0, v7;
	_ =	sdelay $0x3  }
0x50a: {  	[tilespmem:s22+$0x290] =	vst v6  }
0x50b: {  	v6 =	vld.idx.msk [tilespmem:v7+s12+$0x0], $0xffff;
	v7 =	vor.u32 $0x1800, v4  }
0x50c: {  	v7 =	vadd.s32 s0, v7;
	_ =	sdelay $0x3  }
0x50d: {  	[tilespmem:s22+$0x2A0] =	vst v6  }
0x50e: {  	v6 =	vld.idx.msk [tilespmem:v7+s12+$0x0], $0xffff  }
.LBB2_46:
0x50f: {  	p0 =	sgt.s32 s15, $0xF41FF  }
.Ltmp35:
0x510: {  	_ = 	snop;
	(pc) =	sbr.rel @p0 .LBB2_48-.Ltmp35, $2  }
0x511: {  	_ =	sdelay $0x2  }
0x512: {  	[tilespmem:s22+$0x2B0] =	vst v6  }
0x513: {  	s0 =	ssub.s32 s15, s7  }
0x514: {  	s0 =	sadd.s32 $0x300, s0  }
0x515: {  	p0 =	slt.s32 s0, $0x3FF  }
0x516: {  	s0 =	simm.s32 @!p0 $0x3FF  }
0x517: {  	v6 =	vmov s0  }
0x518: {  	v7 =	vshll.u32 v6, $0x3  }
0x519: {  	v6 =	vand.u32 $0x7F, v6;
	v7 =	vand.u32 $0xFFFFFC00, v7  }
0x51a: {  	v6 =	vor.u32 v6, v7  }
0x51b: {  	v7 =	vadd.s32 v0, v6;
	_ =	sdelay $0x4  }
0x51c: {  	v7 =	vld.idx.msk [tilespmem:v7+s13+$0x0], $0xffff  }
0x51d: {  	v8 =	vadd.s32 v1, v6;
	_ =	sdelay $0x3  }
0x51e: {  	[tilespmem:s22+$0x300] =	vst v7  }
0x51f: {  	v7 =	vld.idx.msk [tilespmem:v8+s13+$0x0], $0xffff  }
0x520: {  	v8 =	vadd.s32 v2, v6;
	_ =	sdelay $0x3  }
0x521: {  	[tilespmem:s22+$0x310] =	vst v7  }
0x522: {  	v7 =	vld.idx.msk [tilespmem:v8+s13+$0x0], $0xffff  }
0x523: {  	v6 =	vadd.s32 v3, v6  }
.Ltmp36:
0x524: {  	_ = 	snop;
	(pc) =	sbr.rel .LBB2_49-.Ltmp36, $3  }
0x525: {  	_ =	sdelay $0x1  }
0x526: {  	[tilespmem:s22+$0x320] =	vst v7  }
0x527: {  	v6 =	vld.idx.msk [tilespmem:v6+s13+$0x0], $0xffff  }
.LBB2_48:
0x528: {  	s0 =	smin.u32 s15, $0xF423F  }
0x529: {  	s0 =	sadd.s32 $0xFFF0BE00, s0  }
0x52a: {  	v6 =	vadd.s32 s0, v4;
	_ =	sdelay $0x4  }
0x52b: {  	v7 =	vor.u32 $0x800, v4;
	v6 =	vld.idx.msk [tilespmem:v6+s12+$0x0], $0xffff  }
0x52c: {  	v7 =	vadd.s32 s0, v7;
	_ =	sdelay $0x3  }
0x52d: {  	[tilespmem:s22+$0x300] =	vst v6  }
0x52e: {  	v6 =	vld.idx.msk [tilespmem:v7+s12+$0x0], $0xffff;
	v7 =	vor.u32 $0x1000, v4  }
0x52f: {  	v7 =	vadd.s32 s0, v7;
	_ =	sdelay $0x3  }
0x530: {  	[tilespmem:s22+$0x310] =	vst v6  }
0x531: {  	v6 =	vld.idx.msk [tilespmem:v7+s12+$0x0], $0xffff;
	v7 =	vor.u32 $0x1800, v4  }
0x532: {  	v7 =	vadd.s32 s0, v7;
	_ =	sdelay $0x3  }
0x533: {  	[tilespmem:s22+$0x320] =	vst v6  }
0x534: {  	v6 =	vld.idx.msk [tilespmem:v7+s12+$0x0], $0xffff  }
.LBB2_49:
0x535: {  	p0 =	sgt.s32 s14, $0xF41FF  }
.Ltmp37:
0x536: {  	_ = 	snop;
	(pc) =	sbr.rel @p0 .LBB2_51-.Ltmp37, $2  }
0x537: {  	_ =	sdelay $0x2  }
0x538: {  	[tilespmem:s22+$0x330] =	vst v6  }
0x539: {  	s0 =	ssub.s32 s14, s8  }
0x53a: {  	s0 =	sadd.s32 $0x380, s0  }
0x53b: {  	p0 =	slt.s32 s0, $0x3FF  }
0x53c: {  	s0 =	simm.s32 @!p0 $0x3FF  }
0x53d: {  	v6 =	vmov s0  }
0x53e: {  	v7 =	vshll.u32 v6, $0x3  }
0x53f: {  	v6 =	vand.u32 $0x7F, v6;
	v7 =	vand.u32 $0xFFFFFC00, v7  }
0x540: {  	v6 =	vor.u32 v6, v7  }
0x541: {  	v7 =	vadd.s32 v0, v6;
	_ =	sdelay $0x4  }
0x542: {  	v7 =	vld.idx.msk [tilespmem:v7+s13+$0x0], $0xffff  }
0x543: {  	v8 =	vadd.s32 v1, v6;
	_ =	sdelay $0x3  }
0x544: {  	[tilespmem:s22+$0x380] =	vst v7  }
0x545: {  	v7 =	vld.idx.msk [tilespmem:v8+s13+$0x0], $0xffff  }
0x546: {  	v8 =	vadd.s32 v2, v6;
	_ =	sdelay $0x3  }
0x547: {  	[tilespmem:s22+$0x390] =	vst v7  }
0x548: {  	v7 =	vld.idx.msk [tilespmem:v8+s13+$0x0], $0xffff  }
0x549: {  	v6 =	vadd.s32 v3, v6  }
.Ltmp38:
0x54a: {  	_ = 	snop;
	(pc) =	sbr.rel .LBB2_52-.Ltmp38, $3  }
0x54b: {  	_ =	sdelay $0x1  }
0x54c: {  	[tilespmem:s22+$0x3A0] =	vst v7  }
0x54d: {  	v6 =	vld.idx.msk [tilespmem:v6+s13+$0x0], $0xffff  }
.LBB2_56:
0x54e: {  	_ =	sfence.sel $0x180000  }
0x54f: {  	[bflag:$0x0] =	sbarrier.arrive $0xFFFF  }
0x550: {  	_ =	strace $0x9000004A  }
0x551: {  	s0 =	stileid.u32;
	[bflag:$0x2] =	sbarrier.arrive $0xFFFF  }
0x552: {  	p0 =	sne.s32 s0, $0x0;
	s0 =	rddreg [dreg:$0x3]  }
0x553: {  	s0 =	sadd.s32 @!p0 $0x100000, s0  }
0x554: {  	[sflag:s0] =	ssyncadd.tile.s32 @!p0 $0x1;
	_ =	shalt  }
.Lfunc_end2:
_tile_overlayer_lowered:
.L_overlay_start_2:
0x555: {  	(tag) =	ssettag $0x2  }
0x556: {  	s0 =	rddreg [dreg:$0x0];
	s2 =	stileid.u32  }
0x557: {  	s1 =	rddreg [dreg:$0x1];
	p0 =	sne.s32 s2, $0x0  }
0x558: {  	s3 =	rddreg [dreg:$0x2];
	[bflag:$0x3] =	sbarrier.arrive $0xFFFF;
	s2 =	simm.s32 @!p0 $0x1C03  }
0x559: {  	[timem:s3], [sflag:s2] =	dma.local @!p0 [hbm:s0], s1  }
0x55a: {  	s0 =	simm.s32 @!p0 $0x3  }
0x55b: {  	_ =	swait.ge @!p0 [sflag:s0], s1  }
0x55c: {  	s1 =	ssub.s32 @!p0 $0x0, s1;
	[sflag:s0] =	ssyncset.done @!p0 $0x0  }
0x55d: {  	[sflag:s0] =	ssyncadd.s32 @!p0 s1  }
0x55e: {  	[bflag:$0x3] =	sbarrier.arrive $0xFFFF  }
0x55f: {  	_ =	shalt  }

</sc_bundles>
